<compile_context>
chip_gen: v7x
topology: tpu7x:2x2x1
jax: 0.10.2.dev20260603
libtpu: 0.0.44.dev20260713+nightly
codegen_flags: <defaults>
</compile_context>

<pallas_src>
import functools

import jax
import jax.numpy as jnp
from jax import lax
from jax.experimental import pallas as pl
from jax.experimental.pallas import tpu as pltpu
from jax.experimental.pallas import tpu_sc as plsc

NUM_EMB = 100000
DIM = 128
QMIN = -128.0
QMAX = 127.0
EPS = 1.1920929e-07

ROW_BLK = 8192
N_BLK = 13
NUM_PAD = N_BLK * ROW_BLK

NC = 2
NS = 16
LANES = 16

_MESH = dict(core_axis_name="c", subcore_axis_name="s", num_cores=NC,
             num_subcores=NS)


def _rowminmax_body(emb_ref, omin_ref, omax_ref):
    blk = emb_ref[...]
    omin_ref[...] = jnp.min(blk, axis=1).reshape(1, 64, 128)
    omax_ref[...] = jnp.max(blk, axis=1).reshape(1, 64, 128)


def _rowminmax(emb):
    return pl.pallas_call(
        _rowminmax_body,
        grid=(N_BLK,),
        in_specs=[pl.BlockSpec((ROW_BLK, DIM), lambda i: (i, 0))],
        out_specs=[
            pl.BlockSpec((1, 64, 128), lambda i: (i, 0, 0)),
            pl.BlockSpec((1, 64, 128), lambda i: (i, 0, 0)),
        ],
        out_shape=[
            jax.ShapeDtypeStruct((N_BLK, 64, 128), jnp.float32),
            jax.ShapeDtypeStruct((N_BLK, 64, 128), jnp.float32),
        ],
    )(emb)


def _sc_minmax(xf, rowmin, rowmax):
    total = xf.shape[0]
    n_per_tile = total // NS
    chunk = 10240
    n_chunks = n_per_tile // chunk
    unroll = 16

    @functools.partial(
        pl.kernel,
        out_type=jax.ShapeDtypeStruct((NC, NS, LANES), jnp.float32),
        mesh=plsc.VectorSubcoreMesh(**_MESH),
        compiler_params=pltpu.CompilerParams(needs_layout_passes=False),
        scratch_types=[
            pltpu.VMEM((NUM_PAD,), jnp.float32),
            pltpu.VMEM((chunk,), jnp.int32),
            pltpu.VMEM((chunk,), jnp.int32),
            pltpu.VMEM((LANES,), jnp.float32),
            pltpu.SemaphoreType.DMA,
            pltpu.SemaphoreType.DMA,
        ],
    )
    def k(xf_hbm, rmin_hbm, rmax_hbm, out_hbm, tbl_v, idx0, idx1, acc_v,
          sem0, sem1):
        cid = lax.axis_index("c")
        sid = lax.axis_index("s")
        is_min = cid == 0
        base0 = sid * n_per_tile
        idxb = (idx0, idx1)
        sems = (sem0, sem1)

        def xslice(c):
            return xf_hbm.at[pl.ds(base0 + c * chunk, chunk)]

        n_acc = 4

        def run(op, init, tbl_hbm):
            pltpu.async_copy(xslice(0), idx0, sem0)
            pltpu.sync_copy(tbl_hbm, tbl_v)
            accs = (jnp.full((LANES,), init, jnp.float32),) * n_acc
            for c in range(n_chunks):
                pltpu.make_async_copy(xslice(c), idxb[c % 2],
                                      sems[c % 2]).wait()
                if c + 1 < n_chunks:
                    pltpu.async_copy(xslice(c + 1), idxb[(c + 1) % 2],
                                     sems[(c + 1) % 2])
                idx_v = idxb[c % 2]

                def step(j, accs):
                    ivs = [idx_v[pl.ds((j * unroll + u) * LANES, LANES)]
                           for u in range(unroll)]
                    vals = [plsc.load_gather(tbl_v, [iv]) for iv in ivs]
                    accs = list(accs)
                    for u in range(unroll):
                        accs[u % n_acc] = op(accs[u % n_acc], vals[u])
                    return tuple(accs)

                accs = lax.fori_loop(0, chunk // (LANES * unroll), step, accs)
            acc = accs[0]
            for a in accs[1:]:
                acc = op(acc, a)
            acc_v[...] = acc

        @pl.when(is_min)
        def _():
            run(jnp.minimum, jnp.inf, rmin_hbm)

        @pl.when(jnp.logical_not(is_min))
        def _():
            run(jnp.maximum, -jnp.inf, rmax_hbm)

        pltpu.sync_copy(acc_v, out_hbm.at[cid, sid])

    return k(xf, rowmin, rowmax)


def _table_body(emb_ref, p_ref, w_ref, b_ref, out_ref):
    p = p_ref[...]
    min_val = jnp.minimum(jnp.min(p[0]), 0.0)
    max_val = jnp.maximum(jnp.max(p[1]), 0.0)
    scale = jnp.maximum((max_val - min_val) / (QMAX - QMIN), EPS)
    zp = jnp.clip(QMIN - jnp.round(min_val / scale), QMIN, QMAX)
    h = emb_ref[...]
    c = jnp.clip(jnp.round(h / scale), QMIN - zp, QMAX - zp)
    res = lax.dot_general(w_ref[...], c, (((1,), (1,)), ((), ())),
                          preferred_element_type=jnp.float32)
    t = res.reshape(64, 128) * scale + b_ref[0, 0]
    out_ref[...] = t.reshape(1, 64, 128)


def _table(emb, partials, W, b2):
    return pl.pallas_call(
        _table_body,
        grid=(N_BLK,),
        in_specs=[
            pl.BlockSpec((ROW_BLK, DIM), lambda i: (i, 0)),
            pl.BlockSpec((NC, NS, LANES), lambda i: (0, 0, 0)),
            pl.BlockSpec((1, DIM), lambda i: (0, 0)),
            pl.BlockSpec((1, 1), lambda i: (0, 0)),
        ],
        out_specs=pl.BlockSpec((1, 64, 128), lambda i: (i, 0, 0)),
        out_shape=jax.ShapeDtypeStruct((N_BLK, 64, 128), jnp.float32),
    )(emb, partials, W, b2)


def _sc_gather(xf, t):
    total = xf.shape[0]
    n_workers = NC * NS
    n_per = total // n_workers
    chunk = 5120
    n_chunks = n_per // chunk
    unroll = 16

    @functools.partial(
        pl.kernel,
        out_type=jax.ShapeDtypeStruct((total,), jnp.float32),
        mesh=plsc.VectorSubcoreMesh(**_MESH),
        compiler_params=pltpu.CompilerParams(needs_layout_passes=False),
        scratch_types=[
            pltpu.VMEM((NUM_PAD,), jnp.float32),
            pltpu.VMEM((chunk,), jnp.int32),
            pltpu.VMEM((chunk,), jnp.int32),
            pltpu.VMEM((chunk,), jnp.float32),
            pltpu.VMEM((chunk,), jnp.float32),
            pltpu.SemaphoreType.DMA,
            pltpu.SemaphoreType.DMA,
            pltpu.SemaphoreType.DMA,
            pltpu.SemaphoreType.DMA,
        ],
    )
    def k(xf_hbm, t_hbm, out_hbm, tbl_v, idx0, idx1, val0, val1,
          semi0, semi1, semo0, semo1):
        cid = lax.axis_index("c")
        sid = lax.axis_index("s")
        wid = sid * NC + cid
        base0 = wid * n_per
        idxb = (idx0, idx1)
        valb = (val0, val1)
        semi = (semi0, semi1)
        semo = (semo0, semo1)

        def xslice(c):
            return xf_hbm.at[pl.ds(base0 + c * chunk, chunk)]

        def oslice(c):
            return out_hbm.at[pl.ds(base0 + c * chunk, chunk)]

        pltpu.async_copy(xslice(0), idx0, semi0)
        pltpu.sync_copy(t_hbm, tbl_v)
        for c in range(n_chunks):
            pltpu.make_async_copy(xslice(c), idxb[c % 2], semi[c % 2]).wait()
            if c + 1 < n_chunks:
                pltpu.async_copy(xslice(c + 1), idxb[(c + 1) % 2],
                                 semi[(c + 1) % 2])
            if c >= 2:
                pltpu.make_async_copy(valb[c % 2], oslice(c - 2),
                                      semo[c % 2]).wait()
            idx_v = idxb[c % 2]
            val_v = valb[c % 2]

            def step(j, _):
                offs = [(j * unroll + u) * LANES for u in range(unroll)]
                ivs = [idx_v[pl.ds(o, LANES)] for o in offs]
                vals = [plsc.load_gather(tbl_v, [iv]) for iv in ivs]
                for o, v in zip(offs, vals):
                    val_v[pl.ds(o, LANES)] = v
                return 0

            lax.fori_loop(0, chunk // (LANES * unroll), step, 0)
            pltpu.async_copy(val_v, oslice(c), semo[c % 2])
        pltpu.make_async_copy(valb[(n_chunks - 2) % 2], oslice(n_chunks - 2),
                              semo[(n_chunks - 2) % 2]).wait()
        pltpu.make_async_copy(valb[(n_chunks - 1) % 2], oslice(n_chunks - 1),
                              semo[(n_chunks - 1) % 2]).wait()

    return k(xf, t)


def kernel(x, emb, W, b):
    bsz, seq = x.shape
    xf = x.reshape(-1)
    rowmin, rowmax = _rowminmax(emb)
    partials = _sc_minmax(xf, rowmin.reshape(-1), rowmax.reshape(-1))
    t = _table(emb, partials, W, b.reshape(1, 1))
    outf = _sc_gather(xf, t.reshape(-1))
    return outf.reshape(bsz, seq, 1)

# --- scband reference (transcript-rebuilt; emitter-appended) ---
"""Pipeline reference for scband-my-model-61933428415975 (READ-ONLY COPY).

The authoritative reference and input builder live on the scoring server;
editing this copy changes nothing except your own understanding.
"""

import jax, jax.numpy as jnp
import numpy as np

NUM_EMB = 100000
DIM = 128
B = 4096
L = 200
QMIN = -128.0
QMAX = 127.0
EPS = 1.1920929e-07


def setup_inputs(seed: int = 0) -> dict:
    key = jax.random.key(seed)
    k1, k2, k3, k4 = jax.random.split(key, 4)
    x = jax.random.randint(k1, (B, L), 0, NUM_EMB, dtype=jnp.int32)
    emb = jax.random.normal(k2, (NUM_EMB, DIM), dtype=jnp.float32)
    W = jax.random.normal(k3, (1, DIM), dtype=jnp.float32) * (1.0 / np.sqrt(DIM))
    b = jax.random.normal(k4, (1,), dtype=jnp.float32) * 0.01
    return {"x": x, "emb": emb, "W": W, "b": b}


def _fake_quantize(h):
    # MovingAverageMinMaxObserver, first forward: min/max of tensor.
    # calculate_qparams clamps min<=0 and max>=0 for affine.
    min_val = jnp.minimum(jnp.min(h), 0.0)
    max_val = jnp.maximum(jnp.max(h), 0.0)
    scale = (max_val - min_val) / (QMAX - QMIN)
    scale = jnp.maximum(scale, EPS)
    zp = QMIN - jnp.round(min_val / scale)
    zp = jnp.clip(zp, QMIN, QMAX)
    scale = jax.lax.stop_gradient(scale)
    zp = jax.lax.stop_gradient(zp)
    xq = jnp.round(h / scale) + zp
    mask = (xq >= QMIN) & (xq <= QMAX)
    y = (jnp.clip(xq, QMIN, QMAX) - zp) * scale
    # straight-through estimator with in-range mask (matches torch fake_quantize backward)
    passthru = jnp.where(mask, h, 0.0)
    return jax.lax.stop_gradient(y - passthru) + passthru


def reference(x, emb, W, b):
    h = jnp.take(emb, x, axis=0)          # embedding gather: [B, L, DIM]
    h = _fake_quantize(h)                  # per-tensor affine fake quant
    out = h @ W.T + b                      # linear to 1: [B, L, 1]
    return out

if __name__ == "__main__":
    import jax
    _d = setup_inputs()
    print(jax.jit(kernel)(*tuple(_d.values())))

</pallas_src>

<mosaic_0001>
#map = affine_map<(d0, d1) -> (0)>
module attributes {stable_mosaic.version = 14 : i64} {
  func.func @k(%arg0: i32, %arg1: i32, %arg2: memref<819200xi32, #tpu.memory_space<hbm>>, %arg3: memref<106496xf32, #tpu.memory_space<hbm>>, %arg4: memref<819200xf32, #tpu.memory_space<hbm>>, %arg5: memref<106496xf32, #tpu.memory_space<vmem>>, %arg6: memref<5120xi32, #tpu.memory_space<vmem>>, %arg7: memref<5120xi32, #tpu.memory_space<vmem>>, %arg8: memref<5120xf32, #tpu.memory_space<vmem>>, %arg9: memref<5120xf32, #tpu.memory_space<vmem>>, %arg10: memref<!tpu.dma_semaphore, #tpu.memory_space<semaphore_mem>>, %arg11: memref<!tpu.dma_semaphore, #tpu.memory_space<semaphore_mem>>, %arg12: memref<!tpu.dma_semaphore, #tpu.memory_space<semaphore_mem>>, %arg13: memref<!tpu.dma_semaphore, #tpu.memory_space<semaphore_mem>>) attributes {dimension_semantics = [#tpu.dimension_semantics<core_parallel>, #tpu.dimension_semantics<subcore_parallel>], iteration_bounds = array<i64: 2, 16>, scalar_prefetch = 0 : i64, scratch_operands = 9 : i64, tpu.core_type = #tpu.core_type<sc_vector_subcore>, window_params = [{transform_indices = #map}, {transform_indices = #map}, {transform_indices = #map}]} {
    %mul3A = arith.constant 2 : i32
    %mul3A_0 = arith.muli %arg1, %mul3A : i32
    %add3A = arith.addi %mul3A_0, %arg0 : i32
    %mul3A_1 = arith.constant 25600 : i32
    %mul3A_2 = arith.muli %add3A, %mul3A_1 : i32
    %add3A_3 = arith.constant 0 : i32
    %add3A_4 = arith.addi %mul3A_2, %add3A_3 : i32
    %dma_start3A = tpu.memref_slice %arg2[%add3A_4] : memref<819200xi32, #tpu.memory_space<hbm>> -> memref<5120xi32, #tpu.memory_space<hbm>>
    %dma_start3A_5 = tpu.memref_slice %arg2[%add3A_4] : memref<819200xi32, #tpu.memory_space<hbm>> -> memref<5120xi32, #tpu.memory_space<hbm>>
    tpu.enqueue_dma source(%dma_start3A_5 : memref<5120xi32, #tpu.memory_space<hbm>>) target(%arg6 : memref<5120xi32, #tpu.memory_space<vmem>>) target_semaphore(%arg10 : memref<!tpu.dma_semaphore, #tpu.memory_space<semaphore_mem>>)
    "tpu.region"() ({
      %run_scoped3A = tpu.sem_alloc : memref<!tpu.dma_semaphore, #tpu.memory_space<semaphore_mem>>
      tpu.enqueue_dma source(%arg3 : memref<106496xf32, #tpu.memory_space<hbm>>) target(%arg5 : memref<106496xf32, #tpu.memory_space<vmem>>) target_semaphore(%run_scoped3A : memref<!tpu.dma_semaphore, #tpu.memory_space<semaphore_mem>>)
      tpu.wait_dma2 semaphore(%run_scoped3A : memref<!tpu.dma_semaphore, #tpu.memory_space<semaphore_mem>>) src(%arg3 : memref<106496xf32, #tpu.memory_space<hbm>>) dst(%arg5 : memref<106496xf32, #tpu.memory_space<vmem>>)
      tpu.yield
    }) : () -> ()
    %add3A_6 = arith.constant 0 : i32
    %add3A_7 = arith.addi %mul3A_2, %add3A_6 : i32
    %dma_wait3A = tpu.memref_slice %arg2[%add3A_7] : memref<819200xi32, #tpu.memory_space<hbm>> -> memref<5120xi32, #tpu.memory_space<hbm>>
    %dma_wait3A_8 = tpu.memref_slice %arg2[%add3A_7] : memref<819200xi32, #tpu.memory_space<hbm>> -> memref<5120xi32, #tpu.memory_space<hbm>>
    tpu.wait_dma2 semaphore(%arg10 : memref<!tpu.dma_semaphore, #tpu.memory_space<semaphore_mem>>) src(%dma_wait3A_8 : memref<5120xi32, #tpu.memory_space<hbm>>) dst(%arg6 : memref<5120xi32, #tpu.memory_space<vmem>>)
    %add3A_9 = arith.constant 5120 : i32
    %add3A_10 = arith.addi %mul3A_2, %add3A_9 : i32
    %dma_start3A_11 = tpu.memref_slice %arg2[%add3A_10] : memref<819200xi32, #tpu.memory_space<hbm>> -> memref<5120xi32, #tpu.memory_space<hbm>>
    %dma_start3A_12 = tpu.memref_slice %arg2[%add3A_10] : memref<819200xi32, #tpu.memory_space<hbm>> -> memref<5120xi32, #tpu.memory_space<hbm>>
    tpu.enqueue_dma source(%dma_start3A_12 : memref<5120xi32, #tpu.memory_space<hbm>>) target(%arg7 : memref<5120xi32, #tpu.memory_space<vmem>>) target_semaphore(%arg11 : memref<!tpu.dma_semaphore, #tpu.memory_space<semaphore_mem>>)
    %scan3A = arith.constant 0 : i32
    %scan3A_13 = arith.constant 0 : i32
    %scan3A_14 = arith.constant 20 : i32
    %scan3A_15 = arith.addi %scan3A_13, %scan3A_14 : i32
    %scan3A_16 = arith.constant 1 : i32
    %scan3A_17 = scf.for %scan3A_115 = %scan3A_13 to %scan3A_15 step %scan3A_16 iter_args(%scan3A_116 = %scan3A) -> (i32)  : i32 {
      %mul3A_117 = arith.constant 16 : i32
      %mul3A_118 = arith.muli %scan3A_115, %mul3A_117 : i32
      %add3A_119 = arith.constant 0 : i32
      %add3A_120 = arith.addi %mul3A_118, %add3A_119 : i32
      %mul3A_121 = arith.constant 16 : i32
      %mul3A_122 = arith.muli %add3A_120, %mul3A_121 : i32
      %mul3A_123 = arith.constant 16 : i32
      %mul3A_124 = arith.muli %scan3A_115, %mul3A_123 : i32
      %add3A_125 = arith.constant 1 : i32
      %add3A_126 = arith.addi %mul3A_124, %add3A_125 : i32
      %mul3A_127 = arith.constant 16 : i32
      %mul3A_128 = arith.muli %add3A_126, %mul3A_127 : i32
      %mul3A_129 = arith.constant 16 : i32
      %mul3A_130 = arith.muli %scan3A_115, %mul3A_129 : i32
      %add3A_131 = arith.constant 2 : i32
      %add3A_132 = arith.addi %mul3A_130, %add3A_131 : i32
      %mul3A_133 = arith.constant 16 : i32
      %mul3A_134 = arith.muli %add3A_132, %mul3A_133 : i32
      %mul3A_135 = arith.constant 16 : i32
      %mul3A_136 = arith.muli %scan3A_115, %mul3A_135 : i32
      %add3A_137 = arith.constant 3 : i32
      %add3A_138 = arith.addi %mul3A_136, %add3A_137 : i32
      %mul3A_139 = arith.constant 16 : i32
      %mul3A_140 = arith.muli %add3A_138, %mul3A_139 : i32
      %mul3A_141 = arith.constant 16 : i32
      %mul3A_142 = arith.muli %scan3A_115, %mul3A_141 : i32
      %add3A_143 = arith.constant 4 : i32
      %add3A_144 = arith.addi %mul3A_142, %add3A_143 : i32
      %mul3A_145 = arith.constant 16 : i32
      %mul3A_146 = arith.muli %add3A_144, %mul3A_145 : i32
      %mul3A_147 = arith.constant 16 : i32
      %mul3A_148 = arith.muli %scan3A_115, %mul3A_147 : i32
      %add3A_149 = arith.constant 5 : i32
      %add3A_150 = arith.addi %mul3A_148, %add3A_149 : i32
      %mul3A_151 = arith.constant 16 : i32
      %mul3A_152 = arith.muli %add3A_150, %mul3A_151 : i32
      %mul3A_153 = arith.constant 16 : i32
      %mul3A_154 = arith.muli %scan3A_115, %mul3A_153 : i32
      %add3A_155 = arith.constant 6 : i32
      %add3A_156 = arith.addi %mul3A_154, %add3A_155 : i32
      %mul3A_157 = arith.constant 16 : i32
      %mul3A_158 = arith.muli %add3A_156, %mul3A_157 : i32
      %mul3A_159 = arith.constant 16 : i32
      %mul3A_160 = arith.muli %scan3A_115, %mul3A_159 : i32
      %add3A_161 = arith.constant 7 : i32
      %add3A_162 = arith.addi %mul3A_160, %add3A_161 : i32
      %mul3A_163 = arith.constant 16 : i32
      %mul3A_164 = arith.muli %add3A_162, %mul3A_163 : i32
      %mul3A_165 = arith.constant 16 : i32
      %mul3A_166 = arith.muli %scan3A_115, %mul3A_165 : i32
      %add3A_167 = arith.constant 8 : i32
      %add3A_168 = arith.addi %mul3A_166, %add3A_167 : i32
      %mul3A_169 = arith.constant 16 : i32
      %mul3A_170 = arith.muli %add3A_168, %mul3A_169 : i32
      %mul3A_171 = arith.constant 16 : i32
      %mul3A_172 = arith.muli %scan3A_115, %mul3A_171 : i32
      %add3A_173 = arith.constant 9 : i32
      %add3A_174 = arith.addi %mul3A_172, %add3A_173 : i32
      %mul3A_175 = arith.constant 16 : i32
      %mul3A_176 = arith.muli %add3A_174, %mul3A_175 : i32
      %mul3A_177 = arith.constant 16 : i32
      %mul3A_178 = arith.muli %scan3A_115, %mul3A_177 : i32
      %add3A_179 = arith.constant 10 : i32
      %add3A_180 = arith.addi %mul3A_178, %add3A_179 : i32
      %mul3A_181 = arith.constant 16 : i32
      %mul3A_182 = arith.muli %add3A_180, %mul3A_181 : i32
      %mul3A_183 = arith.constant 16 : i32
      %mul3A_184 = arith.muli %scan3A_115, %mul3A_183 : i32
      %add3A_185 = arith.constant 11 : i32
      %add3A_186 = arith.addi %mul3A_184, %add3A_185 : i32
      %mul3A_187 = arith.constant 16 : i32
      %mul3A_188 = arith.muli %add3A_186, %mul3A_187 : i32
      %mul3A_189 = arith.constant 16 : i32
      %mul3A_190 = arith.muli %scan3A_115, %mul3A_189 : i32
      %add3A_191 = arith.constant 12 : i32
      %add3A_192 = arith.addi %mul3A_190, %add3A_191 : i32
      %mul3A_193 = arith.constant 16 : i32
      %mul3A_194 = arith.muli %add3A_192, %mul3A_193 : i32
      %mul3A_195 = arith.constant 16 : i32
      %mul3A_196 = arith.muli %scan3A_115, %mul3A_195 : i32
      %add3A_197 = arith.constant 13 : i32
      %add3A_198 = arith.addi %mul3A_196, %add3A_197 : i32
      %mul3A_199 = arith.constant 16 : i32
      %mul3A_200 = arith.muli %add3A_198, %mul3A_199 : i32
      %mul3A_201 = arith.constant 16 : i32
      %mul3A_202 = arith.muli %scan3A_115, %mul3A_201 : i32
      %add3A_203 = arith.constant 14 : i32
      %add3A_204 = arith.addi %mul3A_202, %add3A_203 : i32
      %mul3A_205 = arith.constant 16 : i32
      %mul3A_206 = arith.muli %add3A_204, %mul3A_205 : i32
      %mul3A_207 = arith.constant 16 : i32
      %mul3A_208 = arith.muli %scan3A_115, %mul3A_207 : i32
      %add3A_209 = arith.constant 15 : i32
      %add3A_210 = arith.addi %mul3A_208, %add3A_209 : i32
      %mul3A_211 = arith.constant 16 : i32
      %mul3A_212 = arith.muli %add3A_210, %mul3A_211 : i32
      %get3A = arith.index_cast %mul3A_122 : i32 to index
      %get3A_213 = tpu.vector_load %arg6[%get3A] {strides = array<i32>} : memref<5120xi32, #tpu.memory_space<vmem>>, vector<16xi32>,
      %get3A_214 = arith.index_cast %mul3A_128 : i32 to index
      %get3A_215 = tpu.vector_load %arg6[%get3A_214] {strides = array<i32>} : memref<5120xi32, #tpu.memory_space<vmem>>, vector<16xi32>,
      %get3A_216 = arith.index_cast %mul3A_134 : i32 to index
      %get3A_217 = tpu.vector_load %arg6[%get3A_216] {strides = array<i32>} : memref<5120xi32, #tpu.memory_space<vmem>>, vector<16xi32>,
      %get3A_218 = arith.index_cast %mul3A_140 : i32 to index
      %get3A_219 = tpu.vector_load %arg6[%get3A_218] {strides = array<i32>} : memref<5120xi32, #tpu.memory_space<vmem>>, vector<16xi32>,
      %get3A_220 = arith.index_cast %mul3A_146 : i32 to index
      %get3A_221 = tpu.vector_load %arg6[%get3A_220] {strides = array<i32>} : memref<5120xi32, #tpu.memory_space<vmem>>, vector<16xi32>,
      %get3A_222 = arith.index_cast %mul3A_152 : i32 to index
      %get3A_223 = tpu.vector_load %arg6[%get3A_222] {strides = array<i32>} : memref<5120xi32, #tpu.memory_space<vmem>>, vector<16xi32>,
      %get3A_224 = arith.index_cast %mul3A_158 : i32 to index
      %get3A_225 = tpu.vector_load %arg6[%get3A_224] {strides = array<i32>} : memref<5120xi32, #tpu.memory_space<vmem>>, vector<16xi32>,
      %get3A_226 = arith.index_cast %mul3A_164 : i32 to index
      %get3A_227 = tpu.vector_load %arg6[%get3A_226] {strides = array<i32>} : memref<5120xi32, #tpu.memory_space<vmem>>, vector<16xi32>,
      %get3A_228 = arith.index_cast %mul3A_170 : i32 to index
      %get3A_229 = tpu.vector_load %arg6[%get3A_228] {strides = array<i32>} : memref<5120xi32, #tpu.memory_space<vmem>>, vector<16xi32>,
      %get3A_230 = arith.index_cast %mul3A_176 : i32 to index
      %get3A_231 = tpu.vector_load %arg6[%get3A_230] {strides = array<i32>} : memref<5120xi32, #tpu.memory_space<vmem>>, vector<16xi32>,
      %get3A_232 = arith.index_cast %mul3A_182 : i32 to index
      %get3A_233 = tpu.vector_load %arg6[%get3A_232] {strides = array<i32>} : memref<5120xi32, #tpu.memory_space<vmem>>, vector<16xi32>,
      %get3A_234 = arith.index_cast %mul3A_188 : i32 to index
      %get3A_235 = tpu.vector_load %arg6[%get3A_234] {strides = array<i32>} : memref<5120xi32, #tpu.memory_space<vmem>>, vector<16xi32>,
      %get3A_236 = arith.index_cast %mul3A_194 : i32 to index
      %get3A_237 = tpu.vector_load %arg6[%get3A_236] {strides = array<i32>} : memref<5120xi32, #tpu.memory_space<vmem>>, vector<16xi32>,
      %get3A_238 = arith.index_cast %mul3A_200 : i32 to index
      %get3A_239 = tpu.vector_load %arg6[%get3A_238] {strides = array<i32>} : memref<5120xi32, #tpu.memory_space<vmem>>, vector<16xi32>,
      %get3A_240 = arith.index_cast %mul3A_206 : i32 to index
      %get3A_241 = tpu.vector_load %arg6[%get3A_240] {strides = array<i32>} : memref<5120xi32, #tpu.memory_space<vmem>>, vector<16xi32>,
      %get3A_242 = arith.index_cast %mul3A_212 : i32 to index
      %get3A_243 = tpu.vector_load %arg6[%get3A_242] {strides = array<i32>} : memref<5120xi32, #tpu.memory_space<vmem>>, vector<16xi32>,
      %gather3A = tpu.vector_load_idx %arg5[%get3A_213] : memref<106496xf32, #tpu.memory_space<vmem>>[vector<16xi32>], vector<16xf32>,
      %gather3A_244 = tpu.vector_load_idx %arg5[%get3A_215] : memref<106496xf32, #tpu.memory_space<vmem>>[vector<16xi32>], vector<16xf32>,
      %gather3A_245 = tpu.vector_load_idx %arg5[%get3A_217] : memref<106496xf32, #tpu.memory_space<vmem>>[vector<16xi32>], vector<16xf32>,
      %gather3A_246 = tpu.vector_load_idx %arg5[%get3A_219] : memref<106496xf32, #tpu.memory_space<vmem>>[vector<16xi32>], vector<16xf32>,
      %gather3A_247 = tpu.vector_load_idx %arg5[%get3A_221] : memref<106496xf32, #tpu.memory_space<vmem>>[vector<16xi32>], vector<16xf32>,
      %gather3A_248 = tpu.vector_load_idx %arg5[%get3A_223] : memref<106496xf32, #tpu.memory_space<vmem>>[vector<16xi32>], vector<16xf32>,
      %gather3A_249 = tpu.vector_load_idx %arg5[%get3A_225] : memref<106496xf32, #tpu.memory_space<vmem>>[vector<16xi32>], vector<16xf32>,
      %gather3A_250 = tpu.vector_load_idx %arg5[%get3A_227] : memref<106496xf32, #tpu.memory_space<vmem>>[vector<16xi32>], vector<16xf32>,
      %gather3A_251 = tpu.vector_load_idx %arg5[%get3A_229] : memref<106496xf32, #tpu.memory_space<vmem>>[vector<16xi32>], vector<16xf32>,
      %gather3A_252 = tpu.vector_load_idx %arg5[%get3A_231] : memref<106496xf32, #tpu.memory_space<vmem>>[vector<16xi32>], vector<16xf32>,
      %gather3A_253 = tpu.vector_load_idx %arg5[%get3A_233] : memref<106496xf32, #tpu.memory_space<vmem>>[vector<16xi32>], vector<16xf32>,
      %gather3A_254 = tpu.vector_load_idx %arg5[%get3A_235] : memref<106496xf32, #tpu.memory_space<vmem>>[vector<16xi32>], vector<16xf32>,
      %gather3A_255 = tpu.vector_load_idx %arg5[%get3A_237] : memref<106496xf32, #tpu.memory_space<vmem>>[vector<16xi32>], vector<16xf32>,
      %gather3A_256 = tpu.vector_load_idx %arg5[%get3A_239] : memref<106496xf32, #tpu.memory_space<vmem>>[vector<16xi32>], vector<16xf32>,
      %gather3A_257 = tpu.vector_load_idx %arg5[%get3A_241] : memref<106496xf32, #tpu.memory_space<vmem>>[vector<16xi32>], vector<16xf32>,
      %gather3A_258 = tpu.vector_load_idx %arg5[%get3A_243] : memref<106496xf32, #tpu.memory_space<vmem>>[vector<16xi32>], vector<16xf32>,
      %swap3A = arith.index_cast %mul3A_122 : i32 to index
      %swap3A_259 = tpu.vector_load %arg8[%swap3A] {strides = array<i32>} : memref<5120xf32, #tpu.memory_space<vmem>>, vector<16xf32>,
      tpu.vector_store %arg8[%swap3A], %gather3A {strides = array<i32>} : memref<5120xf32, #tpu.memory_space<vmem>>, vector<16xf32>,
      %swap3A_260 = arith.index_cast %mul3A_128 : i32 to index
      %swap3A_261 = tpu.vector_load %arg8[%swap3A_260] {strides = array<i32>} : memref<5120xf32, #tpu.memory_space<vmem>>, vector<16xf32>,
      tpu.vector_store %arg8[%swap3A_260], %gather3A_244 {strides = array<i32>} : memref<5120xf32, #tpu.memory_space<vmem>>, vector<16xf32>,
      %swap3A_262 = arith.index_cast %mul3A_134 : i32 to index
      %swap3A_263 = tpu.vector_load %arg8[%swap3A_262] {strides = array<i32>} : memref<5120xf32, #tpu.memory_space<vmem>>, vector<16xf32>,
      tpu.vector_store %arg8[%swap3A_262], %gather3A_245 {strides = array<i32>} : memref<5120xf32, #tpu.memory_space<vmem>>, vector<16xf32>,
      %swap3A_264 = arith.index_cast %mul3A_140 : i32 to index
      %swap3A_265 = tpu.vector_load %arg8[%swap3A_264] {strides = array<i32>} : memref<5120xf32, #tpu.memory_space<vmem>>, vector<16xf32>,
      tpu.vector_store %arg8[%swap3A_264], %gather3A_246 {strides = array<i32>} : memref<5120xf32, #tpu.memory_space<vmem>>, vector<16xf32>,
      %swap3A_266 = arith.index_cast %mul3A_146 : i32 to index
      %swap3A_267 = tpu.vector_load %arg8[%swap3A_266] {strides = array<i32>} : memref<5120xf32, #tpu.memory_space<vmem>>, vector<16xf32>,
      tpu.vector_store %arg8[%swap3A_266], %gather3A_247 {strides = array<i32>} : memref<5120xf32, #tpu.memory_space<vmem>>, vector<16xf32>,
      %swap3A_268 = arith.index_cast %mul3A_152 : i32 to index
      %swap3A_269 = tpu.vector_load %arg8[%swap3A_268] {strides = array<i32>} : memref<5120xf32, #tpu.memory_space<vmem>>, vector<16xf32>,
      tpu.vector_store %arg8[%swap3A_268], %gather3A_248 {strides = array<i32>} : memref<5120xf32, #tpu.memory_space<vmem>>, vector<16xf32>,
      %swap3A_270 = arith.index_cast %mul3A_158 : i32 to index
      %swap3A_271 = tpu.vector_load %arg8[%swap3A_270] {strides = array<i32>} : memref<5120xf32, #tpu.memory_space<vmem>>, vector<16xf32>,
      tpu.vector_store %arg8[%swap3A_270], %gather3A_249 {strides = array<i32>} : memref<5120xf32, #tpu.memory_space<vmem>>, vector<16xf32>,
      %swap3A_272 = arith.index_cast %mul3A_164 : i32 to index
      %swap3A_273 = tpu.vector_load %arg8[%swap3A_272] {strides = array<i32>} : memref<5120xf32, #tpu.memory_space<vmem>>, vector<16xf32>,
      tpu.vector_store %arg8[%swap3A_272], %gather3A_250 {strides = array<i32>} : memref<5120xf32, #tpu.memory_space<vmem>>, vector<16xf32>,
      %swap3A_274 = arith.index_cast %mul3A_170 : i32 to index
      %swap3A_275 = tpu.vector_load %arg8[%swap3A_274] {strides = array<i32>} : memref<5120xf32, #tpu.memory_space<vmem>>, vector<16xf32>,
      tpu.vector_store %arg8[%swap3A_274], %gather3A_251 {strides = array<i32>} : memref<5120xf32, #tpu.memory_space<vmem>>, vector<16xf32>,
      %swap3A_276 = arith.index_cast %mul3A_176 : i32 to index
      %swap3A_277 = tpu.vector_load %arg8[%swap3A_276] {strides = array<i32>} : memref<5120xf32, #tpu.memory_space<vmem>>, vector<16xf32>,
      tpu.vector_store %arg8[%swap3A_276], %gather3A_252 {strides = array<i32>} : memref<5120xf32, #tpu.memory_space<vmem>>, vector<16xf32>,
      %swap3A_278 = arith.index_cast %mul3A_182 : i32 to index
      %swap3A_279 = tpu.vector_load %arg8[%swap3A_278] {strides = array<i32>} : memref<5120xf32, #tpu.memory_space<vmem>>, vector<16xf32>,
      tpu.vector_store %arg8[%swap3A_278], %gather3A_253 {strides = array<i32>} : memref<5120xf32, #tpu.memory_space<vmem>>, vector<16xf32>,
      %swap3A_280 = arith.index_cast %mul3A_188 : i32 to index
      %swap3A_281 = tpu.vector_load %arg8[%swap3A_280] {strides = array<i32>} : memref<5120xf32, #tpu.memory_space<vmem>>, vector<16xf32>,
      tpu.vector_store %arg8[%swap3A_280], %gather3A_254 {strides = array<i32>} : memref<5120xf32, #tpu.memory_space<vmem>>, vector<16xf32>,
      %swap3A_282 = arith.index_cast %mul3A_194 : i32 to index
      %swap3A_283 = tpu.vector_load %arg8[%swap3A_282] {strides = array<i32>} : memref<5120xf32, #tpu.memory_space<vmem>>, vector<16xf32>,
      tpu.vector_store %arg8[%swap3A_282], %gather3A_255 {strides = array<i32>} : memref<5120xf32, #tpu.memory_space<vmem>>, vector<16xf32>,
      %swap3A_284 = arith.index_cast %mul3A_200 : i32 to index
      %swap3A_285 = tpu.vector_load %arg8[%swap3A_284] {strides = array<i32>} : memref<5120xf32, #tpu.memory_space<vmem>>, vector<16xf32>,
      tpu.vector_store %arg8[%swap3A_284], %gather3A_256 {strides = array<i32>} : memref<5120xf32, #tpu.memory_space<vmem>>, vector<16xf32>,
      %swap3A_286 = arith.index_cast %mul3A_206 : i32 to index
      %swap3A_287 = tpu.vector_load %arg8[%swap3A_286] {strides = array<i32>} : memref<5120xf32, #tpu.memory_space<vmem>>, vector<16xf32>,
      tpu.vector_store %arg8[%swap3A_286], %gather3A_257 {strides = array<i32>} : memref<5120xf32, #tpu.memory_space<vmem>>, vector<16xf32>,
      %swap3A_288 = arith.index_cast %mul3A_212 : i32 to index
      %swap3A_289 = tpu.vector_load %arg8[%swap3A_288] {strides = array<i32>} : memref<5120xf32, #tpu.memory_space<vmem>>, vector<16xf32>,
      tpu.vector_store %arg8[%swap3A_288], %gather3A_258 {strides = array<i32>} : memref<5120xf32, #tpu.memory_space<vmem>>, vector<16xf32>,
      %scan3A_290 = arith.constant 0 : i32
      scf.yield %scan3A_290 : i32
    }
    %scan3A_18 = arith.constant 20 : i32
    %add3A_19 = arith.constant 0 : i32
    %add3A_20 = arith.addi %mul3A_2, %add3A_19 : i32
    %dma_start3A_21 = tpu.memref_slice %arg4[%add3A_20] : memref<819200xf32, #tpu.memory_space<hbm>> -> memref<5120xf32, #tpu.memory_space<hbm>>
    %dma_start3A_22 = tpu.memref_slice %arg4[%add3A_20] : memref<819200xf32, #tpu.memory_space<hbm>> -> memref<5120xf32, #tpu.memory_space<hbm>>
    tpu.enqueue_dma source(%arg8 : memref<5120xf32, #tpu.memory_space<vmem>>) target(%dma_start3A_22 : memref<5120xf32, #tpu.memory_space<hbm>>) target_semaphore(%arg12 : memref<!tpu.dma_semaphore, #tpu.memory_space<semaphore_mem>>)
    %add3A_23 = arith.constant 5120 : i32
    %add3A_24 = arith.addi %mul3A_2, %add3A_23 : i32
    %dma_wait3A_25 = tpu.memref_slice %arg2[%add3A_24] : memref<819200xi32, #tpu.memory_space<hbm>> -> memref<5120xi32, #tpu.memory_space<hbm>>
    %dma_wait3A_26 = tpu.memref_slice %arg2[%add3A_24] : memref<819200xi32, #tpu.memory_space<hbm>> -> memref<5120xi32, #tpu.memory_space<hbm>>
    tpu.wait_dma2 semaphore(%arg11 : memref<!tpu.dma_semaphore, #tpu.memory_space<semaphore_mem>>) src(%dma_wait3A_26 : memref<5120xi32, #tpu.memory_space<hbm>>) dst(%arg7 : memref<5120xi32, #tpu.memory_space<vmem>>)
    %add3A_27 = arith.constant 10240 : i32
    %add3A_28 = arith.addi %mul3A_2, %add3A_27 : i32
    %dma_start3A_29 = tpu.memref_slice %arg2[%add3A_28] : memref<819200xi32, #tpu.memory_space<hbm>> -> memref<5120xi32, #tpu.memory_space<hbm>>
    %dma_start3A_30 = tpu.memref_slice %arg2[%add3A_28] : memref<819200xi32, #tpu.memory_space<hbm>> -> memref<5120xi32, #tpu.memory_space<hbm>>
    tpu.enqueue_dma source(%dma_start3A_30 : memref<5120xi32, #tpu.memory_space<hbm>>) target(%arg6 : memref<5120xi32, #tpu.memory_space<vmem>>) target_semaphore(%arg10 : memref<!tpu.dma_semaphore, #tpu.memory_space<semaphore_mem>>)
    %scan3A_31 = arith.constant 0 : i32
    %scan3A_32 = arith.constant 0 : i32
    %scan3A_33 = arith.constant 20 : i32
    %scan3A_34 = arith.addi %scan3A_32, %scan3A_33 : i32
    %scan3A_35 = arith.constant 1 : i32
    %scan3A_36 = scf.for %scan3A_115 = %scan3A_32 to %scan3A_34 step %scan3A_35 iter_args(%scan3A_116 = %scan3A_31) -> (i32)  : i32 {
      %mul3A_117 = arith.constant 16 : i32
      %mul3A_118 = arith.muli %scan3A_115, %mul3A_117 : i32
      %add3A_119 = arith.constant 0 : i32
      %add3A_120 = arith.addi %mul3A_118, %add3A_119 : i32
      %mul3A_121 = arith.constant 16 : i32
      %mul3A_122 = arith.muli %add3A_120, %mul3A_121 : i32
      %mul3A_123 = arith.constant 16 : i32
      %mul3A_124 = arith.muli %scan3A_115, %mul3A_123 : i32
      %add3A_125 = arith.constant 1 : i32
      %add3A_126 = arith.addi %mul3A_124, %add3A_125 : i32
      %mul3A_127 = arith.constant 16 : i32
      %mul3A_128 = arith.muli %add3A_126, %mul3A_127 : i32
      %mul3A_129 = arith.constant 16 : i32
      %mul3A_130 = arith.muli %scan3A_115, %mul3A_129 : i32
      %add3A_131 = arith.constant 2 : i32
      %add3A_132 = arith.addi %mul3A_130, %add3A_131 : i32
      %mul3A_133 = arith.constant 16 : i32
      %mul3A_134 = arith.muli %add3A_132, %mul3A_133 : i32
      %mul3A_135 = arith.constant 16 : i32
      %mul3A_136 = arith.muli %scan3A_115, %mul3A_135 : i32
      %add3A_137 = arith.constant 3 : i32
      %add3A_138 = arith.addi %mul3A_136, %add3A_137 : i32
      %mul3A_139 = arith.constant 16 : i32
      %mul3A_140 = arith.muli %add3A_138, %mul3A_139 : i32
      %mul3A_141 = arith.constant 16 : i32
      %mul3A_142 = arith.muli %scan3A_115, %mul3A_141 : i32
      %add3A_143 = arith.constant 4 : i32
      %add3A_144 = arith.addi %mul3A_142, %add3A_143 : i32
      %mul3A_145 = arith.constant 16 : i32
      %mul3A_146 = arith.muli %add3A_144, %mul3A_145 : i32
      %mul3A_147 = arith.constant 16 : i32
      %mul3A_148 = arith.muli %scan3A_115, %mul3A_147 : i32
      %add3A_149 = arith.constant 5 : i32
      %add3A_150 = arith.addi %mul3A_148, %add3A_149 : i32
      %mul3A_151 = arith.constant 16 : i32
      %mul3A_152 = arith.muli %add3A_150, %mul3A_151 : i32
      %mul3A_153 = arith.constant 16 : i32
      %mul3A_154 = arith.muli %scan3A_115, %mul3A_153 : i32
      %add3A_155 = arith.constant 6 : i32
      %add3A_156 = arith.addi %mul3A_154, %add3A_155 : i32
      %mul3A_157 = arith.constant 16 : i32
      %mul3A_158 = arith.muli %add3A_156, %mul3A_157 : i32
      %mul3A_159 = arith.constant 16 : i32
      %mul3A_160 = arith.muli %scan3A_115, %mul3A_159 : i32
      %add3A_161 = arith.constant 7 : i32
      %add3A_162 = arith.addi %mul3A_160, %add3A_161 : i32
      %mul3A_163 = arith.constant 16 : i32
      %mul3A_164 = arith.muli %add3A_162, %mul3A_163 : i32
      %mul3A_165 = arith.constant 16 : i32
      %mul3A_166 = arith.muli %scan3A_115, %mul3A_165 : i32
      %add3A_167 = arith.constant 8 : i32
      %add3A_168 = arith.addi %mul3A_166, %add3A_167 : i32
      %mul3A_169 = arith.constant 16 : i32
      %mul3A_170 = arith.muli %add3A_168, %mul3A_169 : i32
      %mul3A_171 = arith.constant 16 : i32
      %mul3A_172 = arith.muli %scan3A_115, %mul3A_171 : i32
      %add3A_173 = arith.constant 9 : i32
      %add3A_174 = arith.addi %mul3A_172, %add3A_173 : i32
      %mul3A_175 = arith.constant 16 : i32
      %mul3A_176 = arith.muli %add3A_174, %mul3A_175 : i32
      %mul3A_177 = arith.constant 16 : i32
      %mul3A_178 = arith.muli %scan3A_115, %mul3A_177 : i32
      %add3A_179 = arith.constant 10 : i32
      %add3A_180 = arith.addi %mul3A_178, %add3A_179 : i32
      %mul3A_181 = arith.constant 16 : i32
      %mul3A_182 = arith.muli %add3A_180, %mul3A_181 : i32
      %mul3A_183 = arith.constant 16 : i32
      %mul3A_184 = arith.muli %scan3A_115, %mul3A_183 : i32
      %add3A_185 = arith.constant 11 : i32
      %add3A_186 = arith.addi %mul3A_184, %add3A_185 : i32
      %mul3A_187 = arith.constant 16 : i32
      %mul3A_188 = arith.muli %add3A_186, %mul3A_187 : i32
      %mul3A_189 = arith.constant 16 : i32
      %mul3A_190 = arith.muli %scan3A_115, %mul3A_189 : i32
      %add3A_191 = arith.constant 12 : i32
      %add3A_192 = arith.addi %mul3A_190, %add3A_191 : i32
      %mul3A_193 = arith.constant 16 : i32
      %mul3A_194 = arith.muli %add3A_192, %mul3A_193 : i32
      %mul3A_195 = arith.constant 16 : i32
      %mul3A_196 = arith.muli %scan3A_115, %mul3A_195 : i32
      %add3A_197 = arith.constant 13 : i32
      %add3A_198 = arith.addi %mul3A_196, %add3A_197 : i32
      %mul3A_199 = arith.constant 16 : i32
      %mul3A_200 = arith.muli %add3A_198, %mul3A_199 : i32
      %mul3A_201 = arith.constant 16 : i32
      %mul3A_202 = arith.muli %scan3A_115, %mul3A_201 : i32
      %add3A_203 = arith.constant 14 : i32
      %add3A_204 = arith.addi %mul3A_202, %add3A_203 : i32
      %mul3A_205 = arith.constant 16 : i32
      %mul3A_206 = arith.muli %add3A_204, %mul3A_205 : i32
      %mul3A_207 = arith.constant 16 : i32
      %mul3A_208 = arith.muli %scan3A_115, %mul3A_207 : i32
      %add3A_209 = arith.constant 15 : i32
      %add3A_210 = arith.addi %mul3A_208, %add3A_209 : i32
      %mul3A_211 = arith.constant 16 : i32
      %mul3A_212 = arith.muli %add3A_210, %mul3A_211 : i32
      %get3A = arith.index_cast %mul3A_122 : i32 to index
      %get3A_213 = tpu.vector_load %arg7[%get3A] {strides = array<i32>} : memref<5120xi32, #tpu.memory_space<vmem>>, vector<16xi32>,
      %get3A_214 = arith.index_cast %mul3A_128 : i32 to index
      %get3A_215 = tpu.vector_load %arg7[%get3A_214] {strides = array<i32>} : memref<5120xi32, #tpu.memory_space<vmem>>, vector<16xi32>,
      %get3A_216 = arith.index_cast %mul3A_134 : i32 to index
      %get3A_217 = tpu.vector_load %arg7[%get3A_216] {strides = array<i32>} : memref<5120xi32, #tpu.memory_space<vmem>>, vector<16xi32>,
      %get3A_218 = arith.index_cast %mul3A_140 : i32 to index
      %get3A_219 = tpu.vector_load %arg7[%get3A_218] {strides = array<i32>} : memref<5120xi32, #tpu.memory_space<vmem>>, vector<16xi32>,
      %get3A_220 = arith.index_cast %mul3A_146 : i32 to index
      %get3A_221 = tpu.vector_load %arg7[%get3A_220] {strides = array<i32>} : memref<5120xi32, #tpu.memory_space<vmem>>, vector<16xi32>,
      %get3A_222 = arith.index_cast %mul3A_152 : i32 to index
      %get3A_223 = tpu.vector_load %arg7[%get3A_222] {strides = array<i32>} : memref<5120xi32, #tpu.memory_space<vmem>>, vector<16xi32>,
      %get3A_224 = arith.index_cast %mul3A_158 : i32 to index
      %get3A_225 = tpu.vector_load %arg7[%get3A_224] {strides = array<i32>} : memref<5120xi32, #tpu.memory_space<vmem>>, vector<16xi32>,
      %get3A_226 = arith.index_cast %mul3A_164 : i32 to index
      %get3A_227 = tpu.vector_load %arg7[%get3A_226] {strides = array<i32>} : memref<5120xi32, #tpu.memory_space<vmem>>, vector<16xi32>,
      %get3A_228 = arith.index_cast %mul3A_170 : i32 to index
      %get3A_229 = tpu.vector_load %arg7[%get3A_228] {strides = array<i32>} : memref<5120xi32, #tpu.memory_space<vmem>>, vector<16xi32>,
      %get3A_230 = arith.index_cast %mul3A_176 : i32 to index
      %get3A_231 = tpu.vector_load %arg7[%get3A_230] {strides = array<i32>} : memref<5120xi32, #tpu.memory_space<vmem>>, vector<16xi32>,
      %get3A_232 = arith.index_cast %mul3A_182 : i32 to index
      %get3A_233 = tpu.vector_load %arg7[%get3A_232] {strides = array<i32>} : memref<5120xi32, #tpu.memory_space<vmem>>, vector<16xi32>,
      %get3A_234 = arith.index_cast %mul3A_188 : i32 to index
      %get3A_235 = tpu.vector_load %arg7[%get3A_234] {strides = array<i32>} : memref<5120xi32, #tpu.memory_space<vmem>>, vector<16xi32>,
      %get3A_236 = arith.index_cast %mul3A_194 : i32 to index
      %get3A_237 = tpu.vector_load %arg7[%get3A_236] {strides = array<i32>} : memref<5120xi32, #tpu.memory_space<vmem>>, vector<16xi32>,
      %get3A_238 = arith.index_cast %mul3A_200 : i32 to index
      %get3A_239 = tpu.vector_load %arg7[%get3A_238] {strides = array<i32>} : memref<5120xi32, #tpu.memory_space<vmem>>, vector<16xi32>,
      %get3A_240 = arith.index_cast %mul3A_206 : i32 to index
      %get3A_241 = tpu.vector_load %arg7[%get3A_240] {strides = array<i32>} : memref<5120xi32, #tpu.memory_space<vmem>>, vector<16xi32>,
      %get3A_242 = arith.index_cast %mul3A_212 : i32 to index
      %get3A_243 = tpu.vector_load %arg7[%get3A_242] {strides = array<i32>} : memref<5120xi32, #tpu.memory_space<vmem>>, vector<16xi32>,
      %gather3A = tpu.vector_load_idx %arg5[%get3A_213] : memref<106496xf32, #tpu.memory_space<vmem>>[vector<16xi32>], vector<16xf32>,
      %gather3A_244 = tpu.vector_load_idx %arg5[%get3A_215] : memref<106496xf32, #tpu.memory_space<vmem>>[vector<16xi32>], vector<16xf32>,
      %gather3A_245 = tpu.vector_load_idx %arg5[%get3A_217] : memref<106496xf32, #tpu.memory_space<vmem>>[vector<16xi32>], vector<16xf32>,
      %gather3A_246 = tpu.vector_load_idx %arg5[%get3A_219] : memref<106496xf32, #tpu.memory_space<vmem>>[vector<16xi32>], vector<16xf32>,
      %gather3A_247 = tpu.vector_load_idx %arg5[%get3A_221] : memref<106496xf32, #tpu.memory_space<vmem>>[vector<16xi32>], vector<16xf32>,
      %gather3A_248 = tpu.vector_load_idx %arg5[%get3A_223] : memref<106496xf32, #tpu.memory_space<vmem>>[vector<16xi32>], vector<16xf32>,
      %gather3A_249 = tpu.vector_load_idx %arg5[%get3A_225] : memref<106496xf32, #tpu.memory_space<vmem>>[vector<16xi32>], vector<16xf32>,
      %gather3A_250 = tpu.vector_load_idx %arg5[%get3A_227] : memref<106496xf32, #tpu.memory_space<vmem>>[vector<16xi32>], vector<16xf32>,
      %gather3A_251 = tpu.vector_load_idx %arg5[%get3A_229] : memref<106496xf32, #tpu.memory_space<vmem>>[vector<16xi32>], vector<16xf32>,
      %gather3A_252 = tpu.vector_load_idx %arg5[%get3A_231] : memref<106496xf32, #tpu.memory_space<vmem>>[vector<16xi32>], vector<16xf32>,
      %gather3A_253 = tpu.vector_load_idx %arg5[%get3A_233] : memref<106496xf32, #tpu.memory_space<vmem>>[vector<16xi32>], vector<16xf32>,
      %gather3A_254 = tpu.vector_load_idx %arg5[%get3A_235] : memref<106496xf32, #tpu.memory_space<vmem>>[vector<16xi32>], vector<16xf32>,
      %gather3A_255 = tpu.vector_load_idx %arg5[%get3A_237] : memref<106496xf32, #tpu.memory_space<vmem>>[vector<16xi32>], vector<16xf32>,
      %gather3A_256 = tpu.vector_load_idx %arg5[%get3A_239] : memref<106496xf32, #tpu.memory_space<vmem>>[vector<16xi32>], vector<16xf32>,
      %gather3A_257 = tpu.vector_load_idx %arg5[%get3A_241] : memref<106496xf32, #tpu.memory_space<vmem>>[vector<16xi32>], vector<16xf32>,
      %gather3A_258 = tpu.vector_load_idx %arg5[%get3A_243] : memref<106496xf32, #tpu.memory_space<vmem>>[vector<16xi32>], vector<16xf32>,
      %swap3A = arith.index_cast %mul3A_122 : i32 to index
      %swap3A_259 = tpu.vector_load %arg9[%swap3A] {strides = array<i32>} : memref<5120xf32, #tpu.memory_space<vmem>>, vector<16xf32>,
      tpu.vector_store %arg9[%swap3A], %gather3A {strides = array<i32>} : memref<5120xf32, #tpu.memory_space<vmem>>, vector<16xf32>,
      %swap3A_260 = arith.index_cast %mul3A_128 : i32 to index
      %swap3A_261 = tpu.vector_load %arg9[%swap3A_260] {strides = array<i32>} : memref<5120xf32, #tpu.memory_space<vmem>>, vector<16xf32>,
      tpu.vector_store %arg9[%swap3A_260], %gather3A_244 {strides = array<i32>} : memref<5120xf32, #tpu.memory_space<vmem>>, vector<16xf32>,
      %swap3A_262 = arith.index_cast %mul3A_134 : i32 to index
      %swap3A_263 = tpu.vector_load %arg9[%swap3A_262] {strides = array<i32>} : memref<5120xf32, #tpu.memory_space<vmem>>, vector<16xf32>,
      tpu.vector_store %arg9[%swap3A_262], %gather3A_245 {strides = array<i32>} : memref<5120xf32, #tpu.memory_space<vmem>>, vector<16xf32>,
      %swap3A_264 = arith.index_cast %mul3A_140 : i32 to index
      %swap3A_265 = tpu.vector_load %arg9[%swap3A_264] {strides = array<i32>} : memref<5120xf32, #tpu.memory_space<vmem>>, vector<16xf32>,
      tpu.vector_store %arg9[%swap3A_264], %gather3A_246 {strides = array<i32>} : memref<5120xf32, #tpu.memory_space<vmem>>, vector<16xf32>,
      %swap3A_266 = arith.index_cast %mul3A_146 : i32 to index
      %swap3A_267 = tpu.vector_load %arg9[%swap3A_266] {strides = array<i32>} : memref<5120xf32, #tpu.memory_space<vmem>>, vector<16xf32>,
      tpu.vector_store %arg9[%swap3A_266], %gather3A_247 {strides = array<i32>} : memref<5120xf32, #tpu.memory_space<vmem>>, vector<16xf32>,
      %swap3A_268 = arith.index_cast %mul3A_152 : i32 to index
      %swap3A_269 = tpu.vector_load %arg9[%swap3A_268] {strides = array<i32>} : memref<5120xf32, #tpu.memory_space<vmem>>, vector<16xf32>,
      tpu.vector_store %arg9[%swap3A_268], %gather3A_248 {strides = array<i32>} : memref<5120xf32, #tpu.memory_space<vmem>>, vector<16xf32>,
      %swap3A_270 = arith.index_cast %mul3A_158 : i32 to index
      %swap3A_271 = tpu.vector_load %arg9[%swap3A_270] {strides = array<i32>} : memref<5120xf32, #tpu.memory_space<vmem>>, vector<16xf32>,
      tpu.vector_store %arg9[%swap3A_270], %gather3A_249 {strides = array<i32>} : memref<5120xf32, #tpu.memory_space<vmem>>, vector<16xf32>,
      %swap3A_272 = arith.index_cast %mul3A_164 : i32 to index
      %swap3A_273 = tpu.vector_load %arg9[%swap3A_272] {strides = array<i32>} : memref<5120xf32, #tpu.memory_space<vmem>>, vector<16xf32>,
      tpu.vector_store %arg9[%swap3A_272], %gather3A_250 {strides = array<i32>} : memref<5120xf32, #tpu.memory_space<vmem>>, vector<16xf32>,
      %swap3A_274 = arith.index_cast %mul3A_170 : i32 to index
      %swap3A_275 = tpu.vector_load %arg9[%swap3A_274] {strides = array<i32>} : memref<5120xf32, #tpu.memory_space<vmem>>, vector<16xf32>,
      tpu.vector_store %arg9[%swap3A_274], %gather3A_251 {strides = array<i32>} : memref<5120xf32, #tpu.memory_space<vmem>>, vector<16xf32>,
      %swap3A_276 = arith.index_cast %mul3A_176 : i32 to index
      %swap3A_277 = tpu.vector_load %arg9[%swap3A_276] {strides = array<i32>} : memref<5120xf32, #tpu.memory_space<vmem>>, vector<16xf32>,
      tpu.vector_store %arg9[%swap3A_276], %gather3A_252 {strides = array<i32>} : memref<5120xf32, #tpu.memory_space<vmem>>, vector<16xf32>,
      %swap3A_278 = arith.index_cast %mul3A_182 : i32 to index
      %swap3A_279 = tpu.vector_load %arg9[%swap3A_278] {strides = array<i32>} : memref<5120xf32, #tpu.memory_space<vmem>>, vector<16xf32>,
      tpu.vector_store %arg9[%swap3A_278], %gather3A_253 {strides = array<i32>} : memref<5120xf32, #tpu.memory_space<vmem>>, vector<16xf32>,
      %swap3A_280 = arith.index_cast %mul3A_188 : i32 to index
      %swap3A_281 = tpu.vector_load %arg9[%swap3A_280] {strides = array<i32>} : memref<5120xf32, #tpu.memory_space<vmem>>, vector<16xf32>,
      tpu.vector_store %arg9[%swap3A_280], %gather3A_254 {strides = array<i32>} : memref<5120xf32, #tpu.memory_space<vmem>>, vector<16xf32>,
      %swap3A_282 = arith.index_cast %mul3A_194 : i32 to index
      %swap3A_283 = tpu.vector_load %arg9[%swap3A_282] {strides = array<i32>} : memref<5120xf32, #tpu.memory_space<vmem>>, vector<16xf32>,
      tpu.vector_store %arg9[%swap3A_282], %gather3A_255 {strides = array<i32>} : memref<5120xf32, #tpu.memory_space<vmem>>, vector<16xf32>,
      %swap3A_284 = arith.index_cast %mul3A_200 : i32 to index
      %swap3A_285 = tpu.vector_load %arg9[%swap3A_284] {strides = array<i32>} : memref<5120xf32, #tpu.memory_space<vmem>>, vector<16xf32>,
      tpu.vector_store %arg9[%swap3A_284], %gather3A_256 {strides = array<i32>} : memref<5120xf32, #tpu.memory_space<vmem>>, vector<16xf32>,
      %swap3A_286 = arith.index_cast %mul3A_206 : i32 to index
      %swap3A_287 = tpu.vector_load %arg9[%swap3A_286] {strides = array<i32>} : memref<5120xf32, #tpu.memory_space<vmem>>, vector<16xf32>,
      tpu.vector_store %arg9[%swap3A_286], %gather3A_257 {strides = array<i32>} : memref<5120xf32, #tpu.memory_space<vmem>>, vector<16xf32>,
      %swap3A_288 = arith.index_cast %mul3A_212 : i32 to index
      %swap3A_289 = tpu.vector_load %arg9[%swap3A_288] {strides = array<i32>} : memref<5120xf32, #tpu.memory_space<vmem>>, vector<16xf32>,
      tpu.vector_store %arg9[%swap3A_288], %gather3A_258 {strides = array<i32>} : memref<5120xf32, #tpu.memory_space<vmem>>, vector<16xf32>,
      %scan3A_290 = arith.constant 0 : i32
      scf.yield %scan3A_290 : i32
    }
    %scan3A_37 = arith.constant 20 : i32
    %add3A_38 = arith.constant 5120 : i32
    %add3A_39 = arith.addi %mul3A_2, %add3A_38 : i32
    %dma_start3A_40 = tpu.memref_slice %arg4[%add3A_39] : memref<819200xf32, #tpu.memory_space<hbm>> -> memref<5120xf32, #tpu.memory_space<hbm>>
    %dma_start3A_41 = tpu.memref_slice %arg4[%add3A_39] : memref<819200xf32, #tpu.memory_space<hbm>> -> memref<5120xf32, #tpu.memory_space<hbm>>
    tpu.enqueue_dma source(%arg9 : memref<5120xf32, #tpu.memory_space<vmem>>) target(%dma_start3A_41 : memref<5120xf32, #tpu.memory_space<hbm>>) target_semaphore(%arg13 : memref<!tpu.dma_semaphore, #tpu.memory_space<semaphore_mem>>)
    %add3A_42 = arith.constant 10240 : i32
    %add3A_43 = arith.addi %mul3A_2, %add3A_42 : i32
    %dma_wait3A_44 = tpu.memref_slice %arg2[%add3A_43] : memref<819200xi32, #tpu.memory_space<hbm>> -> memref<5120xi32, #tpu.memory_space<hbm>>
    %dma_wait3A_45 = tpu.memref_slice %arg2[%add3A_43] : memref<819200xi32, #tpu.memory_space<hbm>> -> memref<5120xi32, #tpu.memory_space<hbm>>
    tpu.wait_dma2 semaphore(%arg10 : memref<!tpu.dma_semaphore, #tpu.memory_space<semaphore_mem>>) src(%dma_wait3A_45 : memref<5120xi32, #tpu.memory_space<hbm>>) dst(%arg6 : memref<5120xi32, #tpu.memory_space<vmem>>)
    %add3A_46 = arith.constant 15360 : i32
    %add3A_47 = arith.addi %mul3A_2, %add3A_46 : i32
    %dma_start3A_48 = tpu.memref_slice %arg2[%add3A_47] : memref<819200xi32, #tpu.memory_space<hbm>> -> memref<5120xi32, #tpu.memory_space<hbm>>
    %dma_start3A_49 = tpu.memref_slice %arg2[%add3A_47] : memref<819200xi32, #tpu.memory_space<hbm>> -> memref<5120xi32, #tpu.memory_space<hbm>>
    tpu.enqueue_dma source(%dma_start3A_49 : memref<5120xi32, #tpu.memory_space<hbm>>) target(%arg7 : memref<5120xi32, #tpu.memory_space<vmem>>) target_semaphore(%arg11 : memref<!tpu.dma_semaphore, #tpu.memory_space<semaphore_mem>>)
    %add3A_50 = arith.constant 0 : i32
    %add3A_51 = arith.addi %mul3A_2, %add3A_50 : i32
    %dma_wait3A_52 = tpu.memref_slice %arg4[%add3A_51] : memref<819200xf32, #tpu.memory_space<hbm>> -> memref<5120xf32, #tpu.memory_space<hbm>>
    %dma_wait3A_53 = tpu.memref_slice %arg4[%add3A_51] : memref<819200xf32, #tpu.memory_space<hbm>> -> memref<5120xf32, #tpu.memory_space<hbm>>
    tpu.wait_dma2 semaphore(%arg12 : memref<!tpu.dma_semaphore, #tpu.memory_space<semaphore_mem>>) src(%arg8 : memref<5120xf32, #tpu.memory_space<vmem>>) dst(%dma_wait3A_53 : memref<5120xf32, #tpu.memory_space<hbm>>)
    %scan3A_54 = arith.constant 0 : i32
    %scan3A_55 = arith.constant 0 : i32
    %scan3A_56 = arith.constant 20 : i32
    %scan3A_57 = arith.addi %scan3A_55, %scan3A_56 : i32
    %scan3A_58 = arith.constant 1 : i32
    %scan3A_59 = scf.for %scan3A_115 = %scan3A_55 to %scan3A_57 step %scan3A_58 iter_args(%scan3A_116 = %scan3A_54) -> (i32)  : i32 {
      %mul3A_117 = arith.constant 16 : i32
      %mul3A_118 = arith.muli %scan3A_115, %mul3A_117 : i32
      %add3A_119 = arith.constant 0 : i32
      %add3A_120 = arith.addi %mul3A_118, %add3A_119 : i32
      %mul3A_121 = arith.constant 16 : i32
      %mul3A_122 = arith.muli %add3A_120, %mul3A_121 : i32
      %mul3A_123 = arith.constant 16 : i32
      %mul3A_124 = arith.muli %scan3A_115, %mul3A_123 : i32
      %add3A_125 = arith.constant 1 : i32
      %add3A_126 = arith.addi %mul3A_124, %add3A_125 : i32
      %mul3A_127 = arith.constant 16 : i32
      %mul3A_128 = arith.muli %add3A_126, %mul3A_127 : i32
      %mul3A_129 = arith.constant 16 : i32
      %mul3A_130 = arith.muli %scan3A_115, %mul3A_129 : i32
      %add3A_131 = arith.constant 2 : i32
      %add3A_132 = arith.addi %mul3A_130, %add3A_131 : i32
      %mul3A_133 = arith.constant 16 : i32
      %mul3A_134 = arith.muli %add3A_132, %mul3A_133 : i32
      %mul3A_135 = arith.constant 16 : i32
      %mul3A_136 = arith.muli %scan3A_115, %mul3A_135 : i32
      %add3A_137 = arith.constant 3 : i32
      %add3A_138 = arith.addi %mul3A_136, %add3A_137 : i32
      %mul3A_139 = arith.constant 16 : i32
      %mul3A_140 = arith.muli %add3A_138, %mul3A_139 : i32
      %mul3A_141 = arith.constant 16 : i32
      %mul3A_142 = arith.muli %scan3A_115, %mul3A_141 : i32
      %add3A_143 = arith.constant 4 : i32
      %add3A_144 = arith.addi %mul3A_142, %add3A_143 : i32
      %mul3A_145 = arith.constant 16 : i32
      %mul3A_146 = arith.muli %add3A_144, %mul3A_145 : i32
      %mul3A_147 = arith.constant 16 : i32
      %mul3A_148 = arith.muli %scan3A_115, %mul3A_147 : i32
      %add3A_149 = arith.constant 5 : i32
      %add3A_150 = arith.addi %mul3A_148, %add3A_149 : i32
      %mul3A_151 = arith.constant 16 : i32
      %mul3A_152 = arith.muli %add3A_150, %mul3A_151 : i32
      %mul3A_153 = arith.constant 16 : i32
      %mul3A_154 = arith.muli %scan3A_115, %mul3A_153 : i32
      %add3A_155 = arith.constant 6 : i32
      %add3A_156 = arith.addi %mul3A_154, %add3A_155 : i32
      %mul3A_157 = arith.constant 16 : i32
      %mul3A_158 = arith.muli %add3A_156, %mul3A_157 : i32
      %mul3A_159 = arith.constant 16 : i32
      %mul3A_160 = arith.muli %scan3A_115, %mul3A_159 : i32
      %add3A_161 = arith.constant 7 : i32
      %add3A_162 = arith.addi %mul3A_160, %add3A_161 : i32
      %mul3A_163 = arith.constant 16 : i32
      %mul3A_164 = arith.muli %add3A_162, %mul3A_163 : i32
      %mul3A_165 = arith.constant 16 : i32
      %mul3A_166 = arith.muli %scan3A_115, %mul3A_165 : i32
      %add3A_167 = arith.constant 8 : i32
      %add3A_168 = arith.addi %mul3A_166, %add3A_167 : i32
      %mul3A_169 = arith.constant 16 : i32
      %mul3A_170 = arith.muli %add3A_168, %mul3A_169 : i32
      %mul3A_171 = arith.constant 16 : i32
      %mul3A_172 = arith.muli %scan3A_115, %mul3A_171 : i32
      %add3A_173 = arith.constant 9 : i32
      %add3A_174 = arith.addi %mul3A_172, %add3A_173 : i32
      %mul3A_175 = arith.constant 16 : i32
      %mul3A_176 = arith.muli %add3A_174, %mul3A_175 : i32
      %mul3A_177 = arith.constant 16 : i32
      %mul3A_178 = arith.muli %scan3A_115, %mul3A_177 : i32
      %add3A_179 = arith.constant 10 : i32
      %add3A_180 = arith.addi %mul3A_178, %add3A_179 : i32
      %mul3A_181 = arith.constant 16 : i32
      %mul3A_182 = arith.muli %add3A_180, %mul3A_181 : i32
      %mul3A_183 = arith.constant 16 : i32
      %mul3A_184 = arith.muli %scan3A_115, %mul3A_183 : i32
      %add3A_185 = arith.constant 11 : i32
      %add3A_186 = arith.addi %mul3A_184, %add3A_185 : i32
      %mul3A_187 = arith.constant 16 : i32
      %mul3A_188 = arith.muli %add3A_186, %mul3A_187 : i32
      %mul3A_189 = arith.constant 16 : i32
      %mul3A_190 = arith.muli %scan3A_115, %mul3A_189 : i32
      %add3A_191 = arith.constant 12 : i32
      %add3A_192 = arith.addi %mul3A_190, %add3A_191 : i32
      %mul3A_193 = arith.constant 16 : i32
      %mul3A_194 = arith.muli %add3A_192, %mul3A_193 : i32
      %mul3A_195 = arith.constant 16 : i32
      %mul3A_196 = arith.muli %scan3A_115, %mul3A_195 : i32
      %add3A_197 = arith.constant 13 : i32
      %add3A_198 = arith.addi %mul3A_196, %add3A_197 : i32
      %mul3A_199 = arith.constant 16 : i32
      %mul3A_200 = arith.muli %add3A_198, %mul3A_199 : i32
      %mul3A_201 = arith.constant 16 : i32
      %mul3A_202 = arith.muli %scan3A_115, %mul3A_201 : i32
      %add3A_203 = arith.constant 14 : i32
      %add3A_204 = arith.addi %mul3A_202, %add3A_203 : i32
      %mul3A_205 = arith.constant 16 : i32
      %mul3A_206 = arith.muli %add3A_204, %mul3A_205 : i32
      %mul3A_207 = arith.constant 16 : i32
      %mul3A_208 = arith.muli %scan3A_115, %mul3A_207 : i32
      %add3A_209 = arith.constant 15 : i32
      %add3A_210 = arith.addi %mul3A_208, %add3A_209 : i32
      %mul3A_211 = arith.constant 16 : i32
      %mul3A_212 = arith.muli %add3A_210, %mul3A_211 : i32
      %get3A = arith.index_cast %mul3A_122 : i32 to index
      %get3A_213 = tpu.vector_load %arg6[%get3A] {strides = array<i32>} : memref<5120xi32, #tpu.memory_space<vmem>>, vector<16xi32>,
      %get3A_214 = arith.index_cast %mul3A_128 : i32 to index
      %get3A_215 = tpu.vector_load %arg6[%get3A_214] {strides = array<i32>} : memref<5120xi32, #tpu.memory_space<vmem>>, vector<16xi32>,
      %get3A_216 = arith.index_cast %mul3A_134 : i32 to index
      %get3A_217 = tpu.vector_load %arg6[%get3A_216] {strides = array<i32>} : memref<5120xi32, #tpu.memory_space<vmem>>, vector<16xi32>,
      %get3A_218 = arith.index_cast %mul3A_140 : i32 to index
      %get3A_219 = tpu.vector_load %arg6[%get3A_218] {strides = array<i32>} : memref<5120xi32, #tpu.memory_space<vmem>>, vector<16xi32>,
      %get3A_220 = arith.index_cast %mul3A_146 : i32 to index
      %get3A_221 = tpu.vector_load %arg6[%get3A_220] {strides = array<i32>} : memref<5120xi32, #tpu.memory_space<vmem>>, vector<16xi32>,
      %get3A_222 = arith.index_cast %mul3A_152 : i32 to index
      %get3A_223 = tpu.vector_load %arg6[%get3A_222] {strides = array<i32>} : memref<5120xi32, #tpu.memory_space<vmem>>, vector<16xi32>,
      %get3A_224 = arith.index_cast %mul3A_158 : i32 to index
      %get3A_225 = tpu.vector_load %arg6[%get3A_224] {strides = array<i32>} : memref<5120xi32, #tpu.memory_space<vmem>>, vector<16xi32>,
      %get3A_226 = arith.index_cast %mul3A_164 : i32 to index
      %get3A_227 = tpu.vector_load %arg6[%get3A_226] {strides = array<i32>} : memref<5120xi32, #tpu.memory_space<vmem>>, vector<16xi32>,
      %get3A_228 = arith.index_cast %mul3A_170 : i32 to index
      %get3A_229 = tpu.vector_load %arg6[%get3A_228] {strides = array<i32>} : memref<5120xi32, #tpu.memory_space<vmem>>, vector<16xi32>,
      %get3A_230 = arith.index_cast %mul3A_176 : i32 to index
      %get3A_231 = tpu.vector_load %arg6[%get3A_230] {strides = array<i32>} : memref<5120xi32, #tpu.memory_space<vmem>>, vector<16xi32>,
      %get3A_232 = arith.index_cast %mul3A_182 : i32 to index
      %get3A_233 = tpu.vector_load %arg6[%get3A_232] {strides = array<i32>} : memref<5120xi32, #tpu.memory_space<vmem>>, vector<16xi32>,
      %get3A_234 = arith.index_cast %mul3A_188 : i32 to index
      %get3A_235 = tpu.vector_load %arg6[%get3A_234] {strides = array<i32>} : memref<5120xi32, #tpu.memory_space<vmem>>, vector<16xi32>,
      %get3A_236 = arith.index_cast %mul3A_194 : i32 to index
      %get3A_237 = tpu.vector_load %arg6[%get3A_236] {strides = array<i32>} : memref<5120xi32, #tpu.memory_space<vmem>>, vector<16xi32>,
      %get3A_238 = arith.index_cast %mul3A_200 : i32 to index
      %get3A_239 = tpu.vector_load %arg6[%get3A_238] {strides = array<i32>} : memref<5120xi32, #tpu.memory_space<vmem>>, vector<16xi32>,
      %get3A_240 = arith.index_cast %mul3A_206 : i32 to index
      %get3A_241 = tpu.vector_load %arg6[%get3A_240] {strides = array<i32>} : memref<5120xi32, #tpu.memory_space<vmem>>, vector<16xi32>,
      %get3A_242 = arith.index_cast %mul3A_212 : i32 to index
      %get3A_243 = tpu.vector_load %arg6[%get3A_242] {strides = array<i32>} : memref<5120xi32, #tpu.memory_space<vmem>>, vector<16xi32>,
      %gather3A = tpu.vector_load_idx %arg5[%get3A_213] : memref<106496xf32, #tpu.memory_space<vmem>>[vector<16xi32>], vector<16xf32>,
      %gather3A_244 = tpu.vector_load_idx %arg5[%get3A_215] : memref<106496xf32, #tpu.memory_space<vmem>>[vector<16xi32>], vector<16xf32>,
      %gather3A_245 = tpu.vector_load_idx %arg5[%get3A_217] : memref<106496xf32, #tpu.memory_space<vmem>>[vector<16xi32>], vector<16xf32>,
      %gather3A_246 = tpu.vector_load_idx %arg5[%get3A_219] : memref<106496xf32, #tpu.memory_space<vmem>>[vector<16xi32>], vector<16xf32>,
      %gather3A_247 = tpu.vector_load_idx %arg5[%get3A_221] : memref<106496xf32, #tpu.memory_space<vmem>>[vector<16xi32>], vector<16xf32>,
      %gather3A_248 = tpu.vector_load_idx %arg5[%get3A_223] : memref<106496xf32, #tpu.memory_space<vmem>>[vector<16xi32>], vector<16xf32>,
      %gather3A_249 = tpu.vector_load_idx %arg5[%get3A_225] : memref<106496xf32, #tpu.memory_space<vmem>>[vector<16xi32>], vector<16xf32>,
      %gather3A_250 = tpu.vector_load_idx %arg5[%get3A_227] : memref<106496xf32, #tpu.memory_space<vmem>>[vector<16xi32>], vector<16xf32>,
      %gather3A_251 = tpu.vector_load_idx %arg5[%get3A_229] : memref<106496xf32, #tpu.memory_space<vmem>>[vector<16xi32>], vector<16xf32>,
      %gather3A_252 = tpu.vector_load_idx %arg5[%get3A_231] : memref<106496xf32, #tpu.memory_space<vmem>>[vector<16xi32>], vector<16xf32>,
      %gather3A_253 = tpu.vector_load_idx %arg5[%get3A_233] : memref<106496xf32, #tpu.memory_space<vmem>>[vector<16xi32>], vector<16xf32>,
      %gather3A_254 = tpu.vector_load_idx %arg5[%get3A_235] : memref<106496xf32, #tpu.memory_space<vmem>>[vector<16xi32>], vector<16xf32>,
      %gather3A_255 = tpu.vector_load_idx %arg5[%get3A_237] : memref<106496xf32, #tpu.memory_space<vmem>>[vector<16xi32>], vector<16xf32>,
      %gather3A_256 = tpu.vector_load_idx %arg5[%get3A_239] : memref<106496xf32, #tpu.memory_space<vmem>>[vector<16xi32>], vector<16xf32>,
      %gather3A_257 = tpu.vector_load_idx %arg5[%get3A_241] : memref<106496xf32, #tpu.memory_space<vmem>>[vector<16xi32>], vector<16xf32>,
      %gather3A_258 = tpu.vector_load_idx %arg5[%get3A_243] : memref<106496xf32, #tpu.memory_space<vmem>>[vector<16xi32>], vector<16xf32>,
      %swap3A = arith.index_cast %mul3A_122 : i32 to index
      %swap3A_259 = tpu.vector_load %arg8[%swap3A] {strides = array<i32>} : memref<5120xf32, #tpu.memory_space<vmem>>, vector<16xf32>,
      tpu.vector_store %arg8[%swap3A], %gather3A {strides = array<i32>} : memref<5120xf32, #tpu.memory_space<vmem>>, vector<16xf32>,
      %swap3A_260 = arith.index_cast %mul3A_128 : i32 to index
      %swap3A_261 = tpu.vector_load %arg8[%swap3A_260] {strides = array<i32>} : memref<5120xf32, #tpu.memory_space<vmem>>, vector<16xf32>,
      tpu.vector_store %arg8[%swap3A_260], %gather3A_244 {strides = array<i32>} : memref<5120xf32, #tpu.memory_space<vmem>>, vector<16xf32>,
      %swap3A_262 = arith.index_cast %mul3A_134 : i32 to index
      %swap3A_263 = tpu.vector_load %arg8[%swap3A_262] {strides = array<i32>} : memref<5120xf32, #tpu.memory_space<vmem>>, vector<16xf32>,
      tpu.vector_store %arg8[%swap3A_262], %gather3A_245 {strides = array<i32>} : memref<5120xf32, #tpu.memory_space<vmem>>, vector<16xf32>,
      %swap3A_264 = arith.index_cast %mul3A_140 : i32 to index
      %swap3A_265 = tpu.vector_load %arg8[%swap3A_264] {strides = array<i32>} : memref<5120xf32, #tpu.memory_space<vmem>>, vector<16xf32>,
      tpu.vector_store %arg8[%swap3A_264], %gather3A_246 {strides = array<i32>} : memref<5120xf32, #tpu.memory_space<vmem>>, vector<16xf32>,
      %swap3A_266 = arith.index_cast %mul3A_146 : i32 to index
      %swap3A_267 = tpu.vector_load %arg8[%swap3A_266] {strides = array<i32>} : memref<5120xf32, #tpu.memory_space<vmem>>, vector<16xf32>,
      tpu.vector_store %arg8[%swap3A_266], %gather3A_247 {strides = array<i32>} : memref<5120xf32, #tpu.memory_space<vmem>>, vector<16xf32>,
      %swap3A_268 = arith.index_cast %mul3A_152 : i32 to index
      %swap3A_269 = tpu.vector_load %arg8[%swap3A_268] {strides = array<i32>} : memref<5120xf32, #tpu.memory_space<vmem>>, vector<16xf32>,
      tpu.vector_store %arg8[%swap3A_268], %gather3A_248 {strides = array<i32>} : memref<5120xf32, #tpu.memory_space<vmem>>, vector<16xf32>,
      %swap3A_270 = arith.index_cast %mul3A_158 : i32 to index
      %swap3A_271 = tpu.vector_load %arg8[%swap3A_270] {strides = array<i32>} : memref<5120xf32, #tpu.memory_space<vmem>>, vector<16xf32>,
      tpu.vector_store %arg8[%swap3A_270], %gather3A_249 {strides = array<i32>} : memref<5120xf32, #tpu.memory_space<vmem>>, vector<16xf32>,
      %swap3A_272 = arith.index_cast %mul3A_164 : i32 to index
      %swap3A_273 = tpu.vector_load %arg8[%swap3A_272] {strides = array<i32>} : memref<5120xf32, #tpu.memory_space<vmem>>, vector<16xf32>,
      tpu.vector_store %arg8[%swap3A_272], %gather3A_250 {strides = array<i32>} : memref<5120xf32, #tpu.memory_space<vmem>>, vector<16xf32>,
      %swap3A_274 = arith.index_cast %mul3A_170 : i32 to index
      %swap3A_275 = tpu.vector_load %arg8[%swap3A_274] {strides = array<i32>} : memref<5120xf32, #tpu.memory_space<vmem>>, vector<16xf32>,
      tpu.vector_store %arg8[%swap3A_274], %gather3A_251 {strides = array<i32>} : memref<5120xf32, #tpu.memory_space<vmem>>, vector<16xf32>,
      %swap3A_276 = arith.index_cast %mul3A_176 : i32 to index
      %swap3A_277 = tpu.vector_load %arg8[%swap3A_276] {strides = array<i32>} : memref<5120xf32, #tpu.memory_space<vmem>>, vector<16xf32>,
      tpu.vector_store %arg8[%swap3A_276], %gather3A_252 {strides = array<i32>} : memref<5120xf32, #tpu.memory_space<vmem>>, vector<16xf32>,
      %swap3A_278 = arith.index_cast %mul3A_182 : i32 to index
      %swap3A_279 = tpu.vector_load %arg8[%swap3A_278] {strides = array<i32>} : memref<5120xf32, #tpu.memory_space<vmem>>, vector<16xf32>,
      tpu.vector_store %arg8[%swap3A_278], %gather3A_253 {strides = array<i32>} : memref<5120xf32, #tpu.memory_space<vmem>>, vector<16xf32>,
      %swap3A_280 = arith.index_cast %mul3A_188 : i32 to index
      %swap3A_281 = tpu.vector_load %arg8[%swap3A_280] {strides = array<i32>} : memref<5120xf32, #tpu.memory_space<vmem>>, vector<16xf32>,
      tpu.vector_store %arg8[%swap3A_280], %gather3A_254 {strides = array<i32>} : memref<5120xf32, #tpu.memory_space<vmem>>, vector<16xf32>,
      %swap3A_282 = arith.index_cast %mul3A_194 : i32 to index
      %swap3A_283 = tpu.vector_load %arg8[%swap3A_282] {strides = array<i32>} : memref<5120xf32, #tpu.memory_space<vmem>>, vector<16xf32>,
      tpu.vector_store %arg8[%swap3A_282], %gather3A_255 {strides = array<i32>} : memref<5120xf32, #tpu.memory_space<vmem>>, vector<16xf32>,
      %swap3A_284 = arith.index_cast %mul3A_200 : i32 to index
      %swap3A_285 = tpu.vector_load %arg8[%swap3A_284] {strides = array<i32>} : memref<5120xf32, #tpu.memory_space<vmem>>, vector<16xf32>,
      tpu.vector_store %arg8[%swap3A_284], %gather3A_256 {strides = array<i32>} : memref<5120xf32, #tpu.memory_space<vmem>>, vector<16xf32>,
      %swap3A_286 = arith.index_cast %mul3A_206 : i32 to index
      %swap3A_287 = tpu.vector_load %arg8[%swap3A_286] {strides = array<i32>} : memref<5120xf32, #tpu.memory_space<vmem>>, vector<16xf32>,
      tpu.vector_store %arg8[%swap3A_286], %gather3A_257 {strides = array<i32>} : memref<5120xf32, #tpu.memory_space<vmem>>, vector<16xf32>,
      %swap3A_288 = arith.index_cast %mul3A_212 : i32 to index
      %swap3A_289 = tpu.vector_load %arg8[%swap3A_288] {strides = array<i32>} : memref<5120xf32, #tpu.memory_space<vmem>>, vector<16xf32>,
      tpu.vector_store %arg8[%swap3A_288], %gather3A_258 {strides = array<i32>} : memref<5120xf32, #tpu.memory_space<vmem>>, vector<16xf32>,
      %scan3A_290 = arith.constant 0 : i32
      scf.yield %scan3A_290 : i32
    }
    %scan3A_60 = arith.constant 20 : i32
    %add3A_61 = arith.constant 10240 : i32
    %add3A_62 = arith.addi %mul3A_2, %add3A_61 : i32
    %dma_start3A_63 = tpu.memref_slice %arg4[%add3A_62] : memref<819200xf32, #tpu.memory_space<hbm>> -> memref<5120xf32, #tpu.memory_space<hbm>>
    %dma_start3A_64 = tpu.memref_slice %arg4[%add3A_62] : memref<819200xf32, #tpu.memory_space<hbm>> -> memref<5120xf32, #tpu.memory_space<hbm>>
    tpu.enqueue_dma source(%arg8 : memref<5120xf32, #tpu.memory_space<vmem>>) target(%dma_start3A_64 : memref<5120xf32, #tpu.memory_space<hbm>>) target_semaphore(%arg12 : memref<!tpu.dma_semaphore, #tpu.memory_space<semaphore_mem>>)
    %add3A_65 = arith.constant 15360 : i32
    %add3A_66 = arith.addi %mul3A_2, %add3A_65 : i32
    %dma_wait3A_67 = tpu.memref_slice %arg2[%add3A_66] : memref<819200xi32, #tpu.memory_space<hbm>> -> memref<5120xi32, #tpu.memory_space<hbm>>
    %dma_wait3A_68 = tpu.memref_slice %arg2[%add3A_66] : memref<819200xi32, #tpu.memory_space<hbm>> -> memref<5120xi32, #tpu.memory_space<hbm>>
    tpu.wait_dma2 semaphore(%arg11 : memref<!tpu.dma_semaphore, #tpu.memory_space<semaphore_mem>>) src(%dma_wait3A_68 : memref<5120xi32, #tpu.memory_space<hbm>>) dst(%arg7 : memref<5120xi32, #tpu.memory_space<vmem>>)
    %add3A_69 = arith.constant 20480 : i32
    %add3A_70 = arith.addi %mul3A_2, %add3A_69 : i32
    %dma_start3A_71 = tpu.memref_slice %arg2[%add3A_70] : memref<819200xi32, #tpu.memory_space<hbm>> -> memref<5120xi32, #tpu.memory_space<hbm>>
    %dma_start3A_72 = tpu.memref_slice %arg2[%add3A_70] : memref<819200xi32, #tpu.memory_space<hbm>> -> memref<5120xi32, #tpu.memory_space<hbm>>
    tpu.enqueue_dma source(%dma_start3A_72 : memref<5120xi32, #tpu.memory_space<hbm>>) target(%arg6 : memref<5120xi32, #tpu.memory_space<vmem>>) target_semaphore(%arg10 : memref<!tpu.dma_semaphore, #tpu.memory_space<semaphore_mem>>)
    %add3A_73 = arith.constant 5120 : i32
    %add3A_74 = arith.addi %mul3A_2, %add3A_73 : i32
    %dma_wait3A_75 = tpu.memref_slice %arg4[%add3A_74] : memref<819200xf32, #tpu.memory_space<hbm>> -> memref<5120xf32, #tpu.memory_space<hbm>>
    %dma_wait3A_76 = tpu.memref_slice %arg4[%add3A_74] : memref<819200xf32, #tpu.memory_space<hbm>> -> memref<5120xf32, #tpu.memory_space<hbm>>
    tpu.wait_dma2 semaphore(%arg13 : memref<!tpu.dma_semaphore, #tpu.memory_space<semaphore_mem>>) src(%arg9 : memref<5120xf32, #tpu.memory_space<vmem>>) dst(%dma_wait3A_76 : memref<5120xf32, #tpu.memory_space<hbm>>)
    %scan3A_77 = arith.constant 0 : i32
    %scan3A_78 = arith.constant 0 : i32
    %scan3A_79 = arith.constant 20 : i32
    %scan3A_80 = arith.addi %scan3A_78, %scan3A_79 : i32
    %scan3A_81 = arith.constant 1 : i32
    %scan3A_82 = scf.for %scan3A_115 = %scan3A_78 to %scan3A_80 step %scan3A_81 iter_args(%scan3A_116 = %scan3A_77) -> (i32)  : i32 {
      %mul3A_117 = arith.constant 16 : i32
      %mul3A_118 = arith.muli %scan3A_115, %mul3A_117 : i32
      %add3A_119 = arith.constant 0 : i32
      %add3A_120 = arith.addi %mul3A_118, %add3A_119 : i32
      %mul3A_121 = arith.constant 16 : i32
      %mul3A_122 = arith.muli %add3A_120, %mul3A_121 : i32
      %mul3A_123 = arith.constant 16 : i32
      %mul3A_124 = arith.muli %scan3A_115, %mul3A_123 : i32
      %add3A_125 = arith.constant 1 : i32
      %add3A_126 = arith.addi %mul3A_124, %add3A_125 : i32
      %mul3A_127 = arith.constant 16 : i32
      %mul3A_128 = arith.muli %add3A_126, %mul3A_127 : i32
      %mul3A_129 = arith.constant 16 : i32
      %mul3A_130 = arith.muli %scan3A_115, %mul3A_129 : i32
      %add3A_131 = arith.constant 2 : i32
      %add3A_132 = arith.addi %mul3A_130, %add3A_131 : i32
      %mul3A_133 = arith.constant 16 : i32
      %mul3A_134 = arith.muli %add3A_132, %mul3A_133 : i32
      %mul3A_135 = arith.constant 16 : i32
      %mul3A_136 = arith.muli %scan3A_115, %mul3A_135 : i32
      %add3A_137 = arith.constant 3 : i32
      %add3A_138 = arith.addi %mul3A_136, %add3A_137 : i32
      %mul3A_139 = arith.constant 16 : i32
      %mul3A_140 = arith.muli %add3A_138, %mul3A_139 : i32
      %mul3A_141 = arith.constant 16 : i32
      %mul3A_142 = arith.muli %scan3A_115, %mul3A_141 : i32
      %add3A_143 = arith.constant 4 : i32
      %add3A_144 = arith.addi %mul3A_142, %add3A_143 : i32
      %mul3A_145 = arith.constant 16 : i32
      %mul3A_146 = arith.muli %add3A_144, %mul3A_145 : i32
      %mul3A_147 = arith.constant 16 : i32
      %mul3A_148 = arith.muli %scan3A_115, %mul3A_147 : i32
      %add3A_149 = arith.constant 5 : i32
      %add3A_150 = arith.addi %mul3A_148, %add3A_149 : i32
      %mul3A_151 = arith.constant 16 : i32
      %mul3A_152 = arith.muli %add3A_150, %mul3A_151 : i32
      %mul3A_153 = arith.constant 16 : i32
      %mul3A_154 = arith.muli %scan3A_115, %mul3A_153 : i32
      %add3A_155 = arith.constant 6 : i32
      %add3A_156 = arith.addi %mul3A_154, %add3A_155 : i32
      %mul3A_157 = arith.constant 16 : i32
      %mul3A_158 = arith.muli %add3A_156, %mul3A_157 : i32
      %mul3A_159 = arith.constant 16 : i32
      %mul3A_160 = arith.muli %scan3A_115, %mul3A_159 : i32
      %add3A_161 = arith.constant 7 : i32
      %add3A_162 = arith.addi %mul3A_160, %add3A_161 : i32
      %mul3A_163 = arith.constant 16 : i32
      %mul3A_164 = arith.muli %add3A_162, %mul3A_163 : i32
      %mul3A_165 = arith.constant 16 : i32
      %mul3A_166 = arith.muli %scan3A_115, %mul3A_165 : i32
      %add3A_167 = arith.constant 8 : i32
      %add3A_168 = arith.addi %mul3A_166, %add3A_167 : i32
      %mul3A_169 = arith.constant 16 : i32
      %mul3A_170 = arith.muli %add3A_168, %mul3A_169 : i32
      %mul3A_171 = arith.constant 16 : i32
      %mul3A_172 = arith.muli %scan3A_115, %mul3A_171 : i32
      %add3A_173 = arith.constant 9 : i32
      %add3A_174 = arith.addi %mul3A_172, %add3A_173 : i32
      %mul3A_175 = arith.constant 16 : i32
      %mul3A_176 = arith.muli %add3A_174, %mul3A_175 : i32
      %mul3A_177 = arith.constant 16 : i32
      %mul3A_178 = arith.muli %scan3A_115, %mul3A_177 : i32
      %add3A_179 = arith.constant 10 : i32
      %add3A_180 = arith.addi %mul3A_178, %add3A_179 : i32
      %mul3A_181 = arith.constant 16 : i32
      %mul3A_182 = arith.muli %add3A_180, %mul3A_181 : i32
      %mul3A_183 = arith.constant 16 : i32
      %mul3A_184 = arith.muli %scan3A_115, %mul3A_183 : i32
      %add3A_185 = arith.constant 11 : i32
      %add3A_186 = arith.addi %mul3A_184, %add3A_185 : i32
      %mul3A_187 = arith.constant 16 : i32
      %mul3A_188 = arith.muli %add3A_186, %mul3A_187 : i32
      %mul3A_189 = arith.constant 16 : i32
      %mul3A_190 = arith.muli %scan3A_115, %mul3A_189 : i32
      %add3A_191 = arith.constant 12 : i32
      %add3A_192 = arith.addi %mul3A_190, %add3A_191 : i32
      %mul3A_193 = arith.constant 16 : i32
      %mul3A_194 = arith.muli %add3A_192, %mul3A_193 : i32
      %mul3A_195 = arith.constant 16 : i32
      %mul3A_196 = arith.muli %scan3A_115, %mul3A_195 : i32
      %add3A_197 = arith.constant 13 : i32
      %add3A_198 = arith.addi %mul3A_196, %add3A_197 : i32
      %mul3A_199 = arith.constant 16 : i32
      %mul3A_200 = arith.muli %add3A_198, %mul3A_199 : i32
      %mul3A_201 = arith.constant 16 : i32
      %mul3A_202 = arith.muli %scan3A_115, %mul3A_201 : i32
      %add3A_203 = arith.constant 14 : i32
      %add3A_204 = arith.addi %mul3A_202, %add3A_203 : i32
      %mul3A_205 = arith.constant 16 : i32
      %mul3A_206 = arith.muli %add3A_204, %mul3A_205 : i32
      %mul3A_207 = arith.constant 16 : i32
      %mul3A_208 = arith.muli %scan3A_115, %mul3A_207 : i32
      %add3A_209 = arith.constant 15 : i32
      %add3A_210 = arith.addi %mul3A_208, %add3A_209 : i32
      %mul3A_211 = arith.constant 16 : i32
      %mul3A_212 = arith.muli %add3A_210, %mul3A_211 : i32
      %get3A = arith.index_cast %mul3A_122 : i32 to index
      %get3A_213 = tpu.vector_load %arg7[%get3A] {strides = array<i32>} : memref<5120xi32, #tpu.memory_space<vmem>>, vector<16xi32>,
      %get3A_214 = arith.index_cast %mul3A_128 : i32 to index
      %get3A_215 = tpu.vector_load %arg7[%get3A_214] {strides = array<i32>} : memref<5120xi32, #tpu.memory_space<vmem>>, vector<16xi32>,
      %get3A_216 = arith.index_cast %mul3A_134 : i32 to index
      %get3A_217 = tpu.vector_load %arg7[%get3A_216] {strides = array<i32>} : memref<5120xi32, #tpu.memory_space<vmem>>, vector<16xi32>,
      %get3A_218 = arith.index_cast %mul3A_140 : i32 to index
      %get3A_219 = tpu.vector_load %arg7[%get3A_218] {strides = array<i32>} : memref<5120xi32, #tpu.memory_space<vmem>>, vector<16xi32>,
      %get3A_220 = arith.index_cast %mul3A_146 : i32 to index
      %get3A_221 = tpu.vector_load %arg7[%get3A_220] {strides = array<i32>} : memref<5120xi32, #tpu.memory_space<vmem>>, vector<16xi32>,
      %get3A_222 = arith.index_cast %mul3A_152 : i32 to index
      %get3A_223 = tpu.vector_load %arg7[%get3A_222] {strides = array<i32>} : memref<5120xi32, #tpu.memory_space<vmem>>, vector<16xi32>,
      %get3A_224 = arith.index_cast %mul3A_158 : i32 to index
      %get3A_225 = tpu.vector_load %arg7[%get3A_224] {strides = array<i32>} : memref<5120xi32, #tpu.memory_space<vmem>>, vector<16xi32>,
      %get3A_226 = arith.index_cast %mul3A_164 : i32 to index
      %get3A_227 = tpu.vector_load %arg7[%get3A_226] {strides = array<i32>} : memref<5120xi32, #tpu.memory_space<vmem>>, vector<16xi32>,
      %get3A_228 = arith.index_cast %mul3A_170 : i32 to index
      %get3A_229 = tpu.vector_load %arg7[%get3A_228] {strides = array<i32>} : memref<5120xi32, #tpu.memory_space<vmem>>, vector<16xi32>,
      %get3A_230 = arith.index_cast %mul3A_176 : i32 to index
      %get3A_231 = tpu.vector_load %arg7[%get3A_230] {strides = array<i32>} : memref<5120xi32, #tpu.memory_space<vmem>>, vector<16xi32>,
      %get3A_232 = arith.index_cast %mul3A_182 : i32 to index
      %get3A_233 = tpu.vector_load %arg7[%get3A_232] {strides = array<i32>} : memref<5120xi32, #tpu.memory_space<vmem>>, vector<16xi32>,
      %get3A_234 = arith.index_cast %mul3A_188 : i32 to index
      %get3A_235 = tpu.vector_load %arg7[%get3A_234] {strides = array<i32>} : memref<5120xi32, #tpu.memory_space<vmem>>, vector<16xi32>,
      %get3A_236 = arith.index_cast %mul3A_194 : i32 to index
      %get3A_237 = tpu.vector_load %arg7[%get3A_236] {strides = array<i32>} : memref<5120xi32, #tpu.memory_space<vmem>>, vector<16xi32>,
      %get3A_238 = arith.index_cast %mul3A_200 : i32 to index
      %get3A_239 = tpu.vector_load %arg7[%get3A_238] {strides = array<i32>} : memref<5120xi32, #tpu.memory_space<vmem>>, vector<16xi32>,
      %get3A_240 = arith.index_cast %mul3A_206 : i32 to index
      %get3A_241 = tpu.vector_load %arg7[%get3A_240] {strides = array<i32>} : memref<5120xi32, #tpu.memory_space<vmem>>, vector<16xi32>,
      %get3A_242 = arith.index_cast %mul3A_212 : i32 to index
      %get3A_243 = tpu.vector_load %arg7[%get3A_242] {strides = array<i32>} : memref<5120xi32, #tpu.memory_space<vmem>>, vector<16xi32>,
      %gather3A = tpu.vector_load_idx %arg5[%get3A_213] : memref<106496xf32, #tpu.memory_space<vmem>>[vector<16xi32>], vector<16xf32>,
      %gather3A_244 = tpu.vector_load_idx %arg5[%get3A_215] : memref<106496xf32, #tpu.memory_space<vmem>>[vector<16xi32>], vector<16xf32>,
      %gather3A_245 = tpu.vector_load_idx %arg5[%get3A_217] : memref<106496xf32, #tpu.memory_space<vmem>>[vector<16xi32>], vector<16xf32>,
      %gather3A_246 = tpu.vector_load_idx %arg5[%get3A_219] : memref<106496xf32, #tpu.memory_space<vmem>>[vector<16xi32>], vector<16xf32>,
      %gather3A_247 = tpu.vector_load_idx %arg5[%get3A_221] : memref<106496xf32, #tpu.memory_space<vmem>>[vector<16xi32>], vector<16xf32>,
      %gather3A_248 = tpu.vector_load_idx %arg5[%get3A_223] : memref<106496xf32, #tpu.memory_space<vmem>>[vector<16xi32>], vector<16xf32>,
      %gather3A_249 = tpu.vector_load_idx %arg5[%get3A_225] : memref<106496xf32, #tpu.memory_space<vmem>>[vector<16xi32>], vector<16xf32>,
      %gather3A_250 = tpu.vector_load_idx %arg5[%get3A_227] : memref<106496xf32, #tpu.memory_space<vmem>>[vector<16xi32>], vector<16xf32>,
      %gather3A_251 = tpu.vector_load_idx %arg5[%get3A_229] : memref<106496xf32, #tpu.memory_space<vmem>>[vector<16xi32>], vector<16xf32>,
      %gather3A_252 = tpu.vector_load_idx %arg5[%get3A_231] : memref<106496xf32, #tpu.memory_space<vmem>>[vector<16xi32>], vector<16xf32>,
      %gather3A_253 = tpu.vector_load_idx %arg5[%get3A_233] : memref<106496xf32, #tpu.memory_space<vmem>>[vector<16xi32>], vector<16xf32>,
      %gather3A_254 = tpu.vector_load_idx %arg5[%get3A_235] : memref<106496xf32, #tpu.memory_space<vmem>>[vector<16xi32>], vector<16xf32>,
      %gather3A_255 = tpu.vector_load_idx %arg5[%get3A_237] : memref<106496xf32, #tpu.memory_space<vmem>>[vector<16xi32>], vector<16xf32>,
      %gather3A_256 = tpu.vector_load_idx %arg5[%get3A_239] : memref<106496xf32, #tpu.memory_space<vmem>>[vector<16xi32>], vector<16xf32>,
      %gather3A_257 = tpu.vector_load_idx %arg5[%get3A_241] : memref<106496xf32, #tpu.memory_space<vmem>>[vector<16xi32>], vector<16xf32>,
      %gather3A_258 = tpu.vector_load_idx %arg5[%get3A_243] : memref<106496xf32, #tpu.memory_space<vmem>>[vector<16xi32>], vector<16xf32>,
      %swap3A = arith.index_cast %mul3A_122 : i32 to index
      %swap3A_259 = tpu.vector_load %arg9[%swap3A] {strides = array<i32>} : memref<5120xf32, #tpu.memory_space<vmem>>, vector<16xf32>,
      tpu.vector_store %arg9[%swap3A], %gather3A {strides = array<i32>} : memref<5120xf32, #tpu.memory_space<vmem>>, vector<16xf32>,
      %swap3A_260 = arith.index_cast %mul3A_128 : i32 to index
      %swap3A_261 = tpu.vector_load %arg9[%swap3A_260] {strides = array<i32>} : memref<5120xf32, #tpu.memory_space<vmem>>, vector<16xf32>,
      tpu.vector_store %arg9[%swap3A_260], %gather3A_244 {strides = array<i32>} : memref<5120xf32, #tpu.memory_space<vmem>>, vector<16xf32>,
      %swap3A_262 = arith.index_cast %mul3A_134 : i32 to index
      %swap3A_263 = tpu.vector_load %arg9[%swap3A_262] {strides = array<i32>} : memref<5120xf32, #tpu.memory_space<vmem>>, vector<16xf32>,
      tpu.vector_store %arg9[%swap3A_262], %gather3A_245 {strides = array<i32>} : memref<5120xf32, #tpu.memory_space<vmem>>, vector<16xf32>,
      %swap3A_264 = arith.index_cast %mul3A_140 : i32 to index
      %swap3A_265 = tpu.vector_load %arg9[%swap3A_264] {strides = array<i32>} : memref<5120xf32, #tpu.memory_space<vmem>>, vector<16xf32>,
      tpu.vector_store %arg9[%swap3A_264], %gather3A_246 {strides = array<i32>} : memref<5120xf32, #tpu.memory_space<vmem>>, vector<16xf32>,
      %swap3A_266 = arith.index_cast %mul3A_146 : i32 to index
      %swap3A_267 = tpu.vector_load %arg9[%swap3A_266] {strides = array<i32>} : memref<5120xf32, #tpu.memory_space<vmem>>, vector<16xf32>,
      tpu.vector_store %arg9[%swap3A_266], %gather3A_247 {strides = array<i32>} : memref<5120xf32, #tpu.memory_space<vmem>>, vector<16xf32>,
      %swap3A_268 = arith.index_cast %mul3A_152 : i32 to index
      %swap3A_269 = tpu.vector_load %arg9[%swap3A_268] {strides = array<i32>} : memref<5120xf32, #tpu.memory_space<vmem>>, vector<16xf32>,
      tpu.vector_store %arg9[%swap3A_268], %gather3A_248 {strides = array<i32>} : memref<5120xf32, #tpu.memory_space<vmem>>, vector<16xf32>,
      %swap3A_270 = arith.index_cast %mul3A_158 : i32 to index
      %swap3A_271 = tpu.vector_load %arg9[%swap3A_270] {strides = array<i32>} : memref<5120xf32, #tpu.memory_space<vmem>>, vector<16xf32>,
      tpu.vector_store %arg9[%swap3A_270], %gather3A_249 {strides = array<i32>} : memref<5120xf32, #tpu.memory_space<vmem>>, vector<16xf32>,
      %swap3A_272 = arith.index_cast %mul3A_164 : i32 to index
      %swap3A_273 = tpu.vector_load %arg9[%swap3A_272] {strides = array<i32>} : memref<5120xf32, #tpu.memory_space<vmem>>, vector<16xf32>,
      tpu.vector_store %arg9[%swap3A_272], %gather3A_250 {strides = array<i32>} : memref<5120xf32, #tpu.memory_space<vmem>>, vector<16xf32>,
      %swap3A_274 = arith.index_cast %mul3A_170 : i32 to index
      %swap3A_275 = tpu.vector_load %arg9[%swap3A_274] {strides = array<i32>} : memref<5120xf32, #tpu.memory_space<vmem>>, vector<16xf32>,
      tpu.vector_store %arg9[%swap3A_274], %gather3A_251 {strides = array<i32>} : memref<5120xf32, #tpu.memory_space<vmem>>, vector<16xf32>,
      %swap3A_276 = arith.index_cast %mul3A_176 : i32 to index
      %swap3A_277 = tpu.vector_load %arg9[%swap3A_276] {strides = array<i32>} : memref<5120xf32, #tpu.memory_space<vmem>>, vector<16xf32>,
      tpu.vector_store %arg9[%swap3A_276], %gather3A_252 {strides = array<i32>} : memref<5120xf32, #tpu.memory_space<vmem>>, vector<16xf32>,
      %swap3A_278 = arith.index_cast %mul3A_182 : i32 to index
      %swap3A_279 = tpu.vector_load %arg9[%swap3A_278] {strides = array<i32>} : memref<5120xf32, #tpu.memory_space<vmem>>, vector<16xf32>,
      tpu.vector_store %arg9[%swap3A_278], %gather3A_253 {strides = array<i32>} : memref<5120xf32, #tpu.memory_space<vmem>>, vector<16xf32>,
      %swap3A_280 = arith.index_cast %mul3A_188 : i32 to index
      %swap3A_281 = tpu.vector_load %arg9[%swap3A_280] {strides = array<i32>} : memref<5120xf32, #tpu.memory_space<vmem>>, vector<16xf32>,
      tpu.vector_store %arg9[%swap3A_280], %gather3A_254 {strides = array<i32>} : memref<5120xf32, #tpu.memory_space<vmem>>, vector<16xf32>,
      %swap3A_282 = arith.index_cast %mul3A_194 : i32 to index
      %swap3A_283 = tpu.vector_load %arg9[%swap3A_282] {strides = array<i32>} : memref<5120xf32, #tpu.memory_space<vmem>>, vector<16xf32>,
      tpu.vector_store %arg9[%swap3A_282], %gather3A_255 {strides = array<i32>} : memref<5120xf32, #tpu.memory_space<vmem>>, vector<16xf32>,
      %swap3A_284 = arith.index_cast %mul3A_200 : i32 to index
      %swap3A_285 = tpu.vector_load %arg9[%swap3A_284] {strides = array<i32>} : memref<5120xf32, #tpu.memory_space<vmem>>, vector<16xf32>,
      tpu.vector_store %arg9[%swap3A_284], %gather3A_256 {strides = array<i32>} : memref<5120xf32, #tpu.memory_space<vmem>>, vector<16xf32>,
      %swap3A_286 = arith.index_cast %mul3A_206 : i32 to index
      %swap3A_287 = tpu.vector_load %arg9[%swap3A_286] {strides = array<i32>} : memref<5120xf32, #tpu.memory_space<vmem>>, vector<16xf32>,
      tpu.vector_store %arg9[%swap3A_286], %gather3A_257 {strides = array<i32>} : memref<5120xf32, #tpu.memory_space<vmem>>, vector<16xf32>,
      %swap3A_288 = arith.index_cast %mul3A_212 : i32 to index
      %swap3A_289 = tpu.vector_load %arg9[%swap3A_288] {strides = array<i32>} : memref<5120xf32, #tpu.memory_space<vmem>>, vector<16xf32>,
      tpu.vector_store %arg9[%swap3A_288], %gather3A_258 {strides = array<i32>} : memref<5120xf32, #tpu.memory_space<vmem>>, vector<16xf32>,
      %scan3A_290 = arith.constant 0 : i32
      scf.yield %scan3A_290 : i32
    }
    %scan3A_83 = arith.constant 20 : i32
    %add3A_84 = arith.constant 15360 : i32
    %add3A_85 = arith.addi %mul3A_2, %add3A_84 : i32
    %dma_start3A_86 = tpu.memref_slice %arg4[%add3A_85] : memref<819200xf32, #tpu.memory_space<hbm>> -> memref<5120xf32, #tpu.memory_space<hbm>>
    %dma_start3A_87 = tpu.memref_slice %arg4[%add3A_85] : memref<819200xf32, #tpu.memory_space<hbm>> -> memref<5120xf32, #tpu.memory_space<hbm>>
    tpu.enqueue_dma source(%arg9 : memref<5120xf32, #tpu.memory_space<vmem>>) target(%dma_start3A_87 : memref<5120xf32, #tpu.memory_space<hbm>>) target_semaphore(%arg13 : memref<!tpu.dma_semaphore, #tpu.memory_space<semaphore_mem>>)
    %add3A_88 = arith.constant 20480 : i32
    %add3A_89 = arith.addi %mul3A_2, %add3A_88 : i32
    %dma_wait3A_90 = tpu.memref_slice %arg2[%add3A_89] : memref<819200xi32, #tpu.memory_space<hbm>> -> memref<5120xi32, #tpu.memory_space<hbm>>
    %dma_wait3A_91 = tpu.memref_slice %arg2[%add3A_89] : memref<819200xi32, #tpu.memory_space<hbm>> -> memref<5120xi32, #tpu.memory_space<hbm>>
    tpu.wait_dma2 semaphore(%arg10 : memref<!tpu.dma_semaphore, #tpu.memory_space<semaphore_mem>>) src(%dma_wait3A_91 : memref<5120xi32, #tpu.memory_space<hbm>>) dst(%arg6 : memref<5120xi32, #tpu.memory_space<vmem>>)
    %add3A_92 = arith.constant 10240 : i32
    %add3A_93 = arith.addi %mul3A_2, %add3A_92 : i32
    %dma_wait3A_94 = tpu.memref_slice %arg4[%add3A_93] : memref<819200xf32, #tpu.memory_space<hbm>> -> memref<5120xf32, #tpu.memory_space<hbm>>
    %dma_wait3A_95 = tpu.memref_slice %arg4[%add3A_93] : memref<819200xf32, #tpu.memory_space<hbm>> -> memref<5120xf32, #tpu.memory_space<hbm>>
    tpu.wait_dma2 semaphore(%arg12 : memref<!tpu.dma_semaphore, #tpu.memory_space<semaphore_mem>>) src(%arg8 : memref<5120xf32, #tpu.memory_space<vmem>>) dst(%dma_wait3A_95 : memref<5120xf32, #tpu.memory_space<hbm>>)
    %scan3A_96 = arith.constant 0 : i32
    %scan3A_97 = arith.constant 0 : i32
    %scan3A_98 = arith.constant 20 : i32
    %scan3A_99 = arith.addi %scan3A_97, %scan3A_98 : i32
    %scan3A_100 = arith.constant 1 : i32
    %scan3A_101 = scf.for %scan3A_115 = %scan3A_97 to %scan3A_99 step %scan3A_100 iter_args(%scan3A_116 = %scan3A_96) -> (i32)  : i32 {
      %mul3A_117 = arith.constant 16 : i32
      %mul3A_118 = arith.muli %scan3A_115, %mul3A_117 : i32
      %add3A_119 = arith.constant 0 : i32
      %add3A_120 = arith.addi %mul3A_118, %add3A_119 : i32
      %mul3A_121 = arith.constant 16 : i32
      %mul3A_122 = arith.muli %add3A_120, %mul3A_121 : i32
      %mul3A_123 = arith.constant 16 : i32
      %mul3A_124 = arith.muli %scan3A_115, %mul3A_123 : i32
      %add3A_125 = arith.constant 1 : i32
      %add3A_126 = arith.addi %mul3A_124, %add3A_125 : i32
      %mul3A_127 = arith.constant 16 : i32
      %mul3A_128 = arith.muli %add3A_126, %mul3A_127 : i32
      %mul3A_129 = arith.constant 16 : i32
      %mul3A_130 = arith.muli %scan3A_115, %mul3A_129 : i32
      %add3A_131 = arith.constant 2 : i32
      %add3A_132 = arith.addi %mul3A_130, %add3A_131 : i32
      %mul3A_133 = arith.constant 16 : i32
      %mul3A_134 = arith.muli %add3A_132, %mul3A_133 : i32
      %mul3A_135 = arith.constant 16 : i32
      %mul3A_136 = arith.muli %scan3A_115, %mul3A_135 : i32
      %add3A_137 = arith.constant 3 : i32
      %add3A_138 = arith.addi %mul3A_136, %add3A_137 : i32
      %mul3A_139 = arith.constant 16 : i32
      %mul3A_140 = arith.muli %add3A_138, %mul3A_139 : i32
      %mul3A_141 = arith.constant 16 : i32
      %mul3A_142 = arith.muli %scan3A_115, %mul3A_141 : i32
      %add3A_143 = arith.constant 4 : i32
      %add3A_144 = arith.addi %mul3A_142, %add3A_143 : i32
      %mul3A_145 = arith.constant 16 : i32
      %mul3A_146 = arith.muli %add3A_144, %mul3A_145 : i32
      %mul3A_147 = arith.constant 16 : i32
      %mul3A_148 = arith.muli %scan3A_115, %mul3A_147 : i32
      %add3A_149 = arith.constant 5 : i32
      %add3A_150 = arith.addi %mul3A_148, %add3A_149 : i32
      %mul3A_151 = arith.constant 16 : i32
      %mul3A_152 = arith.muli %add3A_150, %mul3A_151 : i32
      %mul3A_153 = arith.constant 16 : i32
      %mul3A_154 = arith.muli %scan3A_115, %mul3A_153 : i32
      %add3A_155 = arith.constant 6 : i32
      %add3A_156 = arith.addi %mul3A_154, %add3A_155 : i32
      %mul3A_157 = arith.constant 16 : i32
      %mul3A_158 = arith.muli %add3A_156, %mul3A_157 : i32
      %mul3A_159 = arith.constant 16 : i32
      %mul3A_160 = arith.muli %scan3A_115, %mul3A_159 : i32
      %add3A_161 = arith.constant 7 : i32
      %add3A_162 = arith.addi %mul3A_160, %add3A_161 : i32
      %mul3A_163 = arith.constant 16 : i32
      %mul3A_164 = arith.muli %add3A_162, %mul3A_163 : i32
      %mul3A_165 = arith.constant 16 : i32
      %mul3A_166 = arith.muli %scan3A_115, %mul3A_165 : i32
      %add3A_167 = arith.constant 8 : i32
      %add3A_168 = arith.addi %mul3A_166, %add3A_167 : i32
      %mul3A_169 = arith.constant 16 : i32
      %mul3A_170 = arith.muli %add3A_168, %mul3A_169 : i32
      %mul3A_171 = arith.constant 16 : i32
      %mul3A_172 = arith.muli %scan3A_115, %mul3A_171 : i32
      %add3A_173 = arith.constant 9 : i32
      %add3A_174 = arith.addi %mul3A_172, %add3A_173 : i32
      %mul3A_175 = arith.constant 16 : i32
      %mul3A_176 = arith.muli %add3A_174, %mul3A_175 : i32
      %mul3A_177 = arith.constant 16 : i32
      %mul3A_178 = arith.muli %scan3A_115, %mul3A_177 : i32
      %add3A_179 = arith.constant 10 : i32
      %add3A_180 = arith.addi %mul3A_178, %add3A_179 : i32
      %mul3A_181 = arith.constant 16 : i32
      %mul3A_182 = arith.muli %add3A_180, %mul3A_181 : i32
      %mul3A_183 = arith.constant 16 : i32
      %mul3A_184 = arith.muli %scan3A_115, %mul3A_183 : i32
      %add3A_185 = arith.constant 11 : i32
      %add3A_186 = arith.addi %mul3A_184, %add3A_185 : i32
      %mul3A_187 = arith.constant 16 : i32
      %mul3A_188 = arith.muli %add3A_186, %mul3A_187 : i32
      %mul3A_189 = arith.constant 16 : i32
      %mul3A_190 = arith.muli %scan3A_115, %mul3A_189 : i32
      %add3A_191 = arith.constant 12 : i32
      %add3A_192 = arith.addi %mul3A_190, %add3A_191 : i32
      %mul3A_193 = arith.constant 16 : i32
      %mul3A_194 = arith.muli %add3A_192, %mul3A_193 : i32
      %mul3A_195 = arith.constant 16 : i32
      %mul3A_196 = arith.muli %scan3A_115, %mul3A_195 : i32
      %add3A_197 = arith.constant 13 : i32
      %add3A_198 = arith.addi %mul3A_196, %add3A_197 : i32
      %mul3A_199 = arith.constant 16 : i32
      %mul3A_200 = arith.muli %add3A_198, %mul3A_199 : i32
      %mul3A_201 = arith.constant 16 : i32
      %mul3A_202 = arith.muli %scan3A_115, %mul3A_201 : i32
      %add3A_203 = arith.constant 14 : i32
      %add3A_204 = arith.addi %mul3A_202, %add3A_203 : i32
      %mul3A_205 = arith.constant 16 : i32
      %mul3A_206 = arith.muli %add3A_204, %mul3A_205 : i32
      %mul3A_207 = arith.constant 16 : i32
      %mul3A_208 = arith.muli %scan3A_115, %mul3A_207 : i32
      %add3A_209 = arith.constant 15 : i32
      %add3A_210 = arith.addi %mul3A_208, %add3A_209 : i32
      %mul3A_211 = arith.constant 16 : i32
      %mul3A_212 = arith.muli %add3A_210, %mul3A_211 : i32
      %get3A = arith.index_cast %mul3A_122 : i32 to index
      %get3A_213 = tpu.vector_load %arg6[%get3A] {strides = array<i32>} : memref<5120xi32, #tpu.memory_space<vmem>>, vector<16xi32>,
      %get3A_214 = arith.index_cast %mul3A_128 : i32 to index
      %get3A_215 = tpu.vector_load %arg6[%get3A_214] {strides = array<i32>} : memref<5120xi32, #tpu.memory_space<vmem>>, vector<16xi32>,
      %get3A_216 = arith.index_cast %mul3A_134 : i32 to index
      %get3A_217 = tpu.vector_load %arg6[%get3A_216] {strides = array<i32>} : memref<5120xi32, #tpu.memory_space<vmem>>, vector<16xi32>,
      %get3A_218 = arith.index_cast %mul3A_140 : i32 to index
      %get3A_219 = tpu.vector_load %arg6[%get3A_218] {strides = array<i32>} : memref<5120xi32, #tpu.memory_space<vmem>>, vector<16xi32>,
      %get3A_220 = arith.index_cast %mul3A_146 : i32 to index
      %get3A_221 = tpu.vector_load %arg6[%get3A_220] {strides = array<i32>} : memref<5120xi32, #tpu.memory_space<vmem>>, vector<16xi32>,
      %get3A_222 = arith.index_cast %mul3A_152 : i32 to index
      %get3A_223 = tpu.vector_load %arg6[%get3A_222] {strides = array<i32>} : memref<5120xi32, #tpu.memory_space<vmem>>, vector<16xi32>,
      %get3A_224 = arith.index_cast %mul3A_158 : i32 to index
      %get3A_225 = tpu.vector_load %arg6[%get3A_224] {strides = array<i32>} : memref<5120xi32, #tpu.memory_space<vmem>>, vector<16xi32>,
      %get3A_226 = arith.index_cast %mul3A_164 : i32 to index
      %get3A_227 = tpu.vector_load %arg6[%get3A_226] {strides = array<i32>} : memref<5120xi32, #tpu.memory_space<vmem>>, vector<16xi32>,
      %get3A_228 = arith.index_cast %mul3A_170 : i32 to index
      %get3A_229 = tpu.vector_load %arg6[%get3A_228] {strides = array<i32>} : memref<5120xi32, #tpu.memory_space<vmem>>, vector<16xi32>,
      %get3A_230 = arith.index_cast %mul3A_176 : i32 to index
      %get3A_231 = tpu.vector_load %arg6[%get3A_230] {strides = array<i32>} : memref<5120xi32, #tpu.memory_space<vmem>>, vector<16xi32>,
      %get3A_232 = arith.index_cast %mul3A_182 : i32 to index
      %get3A_233 = tpu.vector_load %arg6[%get3A_232] {strides = array<i32>} : memref<5120xi32, #tpu.memory_space<vmem>>, vector<16xi32>,
      %get3A_234 = arith.index_cast %mul3A_188 : i32 to index
      %get3A_235 = tpu.vector_load %arg6[%get3A_234] {strides = array<i32>} : memref<5120xi32, #tpu.memory_space<vmem>>, vector<16xi32>,
      %get3A_236 = arith.index_cast %mul3A_194 : i32 to index
      %get3A_237 = tpu.vector_load %arg6[%get3A_236] {strides = array<i32>} : memref<5120xi32, #tpu.memory_space<vmem>>, vector<16xi32>,
      %get3A_238 = arith.index_cast %mul3A_200 : i32 to index
      %get3A_239 = tpu.vector_load %arg6[%get3A_238] {strides = array<i32>} : memref<5120xi32, #tpu.memory_space<vmem>>, vector<16xi32>,
      %get3A_240 = arith.index_cast %mul3A_206 : i32 to index
      %get3A_241 = tpu.vector_load %arg6[%get3A_240] {strides = array<i32>} : memref<5120xi32, #tpu.memory_space<vmem>>, vector<16xi32>,
      %get3A_242 = arith.index_cast %mul3A_212 : i32 to index
      %get3A_243 = tpu.vector_load %arg6[%get3A_242] {strides = array<i32>} : memref<5120xi32, #tpu.memory_space<vmem>>, vector<16xi32>,
      %gather3A = tpu.vector_load_idx %arg5[%get3A_213] : memref<106496xf32, #tpu.memory_space<vmem>>[vector<16xi32>], vector<16xf32>,
      %gather3A_244 = tpu.vector_load_idx %arg5[%get3A_215] : memref<106496xf32, #tpu.memory_space<vmem>>[vector<16xi32>], vector<16xf32>,
      %gather3A_245 = tpu.vector_load_idx %arg5[%get3A_217] : memref<106496xf32, #tpu.memory_space<vmem>>[vector<16xi32>], vector<16xf32>,
      %gather3A_246 = tpu.vector_load_idx %arg5[%get3A_219] : memref<106496xf32, #tpu.memory_space<vmem>>[vector<16xi32>], vector<16xf32>,
      %gather3A_247 = tpu.vector_load_idx %arg5[%get3A_221] : memref<106496xf32, #tpu.memory_space<vmem>>[vector<16xi32>], vector<16xf32>,
      %gather3A_248 = tpu.vector_load_idx %arg5[%get3A_223] : memref<106496xf32, #tpu.memory_space<vmem>>[vector<16xi32>], vector<16xf32>,
      %gather3A_249 = tpu.vector_load_idx %arg5[%get3A_225] : memref<106496xf32, #tpu.memory_space<vmem>>[vector<16xi32>], vector<16xf32>,
      %gather3A_250 = tpu.vector_load_idx %arg5[%get3A_227] : memref<106496xf32, #tpu.memory_space<vmem>>[vector<16xi32>], vector<16xf32>,
      %gather3A_251 = tpu.vector_load_idx %arg5[%get3A_229] : memref<106496xf32, #tpu.memory_space<vmem>>[vector<16xi32>], vector<16xf32>,
      %gather3A_252 = tpu.vector_load_idx %arg5[%get3A_231] : memref<106496xf32, #tpu.memory_space<vmem>>[vector<16xi32>], vector<16xf32>,
      %gather3A_253 = tpu.vector_load_idx %arg5[%get3A_233] : memref<106496xf32, #tpu.memory_space<vmem>>[vector<16xi32>], vector<16xf32>,
      %gather3A_254 = tpu.vector_load_idx %arg5[%get3A_235] : memref<106496xf32, #tpu.memory_space<vmem>>[vector<16xi32>], vector<16xf32>,
      %gather3A_255 = tpu.vector_load_idx %arg5[%get3A_237] : memref<106496xf32, #tpu.memory_space<vmem>>[vector<16xi32>], vector<16xf32>,
      %gather3A_256 = tpu.vector_load_idx %arg5[%get3A_239] : memref<106496xf32, #tpu.memory_space<vmem>>[vector<16xi32>], vector<16xf32>,
      %gather3A_257 = tpu.vector_load_idx %arg5[%get3A_241] : memref<106496xf32, #tpu.memory_space<vmem>>[vector<16xi32>], vector<16xf32>,
      %gather3A_258 = tpu.vector_load_idx %arg5[%get3A_243] : memref<106496xf32, #tpu.memory_space<vmem>>[vector<16xi32>], vector<16xf32>,
      %swap3A = arith.index_cast %mul3A_122 : i32 to index
      %swap3A_259 = tpu.vector_load %arg8[%swap3A] {strides = array<i32>} : memref<5120xf32, #tpu.memory_space<vmem>>, vector<16xf32>,
      tpu.vector_store %arg8[%swap3A], %gather3A {strides = array<i32>} : memref<5120xf32, #tpu.memory_space<vmem>>, vector<16xf32>,
      %swap3A_260 = arith.index_cast %mul3A_128 : i32 to index
      %swap3A_261 = tpu.vector_load %arg8[%swap3A_260] {strides = array<i32>} : memref<5120xf32, #tpu.memory_space<vmem>>, vector<16xf32>,
      tpu.vector_store %arg8[%swap3A_260], %gather3A_244 {strides = array<i32>} : memref<5120xf32, #tpu.memory_space<vmem>>, vector<16xf32>,
      %swap3A_262 = arith.index_cast %mul3A_134 : i32 to index
      %swap3A_263 = tpu.vector_load %arg8[%swap3A_262] {strides = array<i32>} : memref<5120xf32, #tpu.memory_space<vmem>>, vector<16xf32>,
      tpu.vector_store %arg8[%swap3A_262], %gather3A_245 {strides = array<i32>} : memref<5120xf32, #tpu.memory_space<vmem>>, vector<16xf32>,
      %swap3A_264 = arith.index_cast %mul3A_140 : i32 to index
      %swap3A_265 = tpu.vector_load %arg8[%swap3A_264] {strides = array<i32>} : memref<5120xf32, #tpu.memory_space<vmem>>, vector<16xf32>,
      tpu.vector_store %arg8[%swap3A_264], %gather3A_246 {strides = array<i32>} : memref<5120xf32, #tpu.memory_space<vmem>>, vector<16xf32>,
      %swap3A_266 = arith.index_cast %mul3A_146 : i32 to index
      %swap3A_267 = tpu.vector_load %arg8[%swap3A_266] {strides = array<i32>} : memref<5120xf32, #tpu.memory_space<vmem>>, vector<16xf32>,
      tpu.vector_store %arg8[%swap3A_266], %gather3A_247 {strides = array<i32>} : memref<5120xf32, #tpu.memory_space<vmem>>, vector<16xf32>,
      %swap3A_268 = arith.index_cast %mul3A_152 : i32 to index
      %swap3A_269 = tpu.vector_load %arg8[%swap3A_268] {strides = array<i32>} : memref<5120xf32, #tpu.memory_space<vmem>>, vector<16xf32>,
      tpu.vector_store %arg8[%swap3A_268], %gather3A_248 {strides = array<i32>} : memref<5120xf32, #tpu.memory_space<vmem>>, vector<16xf32>,
      %swap3A_270 = arith.index_cast %mul3A_158 : i32 to index
      %swap3A_271 = tpu.vector_load %arg8[%swap3A_270] {strides = array<i32>} : memref<5120xf32, #tpu.memory_space<vmem>>, vector<16xf32>,
      tpu.vector_store %arg8[%swap3A_270], %gather3A_249 {strides = array<i32>} : memref<5120xf32, #tpu.memory_space<vmem>>, vector<16xf32>,
      %swap3A_272 = arith.index_cast %mul3A_164 : i32 to index
      %swap3A_273 = tpu.vector_load %arg8[%swap3A_272] {strides = array<i32>} : memref<5120xf32, #tpu.memory_space<vmem>>, vector<16xf32>,
      tpu.vector_store %arg8[%swap3A_272], %gather3A_250 {strides = array<i32>} : memref<5120xf32, #tpu.memory_space<vmem>>, vector<16xf32>,
      %swap3A_274 = arith.index_cast %mul3A_170 : i32 to index
      %swap3A_275 = tpu.vector_load %arg8[%swap3A_274] {strides = array<i32>} : memref<5120xf32, #tpu.memory_space<vmem>>, vector<16xf32>,
      tpu.vector_store %arg8[%swap3A_274], %gather3A_251 {strides = array<i32>} : memref<5120xf32, #tpu.memory_space<vmem>>, vector<16xf32>,
      %swap3A_276 = arith.index_cast %mul3A_176 : i32 to index
      %swap3A_277 = tpu.vector_load %arg8[%swap3A_276] {strides = array<i32>} : memref<5120xf32, #tpu.memory_space<vmem>>, vector<16xf32>,
      tpu.vector_store %arg8[%swap3A_276], %gather3A_252 {strides = array<i32>} : memref<5120xf32, #tpu.memory_space<vmem>>, vector<16xf32>,
      %swap3A_278 = arith.index_cast %mul3A_182 : i32 to index
      %swap3A_279 = tpu.vector_load %arg8[%swap3A_278] {strides = array<i32>} : memref<5120xf32, #tpu.memory_space<vmem>>, vector<16xf32>,
      tpu.vector_store %arg8[%swap3A_278], %gather3A_253 {strides = array<i32>} : memref<5120xf32, #tpu.memory_space<vmem>>, vector<16xf32>,
      %swap3A_280 = arith.index_cast %mul3A_188 : i32 to index
      %swap3A_281 = tpu.vector_load %arg8[%swap3A_280] {strides = array<i32>} : memref<5120xf32, #tpu.memory_space<vmem>>, vector<16xf32>,
      tpu.vector_store %arg8[%swap3A_280], %gather3A_254 {strides = array<i32>} : memref<5120xf32, #tpu.memory_space<vmem>>, vector<16xf32>,
      %swap3A_282 = arith.index_cast %mul3A_194 : i32 to index
      %swap3A_283 = tpu.vector_load %arg8[%swap3A_282] {strides = array<i32>} : memref<5120xf32, #tpu.memory_space<vmem>>, vector<16xf32>,
      tpu.vector_store %arg8[%swap3A_282], %gather3A_255 {strides = array<i32>} : memref<5120xf32, #tpu.memory_space<vmem>>, vector<16xf32>,
      %swap3A_284 = arith.index_cast %mul3A_200 : i32 to index
      %swap3A_285 = tpu.vector_load %arg8[%swap3A_284] {strides = array<i32>} : memref<5120xf32, #tpu.memory_space<vmem>>, vector<16xf32>,
      tpu.vector_store %arg8[%swap3A_284], %gather3A_256 {strides = array<i32>} : memref<5120xf32, #tpu.memory_space<vmem>>, vector<16xf32>,
      %swap3A_286 = arith.index_cast %mul3A_206 : i32 to index
      %swap3A_287 = tpu.vector_load %arg8[%swap3A_286] {strides = array<i32>} : memref<5120xf32, #tpu.memory_space<vmem>>, vector<16xf32>,
      tpu.vector_store %arg8[%swap3A_286], %gather3A_257 {strides = array<i32>} : memref<5120xf32, #tpu.memory_space<vmem>>, vector<16xf32>,
      %swap3A_288 = arith.index_cast %mul3A_212 : i32 to index
      %swap3A_289 = tpu.vector_load %arg8[%swap3A_288] {strides = array<i32>} : memref<5120xf32, #tpu.memory_space<vmem>>, vector<16xf32>,
      tpu.vector_store %arg8[%swap3A_288], %gather3A_258 {strides = array<i32>} : memref<5120xf32, #tpu.memory_space<vmem>>, vector<16xf32>,
      %scan3A_290 = arith.constant 0 : i32
      scf.yield %scan3A_290 : i32
    }
    %scan3A_102 = arith.constant 20 : i32
    %add3A_103 = arith.constant 20480 : i32
    %add3A_104 = arith.addi %mul3A_2, %add3A_103 : i32
    %dma_start3A_105 = tpu.memref_slice %arg4[%add3A_104] : memref<819200xf32, #tpu.memory_space<hbm>> -> memref<5120xf32, #tpu.memory_space<hbm>>
    %dma_start3A_106 = tpu.memref_slice %arg4[%add3A_104] : memref<819200xf32, #tpu.memory_space<hbm>> -> memref<5120xf32, #tpu.memory_space<hbm>>
    tpu.enqueue_dma source(%arg8 : memref<5120xf32, #tpu.memory_space<vmem>>) target(%dma_start3A_106 : memref<5120xf32, #tpu.memory_space<hbm>>) target_semaphore(%arg12 : memref<!tpu.dma_semaphore, #tpu.memory_space<semaphore_mem>>)
    %add3A_107 = arith.constant 15360 : i32
    %add3A_108 = arith.addi %mul3A_2, %add3A_107 : i32
    %dma_wait3A_109 = tpu.memref_slice %arg4[%add3A_108] : memref<819200xf32, #tpu.memory_space<hbm>> -> memref<5120xf32, #tpu.memory_space<hbm>>
    %dma_wait3A_110 = tpu.memref_slice %arg4[%add3A_108] : memref<819200xf32, #tpu.memory_space<hbm>> -> memref<5120xf32, #tpu.memory_space<hbm>>
    tpu.wait_dma2 semaphore(%arg13 : memref<!tpu.dma_semaphore, #tpu.memory_space<semaphore_mem>>) src(%arg9 : memref<5120xf32, #tpu.memory_space<vmem>>) dst(%dma_wait3A_110 : memref<5120xf32, #tpu.memory_space<hbm>>)
    %add3A_111 = arith.constant 20480 : i32
    %add3A_112 = arith.addi %mul3A_2, %add3A_111 : i32
    %dma_wait3A_113 = tpu.memref_slice %arg4[%add3A_112] : memref<819200xf32, #tpu.memory_space<hbm>> -> memref<5120xf32, #tpu.memory_space<hbm>>
    %dma_wait3A_114 = tpu.memref_slice %arg4[%add3A_112] : memref<819200xf32, #tpu.memory_space<hbm>> -> memref<5120xf32, #tpu.memory_space<hbm>>
    tpu.wait_dma2 semaphore(%arg12 : memref<!tpu.dma_semaphore, #tpu.memory_space<semaphore_mem>>) src(%arg8 : memref<5120xf32, #tpu.memory_space<vmem>>) dst(%dma_wait3A_114 : memref<5120xf32, #tpu.memory_space<hbm>>)
    return
  }
}

#map = affine_map<(d0, d1) -> (0)>
#map1 = affine_map<(d0, d1) -> (0, 0, 0)>
module attributes {stable_mosaic.version = 14 : i64} {
  func.func @k(%arg0: i32, %arg1: i32, %arg2: memref<819200xi32, #tpu.memory_space<hbm>>, %arg3: memref<106496xf32, #tpu.memory_space<hbm>>, %arg4: memref<106496xf32, #tpu.memory_space<hbm>>, %arg5: memref<2x16x16xf32, #tpu.memory_space<hbm>>, %arg6: memref<106496xf32, #tpu.memory_space<vmem>>, %arg7: memref<10240xi32, #tpu.memory_space<vmem>>, %arg8: memref<10240xi32, #tpu.memory_space<vmem>>, %arg9: memref<16xf32, #tpu.memory_space<vmem>>, %arg10: memref<!tpu.dma_semaphore, #tpu.memory_space<semaphore_mem>>, %arg11: memref<!tpu.dma_semaphore, #tpu.memory_space<semaphore_mem>>) attributes {dimension_semantics = [#tpu.dimension_semantics<core_parallel>, #tpu.dimension_semantics<subcore_parallel>], iteration_bounds = array<i64: 2, 16>, scalar_prefetch = 0 : i64, scratch_operands = 6 : i64, tpu.core_type = #tpu.core_type<sc_vector_subcore>, window_params = [{transform_indices = #map}, {transform_indices = #map}, {transform_indices = #map}, {transform_indices = #map1}]} {
    %eq3A = arith.constant 0 : i32
    %eq3A_0 = arith.cmpi eq, %arg0, %eq3A : i32
    %mul3A = arith.constant 51200 : i32
    %mul3A_1 = arith.muli %arg1, %mul3A : i32
    %convert_element_type3A = arith.extui %eq3A_0 : i1 to i32
    %cond3A = arith.constant 0 : i32
    %cond3A_2 = arith.cmpi ne, %convert_element_type3A, %cond3A : i32
    scf.if %cond3A_2 {
      %add3A = arith.constant 0 : i32
      %add3A_7 = arith.addi %mul3A_1, %add3A : i32
      %dma_start3A = tpu.memref_slice %arg2[%add3A_7] : memref<819200xi32, #tpu.memory_space<hbm>> -> memref<10240xi32, #tpu.memory_space<hbm>>
      %dma_start3A_8 = tpu.memref_slice %arg2[%add3A_7] : memref<819200xi32, #tpu.memory_space<hbm>> -> memref<10240xi32, #tpu.memory_space<hbm>>
      tpu.enqueue_dma source(%dma_start3A_8 : memref<10240xi32, #tpu.memory_space<hbm>>) target(%arg7 : memref<10240xi32, #tpu.memory_space<vmem>>) target_semaphore(%arg10 : memref<!tpu.dma_semaphore, #tpu.memory_space<semaphore_mem>>)
      "tpu.region"() ({
        %run_scoped3A = tpu.sem_alloc : memref<!tpu.dma_semaphore, #tpu.memory_space<semaphore_mem>>
        tpu.enqueue_dma source(%arg3 : memref<106496xf32, #tpu.memory_space<hbm>>) target(%arg6 : memref<106496xf32, #tpu.memory_space<vmem>>) target_semaphore(%run_scoped3A : memref<!tpu.dma_semaphore, #tpu.memory_space<semaphore_mem>>)
        tpu.wait_dma2 semaphore(%run_scoped3A : memref<!tpu.dma_semaphore, #tpu.memory_space<semaphore_mem>>) src(%arg3 : memref<106496xf32, #tpu.memory_space<hbm>>) dst(%arg6 : memref<106496xf32, #tpu.memory_space<vmem>>)
        tpu.yield
      }) : () -> ()
      %broadcast_in_dim3A = arith.constant 0x7F800000 : f32
      %broadcast_in_dim3A_9 = vector.broadcast %broadcast_in_dim3A : f32 to vector<16xf32>
      %add3A_10 = arith.constant 0 : i32
      %add3A_11 = arith.addi %mul3A_1, %add3A_10 : i32
      %dma_wait3A = tpu.memref_slice %arg2[%add3A_11] : memref<819200xi32, #tpu.memory_space<hbm>> -> memref<10240xi32, #tpu.memory_space<hbm>>
      %dma_wait3A_12 = tpu.memref_slice %arg2[%add3A_11] : memref<819200xi32, #tpu.memory_space<hbm>> -> memref<10240xi32, #tpu.memory_space<hbm>>
      tpu.wait_dma2 semaphore(%arg10 : memref<!tpu.dma_semaphore, #tpu.memory_space<semaphore_mem>>) src(%dma_wait3A_12 : memref<10240xi32, #tpu.memory_space<hbm>>) dst(%arg7 : memref<10240xi32, #tpu.memory_space<vmem>>)
      %add3A_13 = arith.constant 10240 : i32
      %add3A_14 = arith.addi %mul3A_1, %add3A_13 : i32
      %dma_start3A_15 = tpu.memref_slice %arg2[%add3A_14] : memref<819200xi32, #tpu.memory_space<hbm>> -> memref<10240xi32, #tpu.memory_space<hbm>>
      %dma_start3A_16 = tpu.memref_slice %arg2[%add3A_14] : memref<819200xi32, #tpu.memory_space<hbm>> -> memref<10240xi32, #tpu.memory_space<hbm>>
      tpu.enqueue_dma source(%dma_start3A_16 : memref<10240xi32, #tpu.memory_space<hbm>>) target(%arg8 : memref<10240xi32, #tpu.memory_space<vmem>>) target_semaphore(%arg11 : memref<!tpu.dma_semaphore, #tpu.memory_space<semaphore_mem>>)
      %scan3A = arith.constant 0 : i32
      %scan3A_17 = arith.constant 40 : i32
      %scan3A_18 = arith.addi %scan3A, %scan3A_17 : i32
      %scan3A_19 = arith.constant 1 : i32
      %scan3A_20:4 = scf.for %scan3A_77 = %scan3A to %scan3A_18 step %scan3A_19 iter_args(%scan3A_78 = %broadcast_in_dim3A_9, %scan3A_79 = %broadcast_in_dim3A_9, %scan3A_80 = %broadcast_in_dim3A_9, %scan3A_81 = %broadcast_in_dim3A_9) -> (vector<16xf32>, vector<16xf32>, vector<16xf32>, vector<16xf32>)  : i32 {
        %mul3A_82 = arith.constant 16 : i32
        %mul3A_83 = arith.muli %scan3A_77, %mul3A_82 : i32
        %add3A_84 = arith.constant 0 : i32
        %add3A_85 = arith.addi %mul3A_83, %add3A_84 : i32
        %mul3A_86 = arith.constant 16 : i32
        %mul3A_87 = arith.muli %add3A_85, %mul3A_86 : i32
        %get3A = arith.index_cast %mul3A_87 : i32 to index
        %get3A_88 = tpu.vector_load %arg7[%get3A] {strides = array<i32>} : memref<10240xi32, #tpu.memory_space<vmem>>, vector<16xi32>,
        %mul3A_89 = arith.constant 16 : i32
        %mul3A_90 = arith.muli %scan3A_77, %mul3A_89 : i32
        %add3A_91 = arith.constant 1 : i32
        %add3A_92 = arith.addi %mul3A_90, %add3A_91 : i32
        %mul3A_93 = arith.constant 16 : i32
        %mul3A_94 = arith.muli %add3A_92, %mul3A_93 : i32
        %get3A_95 = arith.index_cast %mul3A_94 : i32 to index
        %get3A_96 = tpu.vector_load %arg7[%get3A_95] {strides = array<i32>} : memref<10240xi32, #tpu.memory_space<vmem>>, vector<16xi32>,
        %mul3A_97 = arith.constant 16 : i32
        %mul3A_98 = arith.muli %scan3A_77, %mul3A_97 : i32
        %add3A_99 = arith.constant 2 : i32
        %add3A_100 = arith.addi %mul3A_98, %add3A_99 : i32
        %mul3A_101 = arith.constant 16 : i32
        %mul3A_102 = arith.muli %add3A_100, %mul3A_101 : i32
        %get3A_103 = arith.index_cast %mul3A_102 : i32 to index
        %get3A_104 = tpu.vector_load %arg7[%get3A_103] {strides = array<i32>} : memref<10240xi32, #tpu.memory_space<vmem>>, vector<16xi32>,
        %mul3A_105 = arith.constant 16 : i32
        %mul3A_106 = arith.muli %scan3A_77, %mul3A_105 : i32
        %add3A_107 = arith.constant 3 : i32
        %add3A_108 = arith.addi %mul3A_106, %add3A_107 : i32
        %mul3A_109 = arith.constant 16 : i32
        %mul3A_110 = arith.muli %add3A_108, %mul3A_109 : i32
        %get3A_111 = arith.index_cast %mul3A_110 : i32 to index
        %get3A_112 = tpu.vector_load %arg7[%get3A_111] {strides = array<i32>} : memref<10240xi32, #tpu.memory_space<vmem>>, vector<16xi32>,
        %mul3A_113 = arith.constant 16 : i32
        %mul3A_114 = arith.muli %scan3A_77, %mul3A_113 : i32
        %add3A_115 = arith.constant 4 : i32
        %add3A_116 = arith.addi %mul3A_114, %add3A_115 : i32
        %mul3A_117 = arith.constant 16 : i32
        %mul3A_118 = arith.muli %add3A_116, %mul3A_117 : i32
        %get3A_119 = arith.index_cast %mul3A_118 : i32 to index
        %get3A_120 = tpu.vector_load %arg7[%get3A_119] {strides = array<i32>} : memref<10240xi32, #tpu.memory_space<vmem>>, vector<16xi32>,
        %mul3A_121 = arith.constant 16 : i32
        %mul3A_122 = arith.muli %scan3A_77, %mul3A_121 : i32
        %add3A_123 = arith.constant 5 : i32
        %add3A_124 = arith.addi %mul3A_122, %add3A_123 : i32
        %mul3A_125 = arith.constant 16 : i32
        %mul3A_126 = arith.muli %add3A_124, %mul3A_125 : i32
        %get3A_127 = arith.index_cast %mul3A_126 : i32 to index
        %get3A_128 = tpu.vector_load %arg7[%get3A_127] {strides = array<i32>} : memref<10240xi32, #tpu.memory_space<vmem>>, vector<16xi32>,
        %mul3A_129 = arith.constant 16 : i32
        %mul3A_130 = arith.muli %scan3A_77, %mul3A_129 : i32
        %add3A_131 = arith.constant 6 : i32
        %add3A_132 = arith.addi %mul3A_130, %add3A_131 : i32
        %mul3A_133 = arith.constant 16 : i32
        %mul3A_134 = arith.muli %add3A_132, %mul3A_133 : i32
        %get3A_135 = arith.index_cast %mul3A_134 : i32 to index
        %get3A_136 = tpu.vector_load %arg7[%get3A_135] {strides = array<i32>} : memref<10240xi32, #tpu.memory_space<vmem>>, vector<16xi32>,
        %mul3A_137 = arith.constant 16 : i32
        %mul3A_138 = arith.muli %scan3A_77, %mul3A_137 : i32
        %add3A_139 = arith.constant 7 : i32
        %add3A_140 = arith.addi %mul3A_138, %add3A_139 : i32
        %mul3A_141 = arith.constant 16 : i32
        %mul3A_142 = arith.muli %add3A_140, %mul3A_141 : i32
        %get3A_143 = arith.index_cast %mul3A_142 : i32 to index
        %get3A_144 = tpu.vector_load %arg7[%get3A_143] {strides = array<i32>} : memref<10240xi32, #tpu.memory_space<vmem>>, vector<16xi32>,
        %mul3A_145 = arith.constant 16 : i32
        %mul3A_146 = arith.muli %scan3A_77, %mul3A_145 : i32
        %add3A_147 = arith.constant 8 : i32
        %add3A_148 = arith.addi %mul3A_146, %add3A_147 : i32
        %mul3A_149 = arith.constant 16 : i32
        %mul3A_150 = arith.muli %add3A_148, %mul3A_149 : i32
        %get3A_151 = arith.index_cast %mul3A_150 : i32 to index
        %get3A_152 = tpu.vector_load %arg7[%get3A_151] {strides = array<i32>} : memref<10240xi32, #tpu.memory_space<vmem>>, vector<16xi32>,
        %mul3A_153 = arith.constant 16 : i32
        %mul3A_154 = arith.muli %scan3A_77, %mul3A_153 : i32
        %add3A_155 = arith.constant 9 : i32
        %add3A_156 = arith.addi %mul3A_154, %add3A_155 : i32
        %mul3A_157 = arith.constant 16 : i32
        %mul3A_158 = arith.muli %add3A_156, %mul3A_157 : i32
        %get3A_159 = arith.index_cast %mul3A_158 : i32 to index
        %get3A_160 = tpu.vector_load %arg7[%get3A_159] {strides = array<i32>} : memref<10240xi32, #tpu.memory_space<vmem>>, vector<16xi32>,
        %mul3A_161 = arith.constant 16 : i32
        %mul3A_162 = arith.muli %scan3A_77, %mul3A_161 : i32
        %add3A_163 = arith.constant 10 : i32
        %add3A_164 = arith.addi %mul3A_162, %add3A_163 : i32
        %mul3A_165 = arith.constant 16 : i32
        %mul3A_166 = arith.muli %add3A_164, %mul3A_165 : i32
        %get3A_167 = arith.index_cast %mul3A_166 : i32 to index
        %get3A_168 = tpu.vector_load %arg7[%get3A_167] {strides = array<i32>} : memref<10240xi32, #tpu.memory_space<vmem>>, vector<16xi32>,
        %mul3A_169 = arith.constant 16 : i32
        %mul3A_170 = arith.muli %scan3A_77, %mul3A_169 : i32
        %add3A_171 = arith.constant 11 : i32
        %add3A_172 = arith.addi %mul3A_170, %add3A_171 : i32
        %mul3A_173 = arith.constant 16 : i32
        %mul3A_174 = arith.muli %add3A_172, %mul3A_173 : i32
        %get3A_175 = arith.index_cast %mul3A_174 : i32 to index
        %get3A_176 = tpu.vector_load %arg7[%get3A_175] {strides = array<i32>} : memref<10240xi32, #tpu.memory_space<vmem>>, vector<16xi32>,
        %mul3A_177 = arith.constant 16 : i32
        %mul3A_178 = arith.muli %scan3A_77, %mul3A_177 : i32
        %add3A_179 = arith.constant 12 : i32
        %add3A_180 = arith.addi %mul3A_178, %add3A_179 : i32
        %mul3A_181 = arith.constant 16 : i32
        %mul3A_182 = arith.muli %add3A_180, %mul3A_181 : i32
        %get3A_183 = arith.index_cast %mul3A_182 : i32 to index
        %get3A_184 = tpu.vector_load %arg7[%get3A_183] {strides = array<i32>} : memref<10240xi32, #tpu.memory_space<vmem>>, vector<16xi32>,
        %mul3A_185 = arith.constant 16 : i32
        %mul3A_186 = arith.muli %scan3A_77, %mul3A_185 : i32
        %add3A_187 = arith.constant 13 : i32
        %add3A_188 = arith.addi %mul3A_186, %add3A_187 : i32
        %mul3A_189 = arith.constant 16 : i32
        %mul3A_190 = arith.muli %add3A_188, %mul3A_189 : i32
        %get3A_191 = arith.index_cast %mul3A_190 : i32 to index
        %get3A_192 = tpu.vector_load %arg7[%get3A_191] {strides = array<i32>} : memref<10240xi32, #tpu.memory_space<vmem>>, vector<16xi32>,
        %mul3A_193 = arith.constant 16 : i32
        %mul3A_194 = arith.muli %scan3A_77, %mul3A_193 : i32
        %add3A_195 = arith.constant 14 : i32
        %add3A_196 = arith.addi %mul3A_194, %add3A_195 : i32
        %mul3A_197 = arith.constant 16 : i32
        %mul3A_198 = arith.muli %add3A_196, %mul3A_197 : i32
        %get3A_199 = arith.index_cast %mul3A_198 : i32 to index
        %get3A_200 = tpu.vector_load %arg7[%get3A_199] {strides = array<i32>} : memref<10240xi32, #tpu.memory_space<vmem>>, vector<16xi32>,
        %mul3A_201 = arith.constant 16 : i32
        %mul3A_202 = arith.muli %scan3A_77, %mul3A_201 : i32
        %add3A_203 = arith.constant 15 : i32
        %add3A_204 = arith.addi %mul3A_202, %add3A_203 : i32
        %mul3A_205 = arith.constant 16 : i32
        %mul3A_206 = arith.muli %add3A_204, %mul3A_205 : i32
        %get3A_207 = arith.index_cast %mul3A_206 : i32 to index
        %get3A_208 = tpu.vector_load %arg7[%get3A_207] {strides = array<i32>} : memref<10240xi32, #tpu.memory_space<vmem>>, vector<16xi32>,
        %gather3A = tpu.vector_load_idx %arg6[%get3A_88] : memref<106496xf32, #tpu.memory_space<vmem>>[vector<16xi32>], vector<16xf32>,
        %gather3A_209 = tpu.vector_load_idx %arg6[%get3A_96] : memref<106496xf32, #tpu.memory_space<vmem>>[vector<16xi32>], vector<16xf32>,
        %gather3A_210 = tpu.vector_load_idx %arg6[%get3A_104] : memref<106496xf32, #tpu.memory_space<vmem>>[vector<16xi32>], vector<16xf32>,
        %gather3A_211 = tpu.vector_load_idx %arg6[%get3A_112] : memref<106496xf32, #tpu.memory_space<vmem>>[vector<16xi32>], vector<16xf32>,
        %gather3A_212 = tpu.vector_load_idx %arg6[%get3A_120] : memref<106496xf32, #tpu.memory_space<vmem>>[vector<16xi32>], vector<16xf32>,
        %gather3A_213 = tpu.vector_load_idx %arg6[%get3A_128] : memref<106496xf32, #tpu.memory_space<vmem>>[vector<16xi32>], vector<16xf32>,
        %gather3A_214 = tpu.vector_load_idx %arg6[%get3A_136] : memref<106496xf32, #tpu.memory_space<vmem>>[vector<16xi32>], vector<16xf32>,
        %gather3A_215 = tpu.vector_load_idx %arg6[%get3A_144] : memref<106496xf32, #tpu.memory_space<vmem>>[vector<16xi32>], vector<16xf32>,
        %gather3A_216 = tpu.vector_load_idx %arg6[%get3A_152] : memref<106496xf32, #tpu.memory_space<vmem>>[vector<16xi32>], vector<16xf32>,
        %gather3A_217 = tpu.vector_load_idx %arg6[%get3A_160] : memref<106496xf32, #tpu.memory_space<vmem>>[vector<16xi32>], vector<16xf32>,
        %gather3A_218 = tpu.vector_load_idx %arg6[%get3A_168] : memref<106496xf32, #tpu.memory_space<vmem>>[vector<16xi32>], vector<16xf32>,
        %gather3A_219 = tpu.vector_load_idx %arg6[%get3A_176] : memref<106496xf32, #tpu.memory_space<vmem>>[vector<16xi32>], vector<16xf32>,
        %gather3A_220 = tpu.vector_load_idx %arg6[%get3A_184] : memref<106496xf32, #tpu.memory_space<vmem>>[vector<16xi32>], vector<16xf32>,
        %gather3A_221 = tpu.vector_load_idx %arg6[%get3A_192] : memref<106496xf32, #tpu.memory_space<vmem>>[vector<16xi32>], vector<16xf32>,
        %gather3A_222 = tpu.vector_load_idx %arg6[%get3A_200] : memref<106496xf32, #tpu.memory_space<vmem>>[vector<16xi32>], vector<16xf32>,
        %gather3A_223 = tpu.vector_load_idx %arg6[%get3A_208] : memref<106496xf32, #tpu.memory_space<vmem>>[vector<16xi32>], vector<16xf32>,
        %min3A_224 = arith.minimumf %scan3A_78, %gather3A : vector<16xf32>
        %min3A_225 = arith.minimumf %scan3A_79, %gather3A_209 : vector<16xf32>
        %min3A_226 = arith.minimumf %scan3A_80, %gather3A_210 : vector<16xf32>
        %min3A_227 = arith.minimumf %scan3A_81, %gather3A_211 : vector<16xf32>
        %min3A_228 = arith.minimumf %min3A_224, %gather3A_212 : vector<16xf32>
        %min3A_229 = arith.minimumf %min3A_225, %gather3A_213 : vector<16xf32>
        %min3A_230 = arith.minimumf %min3A_226, %gather3A_214 : vector<16xf32>
        %min3A_231 = arith.minimumf %min3A_227, %gather3A_215 : vector<16xf32>
        %min3A_232 = arith.minimumf %min3A_228, %gather3A_216 : vector<16xf32>
        %min3A_233 = arith.minimumf %min3A_229, %gather3A_217 : vector<16xf32>
        %min3A_234 = arith.minimumf %min3A_230, %gather3A_218 : vector<16xf32>
        %min3A_235 = arith.minimumf %min3A_231, %gather3A_219 : vector<16xf32>
        %min3A_236 = arith.minimumf %min3A_232, %gather3A_220 : vector<16xf32>
        %min3A_237 = arith.minimumf %min3A_233, %gather3A_221 : vector<16xf32>
        %min3A_238 = arith.minimumf %min3A_234, %gather3A_222 : vector<16xf32>
        %min3A_239 = arith.minimumf %min3A_235, %gather3A_223 : vector<16xf32>
        scf.yield %min3A_236, %min3A_237, %min3A_238, %min3A_239 : vector<16xf32>, vector<16xf32>, vector<16xf32>, vector<16xf32>
      }
      %scan3A_21 = arith.constant 40 : i32
      %add3A_22 = arith.constant 10240 : i32
      %add3A_23 = arith.addi %mul3A_1, %add3A_22 : i32
      %dma_wait3A_24 = tpu.memref_slice %arg2[%add3A_23] : memref<819200xi32, #tpu.memory_space<hbm>> -> memref<10240xi32, #tpu.memory_space<hbm>>
      %dma_wait3A_25 = tpu.memref_slice %arg2[%add3A_23] : memref<819200xi32, #tpu.memory_space<hbm>> -> memref<10240xi32, #tpu.memory_space<hbm>>
      tpu.wait_dma2 semaphore(%arg11 : memref<!tpu.dma_semaphore, #tpu.memory_space<semaphore_mem>>) src(%dma_wait3A_25 : memref<10240xi32, #tpu.memory_space<hbm>>) dst(%arg8 : memref<10240xi32, #tpu.memory_space<vmem>>)
      %add3A_26 = arith.constant 20480 : i32
      %add3A_27 = arith.addi %mul3A_1, %add3A_26 : i32
      %dma_start3A_28 = tpu.memref_slice %arg2[%add3A_27] : memref<819200xi32, #tpu.memory_space<hbm>> -> memref<10240xi32, #tpu.memory_space<hbm>>
      %dma_start3A_29 = tpu.memref_slice %arg2[%add3A_27] : memref<819200xi32, #tpu.memory_space<hbm>> -> memref<10240xi32, #tpu.memory_space<hbm>>
      tpu.enqueue_dma source(%dma_start3A_29 : memref<10240xi32, #tpu.memory_space<hbm>>) target(%arg7 : memref<10240xi32, #tpu.memory_space<vmem>>) target_semaphore(%arg10 : memref<!tpu.dma_semaphore, #tpu.memory_space<semaphore_mem>>)
      %scan3A_30 = arith.constant 0 : i32
      %scan3A_31 = arith.constant 40 : i32
      %scan3A_32 = arith.addi %scan3A_30, %scan3A_31 : i32
      %scan3A_33 = arith.constant 1 : i32
      %scan3A_34:4 = scf.for %scan3A_77 = %scan3A_30 to %scan3A_32 step %scan3A_33 iter_args(%scan3A_78 = %scan3A_20#0, %scan3A_79 = %scan3A_20#1, %scan3A_80 = %scan3A_20#2, %scan3A_81 = %scan3A_20#3) -> (vector<16xf32>, vector<16xf32>, vector<16xf32>, vector<16xf32>)  : i32 {
        %mul3A_82 = arith.constant 16 : i32
        %mul3A_83 = arith.muli %scan3A_77, %mul3A_82 : i32
        %add3A_84 = arith.constant 0 : i32
        %add3A_85 = arith.addi %mul3A_83, %add3A_84 : i32
        %mul3A_86 = arith.constant 16 : i32
        %mul3A_87 = arith.muli %add3A_85, %mul3A_86 : i32
        %get3A = arith.index_cast %mul3A_87 : i32 to index
        %get3A_88 = tpu.vector_load %arg8[%get3A] {strides = array<i32>} : memref<10240xi32, #tpu.memory_space<vmem>>, vector<16xi32>,
        %mul3A_89 = arith.constant 16 : i32
        %mul3A_90 = arith.muli %scan3A_77, %mul3A_89 : i32
        %add3A_91 = arith.constant 1 : i32
        %add3A_92 = arith.addi %mul3A_90, %add3A_91 : i32
        %mul3A_93 = arith.constant 16 : i32
        %mul3A_94 = arith.muli %add3A_92, %mul3A_93 : i32
        %get3A_95 = arith.index_cast %mul3A_94 : i32 to index
        %get3A_96 = tpu.vector_load %arg8[%get3A_95] {strides = array<i32>} : memref<10240xi32, #tpu.memory_space<vmem>>, vector<16xi32>,
        %mul3A_97 = arith.constant 16 : i32
        %mul3A_98 = arith.muli %scan3A_77, %mul3A_97 : i32
        %add3A_99 = arith.constant 2 : i32
        %add3A_100 = arith.addi %mul3A_98, %add3A_99 : i32
        %mul3A_101 = arith.constant 16 : i32
        %mul3A_102 = arith.muli %add3A_100, %mul3A_101 : i32
        %get3A_103 = arith.index_cast %mul3A_102 : i32 to index
        %get3A_104 = tpu.vector_load %arg8[%get3A_103] {strides = array<i32>} : memref<10240xi32, #tpu.memory_space<vmem>>, vector<16xi32>,
        %mul3A_105 = arith.constant 16 : i32
        %mul3A_106 = arith.muli %scan3A_77, %mul3A_105 : i32
        %add3A_107 = arith.constant 3 : i32
        %add3A_108 = arith.addi %mul3A_106, %add3A_107 : i32
        %mul3A_109 = arith.constant 16 : i32
        %mul3A_110 = arith.muli %add3A_108, %mul3A_109 : i32
        %get3A_111 = arith.index_cast %mul3A_110 : i32 to index
        %get3A_112 = tpu.vector_load %arg8[%get3A_111] {strides = array<i32>} : memref<10240xi32, #tpu.memory_space<vmem>>, vector<16xi32>,
        %mul3A_113 = arith.constant 16 : i32
        %mul3A_114 = arith.muli %scan3A_77, %mul3A_113 : i32
        %add3A_115 = arith.constant 4 : i32
        %add3A_116 = arith.addi %mul3A_114, %add3A_115 : i32
        %mul3A_117 = arith.constant 16 : i32
        %mul3A_118 = arith.muli %add3A_116, %mul3A_117 : i32
        %get3A_119 = arith.index_cast %mul3A_118 : i32 to index
        %get3A_120 = tpu.vector_load %arg8[%get3A_119] {strides = array<i32>} : memref<10240xi32, #tpu.memory_space<vmem>>, vector<16xi32>,
        %mul3A_121 = arith.constant 16 : i32
        %mul3A_122 = arith.muli %scan3A_77, %mul3A_121 : i32
        %add3A_123 = arith.constant 5 : i32
        %add3A_124 = arith.addi %mul3A_122, %add3A_123 : i32
        %mul3A_125 = arith.constant 16 : i32
        %mul3A_126 = arith.muli %add3A_124, %mul3A_125 : i32
        %get3A_127 = arith.index_cast %mul3A_126 : i32 to index
        %get3A_128 = tpu.vector_load %arg8[%get3A_127] {strides = array<i32>} : memref<10240xi32, #tpu.memory_space<vmem>>, vector<16xi32>,
        %mul3A_129 = arith.constant 16 : i32
        %mul3A_130 = arith.muli %scan3A_77, %mul3A_129 : i32
        %add3A_131 = arith.constant 6 : i32
        %add3A_132 = arith.addi %mul3A_130, %add3A_131 : i32
        %mul3A_133 = arith.constant 16 : i32
        %mul3A_134 = arith.muli %add3A_132, %mul3A_133 : i32
        %get3A_135 = arith.index_cast %mul3A_134 : i32 to index
        %get3A_136 = tpu.vector_load %arg8[%get3A_135] {strides = array<i32>} : memref<10240xi32, #tpu.memory_space<vmem>>, vector<16xi32>,
        %mul3A_137 = arith.constant 16 : i32
        %mul3A_138 = arith.muli %scan3A_77, %mul3A_137 : i32
        %add3A_139 = arith.constant 7 : i32
        %add3A_140 = arith.addi %mul3A_138, %add3A_139 : i32
        %mul3A_141 = arith.constant 16 : i32
        %mul3A_142 = arith.muli %add3A_140, %mul3A_141 : i32
        %get3A_143 = arith.index_cast %mul3A_142 : i32 to index
        %get3A_144 = tpu.vector_load %arg8[%get3A_143] {strides = array<i32>} : memref<10240xi32, #tpu.memory_space<vmem>>, vector<16xi32>,
        %mul3A_145 = arith.constant 16 : i32
        %mul3A_146 = arith.muli %scan3A_77, %mul3A_145 : i32
        %add3A_147 = arith.constant 8 : i32
        %add3A_148 = arith.addi %mul3A_146, %add3A_147 : i32
        %mul3A_149 = arith.constant 16 : i32
        %mul3A_150 = arith.muli %add3A_148, %mul3A_149 : i32
        %get3A_151 = arith.index_cast %mul3A_150 : i32 to index
        %get3A_152 = tpu.vector_load %arg8[%get3A_151] {strides = array<i32>} : memref<10240xi32, #tpu.memory_space<vmem>>, vector<16xi32>,
        %mul3A_153 = arith.constant 16 : i32
        %mul3A_154 = arith.muli %scan3A_77, %mul3A_153 : i32
        %add3A_155 = arith.constant 9 : i32
        %add3A_156 = arith.addi %mul3A_154, %add3A_155 : i32
        %mul3A_157 = arith.constant 16 : i32
        %mul3A_158 = arith.muli %add3A_156, %mul3A_157 : i32
        %get3A_159 = arith.index_cast %mul3A_158 : i32 to index
        %get3A_160 = tpu.vector_load %arg8[%get3A_159] {strides = array<i32>} : memref<10240xi32, #tpu.memory_space<vmem>>, vector<16xi32>,
        %mul3A_161 = arith.constant 16 : i32
        %mul3A_162 = arith.muli %scan3A_77, %mul3A_161 : i32
        %add3A_163 = arith.constant 10 : i32
        %add3A_164 = arith.addi %mul3A_162, %add3A_163 : i32
        %mul3A_165 = arith.constant 16 : i32
        %mul3A_166 = arith.muli %add3A_164, %mul3A_165 : i32
        %get3A_167 = arith.index_cast %mul3A_166 : i32 to index
        %get3A_168 = tpu.vector_load %arg8[%get3A_167] {strides = array<i32>} : memref<10240xi32, #tpu.memory_space<vmem>>, vector<16xi32>,
        %mul3A_169 = arith.constant 16 : i32
        %mul3A_170 = arith.muli %scan3A_77, %mul3A_169 : i32
        %add3A_171 = arith.constant 11 : i32
        %add3A_172 = arith.addi %mul3A_170, %add3A_171 : i32
        %mul3A_173 = arith.constant 16 : i32
        %mul3A_174 = arith.muli %add3A_172, %mul3A_173 : i32
        %get3A_175 = arith.index_cast %mul3A_174 : i32 to index
        %get3A_176 = tpu.vector_load %arg8[%get3A_175] {strides = array<i32>} : memref<10240xi32, #tpu.memory_space<vmem>>, vector<16xi32>,
        %mul3A_177 = arith.constant 16 : i32
        %mul3A_178 = arith.muli %scan3A_77, %mul3A_177 : i32
        %add3A_179 = arith.constant 12 : i32
        %add3A_180 = arith.addi %mul3A_178, %add3A_179 : i32
        %mul3A_181 = arith.constant 16 : i32
        %mul3A_182 = arith.muli %add3A_180, %mul3A_181 : i32
        %get3A_183 = arith.index_cast %mul3A_182 : i32 to index
        %get3A_184 = tpu.vector_load %arg8[%get3A_183] {strides = array<i32>} : memref<10240xi32, #tpu.memory_space<vmem>>, vector<16xi32>,
        %mul3A_185 = arith.constant 16 : i32
        %mul3A_186 = arith.muli %scan3A_77, %mul3A_185 : i32
        %add3A_187 = arith.constant 13 : i32
        %add3A_188 = arith.addi %mul3A_186, %add3A_187 : i32
        %mul3A_189 = arith.constant 16 : i32
        %mul3A_190 = arith.muli %add3A_188, %mul3A_189 : i32
        %get3A_191 = arith.index_cast %mul3A_190 : i32 to index
        %get3A_192 = tpu.vector_load %arg8[%get3A_191] {strides = array<i32>} : memref<10240xi32, #tpu.memory_space<vmem>>, vector<16xi32>,
        %mul3A_193 = arith.constant 16 : i32
        %mul3A_194 = arith.muli %scan3A_77, %mul3A_193 : i32
        %add3A_195 = arith.constant 14 : i32
        %add3A_196 = arith.addi %mul3A_194, %add3A_195 : i32
        %mul3A_197 = arith.constant 16 : i32
        %mul3A_198 = arith.muli %add3A_196, %mul3A_197 : i32
        %get3A_199 = arith.index_cast %mul3A_198 : i32 to index
        %get3A_200 = tpu.vector_load %arg8[%get3A_199] {strides = array<i32>} : memref<10240xi32, #tpu.memory_space<vmem>>, vector<16xi32>,
        %mul3A_201 = arith.constant 16 : i32
        %mul3A_202 = arith.muli %scan3A_77, %mul3A_201 : i32
        %add3A_203 = arith.constant 15 : i32
        %add3A_204 = arith.addi %mul3A_202, %add3A_203 : i32
        %mul3A_205 = arith.constant 16 : i32
        %mul3A_206 = arith.muli %add3A_204, %mul3A_205 : i32
        %get3A_207 = arith.index_cast %mul3A_206 : i32 to index
        %get3A_208 = tpu.vector_load %arg8[%get3A_207] {strides = array<i32>} : memref<10240xi32, #tpu.memory_space<vmem>>, vector<16xi32>,
        %gather3A = tpu.vector_load_idx %arg6[%get3A_88] : memref<106496xf32, #tpu.memory_space<vmem>>[vector<16xi32>], vector<16xf32>,
        %gather3A_209 = tpu.vector_load_idx %arg6[%get3A_96] : memref<106496xf32, #tpu.memory_space<vmem>>[vector<16xi32>], vector<16xf32>,
        %gather3A_210 = tpu.vector_load_idx %arg6[%get3A_104] : memref<106496xf32, #tpu.memory_space<vmem>>[vector<16xi32>], vector<16xf32>,
        %gather3A_211 = tpu.vector_load_idx %arg6[%get3A_112] : memref<106496xf32, #tpu.memory_space<vmem>>[vector<16xi32>], vector<16xf32>,
        %gather3A_212 = tpu.vector_load_idx %arg6[%get3A_120] : memref<106496xf32, #tpu.memory_space<vmem>>[vector<16xi32>], vector<16xf32>,
        %gather3A_213 = tpu.vector_load_idx %arg6[%get3A_128] : memref<106496xf32, #tpu.memory_space<vmem>>[vector<16xi32>], vector<16xf32>,
        %gather3A_214 = tpu.vector_load_idx %arg6[%get3A_136] : memref<106496xf32, #tpu.memory_space<vmem>>[vector<16xi32>], vector<16xf32>,
        %gather3A_215 = tpu.vector_load_idx %arg6[%get3A_144] : memref<106496xf32, #tpu.memory_space<vmem>>[vector<16xi32>], vector<16xf32>,
        %gather3A_216 = tpu.vector_load_idx %arg6[%get3A_152] : memref<106496xf32, #tpu.memory_space<vmem>>[vector<16xi32>], vector<16xf32>,
        %gather3A_217 = tpu.vector_load_idx %arg6[%get3A_160] : memref<106496xf32, #tpu.memory_space<vmem>>[vector<16xi32>], vector<16xf32>,
        %gather3A_218 = tpu.vector_load_idx %arg6[%get3A_168] : memref<106496xf32, #tpu.memory_space<vmem>>[vector<16xi32>], vector<16xf32>,
        %gather3A_219 = tpu.vector_load_idx %arg6[%get3A_176] : memref<106496xf32, #tpu.memory_space<vmem>>[vector<16xi32>], vector<16xf32>,
        %gather3A_220 = tpu.vector_load_idx %arg6[%get3A_184] : memref<106496xf32, #tpu.memory_space<vmem>>[vector<16xi32>], vector<16xf32>,
        %gather3A_221 = tpu.vector_load_idx %arg6[%get3A_192] : memref<106496xf32, #tpu.memory_space<vmem>>[vector<16xi32>], vector<16xf32>,
        %gather3A_222 = tpu.vector_load_idx %arg6[%get3A_200] : memref<106496xf32, #tpu.memory_space<vmem>>[vector<16xi32>], vector<16xf32>,
        %gather3A_223 = tpu.vector_load_idx %arg6[%get3A_208] : memref<106496xf32, #tpu.memory_space<vmem>>[vector<16xi32>], vector<16xf32>,
        %min3A_224 = arith.minimumf %scan3A_78, %gather3A : vector<16xf32>
        %min3A_225 = arith.minimumf %scan3A_79, %gather3A_209 : vector<16xf32>
        %min3A_226 = arith.minimumf %scan3A_80, %gather3A_210 : vector<16xf32>
        %min3A_227 = arith.minimumf %scan3A_81, %gather3A_211 : vector<16xf32>
        %min3A_228 = arith.minimumf %min3A_224, %gather3A_212 : vector<16xf32>
        %min3A_229 = arith.minimumf %min3A_225, %gather3A_213 : vector<16xf32>
        %min3A_230 = arith.minimumf %min3A_226, %gather3A_214 : vector<16xf32>
        %min3A_231 = arith.minimumf %min3A_227, %gather3A_215 : vector<16xf32>
        %min3A_232 = arith.minimumf %min3A_228, %gather3A_216 : vector<16xf32>
        %min3A_233 = arith.minimumf %min3A_229, %gather3A_217 : vector<16xf32>
        %min3A_234 = arith.minimumf %min3A_230, %gather3A_218 : vector<16xf32>
        %min3A_235 = arith.minimumf %min3A_231, %gather3A_219 : vector<16xf32>
        %min3A_236 = arith.minimumf %min3A_232, %gather3A_220 : vector<16xf32>
        %min3A_237 = arith.minimumf %min3A_233, %gather3A_221 : vector<16xf32>
        %min3A_238 = arith.minimumf %min3A_234, %gather3A_222 : vector<16xf32>
        %min3A_239 = arith.minimumf %min3A_235, %gather3A_223 : vector<16xf32>
        scf.yield %min3A_236, %min3A_237, %min3A_238, %min3A_239 : vector<16xf32>, vector<16xf32>, vector<16xf32>, vector<16xf32>
      }
      %scan3A_35 = arith.constant 40 : i32
      %add3A_36 = arith.constant 20480 : i32
      %add3A_37 = arith.addi %mul3A_1, %add3A_36 : i32
      %dma_wait3A_38 = tpu.memref_slice %arg2[%add3A_37] : memref<819200xi32, #tpu.memory_space<hbm>> -> memref<10240xi32, #tpu.memory_space<hbm>>
      %dma_wait3A_39 = tpu.memref_slice %arg2[%add3A_37] : memref<819200xi32, #tpu.memory_space<hbm>> -> memref<10240xi32, #tpu.memory_space<hbm>>
      tpu.wait_dma2 semaphore(%arg10 : memref<!tpu.dma_semaphore, #tpu.memory_space<semaphore_mem>>) src(%dma_wait3A_39 : memref<10240xi32, #tpu.memory_space<hbm>>) dst(%arg7 : memref<10240xi32, #tpu.memory_space<vmem>>)
      %add3A_40 = arith.constant 30720 : i32
      %add3A_41 = arith.addi %mul3A_1, %add3A_40 : i32
      %dma_start3A_42 = tpu.memref_slice %arg2[%add3A_41] : memref<819200xi32, #tpu.memory_space<hbm>> -> memref<10240xi32, #tpu.memory_space<hbm>>
      %dma_start3A_43 = tpu.memref_slice %arg2[%add3A_41] : memref<819200xi32, #tpu.memory_space<hbm>> -> memref<10240xi32, #tpu.memory_space<hbm>>
      tpu.enqueue_dma source(%dma_start3A_43 : memref<10240xi32, #tpu.memory_space<hbm>>) target(%arg8 : memref<10240xi32, #tpu.memory_space<vmem>>) target_semaphore(%arg11 : memref<!tpu.dma_semaphore, #tpu.memory_space<semaphore_mem>>)
      %scan3A_44 = arith.constant 0 : i32
      %scan3A_45 = arith.constant 40 : i32
      %scan3A_46 = arith.addi %scan3A_44, %scan3A_45 : i32
      %scan3A_47 = arith.constant 1 : i32
      %scan3A_48:4 = scf.for %scan3A_77 = %scan3A_44 to %scan3A_46 step %scan3A_47 iter_args(%scan3A_78 = %scan3A_34#0, %scan3A_79 = %scan3A_34#1, %scan3A_80 = %scan3A_34#2, %scan3A_81 = %scan3A_34#3) -> (vector<16xf32>, vector<16xf32>, vector<16xf32>, vector<16xf32>)  : i32 {
        %mul3A_82 = arith.constant 16 : i32
        %mul3A_83 = arith.muli %scan3A_77, %mul3A_82 : i32
        %add3A_84 = arith.constant 0 : i32
        %add3A_85 = arith.addi %mul3A_83, %add3A_84 : i32
        %mul3A_86 = arith.constant 16 : i32
        %mul3A_87 = arith.muli %add3A_85, %mul3A_86 : i32
        %get3A = arith.index_cast %mul3A_87 : i32 to index
        %get3A_88 = tpu.vector_load %arg7[%get3A] {strides = array<i32>} : memref<10240xi32, #tpu.memory_space<vmem>>, vector<16xi32>,
        %mul3A_89 = arith.constant 16 : i32
        %mul3A_90 = arith.muli %scan3A_77, %mul3A_89 : i32
        %add3A_91 = arith.constant 1 : i32
        %add3A_92 = arith.addi %mul3A_90, %add3A_91 : i32
        %mul3A_93 = arith.constant 16 : i32
        %mul3A_94 = arith.muli %add3A_92, %mul3A_93 : i32
        %get3A_95 = arith.index_cast %mul3A_94 : i32 to index
        %get3A_96 = tpu.vector_load %arg7[%get3A_95] {strides = array<i32>} : memref<10240xi32, #tpu.memory_space<vmem>>, vector<16xi32>,
        %mul3A_97 = arith.constant 16 : i32
        %mul3A_98 = arith.muli %scan3A_77, %mul3A_97 : i32
        %add3A_99 = arith.constant 2 : i32
        %add3A_100 = arith.addi %mul3A_98, %add3A_99 : i32
        %mul3A_101 = arith.constant 16 : i32
        %mul3A_102 = arith.muli %add3A_100, %mul3A_101 : i32
        %get3A_103 = arith.index_cast %mul3A_102 : i32 to index
        %get3A_104 = tpu.vector_load %arg7[%get3A_103] {strides = array<i32>} : memref<10240xi32, #tpu.memory_space<vmem>>, vector<16xi32>,
        %mul3A_105 = arith.constant 16 : i32
        %mul3A_106 = arith.muli %scan3A_77, %mul3A_105 : i32
        %add3A_107 = arith.constant 3 : i32
        %add3A_108 = arith.addi %mul3A_106, %add3A_107 : i32
        %mul3A_109 = arith.constant 16 : i32
        %mul3A_110 = arith.muli %add3A_108, %mul3A_109 : i32
        %get3A_111 = arith.index_cast %mul3A_110 : i32 to index
        %get3A_112 = tpu.vector_load %arg7[%get3A_111] {strides = array<i32>} : memref<10240xi32, #tpu.memory_space<vmem>>, vector<16xi32>,
        %mul3A_113 = arith.constant 16 : i32
        %mul3A_114 = arith.muli %scan3A_77, %mul3A_113 : i32
        %add3A_115 = arith.constant 4 : i32
        %add3A_116 = arith.addi %mul3A_114, %add3A_115 : i32
        %mul3A_117 = arith.constant 16 : i32
        %mul3A_118 = arith.muli %add3A_116, %mul3A_117 : i32
        %get3A_119 = arith.index_cast %mul3A_118 : i32 to index
        %get3A_120 = tpu.vector_load %arg7[%get3A_119] {strides = array<i32>} : memref<10240xi32, #tpu.memory_space<vmem>>, vector<16xi32>,
        %mul3A_121 = arith.constant 16 : i32
        %mul3A_122 = arith.muli %scan3A_77, %mul3A_121 : i32
        %add3A_123 = arith.constant 5 : i32
        %add3A_124 = arith.addi %mul3A_122, %add3A_123 : i32
        %mul3A_125 = arith.constant 16 : i32
        %mul3A_126 = arith.muli %add3A_124, %mul3A_125 : i32
        %get3A_127 = arith.index_cast %mul3A_126 : i32 to index
        %get3A_128 = tpu.vector_load %arg7[%get3A_127] {strides = array<i32>} : memref<10240xi32, #tpu.memory_space<vmem>>, vector<16xi32>,
        %mul3A_129 = arith.constant 16 : i32
        %mul3A_130 = arith.muli %scan3A_77, %mul3A_129 : i32
        %add3A_131 = arith.constant 6 : i32
        %add3A_132 = arith.addi %mul3A_130, %add3A_131 : i32
        %mul3A_133 = arith.constant 16 : i32
        %mul3A_134 = arith.muli %add3A_132, %mul3A_133 : i32
        %get3A_135 = arith.index_cast %mul3A_134 : i32 to index
        %get3A_136 = tpu.vector_load %arg7[%get3A_135] {strides = array<i32>} : memref<10240xi32, #tpu.memory_space<vmem>>, vector<16xi32>,
        %mul3A_137 = arith.constant 16 : i32
        %mul3A_138 = arith.muli %scan3A_77, %mul3A_137 : i32
        %add3A_139 = arith.constant 7 : i32
        %add3A_140 = arith.addi %mul3A_138, %add3A_139 : i32
        %mul3A_141 = arith.constant 16 : i32
        %mul3A_142 = arith.muli %add3A_140, %mul3A_141 : i32
        %get3A_143 = arith.index_cast %mul3A_142 : i32 to index
        %get3A_144 = tpu.vector_load %arg7[%get3A_143] {strides = array<i32>} : memref<10240xi32, #tpu.memory_space<vmem>>, vector<16xi32>,
        %mul3A_145 = arith.constant 16 : i32
        %mul3A_146 = arith.muli %scan3A_77, %mul3A_145 : i32
        %add3A_147 = arith.constant 8 : i32
        %add3A_148 = arith.addi %mul3A_146, %add3A_147 : i32
        %mul3A_149 = arith.constant 16 : i32
        %mul3A_150 = arith.muli %add3A_148, %mul3A_149 : i32
        %get3A_151 = arith.index_cast %mul3A_150 : i32 to index
        %get3A_152 = tpu.vector_load %arg7[%get3A_151] {strides = array<i32>} : memref<10240xi32, #tpu.memory_space<vmem>>, vector<16xi32>,
        %mul3A_153 = arith.constant 16 : i32
        %mul3A_154 = arith.muli %scan3A_77, %mul3A_153 : i32
        %add3A_155 = arith.constant 9 : i32
        %add3A_156 = arith.addi %mul3A_154, %add3A_155 : i32
        %mul3A_157 = arith.constant 16 : i32
        %mul3A_158 = arith.muli %add3A_156, %mul3A_157 : i32
        %get3A_159 = arith.index_cast %mul3A_158 : i32 to index
        %get3A_160 = tpu.vector_load %arg7[%get3A_159] {strides = array<i32>} : memref<10240xi32, #tpu.memory_space<vmem>>, vector<16xi32>,
        %mul3A_161 = arith.constant 16 : i32
        %mul3A_162 = arith.muli %scan3A_77, %mul3A_161 : i32
        %add3A_163 = arith.constant 10 : i32
        %add3A_164 = arith.addi %mul3A_162, %add3A_163 : i32
        %mul3A_165 = arith.constant 16 : i32
        %mul3A_166 = arith.muli %add3A_164, %mul3A_165 : i32
        %get3A_167 = arith.index_cast %mul3A_166 : i32 to index
        %get3A_168 = tpu.vector_load %arg7[%get3A_167] {strides = array<i32>} : memref<10240xi32, #tpu.memory_space<vmem>>, vector<16xi32>,
        %mul3A_169 = arith.constant 16 : i32
        %mul3A_170 = arith.muli %scan3A_77, %mul3A_169 : i32
        %add3A_171 = arith.constant 11 : i32
        %add3A_172 = arith.addi %mul3A_170, %add3A_171 : i32
        %mul3A_173 = arith.constant 16 : i32
        %mul3A_174 = arith.muli %add3A_172, %mul3A_173 : i32
        %get3A_175 = arith.index_cast %mul3A_174 : i32 to index
        %get3A_176 = tpu.vector_load %arg7[%get3A_175] {strides = array<i32>} : memref<10240xi32, #tpu.memory_space<vmem>>, vector<16xi32>,
        %mul3A_177 = arith.constant 16 : i32
        %mul3A_178 = arith.muli %scan3A_77, %mul3A_177 : i32
        %add3A_179 = arith.constant 12 : i32
        %add3A_180 = arith.addi %mul3A_178, %add3A_179 : i32
        %mul3A_181 = arith.constant 16 : i32
        %mul3A_182 = arith.muli %add3A_180, %mul3A_181 : i32
        %get3A_183 = arith.index_cast %mul3A_182 : i32 to index
        %get3A_184 = tpu.vector_load %arg7[%get3A_183] {strides = array<i32>} : memref<10240xi32, #tpu.memory_space<vmem>>, vector<16xi32>,
        %mul3A_185 = arith.constant 16 : i32
        %mul3A_186 = arith.muli %scan3A_77, %mul3A_185 : i32
        %add3A_187 = arith.constant 13 : i32
        %add3A_188 = arith.addi %mul3A_186, %add3A_187 : i32
        %mul3A_189 = arith.constant 16 : i32
        %mul3A_190 = arith.muli %add3A_188, %mul3A_189 : i32
        %get3A_191 = arith.index_cast %mul3A_190 : i32 to index
        %get3A_192 = tpu.vector_load %arg7[%get3A_191] {strides = array<i32>} : memref<10240xi32, #tpu.memory_space<vmem>>, vector<16xi32>,
        %mul3A_193 = arith.constant 16 : i32
        %mul3A_194 = arith.muli %scan3A_77, %mul3A_193 : i32
        %add3A_195 = arith.constant 14 : i32
        %add3A_196 = arith.addi %mul3A_194, %add3A_195 : i32
        %mul3A_197 = arith.constant 16 : i32
        %mul3A_198 = arith.muli %add3A_196, %mul3A_197 : i32
        %get3A_199 = arith.index_cast %mul3A_198 : i32 to index
        %get3A_200 = tpu.vector_load %arg7[%get3A_199] {strides = array<i32>} : memref<10240xi32, #tpu.memory_space<vmem>>, vector<16xi32>,
        %mul3A_201 = arith.constant 16 : i32
        %mul3A_202 = arith.muli %scan3A_77, %mul3A_201 : i32
        %add3A_203 = arith.constant 15 : i32
        %add3A_204 = arith.addi %mul3A_202, %add3A_203 : i32
        %mul3A_205 = arith.constant 16 : i32
        %mul3A_206 = arith.muli %add3A_204, %mul3A_205 : i32
        %get3A_207 = arith.index_cast %mul3A_206 : i32 to index
        %get3A_208 = tpu.vector_load %arg7[%get3A_207] {strides = array<i32>} : memref<10240xi32, #tpu.memory_space<vmem>>, vector<16xi32>,
        %gather3A = tpu.vector_load_idx %arg6[%get3A_88] : memref<106496xf32, #tpu.memory_space<vmem>>[vector<16xi32>], vector<16xf32>,
        %gather3A_209 = tpu.vector_load_idx %arg6[%get3A_96] : memref<106496xf32, #tpu.memory_space<vmem>>[vector<16xi32>], vector<16xf32>,
        %gather3A_210 = tpu.vector_load_idx %arg6[%get3A_104] : memref<106496xf32, #tpu.memory_space<vmem>>[vector<16xi32>], vector<16xf32>,
        %gather3A_211 = tpu.vector_load_idx %arg6[%get3A_112] : memref<106496xf32, #tpu.memory_space<vmem>>[vector<16xi32>], vector<16xf32>,
        %gather3A_212 = tpu.vector_load_idx %arg6[%get3A_120] : memref<106496xf32, #tpu.memory_space<vmem>>[vector<16xi32>], vector<16xf32>,
        %gather3A_213 = tpu.vector_load_idx %arg6[%get3A_128] : memref<106496xf32, #tpu.memory_space<vmem>>[vector<16xi32>], vector<16xf32>,
        %gather3A_214 = tpu.vector_load_idx %arg6[%get3A_136] : memref<106496xf32, #tpu.memory_space<vmem>>[vector<16xi32>], vector<16xf32>,
        %gather3A_215 = tpu.vector_load_idx %arg6[%get3A_144] : memref<106496xf32, #tpu.memory_space<vmem>>[vector<16xi32>], vector<16xf32>,
        %gather3A_216 = tpu.vector_load_idx %arg6[%get3A_152] : memref<106496xf32, #tpu.memory_space<vmem>>[vector<16xi32>], vector<16xf32>,
        %gather3A_217 = tpu.vector_load_idx %arg6[%get3A_160] : memref<106496xf32, #tpu.memory_space<vmem>>[vector<16xi32>], vector<16xf32>,
        %gather3A_218 = tpu.vector_load_idx %arg6[%get3A_168] : memref<106496xf32, #tpu.memory_space<vmem>>[vector<16xi32>], vector<16xf32>,
        %gather3A_219 = tpu.vector_load_idx %arg6[%get3A_176] : memref<106496xf32, #tpu.memory_space<vmem>>[vector<16xi32>], vector<16xf32>,
        %gather3A_220 = tpu.vector_load_idx %arg6[%get3A_184] : memref<106496xf32, #tpu.memory_space<vmem>>[vector<16xi32>], vector<16xf32>,
        %gather3A_221 = tpu.vector_load_idx %arg6[%get3A_192] : memref<106496xf32, #tpu.memory_space<vmem>>[vector<16xi32>], vector<16xf32>,
        %gather3A_222 = tpu.vector_load_idx %arg6[%get3A_200] : memref<106496xf32, #tpu.memory_space<vmem>>[vector<16xi32>], vector<16xf32>,
        %gather3A_223 = tpu.vector_load_idx %arg6[%get3A_208] : memref<106496xf32, #tpu.memory_space<vmem>>[vector<16xi32>], vector<16xf32>,
        %min3A_224 = arith.minimumf %scan3A_78, %gather3A : vector<16xf32>
        %min3A_225 = arith.minimumf %scan3A_79, %gather3A_209 : vector<16xf32>
        %min3A_226 = arith.minimumf %scan3A_80, %gather3A_210 : vector<16xf32>
        %min3A_227 = arith.minimumf %scan3A_81, %gather3A_211 : vector<16xf32>
        %min3A_228 = arith.minimumf %min3A_224, %gather3A_212 : vector<16xf32>
        %min3A_229 = arith.minimumf %min3A_225, %gather3A_213 : vector<16xf32>
        %min3A_230 = arith.minimumf %min3A_226, %gather3A_214 : vector<16xf32>
        %min3A_231 = arith.minimumf %min3A_227, %gather3A_215 : vector<16xf32>
        %min3A_232 = arith.minimumf %min3A_228, %gather3A_216 : vector<16xf32>
        %min3A_233 = arith.minimumf %min3A_229, %gather3A_217 : vector<16xf32>
        %min3A_234 = arith.minimumf %min3A_230, %gather3A_218 : vector<16xf32>
        %min3A_235 = arith.minimumf %min3A_231, %gather3A_219 : vector<16xf32>
        %min3A_236 = arith.minimumf %min3A_232, %gather3A_220 : vector<16xf32>
        %min3A_237 = arith.minimumf %min3A_233, %gather3A_221 : vector<16xf32>
        %min3A_238 = arith.minimumf %min3A_234, %gather3A_222 : vector<16xf32>
        %min3A_239 = arith.minimumf %min3A_235, %gather3A_223 : vector<16xf32>
        scf.yield %min3A_236, %min3A_237, %min3A_238, %min3A_239 : vector<16xf32>, vector<16xf32>, vector<16xf32>, vector<16xf32>
      }
      %scan3A_49 = arith.constant 40 : i32
      %add3A_50 = arith.constant 30720 : i32
      %add3A_51 = arith.addi %mul3A_1, %add3A_50 : i32
      %dma_wait3A_52 = tpu.memref_slice %arg2[%add3A_51] : memref<819200xi32, #tpu.memory_space<hbm>> -> memref<10240xi32, #tpu.memory_space<hbm>>
      %dma_wait3A_53 = tpu.memref_slice %arg2[%add3A_51] : memref<819200xi32, #tpu.memory_space<hbm>> -> memref<10240xi32, #tpu.memory_space<hbm>>
      tpu.wait_dma2 semaphore(%arg11 : memref<!tpu.dma_semaphore, #tpu.memory_space<semaphore_mem>>) src(%dma_wait3A_53 : memref<10240xi32, #tpu.memory_space<hbm>>) dst(%arg8 : memref<10240xi32, #tpu.memory_space<vmem>>)
      %add3A_54 = arith.constant 40960 : i32
      %add3A_55 = arith.addi %mul3A_1, %add3A_54 : i32
      %dma_start3A_56 = tpu.memref_slice %arg2[%add3A_55] : memref<819200xi32, #tpu.memory_space<hbm>> -> memref<10240xi32, #tpu.memory_space<hbm>>
      %dma_start3A_57 = tpu.memref_slice %arg2[%add3A_55] : memref<819200xi32, #tpu.memory_space<hbm>> -> memref<10240xi32, #tpu.memory_space<hbm>>
      tpu.enqueue_dma source(%dma_start3A_57 : memref<10240xi32, #tpu.memory_space<hbm>>) target(%arg7 : memref<10240xi32, #tpu.memory_space<vmem>>) target_semaphore(%arg10 : memref<!tpu.dma_semaphore, #tpu.memory_space<semaphore_mem>>)
      %scan3A_58 = arith.constant 0 : i32
      %scan3A_59 = arith.constant 40 : i32
      %scan3A_60 = arith.addi %scan3A_58, %scan3A_59 : i32
      %scan3A_61 = arith.constant 1 : i32
      %scan3A_62:4 = scf.for %scan3A_77 = %scan3A_58 to %scan3A_60 step %scan3A_61 iter_args(%scan3A_78 = %scan3A_48#0, %scan3A_79 = %scan3A_48#1, %scan3A_80 = %scan3A_48#2, %scan3A_81 = %scan3A_48#3) -> (vector<16xf32>, vector<16xf32>, vector<16xf32>, vector<16xf32>)  : i32 {
        %mul3A_82 = arith.constant 16 : i32
        %mul3A_83 = arith.muli %scan3A_77, %mul3A_82 : i32
        %add3A_84 = arith.constant 0 : i32
        %add3A_85 = arith.addi %mul3A_83, %add3A_84 : i32
        %mul3A_86 = arith.constant 16 : i32
        %mul3A_87 = arith.muli %add3A_85, %mul3A_86 : i32
        %get3A = arith.index_cast %mul3A_87 : i32 to index
        %get3A_88 = tpu.vector_load %arg8[%get3A] {strides = array<i32>} : memref<10240xi32, #tpu.memory_space<vmem>>, vector<16xi32>,
        %mul3A_89 = arith.constant 16 : i32
        %mul3A_90 = arith.muli %scan3A_77, %mul3A_89 : i32
        %add3A_91 = arith.constant 1 : i32
        %add3A_92 = arith.addi %mul3A_90, %add3A_91 : i32
        %mul3A_93 = arith.constant 16 : i32
        %mul3A_94 = arith.muli %add3A_92, %mul3A_93 : i32
        %get3A_95 = arith.index_cast %mul3A_94 : i32 to index
        %get3A_96 = tpu.vector_load %arg8[%get3A_95] {strides = array<i32>} : memref<10240xi32, #tpu.memory_space<vmem>>, vector<16xi32>,
        %mul3A_97 = arith.constant 16 : i32
        %mul3A_98 = arith.muli %scan3A_77, %mul3A_97 : i32
        %add3A_99 = arith.constant 2 : i32
        %add3A_100 = arith.addi %mul3A_98, %add3A_99 : i32
        %mul3A_101 = arith.constant 16 : i32
        %mul3A_102 = arith.muli %add3A_100, %mul3A_101 : i32
        %get3A_103 = arith.index_cast %mul3A_102 : i32 to index
        %get3A_104 = tpu.vector_load %arg8[%get3A_103] {strides = array<i32>} : memref<10240xi32, #tpu.memory_space<vmem>>, vector<16xi32>,
        %mul3A_105 = arith.constant 16 : i32
        %mul3A_106 = arith.muli %scan3A_77, %mul3A_105 : i32
        %add3A_107 = arith.constant 3 : i32
        %add3A_108 = arith.addi %mul3A_106, %add3A_107 : i32
        %mul3A_109 = arith.constant 16 : i32
        %mul3A_110 = arith.muli %add3A_108, %mul3A_109 : i32
        %get3A_111 = arith.index_cast %mul3A_110 : i32 to index
        %get3A_112 = tpu.vector_load %arg8[%get3A_111] {strides = array<i32>} : memref<10240xi32, #tpu.memory_space<vmem>>, vector<16xi32>,
        %mul3A_113 = arith.constant 16 : i32
        %mul3A_114 = arith.muli %scan3A_77, %mul3A_113 : i32
        %add3A_115 = arith.constant 4 : i32
        %add3A_116 = arith.addi %mul3A_114, %add3A_115 : i32
        %mul3A_117 = arith.constant 16 : i32
        %mul3A_118 = arith.muli %add3A_116, %mul3A_117 : i32
        %get3A_119 = arith.index_cast %mul3A_118 : i32 to index
        %get3A_120 = tpu.vector_load %arg8[%get3A_119] {strides = array<i32>} : memref<10240xi32, #tpu.memory_space<vmem>>, vector<16xi32>,
        %mul3A_121 = arith.constant 16 : i32
        %mul3A_122 = arith.muli %scan3A_77, %mul3A_121 : i32
        %add3A_123 = arith.constant 5 : i32
        %add3A_124 = arith.addi %mul3A_122, %add3A_123 : i32
        %mul3A_125 = arith.constant 16 : i32
        %mul3A_126 = arith.muli %add3A_124, %mul3A_125 : i32
        %get3A_127 = arith.index_cast %mul3A_126 : i32 to index
        %get3A_128 = tpu.vector_load %arg8[%get3A_127] {strides = array<i32>} : memref<10240xi32, #tpu.memory_space<vmem>>, vector<16xi32>,
        %mul3A_129 = arith.constant 16 : i32
        %mul3A_130 = arith.muli %scan3A_77, %mul3A_129 : i32
        %add3A_131 = arith.constant 6 : i32
        %add3A_132 = arith.addi %mul3A_130, %add3A_131 : i32
        %mul3A_133 = arith.constant 16 : i32
        %mul3A_134 = arith.muli %add3A_132, %mul3A_133 : i32
        %get3A_135 = arith.index_cast %mul3A_134 : i32 to index
        %get3A_136 = tpu.vector_load %arg8[%get3A_135] {strides = array<i32>} : memref<10240xi32, #tpu.memory_space<vmem>>, vector<16xi32>,
        %mul3A_137 = arith.constant 16 : i32
        %mul3A_138 = arith.muli %scan3A_77, %mul3A_137 : i32
        %add3A_139 = arith.constant 7 : i32
        %add3A_140 = arith.addi %mul3A_138, %add3A_139 : i32
        %mul3A_141 = arith.constant 16 : i32
        %mul3A_142 = arith.muli %add3A_140, %mul3A_141 : i32
        %get3A_143 = arith.index_cast %mul3A_142 : i32 to index
        %get3A_144 = tpu.vector_load %arg8[%get3A_143] {strides = array<i32>} : memref<10240xi32, #tpu.memory_space<vmem>>, vector<16xi32>,
        %mul3A_145 = arith.constant 16 : i32
        %mul3A_146 = arith.muli %scan3A_77, %mul3A_145 : i32
        %add3A_147 = arith.constant 8 : i32
        %add3A_148 = arith.addi %mul3A_146, %add3A_147 : i32
        %mul3A_149 = arith.constant 16 : i32
        %mul3A_150 = arith.muli %add3A_148, %mul3A_149 : i32
        %get3A_151 = arith.index_cast %mul3A_150 : i32 to index
        %get3A_152 = tpu.vector_load %arg8[%get3A_151] {strides = array<i32>} : memref<10240xi32, #tpu.memory_space<vmem>>, vector<16xi32>,
        %mul3A_153 = arith.constant 16 : i32
        %mul3A_154 = arith.muli %scan3A_77, %mul3A_153 : i32
        %add3A_155 = arith.constant 9 : i32
        %add3A_156 = arith.addi %mul3A_154, %add3A_155 : i32
        %mul3A_157 = arith.constant 16 : i32
        %mul3A_158 = arith.muli %add3A_156, %mul3A_157 : i32
        %get3A_159 = arith.index_cast %mul3A_158 : i32 to index
        %get3A_160 = tpu.vector_load %arg8[%get3A_159] {strides = array<i32>} : memref<10240xi32, #tpu.memory_space<vmem>>, vector<16xi32>,
        %mul3A_161 = arith.constant 16 : i32
        %mul3A_162 = arith.muli %scan3A_77, %mul3A_161 : i32
        %add3A_163 = arith.constant 10 : i32
        %add3A_164 = arith.addi %mul3A_162, %add3A_163 : i32
        %mul3A_165 = arith.constant 16 : i32
        %mul3A_166 = arith.muli %add3A_164, %mul3A_165 : i32
        %get3A_167 = arith.index_cast %mul3A_166 : i32 to index
        %get3A_168 = tpu.vector_load %arg8[%get3A_167] {strides = array<i32>} : memref<10240xi32, #tpu.memory_space<vmem>>, vector<16xi32>,
        %mul3A_169 = arith.constant 16 : i32
        %mul3A_170 = arith.muli %scan3A_77, %mul3A_169 : i32
        %add3A_171 = arith.constant 11 : i32
        %add3A_172 = arith.addi %mul3A_170, %add3A_171 : i32
        %mul3A_173 = arith.constant 16 : i32
        %mul3A_174 = arith.muli %add3A_172, %mul3A_173 : i32
        %get3A_175 = arith.index_cast %mul3A_174 : i32 to index
        %get3A_176 = tpu.vector_load %arg8[%get3A_175] {strides = array<i32>} : memref<10240xi32, #tpu.memory_space<vmem>>, vector<16xi32>,
        %mul3A_177 = arith.constant 16 : i32
        %mul3A_178 = arith.muli %scan3A_77, %mul3A_177 : i32
        %add3A_179 = arith.constant 12 : i32
        %add3A_180 = arith.addi %mul3A_178, %add3A_179 : i32
        %mul3A_181 = arith.constant 16 : i32
        %mul3A_182 = arith.muli %add3A_180, %mul3A_181 : i32
        %get3A_183 = arith.index_cast %mul3A_182 : i32 to index
        %get3A_184 = tpu.vector_load %arg8[%get3A_183] {strides = array<i32>} : memref<10240xi32, #tpu.memory_space<vmem>>, vector<16xi32>,
        %mul3A_185 = arith.constant 16 : i32
        %mul3A_186 = arith.muli %scan3A_77, %mul3A_185 : i32
        %add3A_187 = arith.constant 13 : i32
        %add3A_188 = arith.addi %mul3A_186, %add3A_187 : i32
        %mul3A_189 = arith.constant 16 : i32
        %mul3A_190 = arith.muli %add3A_188, %mul3A_189 : i32
        %get3A_191 = arith.index_cast %mul3A_190 : i32 to index
        %get3A_192 = tpu.vector_load %arg8[%get3A_191] {strides = array<i32>} : memref<10240xi32, #tpu.memory_space<vmem>>, vector<16xi32>,
        %mul3A_193 = arith.constant 16 : i32
        %mul3A_194 = arith.muli %scan3A_77, %mul3A_193 : i32
        %add3A_195 = arith.constant 14 : i32
        %add3A_196 = arith.addi %mul3A_194, %add3A_195 : i32
        %mul3A_197 = arith.constant 16 : i32
        %mul3A_198 = arith.muli %add3A_196, %mul3A_197 : i32
        %get3A_199 = arith.index_cast %mul3A_198 : i32 to index
        %get3A_200 = tpu.vector_load %arg8[%get3A_199] {strides = array<i32>} : memref<10240xi32, #tpu.memory_space<vmem>>, vector<16xi32>,
        %mul3A_201 = arith.constant 16 : i32
        %mul3A_202 = arith.muli %scan3A_77, %mul3A_201 : i32
        %add3A_203 = arith.constant 15 : i32
        %add3A_204 = arith.addi %mul3A_202, %add3A_203 : i32
        %mul3A_205 = arith.constant 16 : i32
        %mul3A_206 = arith.muli %add3A_204, %mul3A_205 : i32
        %get3A_207 = arith.index_cast %mul3A_206 : i32 to index
        %get3A_208 = tpu.vector_load %arg8[%get3A_207] {strides = array<i32>} : memref<10240xi32, #tpu.memory_space<vmem>>, vector<16xi32>,
        %gather3A = tpu.vector_load_idx %arg6[%get3A_88] : memref<106496xf32, #tpu.memory_space<vmem>>[vector<16xi32>], vector<16xf32>,
        %gather3A_209 = tpu.vector_load_idx %arg6[%get3A_96] : memref<106496xf32, #tpu.memory_space<vmem>>[vector<16xi32>], vector<16xf32>,
        %gather3A_210 = tpu.vector_load_idx %arg6[%get3A_104] : memref<106496xf32, #tpu.memory_space<vmem>>[vector<16xi32>], vector<16xf32>,
        %gather3A_211 = tpu.vector_load_idx %arg6[%get3A_112] : memref<106496xf32, #tpu.memory_space<vmem>>[vector<16xi32>], vector<16xf32>,
        %gather3A_212 = tpu.vector_load_idx %arg6[%get3A_120] : memref<106496xf32, #tpu.memory_space<vmem>>[vector<16xi32>], vector<16xf32>,
        %gather3A_213 = tpu.vector_load_idx %arg6[%get3A_128] : memref<106496xf32, #tpu.memory_space<vmem>>[vector<16xi32>], vector<16xf32>,
        %gather3A_214 = tpu.vector_load_idx %arg6[%get3A_136] : memref<106496xf32, #tpu.memory_space<vmem>>[vector<16xi32>], vector<16xf32>,
        %gather3A_215 = tpu.vector_load_idx %arg6[%get3A_144] : memref<106496xf32, #tpu.memory_space<vmem>>[vector<16xi32>], vector<16xf32>,
        %gather3A_216 = tpu.vector_load_idx %arg6[%get3A_152] : memref<106496xf32, #tpu.memory_space<vmem>>[vector<16xi32>], vector<16xf32>,
        %gather3A_217 = tpu.vector_load_idx %arg6[%get3A_160] : memref<106496xf32, #tpu.memory_space<vmem>>[vector<16xi32>], vector<16xf32>,
        %gather3A_218 = tpu.vector_load_idx %arg6[%get3A_168] : memref<106496xf32, #tpu.memory_space<vmem>>[vector<16xi32>], vector<16xf32>,
        %gather3A_219 = tpu.vector_load_idx %arg6[%get3A_176] : memref<106496xf32, #tpu.memory_space<vmem>>[vector<16xi32>], vector<16xf32>,
        %gather3A_220 = tpu.vector_load_idx %arg6[%get3A_184] : memref<106496xf32, #tpu.memory_space<vmem>>[vector<16xi32>], vector<16xf32>,
        %gather3A_221 = tpu.vector_load_idx %arg6[%get3A_192] : memref<106496xf32, #tpu.memory_space<vmem>>[vector<16xi32>], vector<16xf32>,
        %gather3A_222 = tpu.vector_load_idx %arg6[%get3A_200] : memref<106496xf32, #tpu.memory_space<vmem>>[vector<16xi32>], vector<16xf32>,
        %gather3A_223 = tpu.vector_load_idx %arg6[%get3A_208] : memref<106496xf32, #tpu.memory_space<vmem>>[vector<16xi32>], vector<16xf32>,
        %min3A_224 = arith.minimumf %scan3A_78, %gather3A : vector<16xf32>
        %min3A_225 = arith.minimumf %scan3A_79, %gather3A_209 : vector<16xf32>
        %min3A_226 = arith.minimumf %scan3A_80, %gather3A_210 : vector<16xf32>
        %min3A_227 = arith.minimumf %scan3A_81, %gather3A_211 : vector<16xf32>
        %min3A_228 = arith.minimumf %min3A_224, %gather3A_212 : vector<16xf32>
        %min3A_229 = arith.minimumf %min3A_225, %gather3A_213 : vector<16xf32>
        %min3A_230 = arith.minimumf %min3A_226, %gather3A_214 : vector<16xf32>
        %min3A_231 = arith.minimumf %min3A_227, %gather3A_215 : vector<16xf32>
        %min3A_232 = arith.minimumf %min3A_228, %gather3A_216 : vector<16xf32>
        %min3A_233 = arith.minimumf %min3A_229, %gather3A_217 : vector<16xf32>
        %min3A_234 = arith.minimumf %min3A_230, %gather3A_218 : vector<16xf32>
        %min3A_235 = arith.minimumf %min3A_231, %gather3A_219 : vector<16xf32>
        %min3A_236 = arith.minimumf %min3A_232, %gather3A_220 : vector<16xf32>
        %min3A_237 = arith.minimumf %min3A_233, %gather3A_221 : vector<16xf32>
        %min3A_238 = arith.minimumf %min3A_234, %gather3A_222 : vector<16xf32>
        %min3A_239 = arith.minimumf %min3A_235, %gather3A_223 : vector<16xf32>
        scf.yield %min3A_236, %min3A_237, %min3A_238, %min3A_239 : vector<16xf32>, vector<16xf32>, vector<16xf32>, vector<16xf32>
      }
      %scan3A_63 = arith.constant 40 : i32
      %add3A_64 = arith.constant 40960 : i32
      %add3A_65 = arith.addi %mul3A_1, %add3A_64 : i32
      %dma_wait3A_66 = tpu.memref_slice %arg2[%add3A_65] : memref<819200xi32, #tpu.memory_space<hbm>> -> memref<10240xi32, #tpu.memory_space<hbm>>
      %dma_wait3A_67 = tpu.memref_slice %arg2[%add3A_65] : memref<819200xi32, #tpu.memory_space<hbm>> -> memref<10240xi32, #tpu.memory_space<hbm>>
      tpu.wait_dma2 semaphore(%arg10 : memref<!tpu.dma_semaphore, #tpu.memory_space<semaphore_mem>>) src(%dma_wait3A_67 : memref<10240xi32, #tpu.memory_space<hbm>>) dst(%arg7 : memref<10240xi32, #tpu.memory_space<vmem>>)
      %scan3A_68 = arith.constant 0 : i32
      %scan3A_69 = arith.constant 40 : i32
      %scan3A_70 = arith.addi %scan3A_68, %scan3A_69 : i32
      %scan3A_71 = arith.constant 1 : i32
      %scan3A_72:4 = scf.for %scan3A_77 = %scan3A_68 to %scan3A_70 step %scan3A_71 iter_args(%scan3A_78 = %scan3A_62#0, %scan3A_79 = %scan3A_62#1, %scan3A_80 = %scan3A_62#2, %scan3A_81 = %scan3A_62#3) -> (vector<16xf32>, vector<16xf32>, vector<16xf32>, vector<16xf32>)  : i32 {
        %mul3A_82 = arith.constant 16 : i32
        %mul3A_83 = arith.muli %scan3A_77, %mul3A_82 : i32
        %add3A_84 = arith.constant 0 : i32
        %add3A_85 = arith.addi %mul3A_83, %add3A_84 : i32
        %mul3A_86 = arith.constant 16 : i32
        %mul3A_87 = arith.muli %add3A_85, %mul3A_86 : i32
        %get3A = arith.index_cast %mul3A_87 : i32 to index
        %get3A_88 = tpu.vector_load %arg7[%get3A] {strides = array<i32>} : memref<10240xi32, #tpu.memory_space<vmem>>, vector<16xi32>,
        %mul3A_89 = arith.constant 16 : i32
        %mul3A_90 = arith.muli %scan3A_77, %mul3A_89 : i32
        %add3A_91 = arith.constant 1 : i32
        %add3A_92 = arith.addi %mul3A_90, %add3A_91 : i32
        %mul3A_93 = arith.constant 16 : i32
        %mul3A_94 = arith.muli %add3A_92, %mul3A_93 : i32
        %get3A_95 = arith.index_cast %mul3A_94 : i32 to index
        %get3A_96 = tpu.vector_load %arg7[%get3A_95] {strides = array<i32>} : memref<10240xi32, #tpu.memory_space<vmem>>, vector<16xi32>,
        %mul3A_97 = arith.constant 16 : i32
        %mul3A_98 = arith.muli %scan3A_77, %mul3A_97 : i32
        %add3A_99 = arith.constant 2 : i32
        %add3A_100 = arith.addi %mul3A_98, %add3A_99 : i32
        %mul3A_101 = arith.constant 16 : i32
        %mul3A_102 = arith.muli %add3A_100, %mul3A_101 : i32
        %get3A_103 = arith.index_cast %mul3A_102 : i32 to index
        %get3A_104 = tpu.vector_load %arg7[%get3A_103] {strides = array<i32>} : memref<10240xi32, #tpu.memory_space<vmem>>, vector<16xi32>,
        %mul3A_105 = arith.constant 16 : i32
        %mul3A_106 = arith.muli %scan3A_77, %mul3A_105 : i32
        %add3A_107 = arith.constant 3 : i32
        %add3A_108 = arith.addi %mul3A_106, %add3A_107 : i32
        %mul3A_109 = arith.constant 16 : i32
        %mul3A_110 = arith.muli %add3A_108, %mul3A_109 : i32
        %get3A_111 = arith.index_cast %mul3A_110 : i32 to index
        %get3A_112 = tpu.vector_load %arg7[%get3A_111] {strides = array<i32>} : memref<10240xi32, #tpu.memory_space<vmem>>, vector<16xi32>,
        %mul3A_113 = arith.constant 16 : i32
        %mul3A_114 = arith.muli %scan3A_77, %mul3A_113 : i32
        %add3A_115 = arith.constant 4 : i32
        %add3A_116 = arith.addi %mul3A_114, %add3A_115 : i32
        %mul3A_117 = arith.constant 16 : i32
        %mul3A_118 = arith.muli %add3A_116, %mul3A_117 : i32
        %get3A_119 = arith.index_cast %mul3A_118 : i32 to index
        %get3A_120 = tpu.vector_load %arg7[%get3A_119] {strides = array<i32>} : memref<10240xi32, #tpu.memory_space<vmem>>, vector<16xi32>,
        %mul3A_121 = arith.constant 16 : i32
        %mul3A_122 = arith.muli %scan3A_77, %mul3A_121 : i32
        %add3A_123 = arith.constant 5 : i32
        %add3A_124 = arith.addi %mul3A_122, %add3A_123 : i32
        %mul3A_125 = arith.constant 16 : i32
        %mul3A_126 = arith.muli %add3A_124, %mul3A_125 : i32
        %get3A_127 = arith.index_cast %mul3A_126 : i32 to index
        %get3A_128 = tpu.vector_load %arg7[%get3A_127] {strides = array<i32>} : memref<10240xi32, #tpu.memory_space<vmem>>, vector<16xi32>,
        %mul3A_129 = arith.constant 16 : i32
        %mul3A_130 = arith.muli %scan3A_77, %mul3A_129 : i32
        %add3A_131 = arith.constant 6 : i32
        %add3A_132 = arith.addi %mul3A_130, %add3A_131 : i32
        %mul3A_133 = arith.constant 16 : i32
        %mul3A_134 = arith.muli %add3A_132, %mul3A_133 : i32
        %get3A_135 = arith.index_cast %mul3A_134 : i32 to index
        %get3A_136 = tpu.vector_load %arg7[%get3A_135] {strides = array<i32>} : memref<10240xi32, #tpu.memory_space<vmem>>, vector<16xi32>,
        %mul3A_137 = arith.constant 16 : i32
        %mul3A_138 = arith.muli %scan3A_77, %mul3A_137 : i32
        %add3A_139 = arith.constant 7 : i32
        %add3A_140 = arith.addi %mul3A_138, %add3A_139 : i32
        %mul3A_141 = arith.constant 16 : i32
        %mul3A_142 = arith.muli %add3A_140, %mul3A_141 : i32
        %get3A_143 = arith.index_cast %mul3A_142 : i32 to index
        %get3A_144 = tpu.vector_load %arg7[%get3A_143] {strides = array<i32>} : memref<10240xi32, #tpu.memory_space<vmem>>, vector<16xi32>,
        %mul3A_145 = arith.constant 16 : i32
        %mul3A_146 = arith.muli %scan3A_77, %mul3A_145 : i32
        %add3A_147 = arith.constant 8 : i32
        %add3A_148 = arith.addi %mul3A_146, %add3A_147 : i32
        %mul3A_149 = arith.constant 16 : i32
        %mul3A_150 = arith.muli %add3A_148, %mul3A_149 : i32
        %get3A_151 = arith.index_cast %mul3A_150 : i32 to index
        %get3A_152 = tpu.vector_load %arg7[%get3A_151] {strides = array<i32>} : memref<10240xi32, #tpu.memory_space<vmem>>, vector<16xi32>,
        %mul3A_153 = arith.constant 16 : i32
        %mul3A_154 = arith.muli %scan3A_77, %mul3A_153 : i32
        %add3A_155 = arith.constant 9 : i32
        %add3A_156 = arith.addi %mul3A_154, %add3A_155 : i32
        %mul3A_157 = arith.constant 16 : i32
        %mul3A_158 = arith.muli %add3A_156, %mul3A_157 : i32
        %get3A_159 = arith.index_cast %mul3A_158 : i32 to index
        %get3A_160 = tpu.vector_load %arg7[%get3A_159] {strides = array<i32>} : memref<10240xi32, #tpu.memory_space<vmem>>, vector<16xi32>,
        %mul3A_161 = arith.constant 16 : i32
        %mul3A_162 = arith.muli %scan3A_77, %mul3A_161 : i32
        %add3A_163 = arith.constant 10 : i32
        %add3A_164 = arith.addi %mul3A_162, %add3A_163 : i32
        %mul3A_165 = arith.constant 16 : i32
        %mul3A_166 = arith.muli %add3A_164, %mul3A_165 : i32
        %get3A_167 = arith.index_cast %mul3A_166 : i32 to index
        %get3A_168 = tpu.vector_load %arg7[%get3A_167] {strides = array<i32>} : memref<10240xi32, #tpu.memory_space<vmem>>, vector<16xi32>,
        %mul3A_169 = arith.constant 16 : i32
        %mul3A_170 = arith.muli %scan3A_77, %mul3A_169 : i32
        %add3A_171 = arith.constant 11 : i32
        %add3A_172 = arith.addi %mul3A_170, %add3A_171 : i32
        %mul3A_173 = arith.constant 16 : i32
        %mul3A_174 = arith.muli %add3A_172, %mul3A_173 : i32
        %get3A_175 = arith.index_cast %mul3A_174 : i32 to index
        %get3A_176 = tpu.vector_load %arg7[%get3A_175] {strides = array<i32>} : memref<10240xi32, #tpu.memory_space<vmem>>, vector<16xi32>,
        %mul3A_177 = arith.constant 16 : i32
        %mul3A_178 = arith.muli %scan3A_77, %mul3A_177 : i32
        %add3A_179 = arith.constant 12 : i32
        %add3A_180 = arith.addi %mul3A_178, %add3A_179 : i32
        %mul3A_181 = arith.constant 16 : i32
        %mul3A_182 = arith.muli %add3A_180, %mul3A_181 : i32
        %get3A_183 = arith.index_cast %mul3A_182 : i32 to index
        %get3A_184 = tpu.vector_load %arg7[%get3A_183] {strides = array<i32>} : memref<10240xi32, #tpu.memory_space<vmem>>, vector<16xi32>,
        %mul3A_185 = arith.constant 16 : i32
        %mul3A_186 = arith.muli %scan3A_77, %mul3A_185 : i32
        %add3A_187 = arith.constant 13 : i32
        %add3A_188 = arith.addi %mul3A_186, %add3A_187 : i32
        %mul3A_189 = arith.constant 16 : i32
        %mul3A_190 = arith.muli %add3A_188, %mul3A_189 : i32
        %get3A_191 = arith.index_cast %mul3A_190 : i32 to index
        %get3A_192 = tpu.vector_load %arg7[%get3A_191] {strides = array<i32>} : memref<10240xi32, #tpu.memory_space<vmem>>, vector<16xi32>,
        %mul3A_193 = arith.constant 16 : i32
        %mul3A_194 = arith.muli %scan3A_77, %mul3A_193 : i32
        %add3A_195 = arith.constant 14 : i32
        %add3A_196 = arith.addi %mul3A_194, %add3A_195 : i32
        %mul3A_197 = arith.constant 16 : i32
        %mul3A_198 = arith.muli %add3A_196, %mul3A_197 : i32
        %get3A_199 = arith.index_cast %mul3A_198 : i32 to index
        %get3A_200 = tpu.vector_load %arg7[%get3A_199] {strides = array<i32>} : memref<10240xi32, #tpu.memory_space<vmem>>, vector<16xi32>,
        %mul3A_201 = arith.constant 16 : i32
        %mul3A_202 = arith.muli %scan3A_77, %mul3A_201 : i32
        %add3A_203 = arith.constant 15 : i32
        %add3A_204 = arith.addi %mul3A_202, %add3A_203 : i32
        %mul3A_205 = arith.constant 16 : i32
        %mul3A_206 = arith.muli %add3A_204, %mul3A_205 : i32
        %get3A_207 = arith.index_cast %mul3A_206 : i32 to index
        %get3A_208 = tpu.vector_load %arg7[%get3A_207] {strides = array<i32>} : memref<10240xi32, #tpu.memory_space<vmem>>, vector<16xi32>,
        %gather3A = tpu.vector_load_idx %arg6[%get3A_88] : memref<106496xf32, #tpu.memory_space<vmem>>[vector<16xi32>], vector<16xf32>,
        %gather3A_209 = tpu.vector_load_idx %arg6[%get3A_96] : memref<106496xf32, #tpu.memory_space<vmem>>[vector<16xi32>], vector<16xf32>,
        %gather3A_210 = tpu.vector_load_idx %arg6[%get3A_104] : memref<106496xf32, #tpu.memory_space<vmem>>[vector<16xi32>], vector<16xf32>,
        %gather3A_211 = tpu.vector_load_idx %arg6[%get3A_112] : memref<106496xf32, #tpu.memory_space<vmem>>[vector<16xi32>], vector<16xf32>,
        %gather3A_212 = tpu.vector_load_idx %arg6[%get3A_120] : memref<106496xf32, #tpu.memory_space<vmem>>[vector<16xi32>], vector<16xf32>,
        %gather3A_213 = tpu.vector_load_idx %arg6[%get3A_128] : memref<106496xf32, #tpu.memory_space<vmem>>[vector<16xi32>], vector<16xf32>,
        %gather3A_214 = tpu.vector_load_idx %arg6[%get3A_136] : memref<106496xf32, #tpu.memory_space<vmem>>[vector<16xi32>], vector<16xf32>,
        %gather3A_215 = tpu.vector_load_idx %arg6[%get3A_144] : memref<106496xf32, #tpu.memory_space<vmem>>[vector<16xi32>], vector<16xf32>,
        %gather3A_216 = tpu.vector_load_idx %arg6[%get3A_152] : memref<106496xf32, #tpu.memory_space<vmem>>[vector<16xi32>], vector<16xf32>,
        %gather3A_217 = tpu.vector_load_idx %arg6[%get3A_160] : memref<106496xf32, #tpu.memory_space<vmem>>[vector<16xi32>], vector<16xf32>,
        %gather3A_218 = tpu.vector_load_idx %arg6[%get3A_168] : memref<106496xf32, #tpu.memory_space<vmem>>[vector<16xi32>], vector<16xf32>,
        %gather3A_219 = tpu.vector_load_idx %arg6[%get3A_176] : memref<106496xf32, #tpu.memory_space<vmem>>[vector<16xi32>], vector<16xf32>,
        %gather3A_220 = tpu.vector_load_idx %arg6[%get3A_184] : memref<106496xf32, #tpu.memory_space<vmem>>[vector<16xi32>], vector<16xf32>,
        %gather3A_221 = tpu.vector_load_idx %arg6[%get3A_192] : memref<106496xf32, #tpu.memory_space<vmem>>[vector<16xi32>], vector<16xf32>,
        %gather3A_222 = tpu.vector_load_idx %arg6[%get3A_200] : memref<106496xf32, #tpu.memory_space<vmem>>[vector<16xi32>], vector<16xf32>,
        %gather3A_223 = tpu.vector_load_idx %arg6[%get3A_208] : memref<106496xf32, #tpu.memory_space<vmem>>[vector<16xi32>], vector<16xf32>,
        %min3A_224 = arith.minimumf %scan3A_78, %gather3A : vector<16xf32>
        %min3A_225 = arith.minimumf %scan3A_79, %gather3A_209 : vector<16xf32>
        %min3A_226 = arith.minimumf %scan3A_80, %gather3A_210 : vector<16xf32>
        %min3A_227 = arith.minimumf %scan3A_81, %gather3A_211 : vector<16xf32>
        %min3A_228 = arith.minimumf %min3A_224, %gather3A_212 : vector<16xf32>
        %min3A_229 = arith.minimumf %min3A_225, %gather3A_213 : vector<16xf32>
        %min3A_230 = arith.minimumf %min3A_226, %gather3A_214 : vector<16xf32>
        %min3A_231 = arith.minimumf %min3A_227, %gather3A_215 : vector<16xf32>
        %min3A_232 = arith.minimumf %min3A_228, %gather3A_216 : vector<16xf32>
        %min3A_233 = arith.minimumf %min3A_229, %gather3A_217 : vector<16xf32>
        %min3A_234 = arith.minimumf %min3A_230, %gather3A_218 : vector<16xf32>
        %min3A_235 = arith.minimumf %min3A_231, %gather3A_219 : vector<16xf32>
        %min3A_236 = arith.minimumf %min3A_232, %gather3A_220 : vector<16xf32>
        %min3A_237 = arith.minimumf %min3A_233, %gather3A_221 : vector<16xf32>
        %min3A_238 = arith.minimumf %min3A_234, %gather3A_222 : vector<16xf32>
        %min3A_239 = arith.minimumf %min3A_235, %gather3A_223 : vector<16xf32>
        scf.yield %min3A_236, %min3A_237, %min3A_238, %min3A_239 : vector<16xf32>, vector<16xf32>, vector<16xf32>, vector<16xf32>
      }
      %scan3A_73 = arith.constant 40 : i32
      %min3A = arith.minimumf %scan3A_72#0, %scan3A_72#1 : vector<16xf32>
      %min3A_74 = arith.minimumf %min3A, %scan3A_72#2 : vector<16xf32>
      %min3A_75 = arith.minimumf %min3A_74, %scan3A_72#3 : vector<16xf32>
      %swap3A = arith.constant 0 : index
      %swap3A_76 = tpu.vector_load %arg9[%swap3A] {strides = array<i32>} : memref<16xf32, #tpu.memory_space<vmem>>, vector<16xf32>,
      tpu.vector_store %arg9[%swap3A], %min3A_75 {strides = array<i32>} : memref<16xf32, #tpu.memory_space<vmem>>, vector<16xf32>,
    } else {
    }
    %not3A = arith.constant true
    %not3A_3 = arith.xori %eq3A_0, %not3A : i1
    %convert_element_type3A_4 = arith.extui %not3A_3 : i1 to i32
    %cond3A_5 = arith.constant 0 : i32
    %cond3A_6 = arith.cmpi ne, %convert_element_type3A_4, %cond3A_5 : i32
    scf.if %cond3A_6 {
      %add3A = arith.constant 0 : i32
      %add3A_7 = arith.addi %mul3A_1, %add3A : i32
      %dma_start3A = tpu.memref_slice %arg2[%add3A_7] : memref<819200xi32, #tpu.memory_space<hbm>> -> memref<10240xi32, #tpu.memory_space<hbm>>
      %dma_start3A_8 = tpu.memref_slice %arg2[%add3A_7] : memref<819200xi32, #tpu.memory_space<hbm>> -> memref<10240xi32, #tpu.memory_space<hbm>>
      tpu.enqueue_dma source(%dma_start3A_8 : memref<10240xi32, #tpu.memory_space<hbm>>) target(%arg7 : memref<10240xi32, #tpu.memory_space<vmem>>) target_semaphore(%arg10 : memref<!tpu.dma_semaphore, #tpu.memory_space<semaphore_mem>>)
      "tpu.region"() ({
        %run_scoped3A = tpu.sem_alloc : memref<!tpu.dma_semaphore, #tpu.memory_space<semaphore_mem>>
        tpu.enqueue_dma source(%arg4 : memref<106496xf32, #tpu.memory_space<hbm>>) target(%arg6 : memref<106496xf32, #tpu.memory_space<vmem>>) target_semaphore(%run_scoped3A : memref<!tpu.dma_semaphore, #tpu.memory_space<semaphore_mem>>)
        tpu.wait_dma2 semaphore(%run_scoped3A : memref<!tpu.dma_semaphore, #tpu.memory_space<semaphore_mem>>) src(%arg4 : memref<106496xf32, #tpu.memory_space<hbm>>) dst(%arg6 : memref<106496xf32, #tpu.memory_space<vmem>>)
        tpu.yield
      }) : () -> ()
      %broadcast_in_dim3A = arith.constant 0xFF800000 : f32
      %broadcast_in_dim3A_9 = vector.broadcast %broadcast_in_dim3A : f32 to vector<16xf32>
      %add3A_10 = arith.constant 0 : i32
      %add3A_11 = arith.addi %mul3A_1, %add3A_10 : i32
      %dma_wait3A = tpu.memref_slice %arg2[%add3A_11] : memref<819200xi32, #tpu.memory_space<hbm>> -> memref<10240xi32, #tpu.memory_space<hbm>>
      %dma_wait3A_12 = tpu.memref_slice %arg2[%add3A_11] : memref<819200xi32, #tpu.memory_space<hbm>> -> memref<10240xi32, #tpu.memory_space<hbm>>
      tpu.wait_dma2 semaphore(%arg10 : memref<!tpu.dma_semaphore, #tpu.memory_space<semaphore_mem>>) src(%dma_wait3A_12 : memref<10240xi32, #tpu.memory_space<hbm>>) dst(%arg7 : memref<10240xi32, #tpu.memory_space<vmem>>)
      %add3A_13 = arith.constant 10240 : i32
      %add3A_14 = arith.addi %mul3A_1, %add3A_13 : i32
      %dma_start3A_15 = tpu.memref_slice %arg2[%add3A_14] : memref<819200xi32, #tpu.memory_space<hbm>> -> memref<10240xi32, #tpu.memory_space<hbm>>
      %dma_start3A_16 = tpu.memref_slice %arg2[%add3A_14] : memref<819200xi32, #tpu.memory_space<hbm>> -> memref<10240xi32, #tpu.memory_space<hbm>>
      tpu.enqueue_dma source(%dma_start3A_16 : memref<10240xi32, #tpu.memory_space<hbm>>) target(%arg8 : memref<10240xi32, #tpu.memory_space<vmem>>) target_semaphore(%arg11 : memref<!tpu.dma_semaphore, #tpu.memory_space<semaphore_mem>>)
      %scan3A = arith.constant 0 : i32
      %scan3A_17 = arith.constant 40 : i32
      %scan3A_18 = arith.addi %scan3A, %scan3A_17 : i32
      %scan3A_19 = arith.constant 1 : i32
      %scan3A_20:4 = scf.for %scan3A_77 = %scan3A to %scan3A_18 step %scan3A_19 iter_args(%scan3A_78 = %broadcast_in_dim3A_9, %scan3A_79 = %broadcast_in_dim3A_9, %scan3A_80 = %broadcast_in_dim3A_9, %scan3A_81 = %broadcast_in_dim3A_9) -> (vector<16xf32>, vector<16xf32>, vector<16xf32>, vector<16xf32>)  : i32 {
        %mul3A_82 = arith.constant 16 : i32
        %mul3A_83 = arith.muli %scan3A_77, %mul3A_82 : i32
        %add3A_84 = arith.constant 0 : i32
        %add3A_85 = arith.addi %mul3A_83, %add3A_84 : i32
        %mul3A_86 = arith.constant 16 : i32
        %mul3A_87 = arith.muli %add3A_85, %mul3A_86 : i32
        %get3A = arith.index_cast %mul3A_87 : i32 to index
        %get3A_88 = tpu.vector_load %arg7[%get3A] {strides = array<i32>} : memref<10240xi32, #tpu.memory_space<vmem>>, vector<16xi32>,
        %mul3A_89 = arith.constant 16 : i32
        %mul3A_90 = arith.muli %scan3A_77, %mul3A_89 : i32
        %add3A_91 = arith.constant 1 : i32
        %add3A_92 = arith.addi %mul3A_90, %add3A_91 : i32
        %mul3A_93 = arith.constant 16 : i32
        %mul3A_94 = arith.muli %add3A_92, %mul3A_93 : i32
        %get3A_95 = arith.index_cast %mul3A_94 : i32 to index
        %get3A_96 = tpu.vector_load %arg7[%get3A_95] {strides = array<i32>} : memref<10240xi32, #tpu.memory_space<vmem>>, vector<16xi32>,
        %mul3A_97 = arith.constant 16 : i32
        %mul3A_98 = arith.muli %scan3A_77, %mul3A_97 : i32
        %add3A_99 = arith.constant 2 : i32
        %add3A_100 = arith.addi %mul3A_98, %add3A_99 : i32
        %mul3A_101 = arith.constant 16 : i32
        %mul3A_102 = arith.muli %add3A_100, %mul3A_101 : i32
        %get3A_103 = arith.index_cast %mul3A_102 : i32 to index
        %get3A_104 = tpu.vector_load %arg7[%get3A_103] {strides = array<i32>} : memref<10240xi32, #tpu.memory_space<vmem>>, vector<16xi32>,
        %mul3A_105 = arith.constant 16 : i32
        %mul3A_106 = arith.muli %scan3A_77, %mul3A_105 : i32
        %add3A_107 = arith.constant 3 : i32
        %add3A_108 = arith.addi %mul3A_106, %add3A_107 : i32
        %mul3A_109 = arith.constant 16 : i32
        %mul3A_110 = arith.muli %add3A_108, %mul3A_109 : i32
        %get3A_111 = arith.index_cast %mul3A_110 : i32 to index
        %get3A_112 = tpu.vector_load %arg7[%get3A_111] {strides = array<i32>} : memref<10240xi32, #tpu.memory_space<vmem>>, vector<16xi32>,
        %mul3A_113 = arith.constant 16 : i32
        %mul3A_114 = arith.muli %scan3A_77, %mul3A_113 : i32
        %add3A_115 = arith.constant 4 : i32
        %add3A_116 = arith.addi %mul3A_114, %add3A_115 : i32
        %mul3A_117 = arith.constant 16 : i32
        %mul3A_118 = arith.muli %add3A_116, %mul3A_117 : i32
        %get3A_119 = arith.index_cast %mul3A_118 : i32 to index
        %get3A_120 = tpu.vector_load %arg7[%get3A_119] {strides = array<i32>} : memref<10240xi32, #tpu.memory_space<vmem>>, vector<16xi32>,
        %mul3A_121 = arith.constant 16 : i32
        %mul3A_122 = arith.muli %scan3A_77, %mul3A_121 : i32
        %add3A_123 = arith.constant 5 : i32
        %add3A_124 = arith.addi %mul3A_122, %add3A_123 : i32
        %mul3A_125 = arith.constant 16 : i32
        %mul3A_126 = arith.muli %add3A_124, %mul3A_125 : i32
        %get3A_127 = arith.index_cast %mul3A_126 : i32 to index
        %get3A_128 = tpu.vector_load %arg7[%get3A_127] {strides = array<i32>} : memref<10240xi32, #tpu.memory_space<vmem>>, vector<16xi32>,
        %mul3A_129 = arith.constant 16 : i32
        %mul3A_130 = arith.muli %scan3A_77, %mul3A_129 : i32
        %add3A_131 = arith.constant 6 : i32
        %add3A_132 = arith.addi %mul3A_130, %add3A_131 : i32
        %mul3A_133 = arith.constant 16 : i32
        %mul3A_134 = arith.muli %add3A_132, %mul3A_133 : i32
        %get3A_135 = arith.index_cast %mul3A_134 : i32 to index
        %get3A_136 = tpu.vector_load %arg7[%get3A_135] {strides = array<i32>} : memref<10240xi32, #tpu.memory_space<vmem>>, vector<16xi32>,
        %mul3A_137 = arith.constant 16 : i32
        %mul3A_138 = arith.muli %scan3A_77, %mul3A_137 : i32
        %add3A_139 = arith.constant 7 : i32
        %add3A_140 = arith.addi %mul3A_138, %add3A_139 : i32
        %mul3A_141 = arith.constant 16 : i32
        %mul3A_142 = arith.muli %add3A_140, %mul3A_141 : i32
        %get3A_143 = arith.index_cast %mul3A_142 : i32 to index
        %get3A_144 = tpu.vector_load %arg7[%get3A_143] {strides = array<i32>} : memref<10240xi32, #tpu.memory_space<vmem>>, vector<16xi32>,
        %mul3A_145 = arith.constant 16 : i32
        %mul3A_146 = arith.muli %scan3A_77, %mul3A_145 : i32
        %add3A_147 = arith.constant 8 : i32
        %add3A_148 = arith.addi %mul3A_146, %add3A_147 : i32
        %mul3A_149 = arith.constant 16 : i32
        %mul3A_150 = arith.muli %add3A_148, %mul3A_149 : i32
        %get3A_151 = arith.index_cast %mul3A_150 : i32 to index
        %get3A_152 = tpu.vector_load %arg7[%get3A_151] {strides = array<i32>} : memref<10240xi32, #tpu.memory_space<vmem>>, vector<16xi32>,
        %mul3A_153 = arith.constant 16 : i32
        %mul3A_154 = arith.muli %scan3A_77, %mul3A_153 : i32
        %add3A_155 = arith.constant 9 : i32
        %add3A_156 = arith.addi %mul3A_154, %add3A_155 : i32
        %mul3A_157 = arith.constant 16 : i32
        %mul3A_158 = arith.muli %add3A_156, %mul3A_157 : i32
        %get3A_159 = arith.index_cast %mul3A_158 : i32 to index
        %get3A_160 = tpu.vector_load %arg7[%get3A_159] {strides = array<i32>} : memref<10240xi32, #tpu.memory_space<vmem>>, vector<16xi32>,
        %mul3A_161 = arith.constant 16 : i32
        %mul3A_162 = arith.muli %scan3A_77, %mul3A_161 : i32
        %add3A_163 = arith.constant 10 : i32
        %add3A_164 = arith.addi %mul3A_162, %add3A_163 : i32
        %mul3A_165 = arith.constant 16 : i32
        %mul3A_166 = arith.muli %add3A_164, %mul3A_165 : i32
        %get3A_167 = arith.index_cast %mul3A_166 : i32 to index
        %get3A_168 = tpu.vector_load %arg7[%get3A_167] {strides = array<i32>} : memref<10240xi32, #tpu.memory_space<vmem>>, vector<16xi32>,
        %mul3A_169 = arith.constant 16 : i32
        %mul3A_170 = arith.muli %scan3A_77, %mul3A_169 : i32
        %add3A_171 = arith.constant 11 : i32
        %add3A_172 = arith.addi %mul3A_170, %add3A_171 : i32
        %mul3A_173 = arith.constant 16 : i32
        %mul3A_174 = arith.muli %add3A_172, %mul3A_173 : i32
        %get3A_175 = arith.index_cast %mul3A_174 : i32 to index
        %get3A_176 = tpu.vector_load %arg7[%get3A_175] {strides = array<i32>} : memref<10240xi32, #tpu.memory_space<vmem>>, vector<16xi32>,
        %mul3A_177 = arith.constant 16 : i32
        %mul3A_178 = arith.muli %scan3A_77, %mul3A_177 : i32
        %add3A_179 = arith.constant 12 : i32
        %add3A_180 = arith.addi %mul3A_178, %add3A_179 : i32
        %mul3A_181 = arith.constant 16 : i32
        %mul3A_182 = arith.muli %add3A_180, %mul3A_181 : i32
        %get3A_183 = arith.index_cast %mul3A_182 : i32 to index
        %get3A_184 = tpu.vector_load %arg7[%get3A_183] {strides = array<i32>} : memref<10240xi32, #tpu.memory_space<vmem>>, vector<16xi32>,
        %mul3A_185 = arith.constant 16 : i32
        %mul3A_186 = arith.muli %scan3A_77, %mul3A_185 : i32
        %add3A_187 = arith.constant 13 : i32
        %add3A_188 = arith.addi %mul3A_186, %add3A_187 : i32
        %mul3A_189 = arith.constant 16 : i32
        %mul3A_190 = arith.muli %add3A_188, %mul3A_189 : i32
        %get3A_191 = arith.index_cast %mul3A_190 : i32 to index
        %get3A_192 = tpu.vector_load %arg7[%get3A_191] {strides = array<i32>} : memref<10240xi32, #tpu.memory_space<vmem>>, vector<16xi32>,
        %mul3A_193 = arith.constant 16 : i32
        %mul3A_194 = arith.muli %scan3A_77, %mul3A_193 : i32
        %add3A_195 = arith.constant 14 : i32
        %add3A_196 = arith.addi %mul3A_194, %add3A_195 : i32
        %mul3A_197 = arith.constant 16 : i32
        %mul3A_198 = arith.muli %add3A_196, %mul3A_197 : i32
        %get3A_199 = arith.index_cast %mul3A_198 : i32 to index
        %get3A_200 = tpu.vector_load %arg7[%get3A_199] {strides = array<i32>} : memref<10240xi32, #tpu.memory_space<vmem>>, vector<16xi32>,
        %mul3A_201 = arith.constant 16 : i32
        %mul3A_202 = arith.muli %scan3A_77, %mul3A_201 : i32
        %add3A_203 = arith.constant 15 : i32
        %add3A_204 = arith.addi %mul3A_202, %add3A_203 : i32
        %mul3A_205 = arith.constant 16 : i32
        %mul3A_206 = arith.muli %add3A_204, %mul3A_205 : i32
        %get3A_207 = arith.index_cast %mul3A_206 : i32 to index
        %get3A_208 = tpu.vector_load %arg7[%get3A_207] {strides = array<i32>} : memref<10240xi32, #tpu.memory_space<vmem>>, vector<16xi32>,
        %gather3A = tpu.vector_load_idx %arg6[%get3A_88] : memref<106496xf32, #tpu.memory_space<vmem>>[vector<16xi32>], vector<16xf32>,
        %gather3A_209 = tpu.vector_load_idx %arg6[%get3A_96] : memref<106496xf32, #tpu.memory_space<vmem>>[vector<16xi32>], vector<16xf32>,
        %gather3A_210 = tpu.vector_load_idx %arg6[%get3A_104] : memref<106496xf32, #tpu.memory_space<vmem>>[vector<16xi32>], vector<16xf32>,
        %gather3A_211 = tpu.vector_load_idx %arg6[%get3A_112] : memref<106496xf32, #tpu.memory_space<vmem>>[vector<16xi32>], vector<16xf32>,
        %gather3A_212 = tpu.vector_load_idx %arg6[%get3A_120] : memref<106496xf32, #tpu.memory_space<vmem>>[vector<16xi32>], vector<16xf32>,
        %gather3A_213 = tpu.vector_load_idx %arg6[%get3A_128] : memref<106496xf32, #tpu.memory_space<vmem>>[vector<16xi32>], vector<16xf32>,
        %gather3A_214 = tpu.vector_load_idx %arg6[%get3A_136] : memref<106496xf32, #tpu.memory_space<vmem>>[vector<16xi32>], vector<16xf32>,
        %gather3A_215 = tpu.vector_load_idx %arg6[%get3A_144] : memref<106496xf32, #tpu.memory_space<vmem>>[vector<16xi32>], vector<16xf32>,
        %gather3A_216 = tpu.vector_load_idx %arg6[%get3A_152] : memref<106496xf32, #tpu.memory_space<vmem>>[vector<16xi32>], vector<16xf32>,
        %gather3A_217 = tpu.vector_load_idx %arg6[%get3A_160] : memref<106496xf32, #tpu.memory_space<vmem>>[vector<16xi32>], vector<16xf32>,
        %gather3A_218 = tpu.vector_load_idx %arg6[%get3A_168] : memref<106496xf32, #tpu.memory_space<vmem>>[vector<16xi32>], vector<16xf32>,
        %gather3A_219 = tpu.vector_load_idx %arg6[%get3A_176] : memref<106496xf32, #tpu.memory_space<vmem>>[vector<16xi32>], vector<16xf32>,
        %gather3A_220 = tpu.vector_load_idx %arg6[%get3A_184] : memref<106496xf32, #tpu.memory_space<vmem>>[vector<16xi32>], vector<16xf32>,
        %gather3A_221 = tpu.vector_load_idx %arg6[%get3A_192] : memref<106496xf32, #tpu.memory_space<vmem>>[vector<16xi32>], vector<16xf32>,
        %gather3A_222 = tpu.vector_load_idx %arg6[%get3A_200] : memref<106496xf32, #tpu.memory_space<vmem>>[vector<16xi32>], vector<16xf32>,
        %gather3A_223 = tpu.vector_load_idx %arg6[%get3A_208] : memref<106496xf32, #tpu.memory_space<vmem>>[vector<16xi32>], vector<16xf32>,
        %max3A_224 = arith.maximumf %scan3A_78, %gather3A : vector<16xf32>
        %max3A_225 = arith.maximumf %scan3A_79, %gather3A_209 : vector<16xf32>
        %max3A_226 = arith.maximumf %scan3A_80, %gather3A_210 : vector<16xf32>
        %max3A_227 = arith.maximumf %scan3A_81, %gather3A_211 : vector<16xf32>
        %max3A_228 = arith.maximumf %max3A_224, %gather3A_212 : vector<16xf32>
        %max3A_229 = arith.maximumf %max3A_225, %gather3A_213 : vector<16xf32>
        %max3A_230 = arith.maximumf %max3A_226, %gather3A_214 : vector<16xf32>
        %max3A_231 = arith.maximumf %max3A_227, %gather3A_215 : vector<16xf32>
        %max3A_232 = arith.maximumf %max3A_228, %gather3A_216 : vector<16xf32>
        %max3A_233 = arith.maximumf %max3A_229, %gather3A_217 : vector<16xf32>
        %max3A_234 = arith.maximumf %max3A_230, %gather3A_218 : vector<16xf32>
        %max3A_235 = arith.maximumf %max3A_231, %gather3A_219 : vector<16xf32>
        %max3A_236 = arith.maximumf %max3A_232, %gather3A_220 : vector<16xf32>
        %max3A_237 = arith.maximumf %max3A_233, %gather3A_221 : vector<16xf32>
        %max3A_238 = arith.maximumf %max3A_234, %gather3A_222 : vector<16xf32>
        %max3A_239 = arith.maximumf %max3A_235, %gather3A_223 : vector<16xf32>
        scf.yield %max3A_236, %max3A_237, %max3A_238, %max3A_239 : vector<16xf32>, vector<16xf32>, vector<16xf32>, vector<16xf32>
      }
      %scan3A_21 = arith.constant 40 : i32
      %add3A_22 = arith.constant 10240 : i32
      %add3A_23 = arith.addi %mul3A_1, %add3A_22 : i32
      %dma_wait3A_24 = tpu.memref_slice %arg2[%add3A_23] : memref<819200xi32, #tpu.memory_space<hbm>> -> memref<10240xi32, #tpu.memory_space<hbm>>
      %dma_wait3A_25 = tpu.memref_slice %arg2[%add3A_23] : memref<819200xi32, #tpu.memory_space<hbm>> -> memref<10240xi32, #tpu.memory_space<hbm>>
      tpu.wait_dma2 semaphore(%arg11 : memref<!tpu.dma_semaphore, #tpu.memory_space<semaphore_mem>>) src(%dma_wait3A_25 : memref<10240xi32, #tpu.memory_space<hbm>>) dst(%arg8 : memref<10240xi32, #tpu.memory_space<vmem>>)
      %add3A_26 = arith.constant 20480 : i32
      %add3A_27 = arith.addi %mul3A_1, %add3A_26 : i32
      %dma_start3A_28 = tpu.memref_slice %arg2[%add3A_27] : memref<819200xi32, #tpu.memory_space<hbm>> -> memref<10240xi32, #tpu.memory_space<hbm>>
      %dma_start3A_29 = tpu.memref_slice %arg2[%add3A_27] : memref<819200xi32, #tpu.memory_space<hbm>> -> memref<10240xi32, #tpu.memory_space<hbm>>
      tpu.enqueue_dma source(%dma_start3A_29 : memref<10240xi32, #tpu.memory_space<hbm>>) target(%arg7 : memref<10240xi32, #tpu.memory_space<vmem>>) target_semaphore(%arg10 : memref<!tpu.dma_semaphore, #tpu.memory_space<semaphore_mem>>)
      %scan3A_30 = arith.constant 0 : i32
      %scan3A_31 = arith.constant 40 : i32
      %scan3A_32 = arith.addi %scan3A_30, %scan3A_31 : i32
      %scan3A_33 = arith.constant 1 : i32
      %scan3A_34:4 = scf.for %scan3A_77 = %scan3A_30 to %scan3A_32 step %scan3A_33 iter_args(%scan3A_78 = %scan3A_20#0, %scan3A_79 = %scan3A_20#1, %scan3A_80 = %scan3A_20#2, %scan3A_81 = %scan3A_20#3) -> (vector<16xf32>, vector<16xf32>, vector<16xf32>, vector<16xf32>)  : i32 {
        %mul3A_82 = arith.constant 16 : i32
        %mul3A_83 = arith.muli %scan3A_77, %mul3A_82 : i32
        %add3A_84 = arith.constant 0 : i32
        %add3A_85 = arith.addi %mul3A_83, %add3A_84 : i32
        %mul3A_86 = arith.constant 16 : i32
        %mul3A_87 = arith.muli %add3A_85, %mul3A_86 : i32
        %get3A = arith.index_cast %mul3A_87 : i32 to index
        %get3A_88 = tpu.vector_load %arg8[%get3A] {strides = array<i32>} : memref<10240xi32, #tpu.memory_space<vmem>>, vector<16xi32>,
        %mul3A_89 = arith.constant 16 : i32
        %mul3A_90 = arith.muli %scan3A_77, %mul3A_89 : i32
        %add3A_91 = arith.constant 1 : i32
        %add3A_92 = arith.addi %mul3A_90, %add3A_91 : i32
        %mul3A_93 = arith.constant 16 : i32
        %mul3A_94 = arith.muli %add3A_92, %mul3A_93 : i32
        %get3A_95 = arith.index_cast %mul3A_94 : i32 to index
        %get3A_96 = tpu.vector_load %arg8[%get3A_95] {strides = array<i32>} : memref<10240xi32, #tpu.memory_space<vmem>>, vector<16xi32>,
        %mul3A_97 = arith.constant 16 : i32
        %mul3A_98 = arith.muli %scan3A_77, %mul3A_97 : i32
        %add3A_99 = arith.constant 2 : i32
        %add3A_100 = arith.addi %mul3A_98, %add3A_99 : i32
        %mul3A_101 = arith.constant 16 : i32
        %mul3A_102 = arith.muli %add3A_100, %mul3A_101 : i32
        %get3A_103 = arith.index_cast %mul3A_102 : i32 to index
        %get3A_104 = tpu.vector_load %arg8[%get3A_103] {strides = array<i32>} : memref<10240xi32, #tpu.memory_space<vmem>>, vector<16xi32>,
        %mul3A_105 = arith.constant 16 : i32
        %mul3A_106 = arith.muli %scan3A_77, %mul3A_105 : i32
        %add3A_107 = arith.constant 3 : i32
        %add3A_108 = arith.addi %mul3A_106, %add3A_107 : i32
        %mul3A_109 = arith.constant 16 : i32
        %mul3A_110 = arith.muli %add3A_108, %mul3A_109 : i32
        %get3A_111 = arith.index_cast %mul3A_110 : i32 to index
        %get3A_112 = tpu.vector_load %arg8[%get3A_111] {strides = array<i32>} : memref<10240xi32, #tpu.memory_space<vmem>>, vector<16xi32>,
        %mul3A_113 = arith.constant 16 : i32
        %mul3A_114 = arith.muli %scan3A_77, %mul3A_113 : i32
        %add3A_115 = arith.constant 4 : i32
        %add3A_116 = arith.addi %mul3A_114, %add3A_115 : i32
        %mul3A_117 = arith.constant 16 : i32
        %mul3A_118 = arith.muli %add3A_116, %mul3A_117 : i32
        %get3A_119 = arith.index_cast %mul3A_118 : i32 to index
        %get3A_120 = tpu.vector_load %arg8[%get3A_119] {strides = array<i32>} : memref<10240xi32, #tpu.memory_space<vmem>>, vector<16xi32>,
        %mul3A_121 = arith.constant 16 : i32
        %mul3A_122 = arith.muli %scan3A_77, %mul3A_121 : i32
        %add3A_123 = arith.constant 5 : i32
        %add3A_124 = arith.addi %mul3A_122, %add3A_123 : i32
        %mul3A_125 = arith.constant 16 : i32
        %mul3A_126 = arith.muli %add3A_124, %mul3A_125 : i32
        %get3A_127 = arith.index_cast %mul3A_126 : i32 to index
        %get3A_128 = tpu.vector_load %arg8[%get3A_127] {strides = array<i32>} : memref<10240xi32, #tpu.memory_space<vmem>>, vector<16xi32>,
        %mul3A_129 = arith.constant 16 : i32
        %mul3A_130 = arith.muli %scan3A_77, %mul3A_129 : i32
        %add3A_131 = arith.constant 6 : i32
        %add3A_132 = arith.addi %mul3A_130, %add3A_131 : i32
        %mul3A_133 = arith.constant 16 : i32
        %mul3A_134 = arith.muli %add3A_132, %mul3A_133 : i32
        %get3A_135 = arith.index_cast %mul3A_134 : i32 to index
        %get3A_136 = tpu.vector_load %arg8[%get3A_135] {strides = array<i32>} : memref<10240xi32, #tpu.memory_space<vmem>>, vector<16xi32>,
        %mul3A_137 = arith.constant 16 : i32
        %mul3A_138 = arith.muli %scan3A_77, %mul3A_137 : i32
        %add3A_139 = arith.constant 7 : i32
        %add3A_140 = arith.addi %mul3A_138, %add3A_139 : i32
        %mul3A_141 = arith.constant 16 : i32
        %mul3A_142 = arith.muli %add3A_140, %mul3A_141 : i32
        %get3A_143 = arith.index_cast %mul3A_142 : i32 to index
        %get3A_144 = tpu.vector_load %arg8[%get3A_143] {strides = array<i32>} : memref<10240xi32, #tpu.memory_space<vmem>>, vector<16xi32>,
        %mul3A_145 = arith.constant 16 : i32
        %mul3A_146 = arith.muli %scan3A_77, %mul3A_145 : i32
        %add3A_147 = arith.constant 8 : i32
        %add3A_148 = arith.addi %mul3A_146, %add3A_147 : i32
        %mul3A_149 = arith.constant 16 : i32
        %mul3A_150 = arith.muli %add3A_148, %mul3A_149 : i32
        %get3A_151 = arith.index_cast %mul3A_150 : i32 to index
        %get3A_152 = tpu.vector_load %arg8[%get3A_151] {strides = array<i32>} : memref<10240xi32, #tpu.memory_space<vmem>>, vector<16xi32>,
        %mul3A_153 = arith.constant 16 : i32
        %mul3A_154 = arith.muli %scan3A_77, %mul3A_153 : i32
        %add3A_155 = arith.constant 9 : i32
        %add3A_156 = arith.addi %mul3A_154, %add3A_155 : i32
        %mul3A_157 = arith.constant 16 : i32
        %mul3A_158 = arith.muli %add3A_156, %mul3A_157 : i32
        %get3A_159 = arith.index_cast %mul3A_158 : i32 to index
        %get3A_160 = tpu.vector_load %arg8[%get3A_159] {strides = array<i32>} : memref<10240xi32, #tpu.memory_space<vmem>>, vector<16xi32>,
        %mul3A_161 = arith.constant 16 : i32
        %mul3A_162 = arith.muli %scan3A_77, %mul3A_161 : i32
        %add3A_163 = arith.constant 10 : i32
        %add3A_164 = arith.addi %mul3A_162, %add3A_163 : i32
        %mul3A_165 = arith.constant 16 : i32
        %mul3A_166 = arith.muli %add3A_164, %mul3A_165 : i32
        %get3A_167 = arith.index_cast %mul3A_166 : i32 to index
        %get3A_168 = tpu.vector_load %arg8[%get3A_167] {strides = array<i32>} : memref<10240xi32, #tpu.memory_space<vmem>>, vector<16xi32>,
        %mul3A_169 = arith.constant 16 : i32
        %mul3A_170 = arith.muli %scan3A_77, %mul3A_169 : i32
        %add3A_171 = arith.constant 11 : i32
        %add3A_172 = arith.addi %mul3A_170, %add3A_171 : i32
        %mul3A_173 = arith.constant 16 : i32
        %mul3A_174 = arith.muli %add3A_172, %mul3A_173 : i32
        %get3A_175 = arith.index_cast %mul3A_174 : i32 to index
        %get3A_176 = tpu.vector_load %arg8[%get3A_175] {strides = array<i32>} : memref<10240xi32, #tpu.memory_space<vmem>>, vector<16xi32>,
        %mul3A_177 = arith.constant 16 : i32
        %mul3A_178 = arith.muli %scan3A_77, %mul3A_177 : i32
        %add3A_179 = arith.constant 12 : i32
        %add3A_180 = arith.addi %mul3A_178, %add3A_179 : i32
        %mul3A_181 = arith.constant 16 : i32
        %mul3A_182 = arith.muli %add3A_180, %mul3A_181 : i32
        %get3A_183 = arith.index_cast %mul3A_182 : i32 to index
        %get3A_184 = tpu.vector_load %arg8[%get3A_183] {strides = array<i32>} : memref<10240xi32, #tpu.memory_space<vmem>>, vector<16xi32>,
        %mul3A_185 = arith.constant 16 : i32
        %mul3A_186 = arith.muli %scan3A_77, %mul3A_185 : i32
        %add3A_187 = arith.constant 13 : i32
        %add3A_188 = arith.addi %mul3A_186, %add3A_187 : i32
        %mul3A_189 = arith.constant 16 : i32
        %mul3A_190 = arith.muli %add3A_188, %mul3A_189 : i32
        %get3A_191 = arith.index_cast %mul3A_190 : i32 to index
        %get3A_192 = tpu.vector_load %arg8[%get3A_191] {strides = array<i32>} : memref<10240xi32, #tpu.memory_space<vmem>>, vector<16xi32>,
        %mul3A_193 = arith.constant 16 : i32
        %mul3A_194 = arith.muli %scan3A_77, %mul3A_193 : i32
        %add3A_195 = arith.constant 14 : i32
        %add3A_196 = arith.addi %mul3A_194, %add3A_195 : i32
        %mul3A_197 = arith.constant 16 : i32
        %mul3A_198 = arith.muli %add3A_196, %mul3A_197 : i32
        %get3A_199 = arith.index_cast %mul3A_198 : i32 to index
        %get3A_200 = tpu.vector_load %arg8[%get3A_199] {strides = array<i32>} : memref<10240xi32, #tpu.memory_space<vmem>>, vector<16xi32>,
        %mul3A_201 = arith.constant 16 : i32
        %mul3A_202 = arith.muli %scan3A_77, %mul3A_201 : i32
        %add3A_203 = arith.constant 15 : i32
        %add3A_204 = arith.addi %mul3A_202, %add3A_203 : i32
        %mul3A_205 = arith.constant 16 : i32
        %mul3A_206 = arith.muli %add3A_204, %mul3A_205 : i32
        %get3A_207 = arith.index_cast %mul3A_206 : i32 to index
        %get3A_208 = tpu.vector_load %arg8[%get3A_207] {strides = array<i32>} : memref<10240xi32, #tpu.memory_space<vmem>>, vector<16xi32>,
        %gather3A = tpu.vector_load_idx %arg6[%get3A_88] : memref<106496xf32, #tpu.memory_space<vmem>>[vector<16xi32>], vector<16xf32>,
        %gather3A_209 = tpu.vector_load_idx %arg6[%get3A_96] : memref<106496xf32, #tpu.memory_space<vmem>>[vector<16xi32>], vector<16xf32>,
        %gather3A_210 = tpu.vector_load_idx %arg6[%get3A_104] : memref<106496xf32, #tpu.memory_space<vmem>>[vector<16xi32>], vector<16xf32>,
        %gather3A_211 = tpu.vector_load_idx %arg6[%get3A_112] : memref<106496xf32, #tpu.memory_space<vmem>>[vector<16xi32>], vector<16xf32>,
        %gather3A_212 = tpu.vector_load_idx %arg6[%get3A_120] : memref<106496xf32, #tpu.memory_space<vmem>>[vector<16xi32>], vector<16xf32>,
        %gather3A_213 = tpu.vector_load_idx %arg6[%get3A_128] : memref<106496xf32, #tpu.memory_space<vmem>>[vector<16xi32>], vector<16xf32>,
        %gather3A_214 = tpu.vector_load_idx %arg6[%get3A_136] : memref<106496xf32, #tpu.memory_space<vmem>>[vector<16xi32>], vector<16xf32>,
        %gather3A_215 = tpu.vector_load_idx %arg6[%get3A_144] : memref<106496xf32, #tpu.memory_space<vmem>>[vector<16xi32>], vector<16xf32>,
        %gather3A_216 = tpu.vector_load_idx %arg6[%get3A_152] : memref<106496xf32, #tpu.memory_space<vmem>>[vector<16xi32>], vector<16xf32>,
        %gather3A_217 = tpu.vector_load_idx %arg6[%get3A_160] : memref<106496xf32, #tpu.memory_space<vmem>>[vector<16xi32>], vector<16xf32>,
        %gather3A_218 = tpu.vector_load_idx %arg6[%get3A_168] : memref<106496xf32, #tpu.memory_space<vmem>>[vector<16xi32>], vector<16xf32>,
        %gather3A_219 = tpu.vector_load_idx %arg6[%get3A_176] : memref<106496xf32, #tpu.memory_space<vmem>>[vector<16xi32>], vector<16xf32>,
        %gather3A_220 = tpu.vector_load_idx %arg6[%get3A_184] : memref<106496xf32, #tpu.memory_space<vmem>>[vector<16xi32>], vector<16xf32>,
        %gather3A_221 = tpu.vector_load_idx %arg6[%get3A_192] : memref<106496xf32, #tpu.memory_space<vmem>>[vector<16xi32>], vector<16xf32>,
        %gather3A_222 = tpu.vector_load_idx %arg6[%get3A_200] : memref<106496xf32, #tpu.memory_space<vmem>>[vector<16xi32>], vector<16xf32>,
        %gather3A_223 = tpu.vector_load_idx %arg6[%get3A_208] : memref<106496xf32, #tpu.memory_space<vmem>>[vector<16xi32>], vector<16xf32>,
        %max3A_224 = arith.maximumf %scan3A_78, %gather3A : vector<16xf32>
        %max3A_225 = arith.maximumf %scan3A_79, %gather3A_209 : vector<16xf32>
        %max3A_226 = arith.maximumf %scan3A_80, %gather3A_210 : vector<16xf32>
        %max3A_227 = arith.maximumf %scan3A_81, %gather3A_211 : vector<16xf32>
        %max3A_228 = arith.maximumf %max3A_224, %gather3A_212 : vector<16xf32>
        %max3A_229 = arith.maximumf %max3A_225, %gather3A_213 : vector<16xf32>
        %max3A_230 = arith.maximumf %max3A_226, %gather3A_214 : vector<16xf32>
        %max3A_231 = arith.maximumf %max3A_227, %gather3A_215 : vector<16xf32>
        %max3A_232 = arith.maximumf %max3A_228, %gather3A_216 : vector<16xf32>
        %max3A_233 = arith.maximumf %max3A_229, %gather3A_217 : vector<16xf32>
        %max3A_234 = arith.maximumf %max3A_230, %gather3A_218 : vector<16xf32>
        %max3A_235 = arith.maximumf %max3A_231, %gather3A_219 : vector<16xf32>
        %max3A_236 = arith.maximumf %max3A_232, %gather3A_220 : vector<16xf32>
        %max3A_237 = arith.maximumf %max3A_233, %gather3A_221 : vector<16xf32>
        %max3A_238 = arith.maximumf %max3A_234, %gather3A_222 : vector<16xf32>
        %max3A_239 = arith.maximumf %max3A_235, %gather3A_223 : vector<16xf32>
        scf.yield %max3A_236, %max3A_237, %max3A_238, %max3A_239 : vector<16xf32>, vector<16xf32>, vector<16xf32>, vector<16xf32>
      }
      %scan3A_35 = arith.constant 40 : i32
      %add3A_36 = arith.constant 20480 : i32
      %add3A_37 = arith.addi %mul3A_1, %add3A_36 : i32
      %dma_wait3A_38 = tpu.memref_slice %arg2[%add3A_37] : memref<819200xi32, #tpu.memory_space<hbm>> -> memref<10240xi32, #tpu.memory_space<hbm>>
      %dma_wait3A_39 = tpu.memref_slice %arg2[%add3A_37] : memref<819200xi32, #tpu.memory_space<hbm>> -> memref<10240xi32, #tpu.memory_space<hbm>>
      tpu.wait_dma2 semaphore(%arg10 : memref<!tpu.dma_semaphore, #tpu.memory_space<semaphore_mem>>) src(%dma_wait3A_39 : memref<10240xi32, #tpu.memory_space<hbm>>) dst(%arg7 : memref<10240xi32, #tpu.memory_space<vmem>>)
      %add3A_40 = arith.constant 30720 : i32
      %add3A_41 = arith.addi %mul3A_1, %add3A_40 : i32
      %dma_start3A_42 = tpu.memref_slice %arg2[%add3A_41] : memref<819200xi32, #tpu.memory_space<hbm>> -> memref<10240xi32, #tpu.memory_space<hbm>>
      %dma_start3A_43 = tpu.memref_slice %arg2[%add3A_41] : memref<819200xi32, #tpu.memory_space<hbm>> -> memref<10240xi32, #tpu.memory_space<hbm>>
      tpu.enqueue_dma source(%dma_start3A_43 : memref<10240xi32, #tpu.memory_space<hbm>>) target(%arg8 : memref<10240xi32, #tpu.memory_space<vmem>>) target_semaphore(%arg11 : memref<!tpu.dma_semaphore, #tpu.memory_space<semaphore_mem>>)
      %scan3A_44 = arith.constant 0 : i32
      %scan3A_45 = arith.constant 40 : i32
      %scan3A_46 = arith.addi %scan3A_44, %scan3A_45 : i32
      %scan3A_47 = arith.constant 1 : i32
      %scan3A_48:4 = scf.for %scan3A_77 = %scan3A_44 to %scan3A_46 step %scan3A_47 iter_args(%scan3A_78 = %scan3A_34#0, %scan3A_79 = %scan3A_34#1, %scan3A_80 = %scan3A_34#2, %scan3A_81 = %scan3A_34#3) -> (vector<16xf32>, vector<16xf32>, vector<16xf32>, vector<16xf32>)  : i32 {
        %mul3A_82 = arith.constant 16 : i32
        %mul3A_83 = arith.muli %scan3A_77, %mul3A_82 : i32
        %add3A_84 = arith.constant 0 : i32
        %add3A_85 = arith.addi %mul3A_83, %add3A_84 : i32
        %mul3A_86 = arith.constant 16 : i32
        %mul3A_87 = arith.muli %add3A_85, %mul3A_86 : i32
        %get3A = arith.index_cast %mul3A_87 : i32 to index
        %get3A_88 = tpu.vector_load %arg7[%get3A] {strides = array<i32>} : memref<10240xi32, #tpu.memory_space<vmem>>, vector<16xi32>,
        %mul3A_89 = arith.constant 16 : i32
        %mul3A_90 = arith.muli %scan3A_77, %mul3A_89 : i32
        %add3A_91 = arith.constant 1 : i32
        %add3A_92 = arith.addi %mul3A_90, %add3A_91 : i32
        %mul3A_93 = arith.constant 16 : i32
        %mul3A_94 = arith.muli %add3A_92, %mul3A_93 : i32
        %get3A_95 = arith.index_cast %mul3A_94 : i32 to index
        %get3A_96 = tpu.vector_load %arg7[%get3A_95] {strides = array<i32>} : memref<10240xi32, #tpu.memory_space<vmem>>, vector<16xi32>,
        %mul3A_97 = arith.constant 16 : i32
        %mul3A_98 = arith.muli %scan3A_77, %mul3A_97 : i32
        %add3A_99 = arith.constant 2 : i32
        %add3A_100 = arith.addi %mul3A_98, %add3A_99 : i32
        %mul3A_101 = arith.constant 16 : i32
        %mul3A_102 = arith.muli %add3A_100, %mul3A_101 : i32
        %get3A_103 = arith.index_cast %mul3A_102 : i32 to index
        %get3A_104 = tpu.vector_load %arg7[%get3A_103] {strides = array<i32>} : memref<10240xi32, #tpu.memory_space<vmem>>, vector<16xi32>,
        %mul3A_105 = arith.constant 16 : i32
        %mul3A_106 = arith.muli %scan3A_77, %mul3A_105 : i32
        %add3A_107 = arith.constant 3 : i32
        %add3A_108 = arith.addi %mul3A_106, %add3A_107 : i32
        %mul3A_109 = arith.constant 16 : i32
        %mul3A_110 = arith.muli %add3A_108, %mul3A_109 : i32
        %get3A_111 = arith.index_cast %mul3A_110 : i32 to index
        %get3A_112 = tpu.vector_load %arg7[%get3A_111] {strides = array<i32>} : memref<10240xi32, #tpu.memory_space<vmem>>, vector<16xi32>,
        %mul3A_113 = arith.constant 16 : i32
        %mul3A_114 = arith.muli %scan3A_77, %mul3A_113 : i32
        %add3A_115 = arith.constant 4 : i32
        %add3A_116 = arith.addi %mul3A_114, %add3A_115 : i32
        %mul3A_117 = arith.constant 16 : i32
        %mul3A_118 = arith.muli %add3A_116, %mul3A_117 : i32
        %get3A_119 = arith.index_cast %mul3A_118 : i32 to index
        %get3A_120 = tpu.vector_load %arg7[%get3A_119] {strides = array<i32>} : memref<10240xi32, #tpu.memory_space<vmem>>, vector<16xi32>,
        %mul3A_121 = arith.constant 16 : i32
        %mul3A_122 = arith.muli %scan3A_77, %mul3A_121 : i32
        %add3A_123 = arith.constant 5 : i32
        %add3A_124 = arith.addi %mul3A_122, %add3A_123 : i32
        %mul3A_125 = arith.constant 16 : i32
        %mul3A_126 = arith.muli %add3A_124, %mul3A_125 : i32
        %get3A_127 = arith.index_cast %mul3A_126 : i32 to index
        %get3A_128 = tpu.vector_load %arg7[%get3A_127] {strides = array<i32>} : memref<10240xi32, #tpu.memory_space<vmem>>, vector<16xi32>,
        %mul3A_129 = arith.constant 16 : i32
        %mul3A_130 = arith.muli %scan3A_77, %mul3A_129 : i32
        %add3A_131 = arith.constant 6 : i32
        %add3A_132 = arith.addi %mul3A_130, %add3A_131 : i32
        %mul3A_133 = arith.constant 16 : i32
        %mul3A_134 = arith.muli %add3A_132, %mul3A_133 : i32
        %get3A_135 = arith.index_cast %mul3A_134 : i32 to index
        %get3A_136 = tpu.vector_load %arg7[%get3A_135] {strides = array<i32>} : memref<10240xi32, #tpu.memory_space<vmem>>, vector<16xi32>,
        %mul3A_137 = arith.constant 16 : i32
        %mul3A_138 = arith.muli %scan3A_77, %mul3A_137 : i32
        %add3A_139 = arith.constant 7 : i32
        %add3A_140 = arith.addi %mul3A_138, %add3A_139 : i32
        %mul3A_141 = arith.constant 16 : i32
        %mul3A_142 = arith.muli %add3A_140, %mul3A_141 : i32
        %get3A_143 = arith.index_cast %mul3A_142 : i32 to index
        %get3A_144 = tpu.vector_load %arg7[%get3A_143] {strides = array<i32>} : memref<10240xi32, #tpu.memory_space<vmem>>, vector<16xi32>,
        %mul3A_145 = arith.constant 16 : i32
        %mul3A_146 = arith.muli %scan3A_77, %mul3A_145 : i32
        %add3A_147 = arith.constant 8 : i32
        %add3A_148 = arith.addi %mul3A_146, %add3A_147 : i32
        %mul3A_149 = arith.constant 16 : i32
        %mul3A_150 = arith.muli %add3A_148, %mul3A_149 : i32
        %get3A_151 = arith.index_cast %mul3A_150 : i32 to index
        %get3A_152 = tpu.vector_load %arg7[%get3A_151] {strides = array<i32>} : memref<10240xi32, #tpu.memory_space<vmem>>, vector<16xi32>,
        %mul3A_153 = arith.constant 16 : i32
        %mul3A_154 = arith.muli %scan3A_77, %mul3A_153 : i32
        %add3A_155 = arith.constant 9 : i32
        %add3A_156 = arith.addi %mul3A_154, %add3A_155 : i32
        %mul3A_157 = arith.constant 16 : i32
        %mul3A_158 = arith.muli %add3A_156, %mul3A_157 : i32
        %get3A_159 = arith.index_cast %mul3A_158 : i32 to index
        %get3A_160 = tpu.vector_load %arg7[%get3A_159] {strides = array<i32>} : memref<10240xi32, #tpu.memory_space<vmem>>, vector<16xi32>,
        %mul3A_161 = arith.constant 16 : i32
        %mul3A_162 = arith.muli %scan3A_77, %mul3A_161 : i32
        %add3A_163 = arith.constant 10 : i32
        %add3A_164 = arith.addi %mul3A_162, %add3A_163 : i32
        %mul3A_165 = arith.constant 16 : i32
        %mul3A_166 = arith.muli %add3A_164, %mul3A_165 : i32
        %get3A_167 = arith.index_cast %mul3A_166 : i32 to index
        %get3A_168 = tpu.vector_load %arg7[%get3A_167] {strides = array<i32>} : memref<10240xi32, #tpu.memory_space<vmem>>, vector<16xi32>,
        %mul3A_169 = arith.constant 16 : i32
        %mul3A_170 = arith.muli %scan3A_77, %mul3A_169 : i32
        %add3A_171 = arith.constant 11 : i32
        %add3A_172 = arith.addi %mul3A_170, %add3A_171 : i32
        %mul3A_173 = arith.constant 16 : i32
        %mul3A_174 = arith.muli %add3A_172, %mul3A_173 : i32
        %get3A_175 = arith.index_cast %mul3A_174 : i32 to index
        %get3A_176 = tpu.vector_load %arg7[%get3A_175] {strides = array<i32>} : memref<10240xi32, #tpu.memory_space<vmem>>, vector<16xi32>,
        %mul3A_177 = arith.constant 16 : i32
        %mul3A_178 = arith.muli %scan3A_77, %mul3A_177 : i32
        %add3A_179 = arith.constant 12 : i32
        %add3A_180 = arith.addi %mul3A_178, %add3A_179 : i32
        %mul3A_181 = arith.constant 16 : i32
        %mul3A_182 = arith.muli %add3A_180, %mul3A_181 : i32
        %get3A_183 = arith.index_cast %mul3A_182 : i32 to index
        %get3A_184 = tpu.vector_load %arg7[%get3A_183] {strides = array<i32>} : memref<10240xi32, #tpu.memory_space<vmem>>, vector<16xi32>,
        %mul3A_185 = arith.constant 16 : i32
        %mul3A_186 = arith.muli %scan3A_77, %mul3A_185 : i32
        %add3A_187 = arith.constant 13 : i32
        %add3A_188 = arith.addi %mul3A_186, %add3A_187 : i32
        %mul3A_189 = arith.constant 16 : i32
        %mul3A_190 = arith.muli %add3A_188, %mul3A_189 : i32
        %get3A_191 = arith.index_cast %mul3A_190 : i32 to index
        %get3A_192 = tpu.vector_load %arg7[%get3A_191] {strides = array<i32>} : memref<10240xi32, #tpu.memory_space<vmem>>, vector<16xi32>,
        %mul3A_193 = arith.constant 16 : i32
        %mul3A_194 = arith.muli %scan3A_77, %mul3A_193 : i32
        %add3A_195 = arith.constant 14 : i32
        %add3A_196 = arith.addi %mul3A_194, %add3A_195 : i32
        %mul3A_197 = arith.constant 16 : i32
        %mul3A_198 = arith.muli %add3A_196, %mul3A_197 : i32
        %get3A_199 = arith.index_cast %mul3A_198 : i32 to index
        %get3A_200 = tpu.vector_load %arg7[%get3A_199] {strides = array<i32>} : memref<10240xi32, #tpu.memory_space<vmem>>, vector<16xi32>,
        %mul3A_201 = arith.constant 16 : i32
        %mul3A_202 = arith.muli %scan3A_77, %mul3A_201 : i32
        %add3A_203 = arith.constant 15 : i32
        %add3A_204 = arith.addi %mul3A_202, %add3A_203 : i32
        %mul3A_205 = arith.constant 16 : i32
        %mul3A_206 = arith.muli %add3A_204, %mul3A_205 : i32
        %get3A_207 = arith.index_cast %mul3A_206 : i32 to index
        %get3A_208 = tpu.vector_load %arg7[%get3A_207] {strides = array<i32>} : memref<10240xi32, #tpu.memory_space<vmem>>, vector<16xi32>,
        %gather3A = tpu.vector_load_idx %arg6[%get3A_88] : memref<106496xf32, #tpu.memory_space<vmem>>[vector<16xi32>], vector<16xf32>,
        %gather3A_209 = tpu.vector_load_idx %arg6[%get3A_96] : memref<106496xf32, #tpu.memory_space<vmem>>[vector<16xi32>], vector<16xf32>,
        %gather3A_210 = tpu.vector_load_idx %arg6[%get3A_104] : memref<106496xf32, #tpu.memory_space<vmem>>[vector<16xi32>], vector<16xf32>,
        %gather3A_211 = tpu.vector_load_idx %arg6[%get3A_112] : memref<106496xf32, #tpu.memory_space<vmem>>[vector<16xi32>], vector<16xf32>,
        %gather3A_212 = tpu.vector_load_idx %arg6[%get3A_120] : memref<106496xf32, #tpu.memory_space<vmem>>[vector<16xi32>], vector<16xf32>,
        %gather3A_213 = tpu.vector_load_idx %arg6[%get3A_128] : memref<106496xf32, #tpu.memory_space<vmem>>[vector<16xi32>], vector<16xf32>,
        %gather3A_214 = tpu.vector_load_idx %arg6[%get3A_136] : memref<106496xf32, #tpu.memory_space<vmem>>[vector<16xi32>], vector<16xf32>,
        %gather3A_215 = tpu.vector_load_idx %arg6[%get3A_144] : memref<106496xf32, #tpu.memory_space<vmem>>[vector<16xi32>], vector<16xf32>,
        %gather3A_216 = tpu.vector_load_idx %arg6[%get3A_152] : memref<106496xf32, #tpu.memory_space<vmem>>[vector<16xi32>], vector<16xf32>,
        %gather3A_217 = tpu.vector_load_idx %arg6[%get3A_160] : memref<106496xf32, #tpu.memory_space<vmem>>[vector<16xi32>], vector<16xf32>,
        %gather3A_218 = tpu.vector_load_idx %arg6[%get3A_168] : memref<106496xf32, #tpu.memory_space<vmem>>[vector<16xi32>], vector<16xf32>,
        %gather3A_219 = tpu.vector_load_idx %arg6[%get3A_176] : memref<106496xf32, #tpu.memory_space<vmem>>[vector<16xi32>], vector<16xf32>,
        %gather3A_220 = tpu.vector_load_idx %arg6[%get3A_184] : memref<106496xf32, #tpu.memory_space<vmem>>[vector<16xi32>], vector<16xf32>,
        %gather3A_221 = tpu.vector_load_idx %arg6[%get3A_192] : memref<106496xf32, #tpu.memory_space<vmem>>[vector<16xi32>], vector<16xf32>,
        %gather3A_222 = tpu.vector_load_idx %arg6[%get3A_200] : memref<106496xf32, #tpu.memory_space<vmem>>[vector<16xi32>], vector<16xf32>,
        %gather3A_223 = tpu.vector_load_idx %arg6[%get3A_208] : memref<106496xf32, #tpu.memory_space<vmem>>[vector<16xi32>], vector<16xf32>,
        %max3A_224 = arith.maximumf %scan3A_78, %gather3A : vector<16xf32>
        %max3A_225 = arith.maximumf %scan3A_79, %gather3A_209 : vector<16xf32>
        %max3A_226 = arith.maximumf %scan3A_80, %gather3A_210 : vector<16xf32>
        %max3A_227 = arith.maximumf %scan3A_81, %gather3A_211 : vector<16xf32>
        %max3A_228 = arith.maximumf %max3A_224, %gather3A_212 : vector<16xf32>
        %max3A_229 = arith.maximumf %max3A_225, %gather3A_213 : vector<16xf32>
        %max3A_230 = arith.maximumf %max3A_226, %gather3A_214 : vector<16xf32>
        %max3A_231 = arith.maximumf %max3A_227, %gather3A_215 : vector<16xf32>
        %max3A_232 = arith.maximumf %max3A_228, %gather3A_216 : vector<16xf32>
        %max3A_233 = arith.maximumf %max3A_229, %gather3A_217 : vector<16xf32>
        %max3A_234 = arith.maximumf %max3A_230, %gather3A_218 : vector<16xf32>
        %max3A_235 = arith.maximumf %max3A_231, %gather3A_219 : vector<16xf32>
        %max3A_236 = arith.maximumf %max3A_232, %gather3A_220 : vector<16xf32>
        %max3A_237 = arith.maximumf %max3A_233, %gather3A_221 : vector<16xf32>
        %max3A_238 = arith.maximumf %max3A_234, %gather3A_222 : vector<16xf32>
        %max3A_239 = arith.maximumf %max3A_235, %gather3A_223 : vector<16xf32>
        scf.yield %max3A_236, %max3A_237, %max3A_238, %max3A_239 : vector<16xf32>, vector<16xf32>, vector<16xf32>, vector<16xf32>
      }
      %scan3A_49 = arith.constant 40 : i32
      %add3A_50 = arith.constant 30720 : i32
      %add3A_51 = arith.addi %mul3A_1, %add3A_50 : i32
      %dma_wait3A_52 = tpu.memref_slice %arg2[%add3A_51] : memref<819200xi32, #tpu.memory_space<hbm>> -> memref<10240xi32, #tpu.memory_space<hbm>>
      %dma_wait3A_53 = tpu.memref_slice %arg2[%add3A_51] : memref<819200xi32, #tpu.memory_space<hbm>> -> memref<10240xi32, #tpu.memory_space<hbm>>
      tpu.wait_dma2 semaphore(%arg11 : memref<!tpu.dma_semaphore, #tpu.memory_space<semaphore_mem>>) src(%dma_wait3A_53 : memref<10240xi32, #tpu.memory_space<hbm>>) dst(%arg8 : memref<10240xi32, #tpu.memory_space<vmem>>)
      %add3A_54 = arith.constant 40960 : i32
      %add3A_55 = arith.addi %mul3A_1, %add3A_54 : i32
      %dma_start3A_56 = tpu.memref_slice %arg2[%add3A_55] : memref<819200xi32, #tpu.memory_space<hbm>> -> memref<10240xi32, #tpu.memory_space<hbm>>
      %dma_start3A_57 = tpu.memref_slice %arg2[%add3A_55] : memref<819200xi32, #tpu.memory_space<hbm>> -> memref<10240xi32, #tpu.memory_space<hbm>>
      tpu.enqueue_dma source(%dma_start3A_57 : memref<10240xi32, #tpu.memory_space<hbm>>) target(%arg7 : memref<10240xi32, #tpu.memory_space<vmem>>) target_semaphore(%arg10 : memref<!tpu.dma_semaphore, #tpu.memory_space<semaphore_mem>>)
      %scan3A_58 = arith.constant 0 : i32
      %scan3A_59 = arith.constant 40 : i32
      %scan3A_60 = arith.addi %scan3A_58, %scan3A_59 : i32
      %scan3A_61 = arith.constant 1 : i32
      %scan3A_62:4 = scf.for %scan3A_77 = %scan3A_58 to %scan3A_60 step %scan3A_61 iter_args(%scan3A_78 = %scan3A_48#0, %scan3A_79 = %scan3A_48#1, %scan3A_80 = %scan3A_48#2, %scan3A_81 = %scan3A_48#3) -> (vector<16xf32>, vector<16xf32>, vector<16xf32>, vector<16xf32>)  : i32 {
        %mul3A_82 = arith.constant 16 : i32
        %mul3A_83 = arith.muli %scan3A_77, %mul3A_82 : i32
        %add3A_84 = arith.constant 0 : i32
        %add3A_85 = arith.addi %mul3A_83, %add3A_84 : i32
        %mul3A_86 = arith.constant 16 : i32
        %mul3A_87 = arith.muli %add3A_85, %mul3A_86 : i32
        %get3A = arith.index_cast %mul3A_87 : i32 to index
        %get3A_88 = tpu.vector_load %arg8[%get3A] {strides = array<i32>} : memref<10240xi32, #tpu.memory_space<vmem>>, vector<16xi32>,
        %mul3A_89 = arith.constant 16 : i32
        %mul3A_90 = arith.muli %scan3A_77, %mul3A_89 : i32
        %add3A_91 = arith.constant 1 : i32
        %add3A_92 = arith.addi %mul3A_90, %add3A_91 : i32
        %mul3A_93 = arith.constant 16 : i32
        %mul3A_94 = arith.muli %add3A_92, %mul3A_93 : i32
        %get3A_95 = arith.index_cast %mul3A_94 : i32 to index
        %get3A_96 = tpu.vector_load %arg8[%get3A_95] {strides = array<i32>} : memref<10240xi32, #tpu.memory_space<vmem>>, vector<16xi32>,
        %mul3A_97 = arith.constant 16 : i32
        %mul3A_98 = arith.muli %scan3A_77, %mul3A_97 : i32
        %add3A_99 = arith.constant 2 : i32
        %add3A_100 = arith.addi %mul3A_98, %add3A_99 : i32
        %mul3A_101 = arith.constant 16 : i32
        %mul3A_102 = arith.muli %add3A_100, %mul3A_101 : i32
        %get3A_103 = arith.index_cast %mul3A_102 : i32 to index
        %get3A_104 = tpu.vector_load %arg8[%get3A_103] {strides = array<i32>} : memref<10240xi32, #tpu.memory_space<vmem>>, vector<16xi32>,
        %mul3A_105 = arith.constant 16 : i32
        %mul3A_106 = arith.muli %scan3A_77, %mul3A_105 : i32
        %add3A_107 = arith.constant 3 : i32
        %add3A_108 = arith.addi %mul3A_106, %add3A_107 : i32
        %mul3A_109 = arith.constant 16 : i32
        %mul3A_110 = arith.muli %add3A_108, %mul3A_109 : i32
        %get3A_111 = arith.index_cast %mul3A_110 : i32 to index
        %get3A_112 = tpu.vector_load %arg8[%get3A_111] {strides = array<i32>} : memref<10240xi32, #tpu.memory_space<vmem>>, vector<16xi32>,
        %mul3A_113 = arith.constant 16 : i32
        %mul3A_114 = arith.muli %scan3A_77, %mul3A_113 : i32
        %add3A_115 = arith.constant 4 : i32
        %add3A_116 = arith.addi %mul3A_114, %add3A_115 : i32
        %mul3A_117 = arith.constant 16 : i32
        %mul3A_118 = arith.muli %add3A_116, %mul3A_117 : i32
        %get3A_119 = arith.index_cast %mul3A_118 : i32 to index
        %get3A_120 = tpu.vector_load %arg8[%get3A_119] {strides = array<i32>} : memref<10240xi32, #tpu.memory_space<vmem>>, vector<16xi32>,
        %mul3A_121 = arith.constant 16 : i32
        %mul3A_122 = arith.muli %scan3A_77, %mul3A_121 : i32
        %add3A_123 = arith.constant 5 : i32
        %add3A_124 = arith.addi %mul3A_122, %add3A_123 : i32
        %mul3A_125 = arith.constant 16 : i32
        %mul3A_126 = arith.muli %add3A_124, %mul3A_125 : i32
        %get3A_127 = arith.index_cast %mul3A_126 : i32 to index
        %get3A_128 = tpu.vector_load %arg8[%get3A_127] {strides = array<i32>} : memref<10240xi32, #tpu.memory_space<vmem>>, vector<16xi32>,
        %mul3A_129 = arith.constant 16 : i32
        %mul3A_130 = arith.muli %scan3A_77, %mul3A_129 : i32
        %add3A_131 = arith.constant 6 : i32
        %add3A_132 = arith.addi %mul3A_130, %add3A_131 : i32
        %mul3A_133 = arith.constant 16 : i32
        %mul3A_134 = arith.muli %add3A_132, %mul3A_133 : i32
        %get3A_135 = arith.index_cast %mul3A_134 : i32 to index
        %get3A_136 = tpu.vector_load %arg8[%get3A_135] {strides = array<i32>} : memref<10240xi32, #tpu.memory_space<vmem>>, vector<16xi32>,
        %mul3A_137 = arith.constant 16 : i32
        %mul3A_138 = arith.muli %scan3A_77, %mul3A_137 : i32
        %add3A_139 = arith.constant 7 : i32
        %add3A_140 = arith.addi %mul3A_138, %add3A_139 : i32
        %mul3A_141 = arith.constant 16 : i32
        %mul3A_142 = arith.muli %add3A_140, %mul3A_141 : i32
        %get3A_143 = arith.index_cast %mul3A_142 : i32 to index
        %get3A_144 = tpu.vector_load %arg8[%get3A_143] {strides = array<i32>} : memref<10240xi32, #tpu.memory_space<vmem>>, vector<16xi32>,
        %mul3A_145 = arith.constant 16 : i32
        %mul3A_146 = arith.muli %scan3A_77, %mul3A_145 : i32
        %add3A_147 = arith.constant 8 : i32
        %add3A_148 = arith.addi %mul3A_146, %add3A_147 : i32
        %mul3A_149 = arith.constant 16 : i32
        %mul3A_150 = arith.muli %add3A_148, %mul3A_149 : i32
        %get3A_151 = arith.index_cast %mul3A_150 : i32 to index
        %get3A_152 = tpu.vector_load %arg8[%get3A_151] {strides = array<i32>} : memref<10240xi32, #tpu.memory_space<vmem>>, vector<16xi32>,
        %mul3A_153 = arith.constant 16 : i32
        %mul3A_154 = arith.muli %scan3A_77, %mul3A_153 : i32
        %add3A_155 = arith.constant 9 : i32
        %add3A_156 = arith.addi %mul3A_154, %add3A_155 : i32
        %mul3A_157 = arith.constant 16 : i32
        %mul3A_158 = arith.muli %add3A_156, %mul3A_157 : i32
        %get3A_159 = arith.index_cast %mul3A_158 : i32 to index
        %get3A_160 = tpu.vector_load %arg8[%get3A_159] {strides = array<i32>} : memref<10240xi32, #tpu.memory_space<vmem>>, vector<16xi32>,
        %mul3A_161 = arith.constant 16 : i32
        %mul3A_162 = arith.muli %scan3A_77, %mul3A_161 : i32
        %add3A_163 = arith.constant 10 : i32
        %add3A_164 = arith.addi %mul3A_162, %add3A_163 : i32
        %mul3A_165 = arith.constant 16 : i32
        %mul3A_166 = arith.muli %add3A_164, %mul3A_165 : i32
        %get3A_167 = arith.index_cast %mul3A_166 : i32 to index
        %get3A_168 = tpu.vector_load %arg8[%get3A_167] {strides = array<i32>} : memref<10240xi32, #tpu.memory_space<vmem>>, vector<16xi32>,
        %mul3A_169 = arith.constant 16 : i32
        %mul3A_170 = arith.muli %scan3A_77, %mul3A_169 : i32
        %add3A_171 = arith.constant 11 : i32
        %add3A_172 = arith.addi %mul3A_170, %add3A_171 : i32
        %mul3A_173 = arith.constant 16 : i32
        %mul3A_174 = arith.muli %add3A_172, %mul3A_173 : i32
        %get3A_175 = arith.index_cast %mul3A_174 : i32 to index
        %get3A_176 = tpu.vector_load %arg8[%get3A_175] {strides = array<i32>} : memref<10240xi32, #tpu.memory_space<vmem>>, vector<16xi32>,
        %mul3A_177 = arith.constant 16 : i32
        %mul3A_178 = arith.muli %scan3A_77, %mul3A_177 : i32
        %add3A_179 = arith.constant 12 : i32
        %add3A_180 = arith.addi %mul3A_178, %add3A_179 : i32
        %mul3A_181 = arith.constant 16 : i32
        %mul3A_182 = arith.muli %add3A_180, %mul3A_181 : i32
        %get3A_183 = arith.index_cast %mul3A_182 : i32 to index
        %get3A_184 = tpu.vector_load %arg8[%get3A_183] {strides = array<i32>} : memref<10240xi32, #tpu.memory_space<vmem>>, vector<16xi32>,
        %mul3A_185 = arith.constant 16 : i32
        %mul3A_186 = arith.muli %scan3A_77, %mul3A_185 : i32
        %add3A_187 = arith.constant 13 : i32
        %add3A_188 = arith.addi %mul3A_186, %add3A_187 : i32
        %mul3A_189 = arith.constant 16 : i32
        %mul3A_190 = arith.muli %add3A_188, %mul3A_189 : i32
        %get3A_191 = arith.index_cast %mul3A_190 : i32 to index
        %get3A_192 = tpu.vector_load %arg8[%get3A_191] {strides = array<i32>} : memref<10240xi32, #tpu.memory_space<vmem>>, vector<16xi32>,
        %mul3A_193 = arith.constant 16 : i32
        %mul3A_194 = arith.muli %scan3A_77, %mul3A_193 : i32
        %add3A_195 = arith.constant 14 : i32
        %add3A_196 = arith.addi %mul3A_194, %add3A_195 : i32
        %mul3A_197 = arith.constant 16 : i32
        %mul3A_198 = arith.muli %add3A_196, %mul3A_197 : i32
        %get3A_199 = arith.index_cast %mul3A_198 : i32 to index
        %get3A_200 = tpu.vector_load %arg8[%get3A_199] {strides = array<i32>} : memref<10240xi32, #tpu.memory_space<vmem>>, vector<16xi32>,
        %mul3A_201 = arith.constant 16 : i32
        %mul3A_202 = arith.muli %scan3A_77, %mul3A_201 : i32
        %add3A_203 = arith.constant 15 : i32
        %add3A_204 = arith.addi %mul3A_202, %add3A_203 : i32
        %mul3A_205 = arith.constant 16 : i32
        %mul3A_206 = arith.muli %add3A_204, %mul3A_205 : i32
        %get3A_207 = arith.index_cast %mul3A_206 : i32 to index
        %get3A_208 = tpu.vector_load %arg8[%get3A_207] {strides = array<i32>} : memref<10240xi32, #tpu.memory_space<vmem>>, vector<16xi32>,
        %gather3A = tpu.vector_load_idx %arg6[%get3A_88] : memref<106496xf32, #tpu.memory_space<vmem>>[vector<16xi32>], vector<16xf32>,
        %gather3A_209 = tpu.vector_load_idx %arg6[%get3A_96] : memref<106496xf32, #tpu.memory_space<vmem>>[vector<16xi32>], vector<16xf32>,
        %gather3A_210 = tpu.vector_load_idx %arg6[%get3A_104] : memref<106496xf32, #tpu.memory_space<vmem>>[vector<16xi32>], vector<16xf32>,
        %gather3A_211 = tpu.vector_load_idx %arg6[%get3A_112] : memref<106496xf32, #tpu.memory_space<vmem>>[vector<16xi32>], vector<16xf32>,
        %gather3A_212 = tpu.vector_load_idx %arg6[%get3A_120] : memref<106496xf32, #tpu.memory_space<vmem>>[vector<16xi32>], vector<16xf32>,
        %gather3A_213 = tpu.vector_load_idx %arg6[%get3A_128] : memref<106496xf32, #tpu.memory_space<vmem>>[vector<16xi32>], vector<16xf32>,
        %gather3A_214 = tpu.vector_load_idx %arg6[%get3A_136] : memref<106496xf32, #tpu.memory_space<vmem>>[vector<16xi32>], vector<16xf32>,
        %gather3A_215 = tpu.vector_load_idx %arg6[%get3A_144] : memref<106496xf32, #tpu.memory_space<vmem>>[vector<16xi32>], vector<16xf32>,
        %gather3A_216 = tpu.vector_load_idx %arg6[%get3A_152] : memref<106496xf32, #tpu.memory_space<vmem>>[vector<16xi32>], vector<16xf32>,
        %gather3A_217 = tpu.vector_load_idx %arg6[%get3A_160] : memref<106496xf32, #tpu.memory_space<vmem>>[vector<16xi32>], vector<16xf32>,
        %gather3A_218 = tpu.vector_load_idx %arg6[%get3A_168] : memref<106496xf32, #tpu.memory_space<vmem>>[vector<16xi32>], vector<16xf32>,
        %gather3A_219 = tpu.vector_load_idx %arg6[%get3A_176] : memref<106496xf32, #tpu.memory_space<vmem>>[vector<16xi32>], vector<16xf32>,
        %gather3A_220 = tpu.vector_load_idx %arg6[%get3A_184] : memref<106496xf32, #tpu.memory_space<vmem>>[vector<16xi32>], vector<16xf32>,
        %gather3A_221 = tpu.vector_load_idx %arg6[%get3A_192] : memref<106496xf32, #tpu.memory_space<vmem>>[vector<16xi32>], vector<16xf32>,
        %gather3A_222 = tpu.vector_load_idx %arg6[%get3A_200] : memref<106496xf32, #tpu.memory_space<vmem>>[vector<16xi32>], vector<16xf32>,
        %gather3A_223 = tpu.vector_load_idx %arg6[%get3A_208] : memref<106496xf32, #tpu.memory_space<vmem>>[vector<16xi32>], vector<16xf32>,
        %max3A_224 = arith.maximumf %scan3A_78, %gather3A : vector<16xf32>
        %max3A_225 = arith.maximumf %scan3A_79, %gather3A_209 : vector<16xf32>
        %max3A_226 = arith.maximumf %scan3A_80, %gather3A_210 : vector<16xf32>
        %max3A_227 = arith.maximumf %scan3A_81, %gather3A_211 : vector<16xf32>
        %max3A_228 = arith.maximumf %max3A_224, %gather3A_212 : vector<16xf32>
        %max3A_229 = arith.maximumf %max3A_225, %gather3A_213 : vector<16xf32>
        %max3A_230 = arith.maximumf %max3A_226, %gather3A_214 : vector<16xf32>
        %max3A_231 = arith.maximumf %max3A_227, %gather3A_215 : vector<16xf32>
        %max3A_232 = arith.maximumf %max3A_228, %gather3A_216 : vector<16xf32>
        %max3A_233 = arith.maximumf %max3A_229, %gather3A_217 : vector<16xf32>
        %max3A_234 = arith.maximumf %max3A_230, %gather3A_218 : vector<16xf32>
        %max3A_235 = arith.maximumf %max3A_231, %gather3A_219 : vector<16xf32>
        %max3A_236 = arith.maximumf %max3A_232, %gather3A_220 : vector<16xf32>
        %max3A_237 = arith.maximumf %max3A_233, %gather3A_221 : vector<16xf32>
        %max3A_238 = arith.maximumf %max3A_234, %gather3A_222 : vector<16xf32>
        %max3A_239 = arith.maximumf %max3A_235, %gather3A_223 : vector<16xf32>
        scf.yield %max3A_236, %max3A_237, %max3A_238, %max3A_239 : vector<16xf32>, vector<16xf32>, vector<16xf32>, vector<16xf32>
      }
      %scan3A_63 = arith.constant 40 : i32
      %add3A_64 = arith.constant 40960 : i32
      %add3A_65 = arith.addi %mul3A_1, %add3A_64 : i32
      %dma_wait3A_66 = tpu.memref_slice %arg2[%add3A_65] : memref<819200xi32, #tpu.memory_space<hbm>> -> memref<10240xi32, #tpu.memory_space<hbm>>
      %dma_wait3A_67 = tpu.memref_slice %arg2[%add3A_65] : memref<819200xi32, #tpu.memory_space<hbm>> -> memref<10240xi32, #tpu.memory_space<hbm>>
      tpu.wait_dma2 semaphore(%arg10 : memref<!tpu.dma_semaphore, #tpu.memory_space<semaphore_mem>>) src(%dma_wait3A_67 : memref<10240xi32, #tpu.memory_space<hbm>>) dst(%arg7 : memref<10240xi32, #tpu.memory_space<vmem>>)
      %scan3A_68 = arith.constant 0 : i32
      %scan3A_69 = arith.constant 40 : i32
      %scan3A_70 = arith.addi %scan3A_68, %scan3A_69 : i32
      %scan3A_71 = arith.constant 1 : i32
      %scan3A_72:4 = scf.for %scan3A_77 = %scan3A_68 to %scan3A_70 step %scan3A_71 iter_args(%scan3A_78 = %scan3A_62#0, %scan3A_79 = %scan3A_62#1, %scan3A_80 = %scan3A_62#2, %scan3A_81 = %scan3A_62#3) -> (vector<16xf32>, vector<16xf32>, vector<16xf32>, vector<16xf32>)  : i32 {
        %mul3A_82 = arith.constant 16 : i32
        %mul3A_83 = arith.muli %scan3A_77, %mul3A_82 : i32
        %add3A_84 = arith.constant 0 : i32
        %add3A_85 = arith.addi %mul3A_83, %add3A_84 : i32
        %mul3A_86 = arith.constant 16 : i32
        %mul3A_87 = arith.muli %add3A_85, %mul3A_86 : i32
        %get3A = arith.index_cast %mul3A_87 : i32 to index
        %get3A_88 = tpu.vector_load %arg7[%get3A] {strides = array<i32>} : memref<10240xi32, #tpu.memory_space<vmem>>, vector<16xi32>,
        %mul3A_89 = arith.constant 16 : i32
        %mul3A_90 = arith.muli %scan3A_77, %mul3A_89 : i32
        %add3A_91 = arith.constant 1 : i32
        %add3A_92 = arith.addi %mul3A_90, %add3A_91 : i32
        %mul3A_93 = arith.constant 16 : i32
        %mul3A_94 = arith.muli %add3A_92, %mul3A_93 : i32
        %get3A_95 = arith.index_cast %mul3A_94 : i32 to index
        %get3A_96 = tpu.vector_load %arg7[%get3A_95] {strides = array<i32>} : memref<10240xi32, #tpu.memory_space<vmem>>, vector<16xi32>,
        %mul3A_97 = arith.constant 16 : i32
        %mul3A_98 = arith.muli %scan3A_77, %mul3A_97 : i32
        %add3A_99 = arith.constant 2 : i32
        %add3A_100 = arith.addi %mul3A_98, %add3A_99 : i32
        %mul3A_101 = arith.constant 16 : i32
        %mul3A_102 = arith.muli %add3A_100, %mul3A_101 : i32
        %get3A_103 = arith.index_cast %mul3A_102 : i32 to index
        %get3A_104 = tpu.vector_load %arg7[%get3A_103] {strides = array<i32>} : memref<10240xi32, #tpu.memory_space<vmem>>, vector<16xi32>,
        %mul3A_105 = arith.constant 16 : i32
        %mul3A_106 = arith.muli %scan3A_77, %mul3A_105 : i32
        %add3A_107 = arith.constant 3 : i32
        %add3A_108 = arith.addi %mul3A_106, %add3A_107 : i32
        %mul3A_109 = arith.constant 16 : i32
        %mul3A_110 = arith.muli %add3A_108, %mul3A_109 : i32
        %get3A_111 = arith.index_cast %mul3A_110 : i32 to index
        %get3A_112 = tpu.vector_load %arg7[%get3A_111] {strides = array<i32>} : memref<10240xi32, #tpu.memory_space<vmem>>, vector<16xi32>,
        %mul3A_113 = arith.constant 16 : i32
        %mul3A_114 = arith.muli %scan3A_77, %mul3A_113 : i32
        %add3A_115 = arith.constant 4 : i32
        %add3A_116 = arith.addi %mul3A_114, %add3A_115 : i32
        %mul3A_117 = arith.constant 16 : i32
        %mul3A_118 = arith.muli %add3A_116, %mul3A_117 : i32
        %get3A_119 = arith.index_cast %mul3A_118 : i32 to index
        %get3A_120 = tpu.vector_load %arg7[%get3A_119] {strides = array<i32>} : memref<10240xi32, #tpu.memory_space<vmem>>, vector<16xi32>,
        %mul3A_121 = arith.constant 16 : i32
        %mul3A_122 = arith.muli %scan3A_77, %mul3A_121 : i32
        %add3A_123 = arith.constant 5 : i32
        %add3A_124 = arith.addi %mul3A_122, %add3A_123 : i32
        %mul3A_125 = arith.constant 16 : i32
        %mul3A_126 = arith.muli %add3A_124, %mul3A_125 : i32
        %get3A_127 = arith.index_cast %mul3A_126 : i32 to index
        %get3A_128 = tpu.vector_load %arg7[%get3A_127] {strides = array<i32>} : memref<10240xi32, #tpu.memory_space<vmem>>, vector<16xi32>,
        %mul3A_129 = arith.constant 16 : i32
        %mul3A_130 = arith.muli %scan3A_77, %mul3A_129 : i32
        %add3A_131 = arith.constant 6 : i32
        %add3A_132 = arith.addi %mul3A_130, %add3A_131 : i32
        %mul3A_133 = arith.constant 16 : i32
        %mul3A_134 = arith.muli %add3A_132, %mul3A_133 : i32
        %get3A_135 = arith.index_cast %mul3A_134 : i32 to index
        %get3A_136 = tpu.vector_load %arg7[%get3A_135] {strides = array<i32>} : memref<10240xi32, #tpu.memory_space<vmem>>, vector<16xi32>,
        %mul3A_137 = arith.constant 16 : i32
        %mul3A_138 = arith.muli %scan3A_77, %mul3A_137 : i32
        %add3A_139 = arith.constant 7 : i32
        %add3A_140 = arith.addi %mul3A_138, %add3A_139 : i32
        %mul3A_141 = arith.constant 16 : i32
        %mul3A_142 = arith.muli %add3A_140, %mul3A_141 : i32
        %get3A_143 = arith.index_cast %mul3A_142 : i32 to index
        %get3A_144 = tpu.vector_load %arg7[%get3A_143] {strides = array<i32>} : memref<10240xi32, #tpu.memory_space<vmem>>, vector<16xi32>,
        %mul3A_145 = arith.constant 16 : i32
        %mul3A_146 = arith.muli %scan3A_77, %mul3A_145 : i32
        %add3A_147 = arith.constant 8 : i32
        %add3A_148 = arith.addi %mul3A_146, %add3A_147 : i32
        %mul3A_149 = arith.constant 16 : i32
        %mul3A_150 = arith.muli %add3A_148, %mul3A_149 : i32
        %get3A_151 = arith.index_cast %mul3A_150 : i32 to index
        %get3A_152 = tpu.vector_load %arg7[%get3A_151] {strides = array<i32>} : memref<10240xi32, #tpu.memory_space<vmem>>, vector<16xi32>,
        %mul3A_153 = arith.constant 16 : i32
        %mul3A_154 = arith.muli %scan3A_77, %mul3A_153 : i32
        %add3A_155 = arith.constant 9 : i32
        %add3A_156 = arith.addi %mul3A_154, %add3A_155 : i32
        %mul3A_157 = arith.constant 16 : i32
        %mul3A_158 = arith.muli %add3A_156, %mul3A_157 : i32
        %get3A_159 = arith.index_cast %mul3A_158 : i32 to index
        %get3A_160 = tpu.vector_load %arg7[%get3A_159] {strides = array<i32>} : memref<10240xi32, #tpu.memory_space<vmem>>, vector<16xi32>,
        %mul3A_161 = arith.constant 16 : i32
        %mul3A_162 = arith.muli %scan3A_77, %mul3A_161 : i32
        %add3A_163 = arith.constant 10 : i32
        %add3A_164 = arith.addi %mul3A_162, %add3A_163 : i32
        %mul3A_165 = arith.constant 16 : i32
        %mul3A_166 = arith.muli %add3A_164, %mul3A_165 : i32
        %get3A_167 = arith.index_cast %mul3A_166 : i32 to index
        %get3A_168 = tpu.vector_load %arg7[%get3A_167] {strides = array<i32>} : memref<10240xi32, #tpu.memory_space<vmem>>, vector<16xi32>,
        %mul3A_169 = arith.constant 16 : i32
        %mul3A_170 = arith.muli %scan3A_77, %mul3A_169 : i32
        %add3A_171 = arith.constant 11 : i32
        %add3A_172 = arith.addi %mul3A_170, %add3A_171 : i32
        %mul3A_173 = arith.constant 16 : i32
        %mul3A_174 = arith.muli %add3A_172, %mul3A_173 : i32
        %get3A_175 = arith.index_cast %mul3A_174 : i32 to index
        %get3A_176 = tpu.vector_load %arg7[%get3A_175] {strides = array<i32>} : memref<10240xi32, #tpu.memory_space<vmem>>, vector<16xi32>,
        %mul3A_177 = arith.constant 16 : i32
        %mul3A_178 = arith.muli %scan3A_77, %mul3A_177 : i32
        %add3A_179 = arith.constant 12 : i32
        %add3A_180 = arith.addi %mul3A_178, %add3A_179 : i32
        %mul3A_181 = arith.constant 16 : i32
        %mul3A_182 = arith.muli %add3A_180, %mul3A_181 : i32
        %get3A_183 = arith.index_cast %mul3A_182 : i32 to index
        %get3A_184 = tpu.vector_load %arg7[%get3A_183] {strides = array<i32>} : memref<10240xi32, #tpu.memory_space<vmem>>, vector<16xi32>,
        %mul3A_185 = arith.constant 16 : i32
        %mul3A_186 = arith.muli %scan3A_77, %mul3A_185 : i32
        %add3A_187 = arith.constant 13 : i32
        %add3A_188 = arith.addi %mul3A_186, %add3A_187 : i32
        %mul3A_189 = arith.constant 16 : i32
        %mul3A_190 = arith.muli %add3A_188, %mul3A_189 : i32
        %get3A_191 = arith.index_cast %mul3A_190 : i32 to index
        %get3A_192 = tpu.vector_load %arg7[%get3A_191] {strides = array<i32>} : memref<10240xi32, #tpu.memory_space<vmem>>, vector<16xi32>,
        %mul3A_193 = arith.constant 16 : i32
        %mul3A_194 = arith.muli %scan3A_77, %mul3A_193 : i32
        %add3A_195 = arith.constant 14 : i32
        %add3A_196 = arith.addi %mul3A_194, %add3A_195 : i32
        %mul3A_197 = arith.constant 16 : i32
        %mul3A_198 = arith.muli %add3A_196, %mul3A_197 : i32
        %get3A_199 = arith.index_cast %mul3A_198 : i32 to index
        %get3A_200 = tpu.vector_load %arg7[%get3A_199] {strides = array<i32>} : memref<10240xi32, #tpu.memory_space<vmem>>, vector<16xi32>,
        %mul3A_201 = arith.constant 16 : i32
        %mul3A_202 = arith.muli %scan3A_77, %mul3A_201 : i32
        %add3A_203 = arith.constant 15 : i32
        %add3A_204 = arith.addi %mul3A_202, %add3A_203 : i32
        %mul3A_205 = arith.constant 16 : i32
        %mul3A_206 = arith.muli %add3A_204, %mul3A_205 : i32
        %get3A_207 = arith.index_cast %mul3A_206 : i32 to index
        %get3A_208 = tpu.vector_load %arg7[%get3A_207] {strides = array<i32>} : memref<10240xi32, #tpu.memory_space<vmem>>, vector<16xi32>,
        %gather3A = tpu.vector_load_idx %arg6[%get3A_88] : memref<106496xf32, #tpu.memory_space<vmem>>[vector<16xi32>], vector<16xf32>,
        %gather3A_209 = tpu.vector_load_idx %arg6[%get3A_96] : memref<106496xf32, #tpu.memory_space<vmem>>[vector<16xi32>], vector<16xf32>,
        %gather3A_210 = tpu.vector_load_idx %arg6[%get3A_104] : memref<106496xf32, #tpu.memory_space<vmem>>[vector<16xi32>], vector<16xf32>,
        %gather3A_211 = tpu.vector_load_idx %arg6[%get3A_112] : memref<106496xf32, #tpu.memory_space<vmem>>[vector<16xi32>], vector<16xf32>,
        %gather3A_212 = tpu.vector_load_idx %arg6[%get3A_120] : memref<106496xf32, #tpu.memory_space<vmem>>[vector<16xi32>], vector<16xf32>,
        %gather3A_213 = tpu.vector_load_idx %arg6[%get3A_128] : memref<106496xf32, #tpu.memory_space<vmem>>[vector<16xi32>], vector<16xf32>,
        %gather3A_214 = tpu.vector_load_idx %arg6[%get3A_136] : memref<106496xf32, #tpu.memory_space<vmem>>[vector<16xi32>], vector<16xf32>,
        %gather3A_215 = tpu.vector_load_idx %arg6[%get3A_144] : memref<106496xf32, #tpu.memory_space<vmem>>[vector<16xi32>], vector<16xf32>,
        %gather3A_216 = tpu.vector_load_idx %arg6[%get3A_152] : memref<106496xf32, #tpu.memory_space<vmem>>[vector<16xi32>], vector<16xf32>,
        %gather3A_217 = tpu.vector_load_idx %arg6[%get3A_160] : memref<106496xf32, #tpu.memory_space<vmem>>[vector<16xi32>], vector<16xf32>,
        %gather3A_218 = tpu.vector_load_idx %arg6[%get3A_168] : memref<106496xf32, #tpu.memory_space<vmem>>[vector<16xi32>], vector<16xf32>,
        %gather3A_219 = tpu.vector_load_idx %arg6[%get3A_176] : memref<106496xf32, #tpu.memory_space<vmem>>[vector<16xi32>], vector<16xf32>,
        %gather3A_220 = tpu.vector_load_idx %arg6[%get3A_184] : memref<106496xf32, #tpu.memory_space<vmem>>[vector<16xi32>], vector<16xf32>,
        %gather3A_221 = tpu.vector_load_idx %arg6[%get3A_192] : memref<106496xf32, #tpu.memory_space<vmem>>[vector<16xi32>], vector<16xf32>,
        %gather3A_222 = tpu.vector_load_idx %arg6[%get3A_200] : memref<106496xf32, #tpu.memory_space<vmem>>[vector<16xi32>], vector<16xf32>,
        %gather3A_223 = tpu.vector_load_idx %arg6[%get3A_208] : memref<106496xf32, #tpu.memory_space<vmem>>[vector<16xi32>], vector<16xf32>,
        %max3A_224 = arith.maximumf %scan3A_78, %gather3A : vector<16xf32>
        %max3A_225 = arith.maximumf %scan3A_79, %gather3A_209 : vector<16xf32>
        %max3A_226 = arith.maximumf %scan3A_80, %gather3A_210 : vector<16xf32>
        %max3A_227 = arith.maximumf %scan3A_81, %gather3A_211 : vector<16xf32>
        %max3A_228 = arith.maximumf %max3A_224, %gather3A_212 : vector<16xf32>
        %max3A_229 = arith.maximumf %max3A_225, %gather3A_213 : vector<16xf32>
        %max3A_230 = arith.maximumf %max3A_226, %gather3A_214 : vector<16xf32>
        %max3A_231 = arith.maximumf %max3A_227, %gather3A_215 : vector<16xf32>
        %max3A_232 = arith.maximumf %max3A_228, %gather3A_216 : vector<16xf32>
        %max3A_233 = arith.maximumf %max3A_229, %gather3A_217 : vector<16xf32>
        %max3A_234 = arith.maximumf %max3A_230, %gather3A_218 : vector<16xf32>
        %max3A_235 = arith.maximumf %max3A_231, %gather3A_219 : vector<16xf32>
        %max3A_236 = arith.maximumf %max3A_232, %gather3A_220 : vector<16xf32>
        %max3A_237 = arith.maximumf %max3A_233, %gather3A_221 : vector<16xf32>
        %max3A_238 = arith.maximumf %max3A_234, %gather3A_222 : vector<16xf32>
        %max3A_239 = arith.maximumf %max3A_235, %gather3A_223 : vector<16xf32>
        scf.yield %max3A_236, %max3A_237, %max3A_238, %max3A_239 : vector<16xf32>, vector<16xf32>, vector<16xf32>, vector<16xf32>
      }
      %scan3A_73 = arith.constant 40 : i32
      %max3A = arith.maximumf %scan3A_72#0, %scan3A_72#1 : vector<16xf32>
      %max3A_74 = arith.maximumf %max3A, %scan3A_72#2 : vector<16xf32>
      %max3A_75 = arith.maximumf %max3A_74, %scan3A_72#3 : vector<16xf32>
      %swap3A = arith.constant 0 : index
      %swap3A_76 = tpu.vector_load %arg9[%swap3A] {strides = array<i32>} : memref<16xf32, #tpu.memory_space<vmem>>, vector<16xf32>,
      tpu.vector_store %arg9[%swap3A], %max3A_75 {strides = array<i32>} : memref<16xf32, #tpu.memory_space<vmem>>, vector<16xf32>,
    } else {
    }
    "tpu.region"() ({
      %run_scoped3A = tpu.sem_alloc : memref<!tpu.dma_semaphore, #tpu.memory_space<semaphore_mem>>
      %dma_start3A = arith.constant 0 : i32
      %dma_start3A_7 = tpu.memref_slice %arg5[%arg0, %arg1, %dma_start3A] : memref<2x16x16xf32, #tpu.memory_space<hbm>> -> memref<1x1x16xf32, #tpu.memory_space<hbm>>
      %dma_start3A_8 = tpu.memref_squeeze %dma_start3A_7 : memref<1x1x16xf32, #tpu.memory_space<hbm>> -> memref<16xf32, #tpu.memory_space<hbm>>
      %dma_start3A_9 = arith.constant 0 : i32
      %dma_start3A_10 = tpu.memref_slice %arg5[%arg0, %arg1, %dma_start3A_9] : memref<2x16x16xf32, #tpu.memory_space<hbm>> -> memref<1x1x16xf32, #tpu.memory_space<hbm>>
      %dma_start3A_11 = tpu.memref_squeeze %dma_start3A_10 : memref<1x1x16xf32, #tpu.memory_space<hbm>> -> memref<16xf32, #tpu.memory_space<hbm>>
      tpu.enqueue_dma source(%arg9 : memref<16xf32, #tpu.memory_space<vmem>>) target(%dma_start3A_11 : memref<16xf32, #tpu.memory_space<hbm>>) target_semaphore(%run_scoped3A : memref<!tpu.dma_semaphore, #tpu.memory_space<semaphore_mem>>)
      %dma_wait3A = arith.constant 0 : i32
      %dma_wait3A_12 = tpu.memref_slice %arg5[%arg0, %arg1, %dma_wait3A] : memref<2x16x16xf32, #tpu.memory_space<hbm>> -> memref<1x1x16xf32, #tpu.memory_space<hbm>>
      %dma_wait3A_13 = tpu.memref_squeeze %dma_wait3A_12 : memref<1x1x16xf32, #tpu.memory_space<hbm>> -> memref<16xf32, #tpu.memory_space<hbm>>
      %dma_wait3A_14 = arith.constant 0 : i32
      %dma_wait3A_15 = tpu.memref_slice %arg5[%arg0, %arg1, %dma_wait3A_14] : memref<2x16x16xf32, #tpu.memory_space<hbm>> -> memref<1x1x16xf32, #tpu.memory_space<hbm>>
      %dma_wait3A_16 = tpu.memref_squeeze %dma_wait3A_15 : memref<1x1x16xf32, #tpu.memory_space<hbm>> -> memref<16xf32, #tpu.memory_space<hbm>>
      tpu.wait_dma2 semaphore(%run_scoped3A : memref<!tpu.dma_semaphore, #tpu.memory_space<semaphore_mem>>) src(%arg9 : memref<16xf32, #tpu.memory_space<vmem>>) dst(%dma_wait3A_16 : memref<16xf32, #tpu.memory_space<hbm>>)
      tpu.yield
    }) : () -> ()
    return
  }
}

module attributes {stable_mosaic.version = 14 : i64} {
  func.func @_rowminmax_body(%arg0: i32, %arg1: memref<8192x128xf32, #tpu.memory_space<vmem>>, %arg2: memref<1x64x128xf32, #tpu.memory_space<vmem>>, %arg3: memref<1x64x128xf32, #tpu.memory_space<vmem>>) attributes {dimension_semantics = [#tpu.dimension_semantics<arbitrary>], iteration_bounds = array<i64: 13>, scalar_prefetch = 0 : i64, scratch_operands = 0 : i64, tpu.core_type = #tpu.core_type<tc>, window_params = [{transform_indices = @transform_0, window_bounds = array<i64: 8192, 128>}, {transform_indices = @transform_1, window_bounds = array<i64: 1, 64, 128>}, {transform_indices = @transform_2, window_bounds = array<i64: 1, 64, 128>}]} {
    %get3A = arith.constant 0 : index
    %get3A_0 = arith.constant 0 : index
    %get3A_1 = vector.load %arg1[%get3A, %get3A_0] : memref<8192x128xf32, #tpu.memory_space<vmem>>, vector<8192x128xf32>
    %reduce_min3A = arith.constant dense<0x7F800000> : vector<8192xf32>
    %reduce_min3A_2 = vector.multi_reduction <minimumf>, %get3A_1, %reduce_min3A [1] : vector<8192x128xf32> to vector<8192xf32>
    %reshape3A = vector.shape_cast %reduce_min3A_2 : vector<8192xf32> to vector<1x64x128xf32>
    %swap3A = arith.constant 0 : index
    %swap3A_3 = arith.constant 0 : index
    %swap3A_4 = arith.constant 0 : index
    %swap3A_5 = vector.load %arg2[%swap3A, %swap3A_3, %swap3A_4] : memref<1x64x128xf32, #tpu.memory_space<vmem>>, vector<1x64x128xf32>
    tpu.vector_store %arg2[%swap3A, %swap3A_3, %swap3A_4], %reshape3A {strides = array<i32>} : memref<1x64x128xf32, #tpu.memory_space<vmem>>, vector<1x64x128xf32>,
    %reduce_max3A = arith.constant dense<0xFF800000> : vector<8192xf32>
    %reduce_max3A_6 = vector.multi_reduction <maximumf>, %get3A_1, %reduce_max3A [1] : vector<8192x128xf32> to vector<8192xf32>
    %reshape3A_7 = vector.shape_cast %reduce_max3A_6 : vector<8192xf32> to vector<1x64x128xf32>
    %swap3A_8 = arith.constant 0 : index
    %swap3A_9 = arith.constant 0 : index
    %swap3A_10 = arith.constant 0 : index
    %swap3A_11 = vector.load %arg3[%swap3A_8, %swap3A_9, %swap3A_10] : memref<1x64x128xf32, #tpu.memory_space<vmem>>, vector<1x64x128xf32>
    tpu.vector_store %arg3[%swap3A_8, %swap3A_9, %swap3A_10], %reshape3A_7 {strides = array<i32>} : memref<1x64x128xf32, #tpu.memory_space<vmem>>, vector<1x64x128xf32>,
    return
  }
  func.func @transform_0(%arg0: i32) -> (i32, i32) {
    %c0_i32 = arith.constant 0 : i32
    %c0_i32_0 = arith.constant 0 : i32
    return %arg0, %c0_i32 : i32, i32
  }
  func.func @transform_1(%arg0: i32) -> (i32, i32, i32) {
    %c0_i32 = arith.constant 0 : i32
    %c0_i32_0 = arith.constant 0 : i32
    %c0_i32_1 = arith.constant 0 : i32
    return %arg0, %c0_i32, %c0_i32_0 : i32, i32, i32
  }
  func.func @transform_2(%arg0: i32) -> (i32, i32, i32) {
    %c0_i32 = arith.constant 0 : i32
    %c0_i32_0 = arith.constant 0 : i32
    %c0_i32_1 = arith.constant 0 : i32
    return %arg0, %c0_i32, %c0_i32_0 : i32, i32, i32
  }
}

module attributes {stable_mosaic.version = 14 : i64} {
  func.func @_table_body(%arg0: i32, %arg1: memref<8192x128xf32, #tpu.memory_space<vmem>>, %arg2: memref<2x16x16xf32, #tpu.memory_space<vmem>>, %arg3: memref<1x128xf32, #tpu.memory_space<vmem>>, %arg4: memref<1x1xf32, #tpu.memory_space<vmem>>, %arg5: memref<1x64x128xf32, #tpu.memory_space<vmem>>) attributes {dimension_semantics = [#tpu.dimension_semantics<arbitrary>], iteration_bounds = array<i64: 13>, scalar_prefetch = 0 : i64, scratch_operands = 0 : i64, tpu.core_type = #tpu.core_type<tc>, window_params = [{transform_indices = @transform_0, window_bounds = array<i64: 8192, 128>}, {pipeline_mode = #tpu.pipeline_mode<synchronous>, transform_indices = @transform_1, window_bounds = array<i64: 2, 16, 16>}, {pipeline_mode = #tpu.pipeline_mode<synchronous>, transform_indices = @transform_2, window_bounds = array<i64: 1, 128>}, {pipeline_mode = #tpu.pipeline_mode<synchronous>, transform_indices = @transform_3, window_bounds = array<i64: 1, 1>}, {transform_indices = @transform_4, window_bounds = array<i64: 1, 64, 128>}]} {
    %get3A = arith.constant 0 : index
    %get3A_0 = arith.constant 0 : index
    %get3A_1 = arith.constant 0 : index
    %get3A_2 = vector.load %arg2[%get3A, %get3A_0, %get3A_1] : memref<2x16x16xf32, #tpu.memory_space<vmem>>, vector<2x16x16xf32>
    %slice3A = vector.extract_strided_slice %get3A_2 {offsets = [0, 0, 0], sizes = [1, 16, 16], strides = [1, 1, 1]} : vector<2x16x16xf32> to vector<1x16x16xf32>
    %squeeze3A = vector.shape_cast %slice3A : vector<1x16x16xf32> to vector<16x16xf32>
    %reduce_min3A = vector.shape_cast %squeeze3A : vector<16x16xf32> to vector<1x16x16xf32>
    %reduce_min3A_3 = arith.constant dense<0x7F800000> : vector<1xf32>
    %reduce_min3A_4 = vector.multi_reduction <minimumf>, %reduce_min3A, %reduce_min3A_3 [1, 2] : vector<1x16x16xf32> to vector<1xf32>
    %reduce_min3A_5 = vector.shape_cast %reduce_min3A_4 : vector<1xf32> to vector<1x1x1xf32>
    %reduce_min3A_6 = vector.extract %reduce_min3A_5[0, 0, 0] : f32 from vector<1x1x1xf32>
    %min3A = arith.constant 0.000000e+00 : f32
    %min3A_7 = arith.minimumf %reduce_min3A_6, %min3A : f32
    %slice3A_8 = vector.extract_strided_slice %get3A_2 {offsets = [1, 0, 0], sizes = [1, 16, 16], strides = [1, 1, 1]} : vector<2x16x16xf32> to vector<1x16x16xf32>
    %squeeze3A_9 = vector.shape_cast %slice3A_8 : vector<1x16x16xf32> to vector<16x16xf32>
    %reduce_max3A = vector.shape_cast %squeeze3A_9 : vector<16x16xf32> to vector<1x16x16xf32>
    %reduce_max3A_10 = arith.constant dense<0xFF800000> : vector<1xf32>
    %reduce_max3A_11 = vector.multi_reduction <maximumf>, %reduce_max3A, %reduce_max3A_10 [1, 2] : vector<1x16x16xf32> to vector<1xf32>
    %reduce_max3A_12 = vector.shape_cast %reduce_max3A_11 : vector<1xf32> to vector<1x1x1xf32>
    %reduce_max3A_13 = vector.extract %reduce_max3A_12[0, 0, 0] : f32 from vector<1x1x1xf32>
    %max3A = arith.constant 0.000000e+00 : f32
    %max3A_14 = arith.maximumf %reduce_max3A_13, %max3A : f32
    %sub3A = arith.subf %max3A_14, %min3A_7 : f32
    %div3A = arith.constant 2.550000e+02 : f32
    %div3A_15 = arith.divf %sub3A, %div3A : f32
    %max3A_16 = arith.constant 1.1920929E-7 : f32
    %max3A_17 = arith.maximumf %div3A_15, %max3A_16 : f32
    %div3A_18 = arith.divf %min3A_7, %max3A_17 : f32
    %round3A = math.roundeven %div3A_18 : f32
    %sub3A_19 = arith.constant -1.280000e+02 : f32
    %sub3A_20 = arith.subf %sub3A_19, %round3A : f32
    %jit3A = arith.constant -1.280000e+02 : f32
    %jit3A_21 = arith.constant 1.270000e+02 : f32
    %max3A_22 = arith.maximumf %jit3A, %sub3A_20 : f32
    %min3A_23 = arith.minimumf %jit3A_21, %max3A_22 : f32
    %get3A_24 = arith.constant 0 : index
    %get3A_25 = arith.constant 0 : index
    %get3A_26 = vector.load %arg1[%get3A_24, %get3A_25] : memref<8192x128xf32, #tpu.memory_space<vmem>>, vector<8192x128xf32>
    %div3A_27 = vector.broadcast %max3A_17 : f32 to vector<8192x128xf32>
    %div3A_28 = arith.divf %get3A_26, %div3A_27 : vector<8192x128xf32>
    %round3A_29 = math.roundeven %div3A_28 : vector<8192x128xf32>
    %sub3A_30 = arith.constant -1.280000e+02 : f32
    %sub3A_31 = arith.subf %sub3A_30, %min3A_23 : f32
    %sub3A_32 = arith.constant 1.270000e+02 : f32
    %sub3A_33 = arith.subf %sub3A_32, %min3A_23 : f32
    %max3A_34 = vector.broadcast %sub3A_31 : f32 to vector<8192x128xf32>
    %max3A_35 = arith.maximumf %max3A_34, %round3A_29 : vector<8192x128xf32>
    %min3A_36 = vector.broadcast %sub3A_33 : f32 to vector<8192x128xf32>
    %min3A_37 = arith.minimumf %min3A_36, %max3A_35 : vector<8192x128xf32>
    %get3A_38 = arith.constant 0 : index
    %get3A_39 = arith.constant 0 : index
    %get3A_40 = vector.load %arg3[%get3A_38, %get3A_39] : memref<1x128xf32, #tpu.memory_space<vmem>>, vector<1x128xf32>
    %dot_general3A = arith.constant dense<0.000000e+00> : vector<1x8192xf32>
    %dot_general3A_41 = tpu.matmul %get3A_40, %min3A_37, %dot_general3A {dimension_numbers = #tpu.dot_dimension_numbers<[1], [1], [0], [0], [0, 0, 1, 0], [], []>, transpose_lhs_hint = false} : vector<1x128xf32>, vector<8192x128xf32>, vector<1x8192xf32> -> vector<1x8192xf32>
    %reshape3A = vector.shape_cast %dot_general3A_41 : vector<1x8192xf32> to vector<64x128xf32>
    %mul3A = vector.broadcast %max3A_17 : f32 to vector<64x128xf32>
    %mul3A_42 = arith.mulf %reshape3A, %mul3A : vector<64x128xf32>
    %get3A_43 = arith.constant 0 : index
    %get3A_44 = arith.constant 0 : index
    %get3A_45 = vector.load %arg4[%get3A_43, %get3A_44] : memref<1x1xf32, #tpu.memory_space<vmem>>, vector<1x1xf32>
    %get3A_46 = vector.extract %get3A_45[0, 0] : f32 from vector<1x1xf32>
    %add3A = vector.broadcast %get3A_46 : f32 to vector<64x128xf32>
    %add3A_47 = arith.addf %mul3A_42, %add3A : vector<64x128xf32>
    %reshape3A_48 = vector.shape_cast %add3A_47 : vector<64x128xf32> to vector<1x64x128xf32>
    %swap3A = arith.constant 0 : index
    %swap3A_49 = arith.constant 0 : index
    %swap3A_50 = arith.constant 0 : index
    %swap3A_51 = vector.load %arg5[%swap3A, %swap3A_49, %swap3A_50] : memref<1x64x128xf32, #tpu.memory_space<vmem>>, vector<1x64x128xf32>
    tpu.vector_store %arg5[%swap3A, %swap3A_49, %swap3A_50], %reshape3A_48 {strides = array<i32>} : memref<1x64x128xf32, #tpu.memory_space<vmem>>, vector<1x64x128xf32>,
    return
  }
  func.func @transform_0(%arg0: i32) -> (i32, i32) {
    %c0_i32 = arith.constant 0 : i32
    %c0_i32_0 = arith.constant 0 : i32
    return %arg0, %c0_i32 : i32, i32
  }
  func.func @transform_1(%arg0: i32) -> (i32, i32, i32) {
    %c0_i32 = arith.constant 0 : i32
    %c0_i32_0 = arith.constant 0 : i32
    %c0_i32_1 = arith.constant 0 : i32
    %c0_i32_2 = arith.constant 0 : i32
    return %c0_i32, %c0_i32_0, %c0_i32_1 : i32, i32, i32
  }
  func.func @transform_2(%arg0: i32) -> (i32, i32) {
    %c0_i32 = arith.constant 0 : i32
    %c0_i32_0 = arith.constant 0 : i32
    %c0_i32_1 = arith.constant 0 : i32
    return %c0_i32, %c0_i32_0 : i32, i32
  }
  func.func @transform_3(%arg0: i32) -> (i32, i32) {
    %c0_i32 = arith.constant 0 : i32
    %c0_i32_0 = arith.constant 0 : i32
    %c0_i32_1 = arith.constant 0 : i32
    return %c0_i32, %c0_i32_0 : i32, i32
  }
  func.func @transform_4(%arg0: i32) -> (i32, i32, i32) {
    %c0_i32 = arith.constant 0 : i32
    %c0_i32_0 = arith.constant 0 : i32
    %c0_i32_1 = arith.constant 0 : i32
    return %arg0, %c0_i32, %c0_i32_0 : i32, i32, i32
  }
}

</mosaic_0001>

<sc_bundles>
// kernel: kernel.6.cloned.1.call-start
scs
__scs_entry_jumppad:
0x0: {  	(pc) =	sbr.rel $0x88, $3  }
0x1: {  	(tag) =	ssettag $0x0;
	lr =	simm.s32 $0x1  }
0x2: {  	[smem:$0x3F9D] =	sst lr;
	_ =	strace $0xD0000000  }
0x3: {  	_ = 	snop  }
0x4: {  	_ = 	snop  }
0x5: {  	_ = 	snop  }
0x6: {  	_ = 	snop  }
0x7: {  	_ = 	snop  }
__scs_overlays_trampoline_lowered:
0x8: {  	[smem:$0x3FAC] =	sst s0  }
0x9: {  	[smem:$0x3FAD] =	sst s1  }
0xa: {  	[smem:$0x3FAE] =	sst s2  }
0xb: {  	[smem:$0x3FAF] =	sst s3  }
0xc: {  	[smem:$0x3FB0] =	sst s4  }
0xd: {  	[smem:$0x3FB1] =	sst s5  }
0xe: {  	[smem:$0x3FB2] =	sst s6  }
0xf: {  	[smem:$0x3FB3] =	sst s7  }
0x10: {  	[smem:$0x3FB4] =	sst s8  }
0x11: {  	[smem:$0x3FB5] =	sst s9;
	s0 =	simm.s32 @!p0 $0x0  }
0x12: {  	s1 =	sld [smem:$0x3F9B];
	s0 =	simm.s32 @p0 $0x1  }
0x13: {  	[smem:$0x3FB6] =	sst s0;
	s0 =	simm.s32 @!p1 $0x0  }
0x14: {  	s2 =	sld [smem:$0x3F9A];
	s0 =	simm.s32 @p1 $0x1  }
0x15: {  	[smem:$0x3FB7] =	sst s0;
	s0 =	simm.s32 @!p2 $0x0  }
0x16: {  	s3 =	sld [smem:$0x3FDB];
	s0 =	simm.s32 @p2 $0x1  }
0x17: {  	s4 =	simm.s32 $0x1BF5;
	[smem:$0x3FB9] =	sst s0  }
0x18: {  	s0 =	sld [smem:$0x3F9C];
	_ =	swait.ge [sflag:s4], $0x0  }
0x19: {  	s7 =	sld [smem:$0x3F9D]  }
0x1a: {  	s8 =	sadd.s32 $0xFFFFE003, lr  }
0x1b: {  	s9 =	sadd.s32 $0xFFFFFEF7, lr;
	s5 =	simm.s32 $0xFFFFFFFF;
	p2 =	slt.u32 s8, $0xFFFFF086  }
0x1c: {  	p1 =	slt.u32 s9, $0xF7A;
	s5 =	simm.s32 @!p2 $0x0  }
0x1d: {  	s5 =	simm.s32 @p1 $0x1;
	p0 =	seq.s32 s7, s2  }
0x1e: {  	s7 =	smul.u32 @!p0 $0xF7A, s2;
	p2 =	seq.s32 @!p0 s5, $0x0  }
0x1f: {  	s9 =	smul.u32 $0xF7A, s1;
	s8 =	simm.s32 @!p0 $0x1BF5;
	p2 =	por !p2, p0  }
0x20: {  	[sflag:s8] =	ssyncset.s32 @!p0 $0xFFFFF086;
	s6 =	sadd.s32 @!p0 s3, s7;
	s7 =	simm.s32 @!p0 $0x108  }
0x21: {  	s3 =	sadd.s32 s3, s9;
	s6 =	sadd.s32 @!p0 $0x88, s6;
	s7 =	simm.s32 @p2 $0x1082  }
0x22: {  	[simem:s7], [sflag:s8] =	dma.local @!p0 [hbm:s6], $0xF7A  }
0x23: {  	s9 =	sor.u32 $0xD0000000, s2;
	s6 =	simm.s32 $0x108;
	_ =	swait.ge @!p0 [sflag:s8], $0x0  }
0x24: {  	s3 =	sadd.s32 $0x88, s3;
	s6 =	simm.s32 @!p1 $0x1082;
	[sflag:s4] =	ssyncset.s32 $0xFFFFF086  }
0x25: {  	[simem:s6], [sflag:s4] =	dma.local [hbm:s3], $0xF7A  }
0x26: {  	[smem:$0x3F9D] =	sst s1;
	(tag) =	ssettag s2;
	_ =	strace s9  }
0x27: {  	s1 =	sld [smem:$0x3FAD]  }
0x28: {  	s2 =	sld [smem:$0x3FAE]  }
0x29: {  	s4 =	sld [smem:$0x3FB0]  }
0x2a: {  	p0 =	seq.s32 s5, $0x0;
	s5 =	sld [smem:$0x3FB1]  }
0x2b: {  	s6 =	sld [smem:$0x3FB2]  }
0x2c: {  	s7 =	sld [smem:$0x3FB3]  }
0x2d: {  	s3 =	simm.s32 $0x108;
	s8 =	sld [smem:$0x3FB4]  }
0x2e: {  	s3 =	simm.s32 @!p0 $0x1082;
	s9 =	sld [smem:$0x3FB5]  }
0x2f: {  	lr =	sadd.s32 s0, s3;
	s0 =	sld [smem:$0x3FAC]  }
0x30: {  	s3 =	sld [smem:$0x3FAF]  }
0x31: {  	[smem:$0x3FB8] =	sst s10  }
0x32: {  	s10 =	sld [smem:$0x3FB6];
	_ =	sdelay $0x3  }
0x33: {  	p0 =	seq.s32 s10, $0x1;
	s10 =	sld [smem:$0x3FB8];
	_ =	sdelay $0x3  }
0x34: {  	[smem:$0x3FB8] =	sst s10  }
0x35: {  	s10 =	sld [smem:$0x3FB7];
	_ =	sdelay $0x3  }
0x36: {  	p1 =	seq.s32 s10, $0x1;
	s10 =	sld [smem:$0x3FB8];
	_ =	sdelay $0x3  }
0x37: {  	[smem:$0x3FB8] =	sst s10  }
0x38: {  	s10 =	sld [smem:$0x3FB9]  }
0x39: {  	_ = 	snop;
	(pc) =	sbr.ind lr, $3  }
0x3a: {  	_ = 	snop  }
0x3b: {  	_ = 	snop  }
0x3c: {  	p2 =	seq.s32 s10, $0x1;
	s10 =	sld [smem:$0x3FB8]  }
0x3d: {  	_ =	shalt  }
0x3e: {  	_ =	shalt  }
0x3f: {  	_ =	shalt  }
0x40: {  	_ =	shalt  }
0x41: {  	_ =	shalt  }
0x42: {  	_ =	shalt  }
0x43: {  	_ =	shalt  }
0x44: {  	_ =	shalt  }
0x45: {  	_ =	shalt  }
0x46: {  	_ =	shalt  }
0x47: {  	_ =	shalt  }
0x48: {  	_ =	shalt  }
0x49: {  	_ =	shalt  }
0x4a: {  	_ =	shalt  }
0x4b: {  	_ =	shalt  }
0x4c: {  	_ =	shalt  }
0x4d: {  	_ =	shalt  }
0x4e: {  	_ =	shalt  }
0x4f: {  	_ =	shalt  }
0x50: {  	_ =	shalt  }
0x51: {  	_ =	shalt  }
0x52: {  	_ =	shalt  }
0x53: {  	_ =	shalt  }
0x54: {  	_ =	shalt  }
0x55: {  	_ =	shalt  }
0x56: {  	_ =	shalt  }
0x57: {  	_ =	shalt  }
0x58: {  	_ =	shalt  }
0x59: {  	_ =	shalt  }
0x5a: {  	_ =	shalt  }
0x5b: {  	_ =	shalt  }
0x5c: {  	_ =	shalt  }
0x5d: {  	_ =	shalt  }
0x5e: {  	_ =	shalt  }
0x5f: {  	_ =	shalt  }
0x60: {  	_ =	shalt  }
0x61: {  	_ =	shalt  }
0x62: {  	_ =	shalt  }
0x63: {  	_ =	shalt  }
0x64: {  	_ =	shalt  }
0x65: {  	_ =	shalt  }
0x66: {  	_ =	shalt  }
0x67: {  	_ =	shalt  }
0x68: {  	_ =	shalt  }
0x69: {  	_ =	shalt  }
0x6a: {  	_ =	shalt  }
0x6b: {  	_ =	shalt  }
0x6c: {  	_ =	shalt  }
0x6d: {  	_ =	shalt  }
0x6e: {  	_ =	shalt  }
0x6f: {  	_ =	shalt  }
0x70: {  	_ =	shalt  }
0x71: {  	_ =	shalt  }
0x72: {  	_ =	shalt  }
0x73: {  	_ =	shalt  }
0x74: {  	_ =	shalt  }
0x75: {  	_ =	shalt  }
0x76: {  	_ =	shalt  }
0x77: {  	_ =	shalt  }
0x78: {  	_ =	shalt  }
0x79: {  	_ =	shalt  }
0x7a: {  	_ =	shalt  }
0x7b: {  	_ =	shalt  }
0x7c: {  	_ =	shalt  }
0x7d: {  	_ =	shalt  }
0x7e: {  	_ =	shalt  }
0x7f: {  	_ =	shalt  }
0x80: {  	_ =	shalt  }
0x81: {  	_ =	shalt  }
0x82: {  	_ =	shalt  }
0x83: {  	_ =	shalt  }
0x84: {  	_ =	shalt  }
0x85: {  	_ =	shalt  }
0x86: {  	_ =	shalt  }
0x87: {  	_ =	shalt  }
.Lfunc_end0:
.L_simem_size_0:
called_computation_lowered:
.L_overlay_start_0:
0x88: {  	s2 =	sld [smem:$0x3FD9]  }
0x89: {  	s3 =	sld [smem:$0x3FFE];
	_ =	sdelay $0x1  }
0x8a: {  	s1 =	srdreg.scid  }
0x8b: {  	s0 =	sand.u32 $0x1, s1  }
0x8c: {  	s17 =	sshll.u32 s0, $0xA;
	s2 =	sadd.s32 s3, s2  }
0x8d: {  	s2 =	sadd.s32 s2, s17  }
0x8e: {  	[smem:$0x3FC4] =	sst s2  }
0x8f: {  	_ = 	snop  }
0x90: {  	s2 =	sld [smem:$0x3FD0];
	(tm) =	ssettm $0x1  }
0x91: {  	s18 =	sld [smem:$0x3FFB];
	_ =	sdelay $0x3  }
0x92: {  	_ =	strace s18  }
0x93: {  	s3 =	sld [smem:$0x3FFC];
	_ =	sdelay $0x3  }
0x94: {  	_ =	strace s3  }
0x95: {  	s3 =	sld [smem:$0x3FFD];
	_ =	sdelay $0x3  }
0x96: {  	_ =	strace s3  }
0x97: {  	_ =	strace $0x8FFFFFFF  }
0x98: {  	s19 =	sld [smem:$0x3FDB];
	_ =	sdelay $0x1  }
0x99: {  	s4 =	simm.s32 $_scs_section_size  }
0x9a: {  	s5 =	simm.s32 $_size__tile_overlayer_lowered;
	s6 =	simm.s32 $_tile_overlayer_lowered  }
0x9b: {  	s22 =	simm.s32 $0x1BFF;
	s21 =	sshll.u32 s6, $0x1;
	s3 =	sadd.s32 s4, s19  }
0x9c: {  	s7 =	simm.s32 $0x0;
	s20 =	sshll.u32 s5, $0x1;
	s5 =	sadd.s32 s21, s3  }
0x9d: {  	[timem:s7], [sflag:s22] =	dma.local [hbm:s5], s20  }
0x9e: {  	_ =	swait.ge [sflag:s22], s20  }
0x9f: {  	s4 =	ssub.s32 $0x0, s20;
	[sflag:s22] =	ssyncset.done $0x0  }
0xa0: {  	[sflag:s22] =	ssyncadd.s32 s4;
	_ =	sdelay $0x1  }
0xa1: {  	s23 =	simm.s32 $0x1B8B  }
0xa2: {  	_ =	swait.ge [sflag:s23], $0x1  }
0xa3: {  	[sflag:s23] =	ssyncset.done $0x0  }
0xa4: {  	s25 =	simm.s32 $0x1B8E;
	s24 =	sld [smem:$0x3FFE];
	[sflag:s23] =	ssyncadd.s32 $0xFFFFFFFF  }
0xa5: {  	s26 =	simm.s32 $execute0_lowered;
	[smem:$0x3FD2] =	sst s25  }
0xa6: {  	s5 =	sshll.u32 s26, $0x1;
	_ =	strace $0x80000046;
	[dreg:$0x1] =	wrdreg $0xFFFFFFFF  }
0xa7: {  	s28 =	simm.s32 $_size_execute0_lowered;
	s3 =	sadd.s32 s3, s5;
	[dreg:$0x0] =	wrdreg $0x0  }
0xa8: {  	s5 =	sshll.u32 s28, $0x1;
	[dreg:$0x2] =	wrdreg s3  }
0xa9: {  	[dreg:$0x3] =	wrdreg s5  }
0xaa: {  	[dreg:$0x4] =	wrdreg $0xC0  }
0xab: {  	_ =	task [dreg:s7], $0x5FFFF  }
0xac: {  	[dreg:$0x1] =	wrdreg $0xFFFFFFFF  }
0xad: {  	[dreg:$0x0] =	wrdreg $0x60  }
0xae: {  	[dreg:$0x2] =	wrdreg s2  }
0xaf: {  	[dreg:$0x3] =	wrdreg s24  }
0xb0: {  	[dreg:$0x4] =	wrdreg $0x9  }
0xb1: {  	_ =	task.clear_ibuf [dreg:s7], $0x5FFFF;
	_ =	strace $0x90000046  }
0xb2: {  	s29 =	simm.s32 $0x9;
	_ =	strace $0x80000048  }
0xb3: {  	_ =	swait.ge [sflag:s29], $0x1  }
0xb4: {  	[sflag:s29] =	ssyncadd.s32 $0xFFFFFFFF  }
0xb5: {  	_ =	strace $0x90000048  }
0xb6: {  	_ =	sfence  }
0xb7: {  	s30 =	sld [smem:$0x0];
	_ =	sdelay $0x2  }
0xb8: {  	s31 =	sshll.u32 s1, $0xD;
	s1 =	sshrl.u32 s1, $0x2  }
0xb9: {  	s3 =	sand.u32 $0x4000, s31;
	s1 =	sadd.s32 s1, s30  }
0xba: {  	s0 =	sor.u32 s3, s0;
	s1 =	sshll.u32 s1, $0x11  }
0xbb: {  	s0 =	sor.u32 s1, s0  }
0xbc: {  	s0 =	sadd.s32 $0x8F2B, s0  }
0xbd: {  	[sflag:s0] =	ssyncadd.remote.s32 $0x1  }
0xbe: {  	_ =	sfence.sel $0xFFFF  }
0xbf: {  	[dreg:$0x0] =	wrdreg $0xFFFFFFFF;
	(pc) =	sbr.abs _section_cstart, $3  }
0xc0: {  	[dreg:$0x1] =	wrdreg $0xFFFFFFFF  }
0xc1: {  	_ =	task.clear_ibuf [dreg:s7], $0x2FFFF;
	_ =	strace $0x9FFFFFFF  }
0xc2: {  	(tm) =	ssettm $0x7FFFFFFF  }
0xc3: {  	_ =	shalt  }
tec
execute0_lowered:
.L_overlay_start_1:
0x0: {  	(tag) =	ssettag $0x1  }
0x1: {  	s5 =	rddreg [dreg:$0x0]  }
0x2: {  	s6 =	rddreg [dreg:$0x1]  }
0x3: {  	s0 =	rddreg [dreg:$0x2]  }
0x4: {  	s2 =	simm.s32 $0x0;
	s1 =	stileid.u32;
	s4 =	srdreg.scid  }
0x5: {  	s13 =	simm.s32 $0x3;
	s14 =	simm.s32 $0x1;
	s15 =	simm.s32 $0x1C800  }
0x6: {  	s16 =	simm.s32 $0x2;
	s17 =	simm.s32 $0x1F000;
	s18 =	simm.s32 $0x0  }
0x7: {  	[smem:$0x7FF] =	sst s2;
	s3 =	sadd.s32 $0x1400, s6;
	s12 =	sand.u32 $0x1, s4  }
0x8: {  	s7 =	smul.u32 $0xC800, s1;
	s4 =	sadd.s32 $0x4800, s6;
	s8 =	sshll.u32 s1, $0x4  }
0x9: {  	_ =	strace $0x80000047;
	s9 =	ssub.s32 $0x2, s12;
	s8 =	sadd.s32 s8, s6  }
.Ltmp0:
0xa: {  	s31 =	sshll.u32 s12, $0x8;
	p0 =	sne.s32 s12, $0x0;
	(pc) =	sbr.rel .LBB2_1-.Ltmp0, $4  }
0xb: {  	s12 =	simm.s32 $0x1A000;
	s30 =	sshrl.u32 s9, $0x1;
	s7 =	sshrl.u32 s7, $0x3  }
0xc: {  	s10 =	sadd.s32 s31, s8;
	s11 =	ssub.s32 s9, s30;
	s5 =	sadd.s32 s5, s7  }
0xd: {  	s10 =	sadd.s32 $0x7C00, s10;
	s6 =	sadd.s32 $0x500, s5;
	s7 =	sadd.s32 $0xA00, s5  }
0xe: {  	s8 =	sadd.s32 $0xF00, s5;
	s9 =	sadd.s32 $0x1400, s5;
	s11 =	smax.u32 s11, $0x1  }
.LBB2_23:
0xf: {  	_ =	sdelay $0x3  }
0x10: {  	v11 =	vld.idx.msk [tilespmem:v11+s2+$0x0], $0xffff  }
0x11: {  	v15 =	vld.idx.msk [tilespmem:v15+s2+$0x0], $0xffff  }
0x12: {  	v16 =	vld.idx.msk [tilespmem:v16+s2+$0x0], $0xffff  }
0x13: {  	v18 =	vld.idx.msk [tilespmem:v18+s2+$0x0], $0xffff  }
0x14: {  	v14 =	vld.idx.msk [tilespmem:v14+s2+$0x0], $0xffff  }
0x15: {  	v17 =	vld.idx.msk [tilespmem:v17+s2+$0x0], $0xffff  }
0x16: {  	v13 =	vld.idx.msk [tilespmem:v13+s2+$0x0], $0xffff  }
0x17: {  	v19 =	vld.idx.msk [tilespmem:v19+s2+$0x0], $0xffff  }
0x18: {  	v9 =	vld.idx.msk [tilespmem:v9+s2+$0x0], $0xffff  }
0x19: {  	v12 =	vld.idx.msk [tilespmem:v12+s2+$0x0], $0xffff  }
0x1a: {  	v8 =	vld.idx.msk [tilespmem:v8+s2+$0x0], $0xffff;
	v0 =	vmax.f32 v0, v18  }
0x1b: {  	v1 =	vld.idx.msk [tilespmem:v1+s2+$0x0], $0xffff;
	v63 =	vmax.f32 v6, v17;
	v4 =	vmax.f32 v4, v13;
	v0 =	vmax.f32 v0, v15  }
0x1c: {  	v3 =	vmax.f32 v3, v19;
	v0 =	vmax.f32 v0, v5;
	v5 =	vmax.f32 v63, v16  }
0x1d: {  	v4 =	vmax.f32 v4, v14;
	v3 =	vmax.f32 v3, v9;
	v5 =	vmax.f32 v5, v11  }
0x1e: {  	v4 =	vmax.f32 v4, v12;
	v0 =	vmax.f32 v0, v10;
	v2 =	vmax.f32 v5, v2  }
0x1f: {  	v3 =	vmax.f32 v3, v8;
	v4 =	vmax.f32 v4, v7;
	v0 =	vmax.f32 v0, v2  }
0x20: {  	v1 =	vmax.f32 v3, v1;
	v0 =	vmax.f32 v0, v4  }
0x21: {  	v0 =	vmax.f32 v0, v1  }
.LBB2_24:
0x22: {  	s18 =	sadd.s32 $0x1, s18  }
0x23: {  	p1 =	sne.s32 s18, s11  }
.Ltmp1:
0x24: {  	[tilespmem:$0x1F000] =	vst v0;
	(pc) =	sbr.rel @!p1 .LBB2_25-.Ltmp1, $4  }
0x25: {  	[hbm4b:s10+s2] =	stream.linear.scatter [tilespmem:s17], [sflag:$0x3], $0x80, $0x38;
	[tilespmem:$0x1F080] =	vst v63  }
0x26: {  	_ =	swait.ge [sflag:s13], $0x80  }
0x27: {  	[sflag:s13] =	ssyncset.done $0x0  }
0x28: {  	[sflag:s13] =	ssyncadd.s32 $0xFFFFFF80  }
.LBB2_1:
.Ltmp2:
0x29: {  	(pc) =	sbr.rel @p0 .LBB2_13-.Ltmp2, $3  }
0x2a: {  	_ =	sdelay $0x1  }
0x2b: {  	[tilespmem:s12], [sflag:$0x1] =	stream.linear.gather [hbm4b:s5+s2], $0x2800, $0x38;
	[tilespmem:$0x1F080] =	vst v63  }
0x2c: {  	s19 =	simm.s32 $0x0  }
0x2d: {  	[tilespmem:s19], [sflag:$0x3] =	stream.linear.gather [hbm4b:s3+s19], $0x1A000, $0x38;
	[tilespmem:$0x1F080] =	vst v63  }
0x2e: {  	_ =	swait.ge [sflag:s13], $0x1A000  }
0x2f: {  	[sflag:s13] =	ssyncset.done $0x0  }
0x30: {  	[sflag:s13] =	ssyncadd.s32 $0xFFFE6000  }
0x31: {  	_ =	swait.ge [sflag:s14], $0x2800  }
0x32: {  	[sflag:s14] =	ssyncset.done $0x0  }
0x33: {  	s31 =	simm.s32 $0x0;
	[sflag:s14] =	ssyncadd.s32 $0xFFFFD800  }
0x34: {  	[tilespmem:s15], [sflag:$0x2] =	stream.linear.gather [hbm4b:s6+s19], $0x2800, $0x38;
	[tilespmem:$0x1F080] =	vst v63  }
0x35: {  	v0 =	vld [tilespmem:s31+$0x1A0C0]  }
0x36: {  	v1 =	vld [tilespmem:s31+$0x1A0D0]  }
0x37: {  	v4 =	vld [tilespmem:s31+$0x1A0E0]  }
0x38: {  	v3 =	vld [tilespmem:s31+$0x1A0F0]  }
0x39: {  	v5 =	vld [tilespmem:s31+$0x1A080]  }
0x3a: {  	v11 =	vld [tilespmem:s31+$0x1A090]  }
0x3b: {  	v12 =	vld [tilespmem:s31+$0x1A0A0]  }
0x3c: {  	v8 =	vld [tilespmem:s31+$0x1A0B0]  }
0x3d: {  	v14 =	vld [tilespmem:s31+$0x1A040]  }
0x3e: {  	v15 =	vld [tilespmem:s31+$0x1A050]  }
0x3f: {  	v13 =	vld [tilespmem:s31+$0x1A060]  }
0x40: {  	v9 =	vld [tilespmem:s31+$0x1A070]  }
0x41: {  	v19 =	vld [tilespmem:s31+$0x1A000]  }
0x42: {  	v16 =	vld [tilespmem:s31+$0x1A010]  }
0x43: {  	v17 =	vld [tilespmem:s31+$0x1A020]  }
0x44: {  	v18 =	vld [tilespmem:s31+$0x1A030]  }
0x45: {  	v7 =	vld.idx.msk [tilespmem:v0+s2+$0x0], $0xffff  }
0x46: {  	v2 =	vld.idx.msk [tilespmem:v1+s2+$0x0], $0xffff  }
0x47: {  	v6 =	vimm.f32 $+Inf;
	v4 =	vld.idx.msk [tilespmem:v4+s2+$0x0], $0xffff  }
0x48: {  	s19 =	simm.s32 $0x400;
	v0 =	vimm.f32 $+Inf;
	v10 =	vld.idx.msk [tilespmem:v5+s2+$0x0], $0xffff;
	v1 =	vimm.f32 $+Inf;
	v5 =	vimm.f32 $+Inf  }
.LBB2_3:
0x49: {  	p1 =	sne.s32 s19, $0x9C00;
	v11 =	vld.idx.msk [tilespmem:v11+s2+$0x0], $0xffff  }
0x4a: {  	v12 =	vld.idx.msk [tilespmem:v12+s2+$0x0], $0xffff  }
0x4b: {  	v14 =	vld.idx.msk [tilespmem:v14+s2+$0x0], $0xffff  }
0x4c: {  	v15 =	vld.idx.msk [tilespmem:v15+s2+$0x0], $0xffff  }
0x4d: {  	v19 =	vld.idx.msk [tilespmem:v19+s2+$0x0], $0xffff  }
0x4e: {  	v13 =	vld.idx.msk [tilespmem:v13+s2+$0x0], $0xffff  }
0x4f: {  	v16 =	vld.idx.msk [tilespmem:v16+s2+$0x0], $0xffff  }
0x50: {  	v17 =	vld.idx.msk [tilespmem:v17+s2+$0x0], $0xffff  }
0x51: {  	v18 =	vld.idx.msk [tilespmem:v18+s2+$0x0], $0xffff  }
0x52: {  	v9 =	vld.idx.msk [tilespmem:v9+s2+$0x0], $0xffff  }
0x53: {  	v0 =	vmin.f32 v0, v19;
	v8 =	vld.idx.msk [tilespmem:v8+s2+$0x0], $0xffff  }
0x54: {  	s20 =	sshra.s32 s19, $0x2;
	v0 =	vmin.f32 v0, v14;
	v19 =	vld.idx.msk [tilespmem:v3+s2+$0x0], $0xffff  }
0x55: {  	v0 =	vmin.f32 v0, v10;
	v20 =	vld [tilespmem:s20+$0x1A0C0]  }
0x56: {  	v0 =	vmin.f32 v0, v7;
	v10 =	vld [tilespmem:s20+$0x1A0D0]  }
0x57: {  	v1 =	vmin.f32 v1, v16;
	v5 =	vmin.f32 v5, v17;
	v6 =	vmin.f32 v6, v18;
	v21 =	vld [tilespmem:s20+$0x1A0E0]  }
0x58: {  	v1 =	vmin.f32 v1, v15;
	v5 =	vmin.f32 v5, v13;
	v6 =	vmin.f32 v6, v9;
	v3 =	vld [tilespmem:s20+$0x1A0F0]  }
0x59: {  	v1 =	vmin.f32 v1, v11;
	v5 =	vmin.f32 v5, v12;
	v6 =	vmin.f32 v6, v8;
	v22 =	vld [tilespmem:s20+$0x1A080]  }
0x5a: {  	v1 =	vmin.f32 v1, v2;
	v5 =	vmin.f32 v5, v4;
	v6 =	vmin.f32 v6, v19;
	v11 =	vld [tilespmem:s20+$0x1A090]  }
0x5b: {  	v12 =	vld [tilespmem:s20+$0x1A0A0]  }
0x5c: {  	v8 =	vld [tilespmem:s20+$0x1A0B0]  }
0x5d: {  	v14 =	vld [tilespmem:s20+$0x1A040]  }
0x5e: {  	v15 =	vld [tilespmem:s20+$0x1A050]  }
0x5f: {  	v13 =	vld [tilespmem:s20+$0x1A060]  }
0x60: {  	v9 =	vld [tilespmem:s20+$0x1A070]  }
0x61: {  	v19 =	vld [tilespmem:s20+$0x1A000]  }
0x62: {  	v16 =	vld [tilespmem:s20+$0x1A010]  }
0x63: {  	v17 =	vld [tilespmem:s20+$0x1A020]  }
.Ltmp3:
0x64: {  	v18 =	vld [tilespmem:s20+$0x1A030];
	(pc) =	sbr.rel @p1 .LBB2_3-.Ltmp3, $4  }
0x65: {  	v7 =	vld.idx.msk [tilespmem:v20+s2+$0x0], $0xffff  }
0x66: {  	v2 =	vld.idx.msk [tilespmem:v10+s2+$0x0], $0xffff  }
0x67: {  	v4 =	vld.idx.msk [tilespmem:v21+s2+$0x0], $0xffff  }
0x68: {  	s19 =	sadd.s32 $0x400, s19;
	v10 =	vld.idx.msk [tilespmem:v22+s2+$0x0], $0xffff  }
0x69: {  	_ =	sdelay $0x3  }
0x6a: {  	v11 =	vld.idx.msk [tilespmem:v11+s2+$0x0], $0xffff  }
0x6b: {  	v20 =	vld.idx.msk [tilespmem:v12+s2+$0x0], $0xffff  }
0x6c: {  	v21 =	vld.idx.msk [tilespmem:v14+s2+$0x0], $0xffff  }
0x6d: {  	v22 =	vld.idx.msk [tilespmem:v15+s2+$0x0], $0xffff  }
0x6e: {  	v19 =	vld.idx.msk [tilespmem:v19+s2+$0x0], $0xffff  }
0x6f: {  	v23 =	vld.idx.msk [tilespmem:v13+s2+$0x0], $0xffff  }
0x70: {  	v24 =	vld.idx.msk [tilespmem:v16+s2+$0x0], $0xffff  }
0x71: {  	v25 =	vld.idx.msk [tilespmem:v17+s2+$0x0], $0xffff  }
0x72: {  	v26 =	vld.idx.msk [tilespmem:v18+s2+$0x0], $0xffff  }
0x73: {  	v27 =	vld.idx.msk [tilespmem:v9+s2+$0x0], $0xffff  }
0x74: {  	v28 =	vld.idx.msk [tilespmem:v8+s2+$0x0], $0xffff  }
0x75: {  	v29 =	vld.idx.msk [tilespmem:v3+s2+$0x0], $0xffff;
	_ =	swait.ge [sflag:s16], $0x2800  }
0x76: {  	[sflag:s16] =	ssyncset.done $0x0  }
0x77: {  	s19 =	simm.s32 $0x0;
	s31 =	simm.s32 $0x0;
	[sflag:s16] =	ssyncadd.s32 $0xFFFFD800  }
0x78: {  	[tilespmem:s12], [sflag:$0x1] =	stream.linear.gather [hbm4b:s7+s19], $0x2800, $0x38;
	[tilespmem:$0x1F080] =	vst v63  }
0x79: {  	v30 =	vld [tilespmem:s31+$0x1C8C0]  }
0x7a: {  	v31 =	vld [tilespmem:s31+$0x1C8D0]  }
0x7b: {  	v32 =	vld [tilespmem:s31+$0x1C8E0]  }
0x7c: {  	v3 =	vld [tilespmem:s31+$0x1C8F0]  }
0x7d: {  	v33 =	vld [tilespmem:s31+$0x1C880]  }
0x7e: {  	v12 =	vld [tilespmem:s31+$0x1C890]  }
0x7f: {  	v13 =	vld [tilespmem:s31+$0x1C8A0]  }
0x80: {  	v8 =	vld [tilespmem:s31+$0x1C8B0]  }
0x81: {  	v15 =	vld [tilespmem:s31+$0x1C840]  }
0x82: {  	v16 =	vld [tilespmem:s31+$0x1C850]  }
0x83: {  	v14 =	vld [tilespmem:s31+$0x1C860]  }
0x84: {  	v9 =	vld [tilespmem:s31+$0x1C870]  }
0x85: {  	v18 =	vld [tilespmem:s31+$0x1C800]  }
0x86: {  	v17 =	vld [tilespmem:s31+$0x1C810];
	v0 =	vmin.f32 v0, v19  }
0x87: {  	v19 =	vld [tilespmem:s31+$0x1C830];
	v0 =	vmin.f32 v0, v21  }
0x88: {  	v1 =	vmin.f32 v1, v24;
	v0 =	vmin.f32 v0, v10;
	v10 =	vld [tilespmem:s31+$0x1C820]  }
0x89: {  	v5 =	vmin.f32 v5, v25;
	v6 =	vmin.f32 v6, v26;
	v0 =	vmin.f32 v0, v7;
	v7 =	vld.idx.msk [tilespmem:v30+s2+$0x0], $0xffff  }
0x8a: {  	v63 =	vmin.f32 v1, v22;
	v5 =	vmin.f32 v5, v23;
	v6 =	vmin.f32 v6, v27;
	v1 =	vld.idx.msk [tilespmem:v31+s2+$0x0], $0xffff  }
0x8b: {  	v11 =	vmin.f32 v63, v11;
	v20 =	vmin.f32 v5, v20;
	v6 =	vmin.f32 v6, v28;
	v5 =	vld.idx.msk [tilespmem:v32+s2+$0x0], $0xffff  }
0x8c: {  	s19 =	simm.s32 $0x400;
	v2 =	vmin.f32 v11, v2;
	v4 =	vmin.f32 v20, v4;
	v6 =	vmin.f32 v6, v29;
	v11 =	vld.idx.msk [tilespmem:v33+s2+$0x0], $0xffff  }
.LBB2_5:
0x8d: {  	p1 =	sne.s32 s19, $0x9C00;
	v12 =	vld.idx.msk [tilespmem:v12+s2+$0x0], $0xffff  }
0x8e: {  	v13 =	vld.idx.msk [tilespmem:v13+s2+$0x0], $0xffff  }
0x8f: {  	v15 =	vld.idx.msk [tilespmem:v15+s2+$0x0], $0xffff  }
0x90: {  	v16 =	vld.idx.msk [tilespmem:v16+s2+$0x0], $0xffff  }
0x91: {  	v18 =	vld.idx.msk [tilespmem:v18+s2+$0x0], $0xffff  }
0x92: {  	v14 =	vld.idx.msk [tilespmem:v14+s2+$0x0], $0xffff  }
0x93: {  	v17 =	vld.idx.msk [tilespmem:v17+s2+$0x0], $0xffff  }
0x94: {  	v10 =	vld.idx.msk [tilespmem:v10+s2+$0x0], $0xffff  }
0x95: {  	v19 =	vld.idx.msk [tilespmem:v19+s2+$0x0], $0xffff  }
0x96: {  	v9 =	vld.idx.msk [tilespmem:v9+s2+$0x0], $0xffff  }
0x97: {  	v0 =	vmin.f32 v0, v18;
	v8 =	vld.idx.msk [tilespmem:v8+s2+$0x0], $0xffff  }
0x98: {  	s20 =	sshra.s32 s19, $0x2;
	v0 =	vmin.f32 v0, v15;
	v18 =	vld.idx.msk [tilespmem:v3+s2+$0x0], $0xffff  }
0x99: {  	v0 =	vmin.f32 v0, v11;
	v20 =	vld [tilespmem:s20+$0x1C8C0]  }
0x9a: {  	v0 =	vmin.f32 v0, v7;
	v11 =	vld [tilespmem:s20+$0x1C8D0]  }
0x9b: {  	v2 =	vmin.f32 v2, v17;
	v4 =	vmin.f32 v4, v10;
	v6 =	vmin.f32 v6, v19;
	v21 =	vld [tilespmem:s20+$0x1C8E0]  }
0x9c: {  	v2 =	vmin.f32 v2, v16;
	v4 =	vmin.f32 v4, v14;
	v6 =	vmin.f32 v6, v9;
	v3 =	vld [tilespmem:s20+$0x1C8F0]  }
0x9d: {  	v2 =	vmin.f32 v2, v12;
	v4 =	vmin.f32 v4, v13;
	v6 =	vmin.f32 v6, v8;
	v22 =	vld [tilespmem:s20+$0x1C880]  }
0x9e: {  	v2 =	vmin.f32 v2, v1;
	v4 =	vmin.f32 v4, v5;
	v6 =	vmin.f32 v6, v18;
	v12 =	vld [tilespmem:s20+$0x1C890]  }
0x9f: {  	v13 =	vld [tilespmem:s20+$0x1C8A0]  }
0xa0: {  	v8 =	vld [tilespmem:s20+$0x1C8B0]  }
0xa1: {  	v15 =	vld [tilespmem:s20+$0x1C840]  }
0xa2: {  	v16 =	vld [tilespmem:s20+$0x1C850]  }
0xa3: {  	v14 =	vld [tilespmem:s20+$0x1C860]  }
0xa4: {  	v9 =	vld [tilespmem:s20+$0x1C870]  }
0xa5: {  	v18 =	vld [tilespmem:s20+$0x1C800]  }
0xa6: {  	v17 =	vld [tilespmem:s20+$0x1C810]  }
0xa7: {  	v10 =	vld [tilespmem:s20+$0x1C820]  }
.Ltmp4:
0xa8: {  	v19 =	vld [tilespmem:s20+$0x1C830];
	(pc) =	sbr.rel @p1 .LBB2_5-.Ltmp4, $4  }
0xa9: {  	v7 =	vld.idx.msk [tilespmem:v20+s2+$0x0], $0xffff  }
0xaa: {  	v1 =	vld.idx.msk [tilespmem:v11+s2+$0x0], $0xffff  }
0xab: {  	v5 =	vld.idx.msk [tilespmem:v21+s2+$0x0], $0xffff  }
0xac: {  	s19 =	sadd.s32 $0x400, s19;
	v11 =	vld.idx.msk [tilespmem:v22+s2+$0x0], $0xffff  }
0xad: {  	_ =	sdelay $0x3  }
0xae: {  	v21 =	vld.idx.msk [tilespmem:v12+s2+$0x0], $0xffff  }
0xaf: {  	v22 =	vld.idx.msk [tilespmem:v13+s2+$0x0], $0xffff  }
0xb0: {  	v20 =	vld.idx.msk [tilespmem:v15+s2+$0x0], $0xffff  }
0xb1: {  	v23 =	vld.idx.msk [tilespmem:v16+s2+$0x0], $0xffff  }
0xb2: {  	v18 =	vld.idx.msk [tilespmem:v18+s2+$0x0], $0xffff  }
0xb3: {  	v24 =	vld.idx.msk [tilespmem:v14+s2+$0x0], $0xffff  }
0xb4: {  	v25 =	vld.idx.msk [tilespmem:v17+s2+$0x0], $0xffff  }
0xb5: {  	v26 =	vld.idx.msk [tilespmem:v10+s2+$0x0], $0xffff  }
0xb6: {  	v27 =	vld.idx.msk [tilespmem:v19+s2+$0x0], $0xffff  }
0xb7: {  	v28 =	vld.idx.msk [tilespmem:v9+s2+$0x0], $0xffff  }
0xb8: {  	v29 =	vld.idx.msk [tilespmem:v8+s2+$0x0], $0xffff  }
0xb9: {  	v30 =	vld.idx.msk [tilespmem:v3+s2+$0x0], $0xffff;
	_ =	swait.ge [sflag:s14], $0x2800  }
0xba: {  	[sflag:s14] =	ssyncset.done $0x0  }
0xbb: {  	s19 =	simm.s32 $0x0;
	s31 =	simm.s32 $0x0;
	[sflag:s14] =	ssyncadd.s32 $0xFFFFD800  }
0xbc: {  	[tilespmem:s15], [sflag:$0x2] =	stream.linear.gather [hbm4b:s8+s19], $0x2800, $0x38;
	[tilespmem:$0x1F080] =	vst v63  }
0xbd: {  	v8 =	vld [tilespmem:s31+$0x1A0C0]  }
0xbe: {  	v31 =	vld [tilespmem:s31+$0x1A0D0]  }
0xbf: {  	v32 =	vld [tilespmem:s31+$0x1A0E0]  }
0xc0: {  	v3 =	vld [tilespmem:s31+$0x1A0F0]  }
0xc1: {  	v33 =	vld [tilespmem:s31+$0x1A080]  }
0xc2: {  	v12 =	vld [tilespmem:s31+$0x1A090]  }
0xc3: {  	v13 =	vld [tilespmem:s31+$0x1A0A0]  }
0xc4: {  	v9 =	vld [tilespmem:s31+$0x1A0B0]  }
0xc5: {  	v15 =	vld [tilespmem:s31+$0x1A040]  }
0xc6: {  	v16 =	vld [tilespmem:s31+$0x1A050]  }
0xc7: {  	v14 =	vld [tilespmem:s31+$0x1A060]  }
0xc8: {  	v10 =	vld [tilespmem:s31+$0x1A070]  }
0xc9: {  	v19 =	vld [tilespmem:s31+$0x1A000]  }
0xca: {  	v17 =	vld [tilespmem:s31+$0x1A010]  }
0xcb: {  	v0 =	vmin.f32 v0, v18;
	v18 =	vld [tilespmem:s31+$0x1A020]  }
0xcc: {  	v2 =	vmin.f32 v2, v25;
	v4 =	vmin.f32 v4, v26;
	v0 =	vmin.f32 v0, v20;
	v20 =	vld [tilespmem:s31+$0x1A030]  }
0xcd: {  	v6 =	vmin.f32 v6, v27;
	v4 =	vmin.f32 v4, v24;
	v0 =	vmin.f32 v0, v11;
	v8 =	vld.idx.msk [tilespmem:v8+s2+$0x0], $0xffff  }
0xce: {  	v6 =	vmin.f32 v6, v28;
	v0 =	vmin.f32 v0, v7;
	v7 =	vmin.f32 v2, v23;
	v2 =	vld.idx.msk [tilespmem:v31+s2+$0x0], $0xffff  }
0xcf: {  	v11 =	vmin.f32 v4, v22;
	v7 =	vmin.f32 v7, v21;
	v21 =	vmin.f32 v6, v29;
	v4 =	vld.idx.msk [tilespmem:v32+s2+$0x0], $0xffff  }
0xd0: {  	s19 =	simm.s32 $0x400;
	v5 =	vmin.f32 v11, v5;
	v6 =	vmin.f32 v7, v1;
	v7 =	vmin.f32 v21, v30;
	v11 =	vld.idx.msk [tilespmem:v33+s2+$0x0], $0xffff  }
.LBB2_7:
0xd1: {  	p1 =	sne.s32 s19, $0x9C00;
	v1 =	vld.idx.msk [tilespmem:v12+s2+$0x0], $0xffff  }
0xd2: {  	v12 =	vld.idx.msk [tilespmem:v13+s2+$0x0], $0xffff  }
0xd3: {  	v13 =	vld.idx.msk [tilespmem:v15+s2+$0x0], $0xffff  }
0xd4: {  	v15 =	vld.idx.msk [tilespmem:v16+s2+$0x0], $0xffff  }
0xd5: {  	v16 =	vld.idx.msk [tilespmem:v19+s2+$0x0], $0xffff  }
0xd6: {  	v14 =	vld.idx.msk [tilespmem:v14+s2+$0x0], $0xffff  }
0xd7: {  	v17 =	vld.idx.msk [tilespmem:v17+s2+$0x0], $0xffff  }
0xd8: {  	v18 =	vld.idx.msk [tilespmem:v18+s2+$0x0], $0xffff  }
0xd9: {  	v19 =	vld.idx.msk [tilespmem:v20+s2+$0x0], $0xffff  }
0xda: {  	v10 =	vld.idx.msk [tilespmem:v10+s2+$0x0], $0xffff  }
0xdb: {  	v0 =	vmin.f32 v0, v16;
	v9 =	vld.idx.msk [tilespmem:v9+s2+$0x0], $0xffff  }
0xdc: {  	s20 =	sshra.s32 s19, $0x2;
	v0 =	vmin.f32 v0, v13;
	v16 =	vld.idx.msk [tilespmem:v3+s2+$0x0], $0xffff  }
0xdd: {  	v0 =	vmin.f32 v0, v11;
	v21 =	vld [tilespmem:s20+$0x1A0C0]  }
0xde: {  	v0 =	vmin.f32 v0, v8;
	v11 =	vld [tilespmem:s20+$0x1A0D0]  }
0xdf: {  	v6 =	vmin.f32 v6, v17;
	v5 =	vmin.f32 v5, v18;
	v7 =	vmin.f32 v7, v19;
	v22 =	vld [tilespmem:s20+$0x1A0E0]  }
0xe0: {  	v6 =	vmin.f32 v6, v15;
	v5 =	vmin.f32 v5, v14;
	v7 =	vmin.f32 v7, v10;
	v3 =	vld [tilespmem:s20+$0x1A0F0]  }
0xe1: {  	v1 =	vmin.f32 v6, v1;
	v5 =	vmin.f32 v5, v12;
	v7 =	vmin.f32 v7, v9;
	v23 =	vld [tilespmem:s20+$0x1A080]  }
0xe2: {  	v6 =	vmin.f32 v1, v2;
	v5 =	vmin.f32 v5, v4;
	v7 =	vmin.f32 v7, v16;
	v12 =	vld [tilespmem:s20+$0x1A090]  }
0xe3: {  	v13 =	vld [tilespmem:s20+$0x1A0A0]  }
0xe4: {  	v9 =	vld [tilespmem:s20+$0x1A0B0]  }
0xe5: {  	v15 =	vld [tilespmem:s20+$0x1A040]  }
0xe6: {  	v16 =	vld [tilespmem:s20+$0x1A050]  }
0xe7: {  	v14 =	vld [tilespmem:s20+$0x1A060]  }
0xe8: {  	v10 =	vld [tilespmem:s20+$0x1A070]  }
0xe9: {  	v19 =	vld [tilespmem:s20+$0x1A000]  }
0xea: {  	v17 =	vld [tilespmem:s20+$0x1A010]  }
0xeb: {  	v18 =	vld [tilespmem:s20+$0x1A020]  }
.Ltmp5:
0xec: {  	v20 =	vld [tilespmem:s20+$0x1A030];
	(pc) =	sbr.rel @p1 .LBB2_7-.Ltmp5, $4  }
0xed: {  	v8 =	vld.idx.msk [tilespmem:v21+s2+$0x0], $0xffff  }
0xee: {  	v2 =	vld.idx.msk [tilespmem:v11+s2+$0x0], $0xffff  }
0xef: {  	v4 =	vld.idx.msk [tilespmem:v22+s2+$0x0], $0xffff  }
0xf0: {  	s19 =	sadd.s32 $0x400, s19;
	v11 =	vld.idx.msk [tilespmem:v23+s2+$0x0], $0xffff  }
0xf1: {  	_ =	sdelay $0x3  }
0xf2: {  	v21 =	vld.idx.msk [tilespmem:v12+s2+$0x0], $0xffff  }
0xf3: {  	v13 =	vld.idx.msk [tilespmem:v13+s2+$0x0], $0xffff  }
0xf4: {  	v22 =	vld.idx.msk [tilespmem:v15+s2+$0x0], $0xffff  }
0xf5: {  	v23 =	vld.idx.msk [tilespmem:v16+s2+$0x0], $0xffff  }
0xf6: {  	v19 =	vld.idx.msk [tilespmem:v19+s2+$0x0], $0xffff  }
0xf7: {  	v24 =	vld.idx.msk [tilespmem:v14+s2+$0x0], $0xffff  }
0xf8: {  	v25 =	vld.idx.msk [tilespmem:v17+s2+$0x0], $0xffff  }
0xf9: {  	v26 =	vld.idx.msk [tilespmem:v18+s2+$0x0], $0xffff  }
0xfa: {  	v20 =	vld.idx.msk [tilespmem:v20+s2+$0x0], $0xffff  }
0xfb: {  	v27 =	vld.idx.msk [tilespmem:v10+s2+$0x0], $0xffff  }
0xfc: {  	v28 =	vld.idx.msk [tilespmem:v9+s2+$0x0], $0xffff  }
0xfd: {  	v29 =	vld.idx.msk [tilespmem:v3+s2+$0x0], $0xffff;
	_ =	swait.ge [sflag:s16], $0x2800  }
0xfe: {  	[sflag:s16] =	ssyncset.done $0x0  }
0xff: {  	s19 =	simm.s32 $0x0;
	s31 =	simm.s32 $0x0;
	[sflag:s16] =	ssyncadd.s32 $0xFFFFD800  }
0x100: {  	[tilespmem:s12], [sflag:$0x1] =	stream.linear.gather [hbm4b:s9+s19], $0x2800, $0x38;
	[tilespmem:$0x1F080] =	vst v63  }
0x101: {  	v3 =	vld [tilespmem:s31+$0x1C8C0]  }
0x102: {  	v30 =	vld [tilespmem:s31+$0x1C8D0]  }
0x103: {  	v31 =	vld [tilespmem:s31+$0x1C8E0]  }
0x104: {  	v1 =	vld [tilespmem:s31+$0x1C8F0]  }
0x105: {  	v32 =	vld [tilespmem:s31+$0x1C880]  }
0x106: {  	v12 =	vld [tilespmem:s31+$0x1C890]  }
0x107: {  	v14 =	vld [tilespmem:s31+$0x1C8A0]  }
0x108: {  	v9 =	vld [tilespmem:s31+$0x1C8B0]  }
0x109: {  	v16 =	vld [tilespmem:s31+$0x1C840]  }
0x10a: {  	v17 =	vld [tilespmem:s31+$0x1C850]  }
0x10b: {  	v15 =	vld [tilespmem:s31+$0x1C860]  }
0x10c: {  	v10 =	vld [tilespmem:s31+$0x1C870]  }
0x10d: {  	v18 =	vld [tilespmem:s31+$0x1C810];
	v0 =	vmin.f32 v0, v19  }
0x10e: {  	v19 =	vld [tilespmem:s31+$0x1C800];
	v0 =	vmin.f32 v0, v22  }
0x10f: {  	v0 =	vmin.f32 v0, v11;
	v11 =	vld [tilespmem:s31+$0x1C820]  }
0x110: {  	v0 =	vmin.f32 v0, v8;
	v8 =	vld [tilespmem:s31+$0x1C830]  }
0x111: {  	v6 =	vmin.f32 v6, v25;
	v5 =	vmin.f32 v5, v26;
	v20 =	vmin.f32 v7, v20;
	v7 =	vld.idx.msk [tilespmem:v3+s2+$0x0], $0xffff  }
0x112: {  	v6 =	vmin.f32 v6, v23;
	v5 =	vmin.f32 v5, v24;
	v20 =	vmin.f32 v20, v27;
	v3 =	vld.idx.msk [tilespmem:v30+s2+$0x0], $0xffff  }
0x113: {  	v6 =	vmin.f32 v6, v21;
	v13 =	vmin.f32 v5, v13;
	v20 =	vmin.f32 v20, v28;
	v5 =	vld.idx.msk [tilespmem:v31+s2+$0x0], $0xffff  }
0x114: {  	s19 =	simm.s32 $0x400;
	v2 =	vmin.f32 v6, v2;
	v4 =	vmin.f32 v13, v4;
	v6 =	vmin.f32 v20, v29;
	v13 =	vld.idx.msk [tilespmem:v32+s2+$0x0], $0xffff  }
.LBB2_9:
0x115: {  	p1 =	sne.s32 s19, $0x9C00;
	v12 =	vld.idx.msk [tilespmem:v12+s2+$0x0], $0xffff  }
0x116: {  	v14 =	vld.idx.msk [tilespmem:v14+s2+$0x0], $0xffff  }
0x117: {  	v16 =	vld.idx.msk [tilespmem:v16+s2+$0x0], $0xffff  }
0x118: {  	v17 =	vld.idx.msk [tilespmem:v17+s2+$0x0], $0xffff  }
0x119: {  	v19 =	vld.idx.msk [tilespmem:v19+s2+$0x0], $0xffff  }
0x11a: {  	v15 =	vld.idx.msk [tilespmem:v15+s2+$0x0], $0xffff  }
0x11b: {  	v18 =	vld.idx.msk [tilespmem:v18+s2+$0x0], $0xffff  }
0x11c: {  	v11 =	vld.idx.msk [tilespmem:v11+s2+$0x0], $0xffff  }
0x11d: {  	v8 =	vld.idx.msk [tilespmem:v8+s2+$0x0], $0xffff  }
0x11e: {  	v10 =	vld.idx.msk [tilespmem:v10+s2+$0x0], $0xffff  }
0x11f: {  	v0 =	vmin.f32 v0, v19;
	v9 =	vld.idx.msk [tilespmem:v9+s2+$0x0], $0xffff  }
0x120: {  	s20 =	sshra.s32 s19, $0x2;
	v0 =	vmin.f32 v0, v16;
	v19 =	vld.idx.msk [tilespmem:v1+s2+$0x0], $0xffff  }
0x121: {  	v0 =	vmin.f32 v0, v13;
	v20 =	vld [tilespmem:s20+$0x1C8C0]  }
0x122: {  	v0 =	vmin.f32 v0, v7;
	v13 =	vld [tilespmem:s20+$0x1C8D0]  }
0x123: {  	v2 =	vmin.f32 v2, v18;
	v4 =	vmin.f32 v4, v11;
	v6 =	vmin.f32 v6, v8;
	v21 =	vld [tilespmem:s20+$0x1C8E0]  }
0x124: {  	v2 =	vmin.f32 v2, v17;
	v4 =	vmin.f32 v4, v15;
	v6 =	vmin.f32 v6, v10;
	v1 =	vld [tilespmem:s20+$0x1C8F0]  }
0x125: {  	v2 =	vmin.f32 v2, v12;
	v4 =	vmin.f32 v4, v14;
	v6 =	vmin.f32 v6, v9;
	v22 =	vld [tilespmem:s20+$0x1C880]  }
0x126: {  	v2 =	vmin.f32 v2, v3;
	v4 =	vmin.f32 v4, v5;
	v6 =	vmin.f32 v6, v19;
	v12 =	vld [tilespmem:s20+$0x1C890]  }
0x127: {  	v14 =	vld [tilespmem:s20+$0x1C8A0]  }
0x128: {  	v9 =	vld [tilespmem:s20+$0x1C8B0]  }
0x129: {  	v16 =	vld [tilespmem:s20+$0x1C840]  }
0x12a: {  	v17 =	vld [tilespmem:s20+$0x1C850]  }
0x12b: {  	v15 =	vld [tilespmem:s20+$0x1C860]  }
0x12c: {  	v10 =	vld [tilespmem:s20+$0x1C870]  }
0x12d: {  	v19 =	vld [tilespmem:s20+$0x1C800]  }
0x12e: {  	v18 =	vld [tilespmem:s20+$0x1C810]  }
0x12f: {  	v11 =	vld [tilespmem:s20+$0x1C820]  }
.Ltmp6:
0x130: {  	v8 =	vld [tilespmem:s20+$0x1C830];
	(pc) =	sbr.rel @p1 .LBB2_9-.Ltmp6, $4  }
0x131: {  	v7 =	vld.idx.msk [tilespmem:v20+s2+$0x0], $0xffff  }
0x132: {  	v3 =	vld.idx.msk [tilespmem:v13+s2+$0x0], $0xffff  }
0x133: {  	v5 =	vld.idx.msk [tilespmem:v21+s2+$0x0], $0xffff  }
0x134: {  	s19 =	sadd.s32 $0x400, s19;
	v13 =	vld.idx.msk [tilespmem:v22+s2+$0x0], $0xffff  }
0x135: {  	_ =	sdelay $0x3  }
0x136: {  	v20 =	vld.idx.msk [tilespmem:v12+s2+$0x0], $0xffff  }
0x137: {  	v21 =	vld.idx.msk [tilespmem:v14+s2+$0x0], $0xffff  }
0x138: {  	v22 =	vld.idx.msk [tilespmem:v16+s2+$0x0], $0xffff  }
0x139: {  	v23 =	vld.idx.msk [tilespmem:v17+s2+$0x0], $0xffff  }
0x13a: {  	v17 =	vld.idx.msk [tilespmem:v19+s2+$0x0], $0xffff  }
0x13b: {  	v24 =	vld.idx.msk [tilespmem:v15+s2+$0x0], $0xffff  }
0x13c: {  	v25 =	vld.idx.msk [tilespmem:v18+s2+$0x0], $0xffff  }
0x13d: {  	v26 =	vld.idx.msk [tilespmem:v11+s2+$0x0], $0xffff  }
0x13e: {  	v27 =	vld.idx.msk [tilespmem:v8+s2+$0x0], $0xffff  }
0x13f: {  	v28 =	vld.idx.msk [tilespmem:v10+s2+$0x0], $0xffff  }
0x140: {  	v29 =	vld.idx.msk [tilespmem:v9+s2+$0x0], $0xffff  }
0x141: {  	v30 =	vld.idx.msk [tilespmem:v1+s2+$0x0], $0xffff;
	_ =	swait.ge [sflag:s14], $0x2800  }
0x142: {  	[sflag:s14] =	ssyncset.done $0x0  }
0x143: {  	s19 =	simm.s32 $0x0;
	[sflag:s14] =	ssyncadd.s32 $0xFFFFD800  }
0x144: {  	v10 =	vld [tilespmem:s19+$0x1A0C0]  }
0x145: {  	v31 =	vld [tilespmem:s19+$0x1A0D0]  }
0x146: {  	v32 =	vld [tilespmem:s19+$0x1A0E0]  }
0x147: {  	v1 =	vld [tilespmem:s19+$0x1A0F0]  }
0x148: {  	v33 =	vld [tilespmem:s19+$0x1A080]  }
0x149: {  	v11 =	vld [tilespmem:s19+$0x1A090]  }
0x14a: {  	v12 =	vld [tilespmem:s19+$0x1A0A0]  }
0x14b: {  	v8 =	vld [tilespmem:s19+$0x1A0B0]  }
0x14c: {  	v15 =	vld [tilespmem:s19+$0x1A040]  }
0x14d: {  	v16 =	vld [tilespmem:s19+$0x1A050]  }
0x14e: {  	v14 =	vld [tilespmem:s19+$0x1A060]  }
0x14f: {  	v9 =	vld [tilespmem:s19+$0x1A070]  }
0x150: {  	v18 =	vld [tilespmem:s19+$0x1A000]  }
0x151: {  	v19 =	vld [tilespmem:s19+$0x1A030];
	v0 =	vmin.f32 v0, v17  }
0x152: {  	v17 =	vld [tilespmem:s19+$0x1A010];
	v0 =	vmin.f32 v0, v22  }
0x153: {  	v4 =	vmin.f32 v4, v26;
	v0 =	vmin.f32 v0, v13;
	v13 =	vld [tilespmem:s19+$0x1A020]  }
0x154: {  	v2 =	vmin.f32 v2, v25;
	v6 =	vmin.f32 v6, v27;
	v4 =	vmin.f32 v4, v24;
	v10 =	vld.idx.msk [tilespmem:v10+s2+$0x0], $0xffff  }
0x155: {  	v6 =	vmin.f32 v6, v28;
	v0 =	vmin.f32 v0, v7;
	v7 =	vmin.f32 v2, v23;
	v2 =	vld.idx.msk [tilespmem:v31+s2+$0x0], $0xffff  }
0x156: {  	v4 =	vmin.f32 v4, v21;
	v63 =	vmin.f32 v6, v29;
	v20 =	vmin.f32 v7, v20;
	v7 =	vld.idx.msk [tilespmem:v32+s2+$0x0], $0xffff  }
0x157: {  	s19 =	simm.s32 $0x400;
	v4 =	vmin.f32 v4, v5;
	v6 =	vmin.f32 v20, v3;
	v3 =	vmin.f32 v63, v30;
	v5 =	vld.idx.msk [tilespmem:v33+s2+$0x0], $0xffff  }
.LBB2_11:
0x158: {  	p1 =	sne.s32 s19, $0x9C00;
	v11 =	vld.idx.msk [tilespmem:v11+s2+$0x0], $0xffff  }
0x159: {  	v12 =	vld.idx.msk [tilespmem:v12+s2+$0x0], $0xffff  }
0x15a: {  	v15 =	vld.idx.msk [tilespmem:v15+s2+$0x0], $0xffff  }
0x15b: {  	v16 =	vld.idx.msk [tilespmem:v16+s2+$0x0], $0xffff  }
0x15c: {  	v18 =	vld.idx.msk [tilespmem:v18+s2+$0x0], $0xffff  }
0x15d: {  	v14 =	vld.idx.msk [tilespmem:v14+s2+$0x0], $0xffff  }
0x15e: {  	v17 =	vld.idx.msk [tilespmem:v17+s2+$0x0], $0xffff  }
0x15f: {  	v13 =	vld.idx.msk [tilespmem:v13+s2+$0x0], $0xffff  }
0x160: {  	v19 =	vld.idx.msk [tilespmem:v19+s2+$0x0], $0xffff  }
0x161: {  	v9 =	vld.idx.msk [tilespmem:v9+s2+$0x0], $0xffff  }
0x162: {  	v0 =	vmin.f32 v0, v18;
	v8 =	vld.idx.msk [tilespmem:v8+s2+$0x0], $0xffff  }
0x163: {  	s20 =	sshra.s32 s19, $0x2;
	v0 =	vmin.f32 v0, v15;
	v18 =	vld.idx.msk [tilespmem:v1+s2+$0x0], $0xffff  }
0x164: {  	v0 =	vmin.f32 v0, v5;
	v20 =	vld [tilespmem:s20+$0x1A0C0]  }
0x165: {  	v0 =	vmin.f32 v0, v10;
	v5 =	vld [tilespmem:s20+$0x1A0D0]  }
0x166: {  	v6 =	vmin.f32 v6, v17;
	v4 =	vmin.f32 v4, v13;
	v3 =	vmin.f32 v3, v19;
	v21 =	vld [tilespmem:s20+$0x1A0E0]  }
0x167: {  	v6 =	vmin.f32 v6, v16;
	v4 =	vmin.f32 v4, v14;
	v3 =	vmin.f32 v3, v9;
	v1 =	vld [tilespmem:s20+$0x1A0F0]  }
0x168: {  	v6 =	vmin.f32 v6, v11;
	v4 =	vmin.f32 v4, v12;
	v3 =	vmin.f32 v3, v8;
	v22 =	vld [tilespmem:s20+$0x1A080]  }
0x169: {  	v6 =	vmin.f32 v6, v2;
	v4 =	vmin.f32 v4, v7;
	v3 =	vmin.f32 v3, v18;
	v11 =	vld [tilespmem:s20+$0x1A090]  }
0x16a: {  	v12 =	vld [tilespmem:s20+$0x1A0A0]  }
0x16b: {  	v8 =	vld [tilespmem:s20+$0x1A0B0]  }
0x16c: {  	v15 =	vld [tilespmem:s20+$0x1A040]  }
0x16d: {  	v16 =	vld [tilespmem:s20+$0x1A050]  }
0x16e: {  	v14 =	vld [tilespmem:s20+$0x1A060]  }
0x16f: {  	v9 =	vld [tilespmem:s20+$0x1A070]  }
0x170: {  	v18 =	vld [tilespmem:s20+$0x1A000]  }
0x171: {  	v17 =	vld [tilespmem:s20+$0x1A010]  }
0x172: {  	v13 =	vld [tilespmem:s20+$0x1A020]  }
.Ltmp7:
0x173: {  	v19 =	vld [tilespmem:s20+$0x1A030];
	(pc) =	sbr.rel @p1 .LBB2_11-.Ltmp7, $4  }
0x174: {  	v10 =	vld.idx.msk [tilespmem:v20+s2+$0x0], $0xffff  }
0x175: {  	v2 =	vld.idx.msk [tilespmem:v5+s2+$0x0], $0xffff  }
0x176: {  	v7 =	vld.idx.msk [tilespmem:v21+s2+$0x0], $0xffff  }
0x177: {  	s19 =	sadd.s32 $0x400, s19;
	v5 =	vld.idx.msk [tilespmem:v22+s2+$0x0], $0xffff  }
0x178: {  	_ =	sdelay $0x3  }
0x179: {  	v11 =	vld.idx.msk [tilespmem:v11+s2+$0x0], $0xffff  }
0x17a: {  	v15 =	vld.idx.msk [tilespmem:v15+s2+$0x0], $0xffff  }
0x17b: {  	v16 =	vld.idx.msk [tilespmem:v16+s2+$0x0], $0xffff  }
0x17c: {  	v18 =	vld.idx.msk [tilespmem:v18+s2+$0x0], $0xffff  }
0x17d: {  	v14 =	vld.idx.msk [tilespmem:v14+s2+$0x0], $0xffff  }
0x17e: {  	v17 =	vld.idx.msk [tilespmem:v17+s2+$0x0], $0xffff  }
0x17f: {  	v13 =	vld.idx.msk [tilespmem:v13+s2+$0x0], $0xffff  }
0x180: {  	v19 =	vld.idx.msk [tilespmem:v19+s2+$0x0], $0xffff  }
0x181: {  	v9 =	vld.idx.msk [tilespmem:v9+s2+$0x0], $0xffff  }
0x182: {  	v12 =	vld.idx.msk [tilespmem:v12+s2+$0x0], $0xffff  }
0x183: {  	v8 =	vld.idx.msk [tilespmem:v8+s2+$0x0], $0xffff;
	v0 =	vmin.f32 v0, v18  }
0x184: {  	v1 =	vld.idx.msk [tilespmem:v1+s2+$0x0], $0xffff;
	v63 =	vmin.f32 v6, v17;
	v4 =	vmin.f32 v4, v13;
	v0 =	vmin.f32 v0, v15  }
0x185: {  	v3 =	vmin.f32 v3, v19;
	v0 =	vmin.f32 v0, v5;
	v5 =	vmin.f32 v63, v16  }
.Ltmp8:
0x186: {  	v4 =	vmin.f32 v4, v14;
	v3 =	vmin.f32 v3, v9;
	v5 =	vmin.f32 v5, v11;
	(pc) =	sbr.rel .LBB2_24-.Ltmp8, $4  }
0x187: {  	v4 =	vmin.f32 v4, v12;
	v0 =	vmin.f32 v0, v10;
	v2 =	vmin.f32 v5, v2  }
0x188: {  	v3 =	vmin.f32 v3, v8;
	v4 =	vmin.f32 v4, v7;
	v0 =	vmin.f32 v0, v2  }
0x189: {  	v1 =	vmin.f32 v3, v1;
	v0 =	vmin.f32 v0, v4  }
0x18a: {  	v0 =	vmin.f32 v0, v1  }
.LBB2_13:
0x18b: {  	[tilespmem:s19], [sflag:$0x3] =	stream.linear.gather [hbm4b:s4+s19], $0x1A000, $0x38;
	[tilespmem:$0x1F080] =	vst v63  }
0x18c: {  	_ =	swait.ge [sflag:s13], $0x1A000  }
0x18d: {  	[sflag:s13] =	ssyncset.done $0x0  }
0x18e: {  	[sflag:s13] =	ssyncadd.s32 $0xFFFE6000  }
0x18f: {  	_ =	swait.ge [sflag:s14], $0x2800  }
0x190: {  	[sflag:s14] =	ssyncset.done $0x0  }
0x191: {  	s31 =	simm.s32 $0x0;
	[sflag:s14] =	ssyncadd.s32 $0xFFFFD800  }
0x192: {  	[tilespmem:s15], [sflag:$0x2] =	stream.linear.gather [hbm4b:s6+s19], $0x2800, $0x38;
	[tilespmem:$0x1F080] =	vst v63  }
0x193: {  	v0 =	vld [tilespmem:s31+$0x1A0C0]  }
0x194: {  	v1 =	vld [tilespmem:s31+$0x1A0D0]  }
0x195: {  	v4 =	vld [tilespmem:s31+$0x1A0E0]  }
0x196: {  	v3 =	vld [tilespmem:s31+$0x1A0F0]  }
0x197: {  	v5 =	vld [tilespmem:s31+$0x1A080]  }
0x198: {  	v11 =	vld [tilespmem:s31+$0x1A090]  }
0x199: {  	v12 =	vld [tilespmem:s31+$0x1A0A0]  }
0x19a: {  	v8 =	vld [tilespmem:s31+$0x1A0B0]  }
0x19b: {  	v14 =	vld [tilespmem:s31+$0x1A040]  }
0x19c: {  	v15 =	vld [tilespmem:s31+$0x1A050]  }
0x19d: {  	v13 =	vld [tilespmem:s31+$0x1A060]  }
0x19e: {  	v9 =	vld [tilespmem:s31+$0x1A070]  }
0x19f: {  	v19 =	vld [tilespmem:s31+$0x1A000]  }
0x1a0: {  	v16 =	vld [tilespmem:s31+$0x1A010]  }
0x1a1: {  	v17 =	vld [tilespmem:s31+$0x1A020]  }
0x1a2: {  	v18 =	vld [tilespmem:s31+$0x1A030]  }
0x1a3: {  	v7 =	vld.idx.msk [tilespmem:v0+s2+$0x0], $0xffff  }
0x1a4: {  	v2 =	vld.idx.msk [tilespmem:v1+s2+$0x0], $0xffff  }
0x1a5: {  	v6 =	vimm.f32 $-Inf;
	v4 =	vld.idx.msk [tilespmem:v4+s2+$0x0], $0xffff  }
0x1a6: {  	s19 =	simm.s32 $0x400;
	v0 =	vimm.f32 $-Inf;
	v10 =	vld.idx.msk [tilespmem:v5+s2+$0x0], $0xffff;
	v1 =	vimm.f32 $-Inf;
	v5 =	vimm.f32 $-Inf  }
.LBB2_14:
0x1a7: {  	p1 =	sne.s32 s19, $0x9C00;
	v11 =	vld.idx.msk [tilespmem:v11+s2+$0x0], $0xffff  }
0x1a8: {  	v12 =	vld.idx.msk [tilespmem:v12+s2+$0x0], $0xffff  }
0x1a9: {  	v14 =	vld.idx.msk [tilespmem:v14+s2+$0x0], $0xffff  }
0x1aa: {  	v15 =	vld.idx.msk [tilespmem:v15+s2+$0x0], $0xffff  }
0x1ab: {  	v19 =	vld.idx.msk [tilespmem:v19+s2+$0x0], $0xffff  }
0x1ac: {  	v13 =	vld.idx.msk [tilespmem:v13+s2+$0x0], $0xffff  }
0x1ad: {  	v16 =	vld.idx.msk [tilespmem:v16+s2+$0x0], $0xffff  }
0x1ae: {  	v17 =	vld.idx.msk [tilespmem:v17+s2+$0x0], $0xffff  }
0x1af: {  	v18 =	vld.idx.msk [tilespmem:v18+s2+$0x0], $0xffff  }
0x1b0: {  	v9 =	vld.idx.msk [tilespmem:v9+s2+$0x0], $0xffff  }
0x1b1: {  	v0 =	vmax.f32 v0, v19;
	v8 =	vld.idx.msk [tilespmem:v8+s2+$0x0], $0xffff  }
0x1b2: {  	s20 =	sshra.s32 s19, $0x2;
	v0 =	vmax.f32 v0, v14;
	v19 =	vld.idx.msk [tilespmem:v3+s2+$0x0], $0xffff  }
0x1b3: {  	v0 =	vmax.f32 v0, v10;
	v20 =	vld [tilespmem:s20+$0x1A0C0]  }
0x1b4: {  	v0 =	vmax.f32 v0, v7;
	v10 =	vld [tilespmem:s20+$0x1A0D0]  }
0x1b5: {  	v1 =	vmax.f32 v1, v16;
	v5 =	vmax.f32 v5, v17;
	v6 =	vmax.f32 v6, v18;
	v21 =	vld [tilespmem:s20+$0x1A0E0]  }
0x1b6: {  	v1 =	vmax.f32 v1, v15;
	v5 =	vmax.f32 v5, v13;
	v6 =	vmax.f32 v6, v9;
	v3 =	vld [tilespmem:s20+$0x1A0F0]  }
0x1b7: {  	v1 =	vmax.f32 v1, v11;
	v5 =	vmax.f32 v5, v12;
	v6 =	vmax.f32 v6, v8;
	v22 =	vld [tilespmem:s20+$0x1A080]  }
0x1b8: {  	v1 =	vmax.f32 v1, v2;
	v5 =	vmax.f32 v5, v4;
	v6 =	vmax.f32 v6, v19;
	v11 =	vld [tilespmem:s20+$0x1A090]  }
0x1b9: {  	v12 =	vld [tilespmem:s20+$0x1A0A0]  }
0x1ba: {  	v8 =	vld [tilespmem:s20+$0x1A0B0]  }
0x1bb: {  	v14 =	vld [tilespmem:s20+$0x1A040]  }
0x1bc: {  	v15 =	vld [tilespmem:s20+$0x1A050]  }
0x1bd: {  	v13 =	vld [tilespmem:s20+$0x1A060]  }
0x1be: {  	v9 =	vld [tilespmem:s20+$0x1A070]  }
0x1bf: {  	v19 =	vld [tilespmem:s20+$0x1A000]  }
0x1c0: {  	v16 =	vld [tilespmem:s20+$0x1A010]  }
0x1c1: {  	v17 =	vld [tilespmem:s20+$0x1A020]  }
.Ltmp9:
0x1c2: {  	v18 =	vld [tilespmem:s20+$0x1A030];
	(pc) =	sbr.rel @p1 .LBB2_14-.Ltmp9, $4  }
0x1c3: {  	v7 =	vld.idx.msk [tilespmem:v20+s2+$0x0], $0xffff  }
0x1c4: {  	v2 =	vld.idx.msk [tilespmem:v10+s2+$0x0], $0xffff  }
0x1c5: {  	v4 =	vld.idx.msk [tilespmem:v21+s2+$0x0], $0xffff  }
0x1c6: {  	s19 =	sadd.s32 $0x400, s19;
	v10 =	vld.idx.msk [tilespmem:v22+s2+$0x0], $0xffff  }
0x1c7: {  	_ =	sdelay $0x3  }
0x1c8: {  	v11 =	vld.idx.msk [tilespmem:v11+s2+$0x0], $0xffff  }
0x1c9: {  	v20 =	vld.idx.msk [tilespmem:v12+s2+$0x0], $0xffff  }
0x1ca: {  	v21 =	vld.idx.msk [tilespmem:v14+s2+$0x0], $0xffff  }
0x1cb: {  	v22 =	vld.idx.msk [tilespmem:v15+s2+$0x0], $0xffff  }
0x1cc: {  	v19 =	vld.idx.msk [tilespmem:v19+s2+$0x0], $0xffff  }
0x1cd: {  	v23 =	vld.idx.msk [tilespmem:v13+s2+$0x0], $0xffff  }
0x1ce: {  	v24 =	vld.idx.msk [tilespmem:v16+s2+$0x0], $0xffff  }
0x1cf: {  	v25 =	vld.idx.msk [tilespmem:v17+s2+$0x0], $0xffff  }
0x1d0: {  	v26 =	vld.idx.msk [tilespmem:v18+s2+$0x0], $0xffff  }
0x1d1: {  	v27 =	vld.idx.msk [tilespmem:v9+s2+$0x0], $0xffff  }
0x1d2: {  	v28 =	vld.idx.msk [tilespmem:v8+s2+$0x0], $0xffff  }
0x1d3: {  	v29 =	vld.idx.msk [tilespmem:v3+s2+$0x0], $0xffff;
	_ =	swait.ge [sflag:s16], $0x2800  }
0x1d4: {  	[sflag:s16] =	ssyncset.done $0x0  }
0x1d5: {  	s19 =	simm.s32 $0x0;
	s31 =	simm.s32 $0x0;
	[sflag:s16] =	ssyncadd.s32 $0xFFFFD800  }
0x1d6: {  	[tilespmem:s12], [sflag:$0x1] =	stream.linear.gather [hbm4b:s7+s19], $0x2800, $0x38;
	[tilespmem:$0x1F080] =	vst v63  }
0x1d7: {  	v30 =	vld [tilespmem:s31+$0x1C8C0]  }
0x1d8: {  	v31 =	vld [tilespmem:s31+$0x1C8D0]  }
0x1d9: {  	v32 =	vld [tilespmem:s31+$0x1C8E0]  }
0x1da: {  	v3 =	vld [tilespmem:s31+$0x1C8F0]  }
0x1db: {  	v33 =	vld [tilespmem:s31+$0x1C880]  }
0x1dc: {  	v12 =	vld [tilespmem:s31+$0x1C890]  }
0x1dd: {  	v13 =	vld [tilespmem:s31+$0x1C8A0]  }
0x1de: {  	v8 =	vld [tilespmem:s31+$0x1C8B0]  }
0x1df: {  	v15 =	vld [tilespmem:s31+$0x1C840]  }
0x1e0: {  	v16 =	vld [tilespmem:s31+$0x1C850]  }
0x1e1: {  	v14 =	vld [tilespmem:s31+$0x1C860]  }
0x1e2: {  	v9 =	vld [tilespmem:s31+$0x1C870]  }
0x1e3: {  	v18 =	vld [tilespmem:s31+$0x1C800]  }
0x1e4: {  	v17 =	vld [tilespmem:s31+$0x1C810];
	v0 =	vmax.f32 v0, v19  }
0x1e5: {  	v19 =	vld [tilespmem:s31+$0x1C830];
	v0 =	vmax.f32 v0, v21  }
0x1e6: {  	v1 =	vmax.f32 v1, v24;
	v0 =	vmax.f32 v0, v10;
	v10 =	vld [tilespmem:s31+$0x1C820]  }
0x1e7: {  	v5 =	vmax.f32 v5, v25;
	v6 =	vmax.f32 v6, v26;
	v0 =	vmax.f32 v0, v7;
	v7 =	vld.idx.msk [tilespmem:v30+s2+$0x0], $0xffff  }
0x1e8: {  	v63 =	vmax.f32 v1, v22;
	v5 =	vmax.f32 v5, v23;
	v6 =	vmax.f32 v6, v27;
	v1 =	vld.idx.msk [tilespmem:v31+s2+$0x0], $0xffff  }
0x1e9: {  	v11 =	vmax.f32 v63, v11;
	v20 =	vmax.f32 v5, v20;
	v6 =	vmax.f32 v6, v28;
	v5 =	vld.idx.msk [tilespmem:v32+s2+$0x0], $0xffff  }
0x1ea: {  	s19 =	simm.s32 $0x400;
	v2 =	vmax.f32 v11, v2;
	v4 =	vmax.f32 v20, v4;
	v6 =	vmax.f32 v6, v29;
	v11 =	vld.idx.msk [tilespmem:v33+s2+$0x0], $0xffff  }
.LBB2_16:
0x1eb: {  	p1 =	sne.s32 s19, $0x9C00;
	v12 =	vld.idx.msk [tilespmem:v12+s2+$0x0], $0xffff  }
0x1ec: {  	v13 =	vld.idx.msk [tilespmem:v13+s2+$0x0], $0xffff  }
0x1ed: {  	v15 =	vld.idx.msk [tilespmem:v15+s2+$0x0], $0xffff  }
0x1ee: {  	v16 =	vld.idx.msk [tilespmem:v16+s2+$0x0], $0xffff  }
0x1ef: {  	v18 =	vld.idx.msk [tilespmem:v18+s2+$0x0], $0xffff  }
0x1f0: {  	v14 =	vld.idx.msk [tilespmem:v14+s2+$0x0], $0xffff  }
0x1f1: {  	v17 =	vld.idx.msk [tilespmem:v17+s2+$0x0], $0xffff  }
0x1f2: {  	v10 =	vld.idx.msk [tilespmem:v10+s2+$0x0], $0xffff  }
0x1f3: {  	v19 =	vld.idx.msk [tilespmem:v19+s2+$0x0], $0xffff  }
0x1f4: {  	v9 =	vld.idx.msk [tilespmem:v9+s2+$0x0], $0xffff  }
0x1f5: {  	v0 =	vmax.f32 v0, v18;
	v8 =	vld.idx.msk [tilespmem:v8+s2+$0x0], $0xffff  }
0x1f6: {  	s20 =	sshra.s32 s19, $0x2;
	v0 =	vmax.f32 v0, v15;
	v18 =	vld.idx.msk [tilespmem:v3+s2+$0x0], $0xffff  }
0x1f7: {  	v0 =	vmax.f32 v0, v11;
	v20 =	vld [tilespmem:s20+$0x1C8C0]  }
0x1f8: {  	v0 =	vmax.f32 v0, v7;
	v11 =	vld [tilespmem:s20+$0x1C8D0]  }
0x1f9: {  	v2 =	vmax.f32 v2, v17;
	v4 =	vmax.f32 v4, v10;
	v6 =	vmax.f32 v6, v19;
	v21 =	vld [tilespmem:s20+$0x1C8E0]  }
0x1fa: {  	v2 =	vmax.f32 v2, v16;
	v4 =	vmax.f32 v4, v14;
	v6 =	vmax.f32 v6, v9;
	v3 =	vld [tilespmem:s20+$0x1C8F0]  }
0x1fb: {  	v2 =	vmax.f32 v2, v12;
	v4 =	vmax.f32 v4, v13;
	v6 =	vmax.f32 v6, v8;
	v22 =	vld [tilespmem:s20+$0x1C880]  }
0x1fc: {  	v2 =	vmax.f32 v2, v1;
	v4 =	vmax.f32 v4, v5;
	v6 =	vmax.f32 v6, v18;
	v12 =	vld [tilespmem:s20+$0x1C890]  }
0x1fd: {  	v13 =	vld [tilespmem:s20+$0x1C8A0]  }
0x1fe: {  	v8 =	vld [tilespmem:s20+$0x1C8B0]  }
0x1ff: {  	v15 =	vld [tilespmem:s20+$0x1C840]  }
0x200: {  	v16 =	vld [tilespmem:s20+$0x1C850]  }
0x201: {  	v14 =	vld [tilespmem:s20+$0x1C860]  }
0x202: {  	v9 =	vld [tilespmem:s20+$0x1C870]  }
0x203: {  	v18 =	vld [tilespmem:s20+$0x1C800]  }
0x204: {  	v17 =	vld [tilespmem:s20+$0x1C810]  }
0x205: {  	v10 =	vld [tilespmem:s20+$0x1C820]  }
.Ltmp10:
0x206: {  	v19 =	vld [tilespmem:s20+$0x1C830];
	(pc) =	sbr.rel @p1 .LBB2_16-.Ltmp10, $4  }
0x207: {  	v7 =	vld.idx.msk [tilespmem:v20+s2+$0x0], $0xffff  }
0x208: {  	v1 =	vld.idx.msk [tilespmem:v11+s2+$0x0], $0xffff  }
0x209: {  	v5 =	vld.idx.msk [tilespmem:v21+s2+$0x0], $0xffff  }
0x20a: {  	s19 =	sadd.s32 $0x400, s19;
	v11 =	vld.idx.msk [tilespmem:v22+s2+$0x0], $0xffff  }
0x20b: {  	_ =	sdelay $0x3  }
0x20c: {  	v21 =	vld.idx.msk [tilespmem:v12+s2+$0x0], $0xffff  }
0x20d: {  	v22 =	vld.idx.msk [tilespmem:v13+s2+$0x0], $0xffff  }
0x20e: {  	v20 =	vld.idx.msk [tilespmem:v15+s2+$0x0], $0xffff  }
0x20f: {  	v23 =	vld.idx.msk [tilespmem:v16+s2+$0x0], $0xffff  }
0x210: {  	v18 =	vld.idx.msk [tilespmem:v18+s2+$0x0], $0xffff  }
0x211: {  	v24 =	vld.idx.msk [tilespmem:v14+s2+$0x0], $0xffff  }
0x212: {  	v25 =	vld.idx.msk [tilespmem:v17+s2+$0x0], $0xffff  }
0x213: {  	v26 =	vld.idx.msk [tilespmem:v10+s2+$0x0], $0xffff  }
0x214: {  	v27 =	vld.idx.msk [tilespmem:v19+s2+$0x0], $0xffff  }
0x215: {  	v28 =	vld.idx.msk [tilespmem:v9+s2+$0x0], $0xffff  }
0x216: {  	v29 =	vld.idx.msk [tilespmem:v8+s2+$0x0], $0xffff  }
0x217: {  	v30 =	vld.idx.msk [tilespmem:v3+s2+$0x0], $0xffff;
	_ =	swait.ge [sflag:s14], $0x2800  }
0x218: {  	[sflag:s14] =	ssyncset.done $0x0  }
0x219: {  	s19 =	simm.s32 $0x0;
	s31 =	simm.s32 $0x0;
	[sflag:s14] =	ssyncadd.s32 $0xFFFFD800  }
0x21a: {  	[tilespmem:s15], [sflag:$0x2] =	stream.linear.gather [hbm4b:s8+s19], $0x2800, $0x38;
	[tilespmem:$0x1F080] =	vst v63  }
0x21b: {  	v8 =	vld [tilespmem:s31+$0x1A0C0]  }
0x21c: {  	v31 =	vld [tilespmem:s31+$0x1A0D0]  }
0x21d: {  	v32 =	vld [tilespmem:s31+$0x1A0E0]  }
0x21e: {  	v3 =	vld [tilespmem:s31+$0x1A0F0]  }
0x21f: {  	v33 =	vld [tilespmem:s31+$0x1A080]  }
0x220: {  	v12 =	vld [tilespmem:s31+$0x1A090]  }
0x221: {  	v13 =	vld [tilespmem:s31+$0x1A0A0]  }
0x222: {  	v9 =	vld [tilespmem:s31+$0x1A0B0]  }
0x223: {  	v15 =	vld [tilespmem:s31+$0x1A040]  }
0x224: {  	v16 =	vld [tilespmem:s31+$0x1A050]  }
0x225: {  	v14 =	vld [tilespmem:s31+$0x1A060]  }
0x226: {  	v10 =	vld [tilespmem:s31+$0x1A070]  }
0x227: {  	v19 =	vld [tilespmem:s31+$0x1A000]  }
0x228: {  	v17 =	vld [tilespmem:s31+$0x1A010]  }
0x229: {  	v0 =	vmax.f32 v0, v18;
	v18 =	vld [tilespmem:s31+$0x1A020]  }
0x22a: {  	v2 =	vmax.f32 v2, v25;
	v4 =	vmax.f32 v4, v26;
	v0 =	vmax.f32 v0, v20;
	v20 =	vld [tilespmem:s31+$0x1A030]  }
0x22b: {  	v6 =	vmax.f32 v6, v27;
	v4 =	vmax.f32 v4, v24;
	v0 =	vmax.f32 v0, v11;
	v8 =	vld.idx.msk [tilespmem:v8+s2+$0x0], $0xffff  }
0x22c: {  	v6 =	vmax.f32 v6, v28;
	v0 =	vmax.f32 v0, v7;
	v7 =	vmax.f32 v2, v23;
	v2 =	vld.idx.msk [tilespmem:v31+s2+$0x0], $0xffff  }
0x22d: {  	v11 =	vmax.f32 v4, v22;
	v7 =	vmax.f32 v7, v21;
	v21 =	vmax.f32 v6, v29;
	v4 =	vld.idx.msk [tilespmem:v32+s2+$0x0], $0xffff  }
0x22e: {  	s19 =	simm.s32 $0x400;
	v5 =	vmax.f32 v11, v5;
	v6 =	vmax.f32 v7, v1;
	v7 =	vmax.f32 v21, v30;
	v11 =	vld.idx.msk [tilespmem:v33+s2+$0x0], $0xffff  }
.LBB2_18:
0x22f: {  	p1 =	sne.s32 s19, $0x9C00;
	v1 =	vld.idx.msk [tilespmem:v12+s2+$0x0], $0xffff  }
0x230: {  	v12 =	vld.idx.msk [tilespmem:v13+s2+$0x0], $0xffff  }
0x231: {  	v13 =	vld.idx.msk [tilespmem:v15+s2+$0x0], $0xffff  }
0x232: {  	v15 =	vld.idx.msk [tilespmem:v16+s2+$0x0], $0xffff  }
0x233: {  	v16 =	vld.idx.msk [tilespmem:v19+s2+$0x0], $0xffff  }
0x234: {  	v14 =	vld.idx.msk [tilespmem:v14+s2+$0x0], $0xffff  }
0x235: {  	v17 =	vld.idx.msk [tilespmem:v17+s2+$0x0], $0xffff  }
0x236: {  	v18 =	vld.idx.msk [tilespmem:v18+s2+$0x0], $0xffff  }
0x237: {  	v19 =	vld.idx.msk [tilespmem:v20+s2+$0x0], $0xffff  }
0x238: {  	v10 =	vld.idx.msk [tilespmem:v10+s2+$0x0], $0xffff  }
0x239: {  	v0 =	vmax.f32 v0, v16;
	v9 =	vld.idx.msk [tilespmem:v9+s2+$0x0], $0xffff  }
0x23a: {  	s20 =	sshra.s32 s19, $0x2;
	v0 =	vmax.f32 v0, v13;
	v16 =	vld.idx.msk [tilespmem:v3+s2+$0x0], $0xffff  }
0x23b: {  	v0 =	vmax.f32 v0, v11;
	v21 =	vld [tilespmem:s20+$0x1A0C0]  }
0x23c: {  	v0 =	vmax.f32 v0, v8;
	v11 =	vld [tilespmem:s20+$0x1A0D0]  }
0x23d: {  	v6 =	vmax.f32 v6, v17;
	v5 =	vmax.f32 v5, v18;
	v7 =	vmax.f32 v7, v19;
	v22 =	vld [tilespmem:s20+$0x1A0E0]  }
0x23e: {  	v6 =	vmax.f32 v6, v15;
	v5 =	vmax.f32 v5, v14;
	v7 =	vmax.f32 v7, v10;
	v3 =	vld [tilespmem:s20+$0x1A0F0]  }
0x23f: {  	v1 =	vmax.f32 v6, v1;
	v5 =	vmax.f32 v5, v12;
	v7 =	vmax.f32 v7, v9;
	v23 =	vld [tilespmem:s20+$0x1A080]  }
0x240: {  	v6 =	vmax.f32 v1, v2;
	v5 =	vmax.f32 v5, v4;
	v7 =	vmax.f32 v7, v16;
	v12 =	vld [tilespmem:s20+$0x1A090]  }
0x241: {  	v13 =	vld [tilespmem:s20+$0x1A0A0]  }
0x242: {  	v9 =	vld [tilespmem:s20+$0x1A0B0]  }
0x243: {  	v15 =	vld [tilespmem:s20+$0x1A040]  }
0x244: {  	v16 =	vld [tilespmem:s20+$0x1A050]  }
0x245: {  	v14 =	vld [tilespmem:s20+$0x1A060]  }
0x246: {  	v10 =	vld [tilespmem:s20+$0x1A070]  }
0x247: {  	v19 =	vld [tilespmem:s20+$0x1A000]  }
0x248: {  	v17 =	vld [tilespmem:s20+$0x1A010]  }
0x249: {  	v18 =	vld [tilespmem:s20+$0x1A020]  }
.Ltmp11:
0x24a: {  	v20 =	vld [tilespmem:s20+$0x1A030];
	(pc) =	sbr.rel @p1 .LBB2_18-.Ltmp11, $4  }
0x24b: {  	v8 =	vld.idx.msk [tilespmem:v21+s2+$0x0], $0xffff  }
0x24c: {  	v2 =	vld.idx.msk [tilespmem:v11+s2+$0x0], $0xffff  }
0x24d: {  	v4 =	vld.idx.msk [tilespmem:v22+s2+$0x0], $0xffff  }
0x24e: {  	s19 =	sadd.s32 $0x400, s19;
	v11 =	vld.idx.msk [tilespmem:v23+s2+$0x0], $0xffff  }
0x24f: {  	_ =	sdelay $0x3  }
0x250: {  	v21 =	vld.idx.msk [tilespmem:v12+s2+$0x0], $0xffff  }
0x251: {  	v13 =	vld.idx.msk [tilespmem:v13+s2+$0x0], $0xffff  }
0x252: {  	v22 =	vld.idx.msk [tilespmem:v15+s2+$0x0], $0xffff  }
0x253: {  	v23 =	vld.idx.msk [tilespmem:v16+s2+$0x0], $0xffff  }
0x254: {  	v19 =	vld.idx.msk [tilespmem:v19+s2+$0x0], $0xffff  }
0x255: {  	v24 =	vld.idx.msk [tilespmem:v14+s2+$0x0], $0xffff  }
0x256: {  	v25 =	vld.idx.msk [tilespmem:v17+s2+$0x0], $0xffff  }
0x257: {  	v26 =	vld.idx.msk [tilespmem:v18+s2+$0x0], $0xffff  }
0x258: {  	v20 =	vld.idx.msk [tilespmem:v20+s2+$0x0], $0xffff  }
0x259: {  	v27 =	vld.idx.msk [tilespmem:v10+s2+$0x0], $0xffff  }
0x25a: {  	v28 =	vld.idx.msk [tilespmem:v9+s2+$0x0], $0xffff  }
0x25b: {  	v29 =	vld.idx.msk [tilespmem:v3+s2+$0x0], $0xffff;
	_ =	swait.ge [sflag:s16], $0x2800  }
0x25c: {  	[sflag:s16] =	ssyncset.done $0x0  }
0x25d: {  	s19 =	simm.s32 $0x0;
	s31 =	simm.s32 $0x0;
	[sflag:s16] =	ssyncadd.s32 $0xFFFFD800  }
0x25e: {  	[tilespmem:s12], [sflag:$0x1] =	stream.linear.gather [hbm4b:s9+s19], $0x2800, $0x38;
	[tilespmem:$0x1F080] =	vst v63  }
0x25f: {  	v3 =	vld [tilespmem:s31+$0x1C8C0]  }
0x260: {  	v30 =	vld [tilespmem:s31+$0x1C8D0]  }
0x261: {  	v31 =	vld [tilespmem:s31+$0x1C8E0]  }
0x262: {  	v1 =	vld [tilespmem:s31+$0x1C8F0]  }
0x263: {  	v32 =	vld [tilespmem:s31+$0x1C880]  }
0x264: {  	v12 =	vld [tilespmem:s31+$0x1C890]  }
0x265: {  	v14 =	vld [tilespmem:s31+$0x1C8A0]  }
0x266: {  	v9 =	vld [tilespmem:s31+$0x1C8B0]  }
0x267: {  	v16 =	vld [tilespmem:s31+$0x1C840]  }
0x268: {  	v17 =	vld [tilespmem:s31+$0x1C850]  }
0x269: {  	v15 =	vld [tilespmem:s31+$0x1C860]  }
0x26a: {  	v10 =	vld [tilespmem:s31+$0x1C870]  }
0x26b: {  	v18 =	vld [tilespmem:s31+$0x1C810];
	v0 =	vmax.f32 v0, v19  }
0x26c: {  	v19 =	vld [tilespmem:s31+$0x1C800];
	v0 =	vmax.f32 v0, v22  }
0x26d: {  	v0 =	vmax.f32 v0, v11;
	v11 =	vld [tilespmem:s31+$0x1C820]  }
0x26e: {  	v0 =	vmax.f32 v0, v8;
	v8 =	vld [tilespmem:s31+$0x1C830]  }
0x26f: {  	v6 =	vmax.f32 v6, v25;
	v5 =	vmax.f32 v5, v26;
	v20 =	vmax.f32 v7, v20;
	v7 =	vld.idx.msk [tilespmem:v3+s2+$0x0], $0xffff  }
0x270: {  	v6 =	vmax.f32 v6, v23;
	v5 =	vmax.f32 v5, v24;
	v20 =	vmax.f32 v20, v27;
	v3 =	vld.idx.msk [tilespmem:v30+s2+$0x0], $0xffff  }
0x271: {  	v6 =	vmax.f32 v6, v21;
	v13 =	vmax.f32 v5, v13;
	v20 =	vmax.f32 v20, v28;
	v5 =	vld.idx.msk [tilespmem:v31+s2+$0x0], $0xffff  }
0x272: {  	s19 =	simm.s32 $0x400;
	v2 =	vmax.f32 v6, v2;
	v4 =	vmax.f32 v13, v4;
	v6 =	vmax.f32 v20, v29;
	v13 =	vld.idx.msk [tilespmem:v32+s2+$0x0], $0xffff  }
.LBB2_20:
0x273: {  	p1 =	sne.s32 s19, $0x9C00;
	v12 =	vld.idx.msk [tilespmem:v12+s2+$0x0], $0xffff  }
0x274: {  	v14 =	vld.idx.msk [tilespmem:v14+s2+$0x0], $0xffff  }
0x275: {  	v16 =	vld.idx.msk [tilespmem:v16+s2+$0x0], $0xffff  }
0x276: {  	v17 =	vld.idx.msk [tilespmem:v17+s2+$0x0], $0xffff  }
0x277: {  	v19 =	vld.idx.msk [tilespmem:v19+s2+$0x0], $0xffff  }
0x278: {  	v15 =	vld.idx.msk [tilespmem:v15+s2+$0x0], $0xffff  }
0x279: {  	v18 =	vld.idx.msk [tilespmem:v18+s2+$0x0], $0xffff  }
0x27a: {  	v11 =	vld.idx.msk [tilespmem:v11+s2+$0x0], $0xffff  }
0x27b: {  	v8 =	vld.idx.msk [tilespmem:v8+s2+$0x0], $0xffff  }
0x27c: {  	v10 =	vld.idx.msk [tilespmem:v10+s2+$0x0], $0xffff  }
0x27d: {  	v0 =	vmax.f32 v0, v19;
	v9 =	vld.idx.msk [tilespmem:v9+s2+$0x0], $0xffff  }
0x27e: {  	s20 =	sshra.s32 s19, $0x2;
	v0 =	vmax.f32 v0, v16;
	v19 =	vld.idx.msk [tilespmem:v1+s2+$0x0], $0xffff  }
0x27f: {  	v0 =	vmax.f32 v0, v13;
	v20 =	vld [tilespmem:s20+$0x1C8C0]  }
0x280: {  	v0 =	vmax.f32 v0, v7;
	v13 =	vld [tilespmem:s20+$0x1C8D0]  }
0x281: {  	v2 =	vmax.f32 v2, v18;
	v4 =	vmax.f32 v4, v11;
	v6 =	vmax.f32 v6, v8;
	v21 =	vld [tilespmem:s20+$0x1C8E0]  }
0x282: {  	v2 =	vmax.f32 v2, v17;
	v4 =	vmax.f32 v4, v15;
	v6 =	vmax.f32 v6, v10;
	v1 =	vld [tilespmem:s20+$0x1C8F0]  }
0x283: {  	v2 =	vmax.f32 v2, v12;
	v4 =	vmax.f32 v4, v14;
	v6 =	vmax.f32 v6, v9;
	v22 =	vld [tilespmem:s20+$0x1C880]  }
0x284: {  	v2 =	vmax.f32 v2, v3;
	v4 =	vmax.f32 v4, v5;
	v6 =	vmax.f32 v6, v19;
	v12 =	vld [tilespmem:s20+$0x1C890]  }
0x285: {  	v14 =	vld [tilespmem:s20+$0x1C8A0]  }
0x286: {  	v9 =	vld [tilespmem:s20+$0x1C8B0]  }
0x287: {  	v16 =	vld [tilespmem:s20+$0x1C840]  }
0x288: {  	v17 =	vld [tilespmem:s20+$0x1C850]  }
0x289: {  	v15 =	vld [tilespmem:s20+$0x1C860]  }
0x28a: {  	v10 =	vld [tilespmem:s20+$0x1C870]  }
0x28b: {  	v19 =	vld [tilespmem:s20+$0x1C800]  }
0x28c: {  	v18 =	vld [tilespmem:s20+$0x1C810]  }
0x28d: {  	v11 =	vld [tilespmem:s20+$0x1C820]  }
.Ltmp12:
0x28e: {  	v8 =	vld [tilespmem:s20+$0x1C830];
	(pc) =	sbr.rel @p1 .LBB2_20-.Ltmp12, $4  }
0x28f: {  	v7 =	vld.idx.msk [tilespmem:v20+s2+$0x0], $0xffff  }
0x290: {  	v3 =	vld.idx.msk [tilespmem:v13+s2+$0x0], $0xffff  }
0x291: {  	v5 =	vld.idx.msk [tilespmem:v21+s2+$0x0], $0xffff  }
0x292: {  	s19 =	sadd.s32 $0x400, s19;
	v13 =	vld.idx.msk [tilespmem:v22+s2+$0x0], $0xffff  }
0x293: {  	_ =	sdelay $0x3  }
0x294: {  	v20 =	vld.idx.msk [tilespmem:v12+s2+$0x0], $0xffff  }
0x295: {  	v21 =	vld.idx.msk [tilespmem:v14+s2+$0x0], $0xffff  }
0x296: {  	v22 =	vld.idx.msk [tilespmem:v16+s2+$0x0], $0xffff  }
0x297: {  	v23 =	vld.idx.msk [tilespmem:v17+s2+$0x0], $0xffff  }
0x298: {  	v17 =	vld.idx.msk [tilespmem:v19+s2+$0x0], $0xffff  }
0x299: {  	v24 =	vld.idx.msk [tilespmem:v15+s2+$0x0], $0xffff  }
0x29a: {  	v25 =	vld.idx.msk [tilespmem:v18+s2+$0x0], $0xffff  }
0x29b: {  	v26 =	vld.idx.msk [tilespmem:v11+s2+$0x0], $0xffff  }
0x29c: {  	v27 =	vld.idx.msk [tilespmem:v8+s2+$0x0], $0xffff  }
0x29d: {  	v28 =	vld.idx.msk [tilespmem:v10+s2+$0x0], $0xffff  }
0x29e: {  	v29 =	vld.idx.msk [tilespmem:v9+s2+$0x0], $0xffff  }
0x29f: {  	v30 =	vld.idx.msk [tilespmem:v1+s2+$0x0], $0xffff;
	_ =	swait.ge [sflag:s14], $0x2800  }
0x2a0: {  	[sflag:s14] =	ssyncset.done $0x0  }
0x2a1: {  	s19 =	simm.s32 $0x0;
	[sflag:s14] =	ssyncadd.s32 $0xFFFFD800  }
0x2a2: {  	v10 =	vld [tilespmem:s19+$0x1A0C0]  }
0x2a3: {  	v31 =	vld [tilespmem:s19+$0x1A0D0]  }
0x2a4: {  	v32 =	vld [tilespmem:s19+$0x1A0E0]  }
0x2a5: {  	v1 =	vld [tilespmem:s19+$0x1A0F0]  }
0x2a6: {  	v33 =	vld [tilespmem:s19+$0x1A080]  }
0x2a7: {  	v11 =	vld [tilespmem:s19+$0x1A090]  }
0x2a8: {  	v12 =	vld [tilespmem:s19+$0x1A0A0]  }
0x2a9: {  	v8 =	vld [tilespmem:s19+$0x1A0B0]  }
0x2aa: {  	v15 =	vld [tilespmem:s19+$0x1A040]  }
0x2ab: {  	v16 =	vld [tilespmem:s19+$0x1A050]  }
0x2ac: {  	v14 =	vld [tilespmem:s19+$0x1A060]  }
0x2ad: {  	v9 =	vld [tilespmem:s19+$0x1A070]  }
0x2ae: {  	v18 =	vld [tilespmem:s19+$0x1A000]  }
0x2af: {  	v19 =	vld [tilespmem:s19+$0x1A030];
	v0 =	vmax.f32 v0, v17  }
0x2b0: {  	v17 =	vld [tilespmem:s19+$0x1A010];
	v0 =	vmax.f32 v0, v22  }
0x2b1: {  	v4 =	vmax.f32 v4, v26;
	v0 =	vmax.f32 v0, v13;
	v13 =	vld [tilespmem:s19+$0x1A020]  }
0x2b2: {  	v2 =	vmax.f32 v2, v25;
	v6 =	vmax.f32 v6, v27;
	v4 =	vmax.f32 v4, v24;
	v10 =	vld.idx.msk [tilespmem:v10+s2+$0x0], $0xffff  }
0x2b3: {  	v6 =	vmax.f32 v6, v28;
	v0 =	vmax.f32 v0, v7;
	v7 =	vmax.f32 v2, v23;
	v2 =	vld.idx.msk [tilespmem:v31+s2+$0x0], $0xffff  }
0x2b4: {  	v4 =	vmax.f32 v4, v21;
	v63 =	vmax.f32 v6, v29;
	v20 =	vmax.f32 v7, v20;
	v7 =	vld.idx.msk [tilespmem:v32+s2+$0x0], $0xffff  }
0x2b5: {  	s19 =	simm.s32 $0x400;
	v4 =	vmax.f32 v4, v5;
	v6 =	vmax.f32 v20, v3;
	v3 =	vmax.f32 v63, v30;
	v5 =	vld.idx.msk [tilespmem:v33+s2+$0x0], $0xffff  }
.LBB2_22:
0x2b6: {  	p1 =	sne.s32 s19, $0x9C00;
	v11 =	vld.idx.msk [tilespmem:v11+s2+$0x0], $0xffff  }
0x2b7: {  	v12 =	vld.idx.msk [tilespmem:v12+s2+$0x0], $0xffff  }
0x2b8: {  	v15 =	vld.idx.msk [tilespmem:v15+s2+$0x0], $0xffff  }
0x2b9: {  	v16 =	vld.idx.msk [tilespmem:v16+s2+$0x0], $0xffff  }
0x2ba: {  	v18 =	vld.idx.msk [tilespmem:v18+s2+$0x0], $0xffff  }
0x2bb: {  	v14 =	vld.idx.msk [tilespmem:v14+s2+$0x0], $0xffff  }
0x2bc: {  	v17 =	vld.idx.msk [tilespmem:v17+s2+$0x0], $0xffff  }
0x2bd: {  	v13 =	vld.idx.msk [tilespmem:v13+s2+$0x0], $0xffff  }
0x2be: {  	v19 =	vld.idx.msk [tilespmem:v19+s2+$0x0], $0xffff  }
0x2bf: {  	v9 =	vld.idx.msk [tilespmem:v9+s2+$0x0], $0xffff  }
0x2c0: {  	v0 =	vmax.f32 v0, v18;
	v8 =	vld.idx.msk [tilespmem:v8+s2+$0x0], $0xffff  }
0x2c1: {  	s20 =	sshra.s32 s19, $0x2;
	v0 =	vmax.f32 v0, v15;
	v18 =	vld.idx.msk [tilespmem:v1+s2+$0x0], $0xffff  }
0x2c2: {  	v0 =	vmax.f32 v0, v5;
	v20 =	vld [tilespmem:s20+$0x1A0C0]  }
0x2c3: {  	v0 =	vmax.f32 v0, v10;
	v5 =	vld [tilespmem:s20+$0x1A0D0]  }
0x2c4: {  	v6 =	vmax.f32 v6, v17;
	v4 =	vmax.f32 v4, v13;
	v3 =	vmax.f32 v3, v19;
	v21 =	vld [tilespmem:s20+$0x1A0E0]  }
0x2c5: {  	v6 =	vmax.f32 v6, v16;
	v4 =	vmax.f32 v4, v14;
	v3 =	vmax.f32 v3, v9;
	v1 =	vld [tilespmem:s20+$0x1A0F0]  }
0x2c6: {  	v6 =	vmax.f32 v6, v11;
	v4 =	vmax.f32 v4, v12;
	v3 =	vmax.f32 v3, v8;
	v22 =	vld [tilespmem:s20+$0x1A080]  }
0x2c7: {  	v6 =	vmax.f32 v6, v2;
	v4 =	vmax.f32 v4, v7;
	v3 =	vmax.f32 v3, v18;
	v11 =	vld [tilespmem:s20+$0x1A090]  }
0x2c8: {  	v12 =	vld [tilespmem:s20+$0x1A0A0]  }
0x2c9: {  	v8 =	vld [tilespmem:s20+$0x1A0B0]  }
0x2ca: {  	v15 =	vld [tilespmem:s20+$0x1A040]  }
0x2cb: {  	v16 =	vld [tilespmem:s20+$0x1A050]  }
0x2cc: {  	v14 =	vld [tilespmem:s20+$0x1A060]  }
0x2cd: {  	v9 =	vld [tilespmem:s20+$0x1A070]  }
0x2ce: {  	v18 =	vld [tilespmem:s20+$0x1A000]  }
0x2cf: {  	v17 =	vld [tilespmem:s20+$0x1A010]  }
0x2d0: {  	v13 =	vld [tilespmem:s20+$0x1A020]  }
.Ltmp13:
0x2d1: {  	v19 =	vld [tilespmem:s20+$0x1A030];
	(pc) =	sbr.rel @p1 .LBB2_22-.Ltmp13, $4  }
0x2d2: {  	v10 =	vld.idx.msk [tilespmem:v20+s2+$0x0], $0xffff  }
0x2d3: {  	v2 =	vld.idx.msk [tilespmem:v5+s2+$0x0], $0xffff  }
0x2d4: {  	v7 =	vld.idx.msk [tilespmem:v21+s2+$0x0], $0xffff  }
0x2d5: {  	s19 =	sadd.s32 $0x400, s19;
	v5 =	vld.idx.msk [tilespmem:v22+s2+$0x0], $0xffff  }
.Ltmp14:
0x2d6: {  	_ = 	snop;
	(pc) =	sbr.rel .LBB2_23-.Ltmp14, $1  }
0x2d7: {  	_ =	sdelay $0x3  }
.LBB2_25:
0x2d8: {  	_ =	sfence.sel $0x180000  }
0x2d9: {  	[bflag:$0x0] =	sbarrier.arrive $0xFFFF  }
0x2da: {  	p0 =	sne.s32 s1, $0x0;
	_ =	strace $0x90000047  }
0x2db: {  	s0 =	sadd.s32 @!p0 $0x100000, s0;
	[bflag:$0x2] =	sbarrier.arrive $0xFFFF  }
0x2dc: {  	[sflag:s0] =	ssyncadd.tile.s32 @!p0 $0x1;
	_ =	shalt  }
.Lfunc_end2:
_tile_overlayer_lowered:
.L_overlay_start_2:
0x2dd: {  	(tag) =	ssettag $0x2  }
0x2de: {  	s0 =	rddreg [dreg:$0x0];
	s2 =	stileid.u32  }
0x2df: {  	s1 =	rddreg [dreg:$0x1];
	p0 =	sne.s32 s2, $0x0  }
0x2e0: {  	s3 =	rddreg [dreg:$0x2];
	[bflag:$0x3] =	sbarrier.arrive $0xFFFF;
	s2 =	simm.s32 @!p0 $0x1C03  }
0x2e1: {  	[timem:s3], [sflag:s2] =	dma.local @!p0 [hbm:s0], s1  }
0x2e2: {  	s0 =	simm.s32 @!p0 $0x3  }
0x2e3: {  	_ =	swait.ge @!p0 [sflag:s0], s1  }
0x2e4: {  	s1 =	ssub.s32 @!p0 $0x0, s1;
	[sflag:s0] =	ssyncset.done @!p0 $0x0  }
0x2e5: {  	[sflag:s0] =	ssyncadd.s32 @!p0 s1  }
0x2e6: {  	[bflag:$0x3] =	sbarrier.arrive $0xFFFF  }
0x2e7: {  	_ =	shalt  }

// kernel: kernel.9.cloned.1.call-start
scs
__scs_entry_jumppad:
0x0: {  	(pc) =	sbr.rel $0x88, $3  }
0x1: {  	(tag) =	ssettag $0x0;
	lr =	simm.s32 $0x1  }
0x2: {  	[smem:$0x3F9D] =	sst lr;
	_ =	strace $0xD0000000  }
0x3: {  	_ = 	snop  }
0x4: {  	_ = 	snop  }
0x5: {  	_ = 	snop  }
0x6: {  	_ = 	snop  }
0x7: {  	_ = 	snop  }
__scs_overlays_trampoline_lowered:
0x8: {  	[smem:$0x3FAC] =	sst s0  }
0x9: {  	[smem:$0x3FAD] =	sst s1  }
0xa: {  	[smem:$0x3FAE] =	sst s2  }
0xb: {  	[smem:$0x3FAF] =	sst s3  }
0xc: {  	[smem:$0x3FB0] =	sst s4  }
0xd: {  	[smem:$0x3FB1] =	sst s5  }
0xe: {  	[smem:$0x3FB2] =	sst s6  }
0xf: {  	[smem:$0x3FB3] =	sst s7  }
0x10: {  	[smem:$0x3FB4] =	sst s8  }
0x11: {  	[smem:$0x3FB5] =	sst s9;
	s0 =	simm.s32 @!p0 $0x0  }
0x12: {  	s1 =	sld [smem:$0x3F9B];
	s0 =	simm.s32 @p0 $0x1  }
0x13: {  	[smem:$0x3FB6] =	sst s0;
	s0 =	simm.s32 @!p1 $0x0  }
0x14: {  	s2 =	sld [smem:$0x3F9A];
	s0 =	simm.s32 @p1 $0x1  }
0x15: {  	[smem:$0x3FB7] =	sst s0;
	s0 =	simm.s32 @!p2 $0x0  }
0x16: {  	s3 =	sld [smem:$0x3FDB];
	s0 =	simm.s32 @p2 $0x1  }
0x17: {  	s4 =	simm.s32 $0x1BF5;
	[smem:$0x3FB9] =	sst s0  }
0x18: {  	s0 =	sld [smem:$0x3F9C];
	_ =	swait.ge [sflag:s4], $0x0  }
0x19: {  	s7 =	sld [smem:$0x3F9D]  }
0x1a: {  	s8 =	sadd.s32 $0xFFFFE003, lr  }
0x1b: {  	s9 =	sadd.s32 $0xFFFFFEF7, lr;
	s5 =	simm.s32 $0xFFFFFFFF;
	p2 =	slt.u32 s8, $0xFFFFF086  }
0x1c: {  	p1 =	slt.u32 s9, $0xF7A;
	s5 =	simm.s32 @!p2 $0x0  }
0x1d: {  	s5 =	simm.s32 @p1 $0x1;
	p0 =	seq.s32 s7, s2  }
0x1e: {  	s7 =	smul.u32 @!p0 $0xF7A, s2;
	p2 =	seq.s32 @!p0 s5, $0x0  }
0x1f: {  	s9 =	smul.u32 $0xF7A, s1;
	s8 =	simm.s32 @!p0 $0x1BF5;
	p2 =	por !p2, p0  }
0x20: {  	[sflag:s8] =	ssyncset.s32 @!p0 $0xFFFFF086;
	s6 =	sadd.s32 @!p0 s3, s7;
	s7 =	simm.s32 @!p0 $0x108  }
0x21: {  	s3 =	sadd.s32 s3, s9;
	s6 =	sadd.s32 @!p0 $0x88, s6;
	s7 =	simm.s32 @p2 $0x1082  }
0x22: {  	[simem:s7], [sflag:s8] =	dma.local @!p0 [hbm:s6], $0xF7A  }
0x23: {  	s9 =	sor.u32 $0xD0000000, s2;
	s6 =	simm.s32 $0x108;
	_ =	swait.ge @!p0 [sflag:s8], $0x0  }
0x24: {  	s3 =	sadd.s32 $0x88, s3;
	s6 =	simm.s32 @!p1 $0x1082;
	[sflag:s4] =	ssyncset.s32 $0xFFFFF086  }
0x25: {  	[simem:s6], [sflag:s4] =	dma.local [hbm:s3], $0xF7A  }
0x26: {  	[smem:$0x3F9D] =	sst s1;
	(tag) =	ssettag s2;
	_ =	strace s9  }
0x27: {  	s1 =	sld [smem:$0x3FAD]  }
0x28: {  	s2 =	sld [smem:$0x3FAE]  }
0x29: {  	s4 =	sld [smem:$0x3FB0]  }
0x2a: {  	p0 =	seq.s32 s5, $0x0;
	s5 =	sld [smem:$0x3FB1]  }
0x2b: {  	s6 =	sld [smem:$0x3FB2]  }
0x2c: {  	s7 =	sld [smem:$0x3FB3]  }
0x2d: {  	s3 =	simm.s32 $0x108;
	s8 =	sld [smem:$0x3FB4]  }
0x2e: {  	s3 =	simm.s32 @!p0 $0x1082;
	s9 =	sld [smem:$0x3FB5]  }
0x2f: {  	lr =	sadd.s32 s0, s3;
	s0 =	sld [smem:$0x3FAC]  }
0x30: {  	s3 =	sld [smem:$0x3FAF]  }
0x31: {  	[smem:$0x3FB8] =	sst s10  }
0x32: {  	s10 =	sld [smem:$0x3FB6];
	_ =	sdelay $0x3  }
0x33: {  	p0 =	seq.s32 s10, $0x1;
	s10 =	sld [smem:$0x3FB8];
	_ =	sdelay $0x3  }
0x34: {  	[smem:$0x3FB8] =	sst s10  }
0x35: {  	s10 =	sld [smem:$0x3FB7];
	_ =	sdelay $0x3  }
0x36: {  	p1 =	seq.s32 s10, $0x1;
	s10 =	sld [smem:$0x3FB8];
	_ =	sdelay $0x3  }
0x37: {  	[smem:$0x3FB8] =	sst s10  }
0x38: {  	s10 =	sld [smem:$0x3FB9]  }
0x39: {  	_ = 	snop;
	(pc) =	sbr.ind lr, $3  }
0x3a: {  	_ = 	snop  }
0x3b: {  	_ = 	snop  }
0x3c: {  	p2 =	seq.s32 s10, $0x1;
	s10 =	sld [smem:$0x3FB8]  }
0x3d: {  	_ =	shalt  }
0x3e: {  	_ =	shalt  }
0x3f: {  	_ =	shalt  }
0x40: {  	_ =	shalt  }
0x41: {  	_ =	shalt  }
0x42: {  	_ =	shalt  }
0x43: {  	_ =	shalt  }
0x44: {  	_ =	shalt  }
0x45: {  	_ =	shalt  }
0x46: {  	_ =	shalt  }
0x47: {  	_ =	shalt  }
0x48: {  	_ =	shalt  }
0x49: {  	_ =	shalt  }
0x4a: {  	_ =	shalt  }
0x4b: {  	_ =	shalt  }
0x4c: {  	_ =	shalt  }
0x4d: {  	_ =	shalt  }
0x4e: {  	_ =	shalt  }
0x4f: {  	_ =	shalt  }
0x50: {  	_ =	shalt  }
0x51: {  	_ =	shalt  }
0x52: {  	_ =	shalt  }
0x53: {  	_ =	shalt  }
0x54: {  	_ =	shalt  }
0x55: {  	_ =	shalt  }
0x56: {  	_ =	shalt  }
0x57: {  	_ =	shalt  }
0x58: {  	_ =	shalt  }
0x59: {  	_ =	shalt  }
0x5a: {  	_ =	shalt  }
0x5b: {  	_ =	shalt  }
0x5c: {  	_ =	shalt  }
0x5d: {  	_ =	shalt  }
0x5e: {  	_ =	shalt  }
0x5f: {  	_ =	shalt  }
0x60: {  	_ =	shalt  }
0x61: {  	_ =	shalt  }
0x62: {  	_ =	shalt  }
0x63: {  	_ =	shalt  }
0x64: {  	_ =	shalt  }
0x65: {  	_ =	shalt  }
0x66: {  	_ =	shalt  }
0x67: {  	_ =	shalt  }
0x68: {  	_ =	shalt  }
0x69: {  	_ =	shalt  }
0x6a: {  	_ =	shalt  }
0x6b: {  	_ =	shalt  }
0x6c: {  	_ =	shalt  }
0x6d: {  	_ =	shalt  }
0x6e: {  	_ =	shalt  }
0x6f: {  	_ =	shalt  }
0x70: {  	_ =	shalt  }
0x71: {  	_ =	shalt  }
0x72: {  	_ =	shalt  }
0x73: {  	_ =	shalt  }
0x74: {  	_ =	shalt  }
0x75: {  	_ =	shalt  }
0x76: {  	_ =	shalt  }
0x77: {  	_ =	shalt  }
0x78: {  	_ =	shalt  }
0x79: {  	_ =	shalt  }
0x7a: {  	_ =	shalt  }
0x7b: {  	_ =	shalt  }
0x7c: {  	_ =	shalt  }
0x7d: {  	_ =	shalt  }
0x7e: {  	_ =	shalt  }
0x7f: {  	_ =	shalt  }
0x80: {  	_ =	shalt  }
0x81: {  	_ =	shalt  }
0x82: {  	_ =	shalt  }
0x83: {  	_ =	shalt  }
0x84: {  	_ =	shalt  }
0x85: {  	_ =	shalt  }
0x86: {  	_ =	shalt  }
0x87: {  	_ =	shalt  }
.Lfunc_end0:
.L_simem_size_0:
called_computation.1_lowered:
.L_overlay_start_0:
0x88: {  	s2 =	sld [smem:$0x3FD9]  }
0x89: {  	s3 =	sld [smem:$0x3FFE];
	_ =	sdelay $0x1  }
0x8a: {  	s1 =	srdreg.scid  }
0x8b: {  	s0 =	sand.u32 $0x1, s1  }
0x8c: {  	s17 =	sshll.u32 s0, $0xA;
	s2 =	sadd.s32 s3, s2  }
0x8d: {  	s2 =	sadd.s32 s2, s17  }
0x8e: {  	[smem:$0x3FC4] =	sst s2  }
0x8f: {  	_ = 	snop  }
0x90: {  	s2 =	sld [smem:$0x3FD0];
	(tm) =	ssettm $0x1  }
0x91: {  	s18 =	sld [smem:$0x3FFB];
	_ =	sdelay $0x3  }
0x92: {  	_ =	strace s18  }
0x93: {  	s3 =	sld [smem:$0x3FFC];
	_ =	sdelay $0x3  }
0x94: {  	_ =	strace s3  }
0x95: {  	s3 =	sld [smem:$0x3FFD];
	_ =	sdelay $0x3  }
0x96: {  	_ =	strace s3  }
0x97: {  	_ =	strace $0x8FFFFFFF  }
0x98: {  	s19 =	sld [smem:$0x3FDB];
	_ =	sdelay $0x1  }
0x99: {  	s4 =	simm.s32 $_scs_section_size  }
0x9a: {  	s5 =	simm.s32 $_size__tile_overlayer_lowered;
	s6 =	simm.s32 $_tile_overlayer_lowered  }
0x9b: {  	s22 =	simm.s32 $0x1BFF;
	s21 =	sshll.u32 s6, $0x1;
	s3 =	sadd.s32 s4, s19  }
0x9c: {  	s7 =	simm.s32 $0x0;
	s20 =	sshll.u32 s5, $0x1;
	s5 =	sadd.s32 s21, s3  }
0x9d: {  	[timem:s7], [sflag:s22] =	dma.local [hbm:s5], s20  }
0x9e: {  	_ =	swait.ge [sflag:s22], s20  }
0x9f: {  	s4 =	ssub.s32 $0x0, s20;
	[sflag:s22] =	ssyncset.done $0x0  }
0xa0: {  	[sflag:s22] =	ssyncadd.s32 s4;
	_ =	sdelay $0x1  }
0xa1: {  	s23 =	simm.s32 $0x1B8B  }
0xa2: {  	_ =	swait.ge [sflag:s23], $0x1  }
0xa3: {  	[sflag:s23] =	ssyncset.done $0x0  }
0xa4: {  	s25 =	simm.s32 $0x1B8E;
	s24 =	sld [smem:$0x3FFE];
	[sflag:s23] =	ssyncadd.s32 $0xFFFFFFFF  }
0xa5: {  	s26 =	simm.s32 $execute0_lowered;
	[smem:$0x3FD2] =	sst s25  }
0xa6: {  	s5 =	sshll.u32 s26, $0x1;
	_ =	strace $0x80000049;
	[dreg:$0x1] =	wrdreg $0xFFFFFFFF  }
0xa7: {  	s28 =	simm.s32 $_size_execute0_lowered;
	s3 =	sadd.s32 s3, s5;
	[dreg:$0x0] =	wrdreg $0x0  }
0xa8: {  	s5 =	sshll.u32 s28, $0x1;
	[dreg:$0x2] =	wrdreg s3  }
0xa9: {  	[dreg:$0x3] =	wrdreg s5  }
0xaa: {  	[dreg:$0x4] =	wrdreg $0xC0  }
0xab: {  	_ =	task [dreg:s7], $0x5FFFF  }
0xac: {  	[dreg:$0x1] =	wrdreg $0xFFFFFFFF  }
0xad: {  	[dreg:$0x0] =	wrdreg $0x60  }
0xae: {  	[dreg:$0x2] =	wrdreg s2  }
0xaf: {  	[dreg:$0x3] =	wrdreg s24  }
0xb0: {  	[dreg:$0x4] =	wrdreg $0x9  }
0xb1: {  	_ =	task.clear_ibuf [dreg:s7], $0x5FFFF;
	_ =	strace $0x90000049  }
0xb2: {  	s29 =	simm.s32 $0x9;
	_ =	strace $0x8000004B  }
0xb3: {  	_ =	swait.ge [sflag:s29], $0x1  }
0xb4: {  	[sflag:s29] =	ssyncadd.s32 $0xFFFFFFFF  }
0xb5: {  	_ =	strace $0x9000004B  }
0xb6: {  	_ =	sfence  }
0xb7: {  	s30 =	sld [smem:$0x0];
	_ =	sdelay $0x2  }
0xb8: {  	s31 =	sshll.u32 s1, $0xD;
	s1 =	sshrl.u32 s1, $0x2  }
0xb9: {  	s3 =	sand.u32 $0x4000, s31;
	s1 =	sadd.s32 s1, s30  }
0xba: {  	s0 =	sor.u32 s3, s0;
	s1 =	sshll.u32 s1, $0x11  }
0xbb: {  	s0 =	sor.u32 s1, s0  }
0xbc: {  	s0 =	sadd.s32 $0x8F2B, s0  }
0xbd: {  	[sflag:s0] =	ssyncadd.remote.s32 $0x1  }
0xbe: {  	_ =	sfence.sel $0xFFFF  }
0xbf: {  	[dreg:$0x0] =	wrdreg $0xFFFFFFFF;
	(pc) =	sbr.abs _section_cstart, $3  }
0xc0: {  	[dreg:$0x1] =	wrdreg $0xFFFFFFFF  }
0xc1: {  	_ =	task.clear_ibuf [dreg:s7], $0x2FFFF;
	_ =	strace $0x9FFFFFFF  }
0xc2: {  	(tm) =	ssettm $0x7FFFFFFF  }
0xc3: {  	_ =	shalt  }
tec
execute0_lowered:
.L_overlay_start_1:
0x0: {  	(tag) =	ssettag $0x1  }
0x1: {  	s11 =	rddreg [dreg:$0x0];
	s1 =	srdreg.scid  }
0x2: {  	s0 =	stileid.u32;
	s4 =	rddreg [dreg:$0x1]  }
0x3: {  	s2 =	simm.s32 $0x0;
	s17 =	simm.s32 $0x1;
	s18 =	simm.s32 $0x1B400  }
0x4: {  	s19 =	simm.s32 $0x1C800;
	s20 =	simm.s32 $0x2;
	s21 =	simm.s32 $0x1DC00  }
0x5: {  	s22 =	simm.s32 $0x3;
	s3 =	sand.u32 $0x1, s1;
	s5 =	sshll.u32 s0, $0x1  }
0x6: {  	s23 =	simm.s32 $0x4;
	s24 =	simm.s32 $0x0;
	s5 =	sor.u32 s3, s5  }
0x7: {  	s1 =	rddreg [dreg:$0x2];
	s6 =	ssub.s32 $0x2, s3;
	s5 =	smul.u32 $0x6400, s5  }
0x8: {  	[smem:$0x7FF] =	sst s2;
	s13 =	sadd.s32 $0x4800, s4;
	s7 =	sshrl.u32 s6, $0x1  }
0x9: {  	_ =	strace $0x8000004A;
	s14 =	ssub.s32 s6, s7;
	s10 =	sshrl.u32 s5, $0x3  }
0xa: {  	s3 =	sadd.s32 $0x1400, s4;
	s14 =	smax.u32 s14, $0x1;
	s8 =	sadd.s32 $0x280, s10  }
0xb: {  	s4 =	sadd.s32 s11, s10;
	s12 =	sadd.s32 $0x500, s10;
	s6 =	sadd.s32 s13, s10  }
0xc: {  	s15 =	sadd.s32 $0x780, s10;
	s16 =	sadd.s32 $0xA00, s10;
	s5 =	sadd.s32 s11, s8  }
0xd: {  	s7 =	sadd.s32 s11, s12;
	s8 =	sadd.s32 s13, s8;
	s9 =	sadd.s32 s11, s15  }
0xe: {  	s10 =	sadd.s32 s13, s12;
	s11 =	sadd.s32 s11, s16;
	s12 =	sadd.s32 s13, s15  }
0xf: {  	s13 =	sadd.s32 s13, s16;
	s15 =	simm.s32 $0x1A000;
	s16 =	simm.s32 $0x5  }
.LBB2_1:
0x10: {  	[tilespmem:s15], [sflag:$0x1] =	stream.linear.gather [hbm4b:s4+s2], $0x1400, $0x38;
	[tilespmem:$0x1F000] =	vst v63  }
0x11: {  	_ = 	snop  }
0x12: {  	[tilespmem:s2], [sflag:$0x5] =	stream.linear.gather [hbm4b:s3+s2], $0x1A000, $0x38;
	[tilespmem:$0x1F000] =	vst v63  }
0x13: {  	_ =	swait.ge [sflag:s16], $0x1A000  }
0x14: {  	[sflag:s16] =	ssyncset.done $0x0  }
0x15: {  	[sflag:s16] =	ssyncadd.s32 $0xFFFE6000  }
0x16: {  	_ =	swait.ge [sflag:s17], $0x1400  }
0x17: {  	[sflag:s17] =	ssyncset.done $0x0  }
0x18: {  	s25 =	simm.s32 $0x0;
	[sflag:s17] =	ssyncadd.s32 $0xFFFFEC00  }
0x19: {  	[tilespmem:s18], [sflag:$0x2] =	stream.linear.gather [hbm4b:s5+s2], $0x1400, $0x38;
	[tilespmem:$0x1F000] =	vst v63  }
0x1a: {  	v14 =	vld [tilespmem:s25+$0x1A000]  }
0x1b: {  	v0 =	vld [tilespmem:s25+$0x1A010]  }
0x1c: {  	v1 =	vld [tilespmem:s25+$0x1A020]  }
0x1d: {  	v2 =	vld [tilespmem:s25+$0x1A030]  }
0x1e: {  	v3 =	vld [tilespmem:s25+$0x1A040]  }
0x1f: {  	v4 =	vld [tilespmem:s25+$0x1A050]  }
0x20: {  	v5 =	vld [tilespmem:s25+$0x1A060]  }
0x21: {  	v7 =	vld [tilespmem:s25+$0x1A070]  }
0x22: {  	v9 =	vld [tilespmem:s25+$0x1A080]  }
0x23: {  	v6 =	vld [tilespmem:s25+$0x1A090]  }
0x24: {  	v8 =	vld [tilespmem:s25+$0x1A0A0]  }
0x25: {  	v10 =	vld [tilespmem:s25+$0x1A0B0]  }
0x26: {  	v11 =	vld [tilespmem:s25+$0x1A0C0]  }
0x27: {  	v12 =	vld [tilespmem:s25+$0x1A0D0]  }
0x28: {  	v13 =	vld [tilespmem:s25+$0x1A0E0]  }
0x29: {  	v15 =	vld [tilespmem:s25+$0x1A0F0]  }
0x2a: {  	s26 =	simm.s32 $0x400;
	v14 =	vld.idx.msk [tilespmem:v14+s2+$0x0], $0xffff  }
.LBB2_2:
0x2b: {  	p0 =	sne.s32 s26, $0x4C00;
	v16 =	vld.idx.msk [tilespmem:v0+s2+$0x0], $0xffff  }
0x2c: {  	v17 =	vld.idx.msk [tilespmem:v1+s2+$0x0], $0xffff  }
0x2d: {  	v18 =	vld.idx.msk [tilespmem:v2+s2+$0x0], $0xffff  }
0x2e: {  	v19 =	vld.idx.msk [tilespmem:v3+s2+$0x0], $0xffff  }
0x2f: {  	v20 =	vld.idx.msk [tilespmem:v4+s2+$0x0], $0xffff  }
0x30: {  	v21 =	vld.idx.msk [tilespmem:v5+s2+$0x0], $0xffff  }
0x31: {  	v22 =	vld.idx.msk [tilespmem:v7+s2+$0x0], $0xffff  }
0x32: {  	v23 =	vld.idx.msk [tilespmem:v9+s2+$0x0], $0xffff  }
0x33: {  	v0 =	vld.idx.msk [tilespmem:v15+s2+$0x0], $0xffff  }
0x34: {  	v15 =	vld.idx.msk [tilespmem:v6+s2+$0x0], $0xffff  }
0x35: {  	v24 =	vld.idx.msk [tilespmem:v8+s2+$0x0], $0xffff  }
0x36: {  	v25 =	vld.idx.msk [tilespmem:v10+s2+$0x0], $0xffff  }
0x37: {  	v26 =	vld.idx.msk [tilespmem:v11+s2+$0x0], $0xffff  }
0x38: {  	v27 =	vld.idx.msk [tilespmem:v12+s2+$0x0], $0xffff  }
0x39: {  	s28 =	sshra.s32 s26, $0x2;
	v28 =	vld.idx.msk [tilespmem:v13+s2+$0x0], $0xffff;
	[tilespmem:s25+$0x1C8F0] =	vst v0  }
0x3a: {  	v29 =	vld [tilespmem:s28+$0x1A000];
	[tilespmem:s25+$0x1C800] =	vst v14  }
0x3b: {  	v0 =	vld [tilespmem:s28+$0x1A010];
	[tilespmem:s25+$0x1C810] =	vst v16  }
0x3c: {  	v1 =	vld [tilespmem:s28+$0x1A020];
	[tilespmem:s25+$0x1C820] =	vst v17  }
0x3d: {  	v2 =	vld [tilespmem:s28+$0x1A030];
	[tilespmem:s25+$0x1C830] =	vst v18  }
0x3e: {  	v3 =	vld [tilespmem:s28+$0x1A040];
	[tilespmem:s25+$0x1C840] =	vst v19  }
0x3f: {  	v4 =	vld [tilespmem:s28+$0x1A050];
	[tilespmem:s25+$0x1C850] =	vst v20  }
0x40: {  	v5 =	vld [tilespmem:s28+$0x1A060];
	[tilespmem:s25+$0x1C860] =	vst v21  }
0x41: {  	v7 =	vld [tilespmem:s28+$0x1A070];
	[tilespmem:s25+$0x1C870] =	vst v22  }
0x42: {  	v9 =	vld [tilespmem:s28+$0x1A080];
	[tilespmem:s25+$0x1C880] =	vst v23  }
0x43: {  	v6 =	vld [tilespmem:s28+$0x1A090];
	[tilespmem:s25+$0x1C890] =	vst v15  }
0x44: {  	v8 =	vld [tilespmem:s28+$0x1A0A0];
	[tilespmem:s25+$0x1C8A0] =	vst v24  }
0x45: {  	v10 =	vld [tilespmem:s28+$0x1A0B0];
	[tilespmem:s25+$0x1C8B0] =	vst v25  }
.Ltmp0:
0x46: {  	v11 =	vld [tilespmem:s28+$0x1A0C0];
	[tilespmem:s25+$0x1C8C0] =	vst v26;
	(pc) =	sbr.rel @p0 .LBB2_2-.Ltmp0, $4  }
0x47: {  	v12 =	vld [tilespmem:s28+$0x1A0D0];
	[tilespmem:s25+$0x1C8D0] =	vst v27  }
0x48: {  	v13 =	vld [tilespmem:s28+$0x1A0E0];
	[tilespmem:s25+$0x1C8E0] =	vst v28;
	s25 =	smov.u32 s28  }
0x49: {  	v15 =	vld [tilespmem:s25+$0x1A0F0]  }
0x4a: {  	s26 =	sadd.s32 $0x400, s26;
	v14 =	vld.idx.msk [tilespmem:v29+s2+$0x0], $0xffff  }
0x4b: {  	_ =	sdelay $0x3  }
0x4c: {  	v0 =	vld.idx.msk [tilespmem:v0+s2+$0x0], $0xffff  }
0x4d: {  	v1 =	vld.idx.msk [tilespmem:v1+s2+$0x0], $0xffff  }
0x4e: {  	v2 =	vld.idx.msk [tilespmem:v2+s2+$0x0], $0xffff  }
0x4f: {  	v3 =	vld.idx.msk [tilespmem:v3+s2+$0x0], $0xffff  }
0x50: {  	v4 =	vld.idx.msk [tilespmem:v4+s2+$0x0], $0xffff  }
0x51: {  	v5 =	vld.idx.msk [tilespmem:v5+s2+$0x0], $0xffff  }
0x52: {  	v7 =	vld.idx.msk [tilespmem:v7+s2+$0x0], $0xffff  }
0x53: {  	v9 =	vld.idx.msk [tilespmem:v9+s2+$0x0], $0xffff  }
0x54: {  	v6 =	vld.idx.msk [tilespmem:v6+s2+$0x0], $0xffff  }
0x55: {  	v8 =	vld.idx.msk [tilespmem:v8+s2+$0x0], $0xffff  }
0x56: {  	v10 =	vld.idx.msk [tilespmem:v10+s2+$0x0], $0xffff  }
0x57: {  	v11 =	vld.idx.msk [tilespmem:v11+s2+$0x0], $0xffff  }
0x58: {  	v12 =	vld.idx.msk [tilespmem:v12+s2+$0x0], $0xffff  }
0x59: {  	v13 =	vld.idx.msk [tilespmem:v13+s2+$0x0], $0xffff  }
0x5a: {  	v15 =	vld.idx.msk [tilespmem:v15+s2+$0x0], $0xffff;
	[tilespmem:s25+$0x1C800] =	vst v14  }
0x5b: {  	[tilespmem:s25+$0x1C810] =	vst v0  }
0x5c: {  	[tilespmem:s25+$0x1C820] =	vst v1  }
0x5d: {  	[tilespmem:s25+$0x1C830] =	vst v2  }
0x5e: {  	[tilespmem:s25+$0x1C840] =	vst v3  }
0x5f: {  	[tilespmem:s25+$0x1C850] =	vst v4  }
0x60: {  	[tilespmem:s25+$0x1C860] =	vst v5  }
0x61: {  	[tilespmem:s25+$0x1C870] =	vst v7  }
0x62: {  	[tilespmem:s25+$0x1C880] =	vst v9  }
0x63: {  	[tilespmem:s25+$0x1C890] =	vst v6  }
0x64: {  	[tilespmem:s25+$0x1C8A0] =	vst v8  }
0x65: {  	[tilespmem:s25+$0x1C8B0] =	vst v10  }
0x66: {  	[tilespmem:s25+$0x1C8C0] =	vst v11  }
0x67: {  	[tilespmem:s25+$0x1C8D0] =	vst v12  }
0x68: {  	[tilespmem:s25+$0x1C8E0] =	vst v13  }
0x69: {  	s31 =	simm.s32 $0x0;
	[tilespmem:s25+$0x1C8F0] =	vst v15  }
0x6a: {  	[hbm4b:s6+s31] =	stream.linear.scatter [tilespmem:s19], [sflag:$0x3], $0x1400, $0x38;
	[tilespmem:$0x1F000] =	vst v63  }
0x6b: {  	_ =	swait.ge [sflag:s20], $0x1400  }
0x6c: {  	[sflag:s20] =	ssyncset.done $0x0  }
0x6d: {  	s25 =	simm.s32 $0x0;
	[sflag:s20] =	ssyncadd.s32 $0xFFFFEC00  }
0x6e: {  	[tilespmem:s15], [sflag:$0x1] =	stream.linear.gather [hbm4b:s7+s31], $0x1400, $0x38;
	[tilespmem:$0x1F000] =	vst v63  }
0x6f: {  	v14 =	vld [tilespmem:s25+$0x1B400]  }
0x70: {  	v0 =	vld [tilespmem:s25+$0x1B410]  }
0x71: {  	v1 =	vld [tilespmem:s25+$0x1B420]  }
0x72: {  	v2 =	vld [tilespmem:s25+$0x1B430]  }
0x73: {  	v3 =	vld [tilespmem:s25+$0x1B440]  }
0x74: {  	v4 =	vld [tilespmem:s25+$0x1B450]  }
0x75: {  	v5 =	vld [tilespmem:s25+$0x1B460]  }
0x76: {  	v7 =	vld [tilespmem:s25+$0x1B470]  }
0x77: {  	v9 =	vld [tilespmem:s25+$0x1B480]  }
0x78: {  	v6 =	vld [tilespmem:s25+$0x1B490]  }
0x79: {  	v8 =	vld [tilespmem:s25+$0x1B4A0]  }
0x7a: {  	v10 =	vld [tilespmem:s25+$0x1B4B0]  }
0x7b: {  	v11 =	vld [tilespmem:s25+$0x1B4C0]  }
0x7c: {  	v12 =	vld [tilespmem:s25+$0x1B4D0]  }
0x7d: {  	v13 =	vld [tilespmem:s25+$0x1B4E0]  }
0x7e: {  	v15 =	vld [tilespmem:s25+$0x1B4F0]  }
0x7f: {  	s26 =	simm.s32 $0x400;
	v14 =	vld.idx.msk [tilespmem:v14+s2+$0x0], $0xffff  }
.LBB2_4:
0x80: {  	p0 =	sne.s32 s26, $0x4C00;
	v16 =	vld.idx.msk [tilespmem:v0+s2+$0x0], $0xffff  }
0x81: {  	v17 =	vld.idx.msk [tilespmem:v1+s2+$0x0], $0xffff  }
0x82: {  	v18 =	vld.idx.msk [tilespmem:v2+s2+$0x0], $0xffff  }
0x83: {  	v19 =	vld.idx.msk [tilespmem:v3+s2+$0x0], $0xffff  }
0x84: {  	v20 =	vld.idx.msk [tilespmem:v4+s2+$0x0], $0xffff  }
0x85: {  	v21 =	vld.idx.msk [tilespmem:v5+s2+$0x0], $0xffff  }
0x86: {  	v22 =	vld.idx.msk [tilespmem:v7+s2+$0x0], $0xffff  }
0x87: {  	v23 =	vld.idx.msk [tilespmem:v9+s2+$0x0], $0xffff  }
0x88: {  	v0 =	vld.idx.msk [tilespmem:v15+s2+$0x0], $0xffff  }
0x89: {  	v15 =	vld.idx.msk [tilespmem:v6+s2+$0x0], $0xffff  }
0x8a: {  	v24 =	vld.idx.msk [tilespmem:v8+s2+$0x0], $0xffff  }
0x8b: {  	v25 =	vld.idx.msk [tilespmem:v10+s2+$0x0], $0xffff  }
0x8c: {  	v26 =	vld.idx.msk [tilespmem:v11+s2+$0x0], $0xffff  }
0x8d: {  	v27 =	vld.idx.msk [tilespmem:v12+s2+$0x0], $0xffff  }
0x8e: {  	s28 =	sshra.s32 s26, $0x2;
	v28 =	vld.idx.msk [tilespmem:v13+s2+$0x0], $0xffff;
	[tilespmem:s25+$0x1DCF0] =	vst v0  }
0x8f: {  	v29 =	vld [tilespmem:s28+$0x1B400];
	[tilespmem:s25+$0x1DC00] =	vst v14  }
0x90: {  	v0 =	vld [tilespmem:s28+$0x1B410];
	[tilespmem:s25+$0x1DC10] =	vst v16  }
0x91: {  	v1 =	vld [tilespmem:s28+$0x1B420];
	[tilespmem:s25+$0x1DC20] =	vst v17  }
0x92: {  	v2 =	vld [tilespmem:s28+$0x1B430];
	[tilespmem:s25+$0x1DC30] =	vst v18  }
0x93: {  	v3 =	vld [tilespmem:s28+$0x1B440];
	[tilespmem:s25+$0x1DC40] =	vst v19  }
0x94: {  	v4 =	vld [tilespmem:s28+$0x1B450];
	[tilespmem:s25+$0x1DC50] =	vst v20  }
0x95: {  	v5 =	vld [tilespmem:s28+$0x1B460];
	[tilespmem:s25+$0x1DC60] =	vst v21  }
0x96: {  	v7 =	vld [tilespmem:s28+$0x1B470];
	[tilespmem:s25+$0x1DC70] =	vst v22  }
0x97: {  	v9 =	vld [tilespmem:s28+$0x1B480];
	[tilespmem:s25+$0x1DC80] =	vst v23  }
0x98: {  	v6 =	vld [tilespmem:s28+$0x1B490];
	[tilespmem:s25+$0x1DC90] =	vst v15  }
0x99: {  	v8 =	vld [tilespmem:s28+$0x1B4A0];
	[tilespmem:s25+$0x1DCA0] =	vst v24  }
0x9a: {  	v10 =	vld [tilespmem:s28+$0x1B4B0];
	[tilespmem:s25+$0x1DCB0] =	vst v25  }
.Ltmp1:
0x9b: {  	v11 =	vld [tilespmem:s28+$0x1B4C0];
	[tilespmem:s25+$0x1DCC0] =	vst v26;
	(pc) =	sbr.rel @p0 .LBB2_4-.Ltmp1, $4  }
0x9c: {  	v12 =	vld [tilespmem:s28+$0x1B4D0];
	[tilespmem:s25+$0x1DCD0] =	vst v27  }
0x9d: {  	v13 =	vld [tilespmem:s28+$0x1B4E0];
	[tilespmem:s25+$0x1DCE0] =	vst v28;
	s25 =	smov.u32 s28  }
0x9e: {  	v15 =	vld [tilespmem:s25+$0x1B4F0]  }
0x9f: {  	s26 =	sadd.s32 $0x400, s26;
	v14 =	vld.idx.msk [tilespmem:v29+s2+$0x0], $0xffff  }
0xa0: {  	_ =	sdelay $0x3  }
0xa1: {  	v0 =	vld.idx.msk [tilespmem:v0+s2+$0x0], $0xffff  }
0xa2: {  	v1 =	vld.idx.msk [tilespmem:v1+s2+$0x0], $0xffff  }
0xa3: {  	v2 =	vld.idx.msk [tilespmem:v2+s2+$0x0], $0xffff  }
0xa4: {  	v3 =	vld.idx.msk [tilespmem:v3+s2+$0x0], $0xffff  }
0xa5: {  	v4 =	vld.idx.msk [tilespmem:v4+s2+$0x0], $0xffff  }
0xa6: {  	v5 =	vld.idx.msk [tilespmem:v5+s2+$0x0], $0xffff  }
0xa7: {  	v7 =	vld.idx.msk [tilespmem:v7+s2+$0x0], $0xffff  }
0xa8: {  	v9 =	vld.idx.msk [tilespmem:v9+s2+$0x0], $0xffff  }
0xa9: {  	v6 =	vld.idx.msk [tilespmem:v6+s2+$0x0], $0xffff  }
0xaa: {  	v8 =	vld.idx.msk [tilespmem:v8+s2+$0x0], $0xffff  }
0xab: {  	v10 =	vld.idx.msk [tilespmem:v10+s2+$0x0], $0xffff  }
0xac: {  	v11 =	vld.idx.msk [tilespmem:v11+s2+$0x0], $0xffff  }
0xad: {  	v12 =	vld.idx.msk [tilespmem:v12+s2+$0x0], $0xffff  }
0xae: {  	v13 =	vld.idx.msk [tilespmem:v13+s2+$0x0], $0xffff  }
0xaf: {  	v15 =	vld.idx.msk [tilespmem:v15+s2+$0x0], $0xffff;
	[tilespmem:s25+$0x1DC00] =	vst v14  }
0xb0: {  	[tilespmem:s25+$0x1DC10] =	vst v0  }
0xb1: {  	[tilespmem:s25+$0x1DC20] =	vst v1  }
0xb2: {  	[tilespmem:s25+$0x1DC30] =	vst v2  }
0xb3: {  	[tilespmem:s25+$0x1DC40] =	vst v3  }
0xb4: {  	[tilespmem:s25+$0x1DC50] =	vst v4  }
0xb5: {  	[tilespmem:s25+$0x1DC60] =	vst v5  }
0xb6: {  	[tilespmem:s25+$0x1DC70] =	vst v7  }
0xb7: {  	[tilespmem:s25+$0x1DC80] =	vst v9  }
0xb8: {  	[tilespmem:s25+$0x1DC90] =	vst v6  }
0xb9: {  	[tilespmem:s25+$0x1DCA0] =	vst v8  }
0xba: {  	[tilespmem:s25+$0x1DCB0] =	vst v10  }
0xbb: {  	[tilespmem:s25+$0x1DCC0] =	vst v11  }
0xbc: {  	[tilespmem:s25+$0x1DCD0] =	vst v12  }
0xbd: {  	[tilespmem:s25+$0x1DCE0] =	vst v13  }
0xbe: {  	s31 =	simm.s32 $0x0;
	[tilespmem:s25+$0x1DCF0] =	vst v15  }
0xbf: {  	[hbm4b:s8+s31] =	stream.linear.scatter [tilespmem:s21], [sflag:$0x4], $0x1400, $0x38;
	[tilespmem:$0x1F000] =	vst v63  }
0xc0: {  	_ =	swait.ge [sflag:s17], $0x1400  }
0xc1: {  	[sflag:s17] =	ssyncset.done $0x0  }
0xc2: {  	[sflag:s17] =	ssyncadd.s32 $0xFFFFEC00  }
0xc3: {  	[tilespmem:s18], [sflag:$0x2] =	stream.linear.gather [hbm4b:s9+s31], $0x1400, $0x38;
	[tilespmem:$0x1F000] =	vst v63  }
0xc4: {  	_ =	swait.ge [sflag:s22], $0x1400  }
0xc5: {  	[sflag:s22] =	ssyncset.done $0x0  }
0xc6: {  	s25 =	simm.s32 $0x0;
	[sflag:s22] =	ssyncadd.s32 $0xFFFFEC00  }
0xc7: {  	v14 =	vld [tilespmem:s25+$0x1A000]  }
0xc8: {  	v0 =	vld [tilespmem:s25+$0x1A010]  }
0xc9: {  	v1 =	vld [tilespmem:s25+$0x1A020]  }
0xca: {  	v2 =	vld [tilespmem:s25+$0x1A030]  }
0xcb: {  	v3 =	vld [tilespmem:s25+$0x1A040]  }
0xcc: {  	v4 =	vld [tilespmem:s25+$0x1A050]  }
0xcd: {  	v5 =	vld [tilespmem:s25+$0x1A060]  }
0xce: {  	v7 =	vld [tilespmem:s25+$0x1A070]  }
0xcf: {  	v9 =	vld [tilespmem:s25+$0x1A080]  }
0xd0: {  	v6 =	vld [tilespmem:s25+$0x1A090]  }
0xd1: {  	v8 =	vld [tilespmem:s25+$0x1A0A0]  }
0xd2: {  	v10 =	vld [tilespmem:s25+$0x1A0B0]  }
0xd3: {  	v11 =	vld [tilespmem:s25+$0x1A0C0]  }
0xd4: {  	v12 =	vld [tilespmem:s25+$0x1A0D0]  }
0xd5: {  	v13 =	vld [tilespmem:s25+$0x1A0E0]  }
0xd6: {  	v15 =	vld [tilespmem:s25+$0x1A0F0]  }
0xd7: {  	s26 =	simm.s32 $0x400;
	v14 =	vld.idx.msk [tilespmem:v14+s2+$0x0], $0xffff  }
.LBB2_6:
0xd8: {  	p0 =	sne.s32 s26, $0x4C00;
	v16 =	vld.idx.msk [tilespmem:v0+s2+$0x0], $0xffff  }
0xd9: {  	v17 =	vld.idx.msk [tilespmem:v1+s2+$0x0], $0xffff  }
0xda: {  	v18 =	vld.idx.msk [tilespmem:v2+s2+$0x0], $0xffff  }
0xdb: {  	v19 =	vld.idx.msk [tilespmem:v3+s2+$0x0], $0xffff  }
0xdc: {  	v20 =	vld.idx.msk [tilespmem:v4+s2+$0x0], $0xffff  }
0xdd: {  	v21 =	vld.idx.msk [tilespmem:v5+s2+$0x0], $0xffff  }
0xde: {  	v22 =	vld.idx.msk [tilespmem:v7+s2+$0x0], $0xffff  }
0xdf: {  	v23 =	vld.idx.msk [tilespmem:v9+s2+$0x0], $0xffff  }
0xe0: {  	v0 =	vld.idx.msk [tilespmem:v15+s2+$0x0], $0xffff  }
0xe1: {  	v15 =	vld.idx.msk [tilespmem:v6+s2+$0x0], $0xffff  }
0xe2: {  	v24 =	vld.idx.msk [tilespmem:v8+s2+$0x0], $0xffff  }
0xe3: {  	v25 =	vld.idx.msk [tilespmem:v10+s2+$0x0], $0xffff  }
0xe4: {  	v26 =	vld.idx.msk [tilespmem:v11+s2+$0x0], $0xffff  }
0xe5: {  	v27 =	vld.idx.msk [tilespmem:v12+s2+$0x0], $0xffff  }
0xe6: {  	s28 =	sshra.s32 s26, $0x2;
	v28 =	vld.idx.msk [tilespmem:v13+s2+$0x0], $0xffff;
	[tilespmem:s25+$0x1C8F0] =	vst v0  }
0xe7: {  	v29 =	vld [tilespmem:s28+$0x1A000];
	[tilespmem:s25+$0x1C800] =	vst v14  }
0xe8: {  	v0 =	vld [tilespmem:s28+$0x1A010];
	[tilespmem:s25+$0x1C810] =	vst v16  }
0xe9: {  	v1 =	vld [tilespmem:s28+$0x1A020];
	[tilespmem:s25+$0x1C820] =	vst v17  }
0xea: {  	v2 =	vld [tilespmem:s28+$0x1A030];
	[tilespmem:s25+$0x1C830] =	vst v18  }
0xeb: {  	v3 =	vld [tilespmem:s28+$0x1A040];
	[tilespmem:s25+$0x1C840] =	vst v19  }
0xec: {  	v4 =	vld [tilespmem:s28+$0x1A050];
	[tilespmem:s25+$0x1C850] =	vst v20  }
0xed: {  	v5 =	vld [tilespmem:s28+$0x1A060];
	[tilespmem:s25+$0x1C860] =	vst v21  }
0xee: {  	v7 =	vld [tilespmem:s28+$0x1A070];
	[tilespmem:s25+$0x1C870] =	vst v22  }
0xef: {  	v9 =	vld [tilespmem:s28+$0x1A080];
	[tilespmem:s25+$0x1C880] =	vst v23  }
0xf0: {  	v6 =	vld [tilespmem:s28+$0x1A090];
	[tilespmem:s25+$0x1C890] =	vst v15  }
0xf1: {  	v8 =	vld [tilespmem:s28+$0x1A0A0];
	[tilespmem:s25+$0x1C8A0] =	vst v24  }
0xf2: {  	v10 =	vld [tilespmem:s28+$0x1A0B0];
	[tilespmem:s25+$0x1C8B0] =	vst v25  }
.Ltmp2:
0xf3: {  	v11 =	vld [tilespmem:s28+$0x1A0C0];
	[tilespmem:s25+$0x1C8C0] =	vst v26;
	(pc) =	sbr.rel @p0 .LBB2_6-.Ltmp2, $4  }
0xf4: {  	v12 =	vld [tilespmem:s28+$0x1A0D0];
	[tilespmem:s25+$0x1C8D0] =	vst v27  }
0xf5: {  	v13 =	vld [tilespmem:s28+$0x1A0E0];
	[tilespmem:s25+$0x1C8E0] =	vst v28;
	s25 =	smov.u32 s28  }
0xf6: {  	v15 =	vld [tilespmem:s25+$0x1A0F0]  }
0xf7: {  	s26 =	sadd.s32 $0x400, s26;
	v14 =	vld.idx.msk [tilespmem:v29+s2+$0x0], $0xffff  }
0xf8: {  	_ =	sdelay $0x3  }
0xf9: {  	v0 =	vld.idx.msk [tilespmem:v0+s2+$0x0], $0xffff  }
0xfa: {  	v1 =	vld.idx.msk [tilespmem:v1+s2+$0x0], $0xffff  }
0xfb: {  	v2 =	vld.idx.msk [tilespmem:v2+s2+$0x0], $0xffff  }
0xfc: {  	v3 =	vld.idx.msk [tilespmem:v3+s2+$0x0], $0xffff  }
0xfd: {  	v4 =	vld.idx.msk [tilespmem:v4+s2+$0x0], $0xffff  }
0xfe: {  	v5 =	vld.idx.msk [tilespmem:v5+s2+$0x0], $0xffff  }
0xff: {  	v7 =	vld.idx.msk [tilespmem:v7+s2+$0x0], $0xffff  }
0x100: {  	v9 =	vld.idx.msk [tilespmem:v9+s2+$0x0], $0xffff  }
0x101: {  	v6 =	vld.idx.msk [tilespmem:v6+s2+$0x0], $0xffff  }
0x102: {  	v8 =	vld.idx.msk [tilespmem:v8+s2+$0x0], $0xffff  }
0x103: {  	v10 =	vld.idx.msk [tilespmem:v10+s2+$0x0], $0xffff  }
0x104: {  	v11 =	vld.idx.msk [tilespmem:v11+s2+$0x0], $0xffff  }
0x105: {  	v12 =	vld.idx.msk [tilespmem:v12+s2+$0x0], $0xffff  }
0x106: {  	v13 =	vld.idx.msk [tilespmem:v13+s2+$0x0], $0xffff  }
0x107: {  	v15 =	vld.idx.msk [tilespmem:v15+s2+$0x0], $0xffff;
	[tilespmem:s25+$0x1C800] =	vst v14  }
0x108: {  	[tilespmem:s25+$0x1C810] =	vst v0  }
0x109: {  	[tilespmem:s25+$0x1C820] =	vst v1  }
0x10a: {  	[tilespmem:s25+$0x1C830] =	vst v2  }
0x10b: {  	[tilespmem:s25+$0x1C840] =	vst v3  }
0x10c: {  	[tilespmem:s25+$0x1C850] =	vst v4  }
0x10d: {  	[tilespmem:s25+$0x1C860] =	vst v5  }
0x10e: {  	[tilespmem:s25+$0x1C870] =	vst v7  }
0x10f: {  	[tilespmem:s25+$0x1C880] =	vst v9  }
0x110: {  	[tilespmem:s25+$0x1C890] =	vst v6  }
0x111: {  	[tilespmem:s25+$0x1C8A0] =	vst v8  }
0x112: {  	[tilespmem:s25+$0x1C8B0] =	vst v10  }
0x113: {  	[tilespmem:s25+$0x1C8C0] =	vst v11  }
0x114: {  	[tilespmem:s25+$0x1C8D0] =	vst v12  }
0x115: {  	[tilespmem:s25+$0x1C8E0] =	vst v13  }
0x116: {  	s31 =	simm.s32 $0x0;
	[tilespmem:s25+$0x1C8F0] =	vst v15  }
0x117: {  	[hbm4b:s10+s31] =	stream.linear.scatter [tilespmem:s19], [sflag:$0x3], $0x1400, $0x38;
	[tilespmem:$0x1F000] =	vst v63  }
0x118: {  	_ =	swait.ge [sflag:s20], $0x1400  }
0x119: {  	[sflag:s20] =	ssyncset.done $0x0  }
0x11a: {  	[sflag:s20] =	ssyncadd.s32 $0xFFFFEC00  }
0x11b: {  	[tilespmem:s15], [sflag:$0x1] =	stream.linear.gather [hbm4b:s11+s31], $0x1400, $0x38;
	[tilespmem:$0x1F000] =	vst v63  }
0x11c: {  	_ =	swait.ge [sflag:s23], $0x1400  }
0x11d: {  	[sflag:s23] =	ssyncset.done $0x0  }
0x11e: {  	s25 =	simm.s32 $0x0;
	[sflag:s23] =	ssyncadd.s32 $0xFFFFEC00  }
0x11f: {  	v14 =	vld [tilespmem:s25+$0x1B400]  }
0x120: {  	v0 =	vld [tilespmem:s25+$0x1B410]  }
0x121: {  	v1 =	vld [tilespmem:s25+$0x1B420]  }
0x122: {  	v2 =	vld [tilespmem:s25+$0x1B430]  }
0x123: {  	v3 =	vld [tilespmem:s25+$0x1B440]  }
0x124: {  	v4 =	vld [tilespmem:s25+$0x1B450]  }
0x125: {  	v5 =	vld [tilespmem:s25+$0x1B460]  }
0x126: {  	v7 =	vld [tilespmem:s25+$0x1B470]  }
0x127: {  	v9 =	vld [tilespmem:s25+$0x1B480]  }
0x128: {  	v6 =	vld [tilespmem:s25+$0x1B490]  }
0x129: {  	v8 =	vld [tilespmem:s25+$0x1B4A0]  }
0x12a: {  	v10 =	vld [tilespmem:s25+$0x1B4B0]  }
0x12b: {  	v11 =	vld [tilespmem:s25+$0x1B4C0]  }
0x12c: {  	v12 =	vld [tilespmem:s25+$0x1B4D0]  }
0x12d: {  	v13 =	vld [tilespmem:s25+$0x1B4E0]  }
0x12e: {  	v15 =	vld [tilespmem:s25+$0x1B4F0]  }
0x12f: {  	s26 =	simm.s32 $0x400;
	v14 =	vld.idx.msk [tilespmem:v14+s2+$0x0], $0xffff  }
.LBB2_8:
0x130: {  	p0 =	sne.s32 s26, $0x4C00;
	v16 =	vld.idx.msk [tilespmem:v0+s2+$0x0], $0xffff  }
0x131: {  	v17 =	vld.idx.msk [tilespmem:v1+s2+$0x0], $0xffff  }
0x132: {  	v18 =	vld.idx.msk [tilespmem:v2+s2+$0x0], $0xffff  }
0x133: {  	v19 =	vld.idx.msk [tilespmem:v3+s2+$0x0], $0xffff  }
0x134: {  	v20 =	vld.idx.msk [tilespmem:v4+s2+$0x0], $0xffff  }
0x135: {  	v21 =	vld.idx.msk [tilespmem:v5+s2+$0x0], $0xffff  }
0x136: {  	v22 =	vld.idx.msk [tilespmem:v7+s2+$0x0], $0xffff  }
0x137: {  	v23 =	vld.idx.msk [tilespmem:v9+s2+$0x0], $0xffff  }
0x138: {  	v0 =	vld.idx.msk [tilespmem:v15+s2+$0x0], $0xffff  }
0x139: {  	v15 =	vld.idx.msk [tilespmem:v6+s2+$0x0], $0xffff  }
0x13a: {  	v24 =	vld.idx.msk [tilespmem:v8+s2+$0x0], $0xffff  }
0x13b: {  	v25 =	vld.idx.msk [tilespmem:v10+s2+$0x0], $0xffff  }
0x13c: {  	v26 =	vld.idx.msk [tilespmem:v11+s2+$0x0], $0xffff  }
0x13d: {  	v27 =	vld.idx.msk [tilespmem:v12+s2+$0x0], $0xffff  }
0x13e: {  	s28 =	sshra.s32 s26, $0x2;
	v28 =	vld.idx.msk [tilespmem:v13+s2+$0x0], $0xffff;
	[tilespmem:s25+$0x1DCF0] =	vst v0  }
0x13f: {  	v29 =	vld [tilespmem:s28+$0x1B400];
	[tilespmem:s25+$0x1DC00] =	vst v14  }
0x140: {  	v0 =	vld [tilespmem:s28+$0x1B410];
	[tilespmem:s25+$0x1DC10] =	vst v16  }
0x141: {  	v1 =	vld [tilespmem:s28+$0x1B420];
	[tilespmem:s25+$0x1DC20] =	vst v17  }
0x142: {  	v2 =	vld [tilespmem:s28+$0x1B430];
	[tilespmem:s25+$0x1DC30] =	vst v18  }
0x143: {  	v3 =	vld [tilespmem:s28+$0x1B440];
	[tilespmem:s25+$0x1DC40] =	vst v19  }
0x144: {  	v4 =	vld [tilespmem:s28+$0x1B450];
	[tilespmem:s25+$0x1DC50] =	vst v20  }
0x145: {  	v5 =	vld [tilespmem:s28+$0x1B460];
	[tilespmem:s25+$0x1DC60] =	vst v21  }
0x146: {  	v7 =	vld [tilespmem:s28+$0x1B470];
	[tilespmem:s25+$0x1DC70] =	vst v22  }
0x147: {  	v9 =	vld [tilespmem:s28+$0x1B480];
	[tilespmem:s25+$0x1DC80] =	vst v23  }
0x148: {  	v6 =	vld [tilespmem:s28+$0x1B490];
	[tilespmem:s25+$0x1DC90] =	vst v15  }
0x149: {  	v8 =	vld [tilespmem:s28+$0x1B4A0];
	[tilespmem:s25+$0x1DCA0] =	vst v24  }
0x14a: {  	v10 =	vld [tilespmem:s28+$0x1B4B0];
	[tilespmem:s25+$0x1DCB0] =	vst v25  }
.Ltmp3:
0x14b: {  	v11 =	vld [tilespmem:s28+$0x1B4C0];
	[tilespmem:s25+$0x1DCC0] =	vst v26;
	(pc) =	sbr.rel @p0 .LBB2_8-.Ltmp3, $4  }
0x14c: {  	v12 =	vld [tilespmem:s28+$0x1B4D0];
	[tilespmem:s25+$0x1DCD0] =	vst v27  }
0x14d: {  	v13 =	vld [tilespmem:s28+$0x1B4E0];
	[tilespmem:s25+$0x1DCE0] =	vst v28;
	s25 =	smov.u32 s28  }
0x14e: {  	v15 =	vld [tilespmem:s25+$0x1B4F0]  }
0x14f: {  	s26 =	sadd.s32 $0x400, s26;
	v14 =	vld.idx.msk [tilespmem:v29+s2+$0x0], $0xffff  }
0x150: {  	_ =	sdelay $0x3  }
0x151: {  	v0 =	vld.idx.msk [tilespmem:v0+s2+$0x0], $0xffff  }
0x152: {  	v1 =	vld.idx.msk [tilespmem:v1+s2+$0x0], $0xffff  }
0x153: {  	v2 =	vld.idx.msk [tilespmem:v2+s2+$0x0], $0xffff  }
0x154: {  	v3 =	vld.idx.msk [tilespmem:v3+s2+$0x0], $0xffff  }
0x155: {  	v4 =	vld.idx.msk [tilespmem:v4+s2+$0x0], $0xffff  }
0x156: {  	v5 =	vld.idx.msk [tilespmem:v5+s2+$0x0], $0xffff  }
0x157: {  	v7 =	vld.idx.msk [tilespmem:v7+s2+$0x0], $0xffff  }
0x158: {  	v9 =	vld.idx.msk [tilespmem:v9+s2+$0x0], $0xffff  }
0x159: {  	v6 =	vld.idx.msk [tilespmem:v6+s2+$0x0], $0xffff  }
0x15a: {  	v8 =	vld.idx.msk [tilespmem:v8+s2+$0x0], $0xffff  }
0x15b: {  	v10 =	vld.idx.msk [tilespmem:v10+s2+$0x0], $0xffff  }
0x15c: {  	v11 =	vld.idx.msk [tilespmem:v11+s2+$0x0], $0xffff  }
0x15d: {  	v12 =	vld.idx.msk [tilespmem:v12+s2+$0x0], $0xffff  }
0x15e: {  	v13 =	vld.idx.msk [tilespmem:v13+s2+$0x0], $0xffff  }
0x15f: {  	v15 =	vld.idx.msk [tilespmem:v15+s2+$0x0], $0xffff;
	[tilespmem:s25+$0x1DC00] =	vst v14  }
0x160: {  	[tilespmem:s25+$0x1DC10] =	vst v0  }
0x161: {  	[tilespmem:s25+$0x1DC20] =	vst v1  }
0x162: {  	[tilespmem:s25+$0x1DC30] =	vst v2  }
0x163: {  	[tilespmem:s25+$0x1DC40] =	vst v3  }
0x164: {  	[tilespmem:s25+$0x1DC50] =	vst v4  }
0x165: {  	[tilespmem:s25+$0x1DC60] =	vst v5  }
0x166: {  	[tilespmem:s25+$0x1DC70] =	vst v7  }
0x167: {  	[tilespmem:s25+$0x1DC80] =	vst v9  }
0x168: {  	[tilespmem:s25+$0x1DC90] =	vst v6  }
0x169: {  	[tilespmem:s25+$0x1DCA0] =	vst v8  }
0x16a: {  	[tilespmem:s25+$0x1DCB0] =	vst v10  }
0x16b: {  	[tilespmem:s25+$0x1DCC0] =	vst v11  }
0x16c: {  	[tilespmem:s25+$0x1DCD0] =	vst v12  }
0x16d: {  	[tilespmem:s25+$0x1DCE0] =	vst v13  }
0x16e: {  	s31 =	simm.s32 $0x0;
	[tilespmem:s25+$0x1DCF0] =	vst v15  }
0x16f: {  	[hbm4b:s12+s31] =	stream.linear.scatter [tilespmem:s21], [sflag:$0x4], $0x1400, $0x38;
	[tilespmem:$0x1F000] =	vst v63  }
0x170: {  	_ =	swait.ge [sflag:s17], $0x1400  }
0x171: {  	[sflag:s17] =	ssyncset.done $0x0  }
0x172: {  	[sflag:s17] =	ssyncadd.s32 $0xFFFFEC00  }
0x173: {  	_ =	swait.ge [sflag:s22], $0x1400  }
0x174: {  	[sflag:s22] =	ssyncset.done $0x0  }
0x175: {  	s25 =	simm.s32 $0x0;
	[sflag:s22] =	ssyncadd.s32 $0xFFFFEC00  }
0x176: {  	v14 =	vld [tilespmem:s25+$0x1A000]  }
0x177: {  	v0 =	vld [tilespmem:s25+$0x1A010]  }
0x178: {  	v1 =	vld [tilespmem:s25+$0x1A020]  }
0x179: {  	v2 =	vld [tilespmem:s25+$0x1A030]  }
0x17a: {  	v3 =	vld [tilespmem:s25+$0x1A040]  }
0x17b: {  	v4 =	vld [tilespmem:s25+$0x1A050]  }
0x17c: {  	v5 =	vld [tilespmem:s25+$0x1A060]  }
0x17d: {  	v7 =	vld [tilespmem:s25+$0x1A070]  }
0x17e: {  	v9 =	vld [tilespmem:s25+$0x1A080]  }
0x17f: {  	v6 =	vld [tilespmem:s25+$0x1A090]  }
0x180: {  	v8 =	vld [tilespmem:s25+$0x1A0A0]  }
0x181: {  	v10 =	vld [tilespmem:s25+$0x1A0B0]  }
0x182: {  	v11 =	vld [tilespmem:s25+$0x1A0C0]  }
0x183: {  	v12 =	vld [tilespmem:s25+$0x1A0D0]  }
0x184: {  	v13 =	vld [tilespmem:s25+$0x1A0E0]  }
0x185: {  	v15 =	vld [tilespmem:s25+$0x1A0F0]  }
0x186: {  	s26 =	simm.s32 $0x400;
	v14 =	vld.idx.msk [tilespmem:v14+s2+$0x0], $0xffff  }
.LBB2_10:
0x187: {  	p0 =	sne.s32 s26, $0x4C00;
	v16 =	vld.idx.msk [tilespmem:v0+s2+$0x0], $0xffff  }
0x188: {  	v17 =	vld.idx.msk [tilespmem:v1+s2+$0x0], $0xffff  }
0x189: {  	v18 =	vld.idx.msk [tilespmem:v2+s2+$0x0], $0xffff  }
0x18a: {  	v19 =	vld.idx.msk [tilespmem:v3+s2+$0x0], $0xffff  }
0x18b: {  	v20 =	vld.idx.msk [tilespmem:v4+s2+$0x0], $0xffff  }
0x18c: {  	v21 =	vld.idx.msk [tilespmem:v5+s2+$0x0], $0xffff  }
0x18d: {  	v22 =	vld.idx.msk [tilespmem:v7+s2+$0x0], $0xffff  }
0x18e: {  	v23 =	vld.idx.msk [tilespmem:v9+s2+$0x0], $0xffff  }
0x18f: {  	v0 =	vld.idx.msk [tilespmem:v15+s2+$0x0], $0xffff  }
0x190: {  	v15 =	vld.idx.msk [tilespmem:v6+s2+$0x0], $0xffff  }
0x191: {  	v24 =	vld.idx.msk [tilespmem:v8+s2+$0x0], $0xffff  }
0x192: {  	v25 =	vld.idx.msk [tilespmem:v10+s2+$0x0], $0xffff  }
0x193: {  	v26 =	vld.idx.msk [tilespmem:v11+s2+$0x0], $0xffff  }
0x194: {  	v27 =	vld.idx.msk [tilespmem:v12+s2+$0x0], $0xffff  }
0x195: {  	s28 =	sshra.s32 s26, $0x2;
	v28 =	vld.idx.msk [tilespmem:v13+s2+$0x0], $0xffff;
	[tilespmem:s25+$0x1C8F0] =	vst v0  }
0x196: {  	v29 =	vld [tilespmem:s28+$0x1A000];
	[tilespmem:s25+$0x1C800] =	vst v14  }
0x197: {  	v0 =	vld [tilespmem:s28+$0x1A010];
	[tilespmem:s25+$0x1C810] =	vst v16  }
0x198: {  	v1 =	vld [tilespmem:s28+$0x1A020];
	[tilespmem:s25+$0x1C820] =	vst v17  }
0x199: {  	v2 =	vld [tilespmem:s28+$0x1A030];
	[tilespmem:s25+$0x1C830] =	vst v18  }
0x19a: {  	v3 =	vld [tilespmem:s28+$0x1A040];
	[tilespmem:s25+$0x1C840] =	vst v19  }
0x19b: {  	v4 =	vld [tilespmem:s28+$0x1A050];
	[tilespmem:s25+$0x1C850] =	vst v20  }
0x19c: {  	v5 =	vld [tilespmem:s28+$0x1A060];
	[tilespmem:s25+$0x1C860] =	vst v21  }
0x19d: {  	v7 =	vld [tilespmem:s28+$0x1A070];
	[tilespmem:s25+$0x1C870] =	vst v22  }
0x19e: {  	v9 =	vld [tilespmem:s28+$0x1A080];
	[tilespmem:s25+$0x1C880] =	vst v23  }
0x19f: {  	v6 =	vld [tilespmem:s28+$0x1A090];
	[tilespmem:s25+$0x1C890] =	vst v15  }
0x1a0: {  	v8 =	vld [tilespmem:s28+$0x1A0A0];
	[tilespmem:s25+$0x1C8A0] =	vst v24  }
0x1a1: {  	v10 =	vld [tilespmem:s28+$0x1A0B0];
	[tilespmem:s25+$0x1C8B0] =	vst v25  }
.Ltmp4:
0x1a2: {  	v11 =	vld [tilespmem:s28+$0x1A0C0];
	[tilespmem:s25+$0x1C8C0] =	vst v26;
	(pc) =	sbr.rel @p0 .LBB2_10-.Ltmp4, $4  }
0x1a3: {  	v12 =	vld [tilespmem:s28+$0x1A0D0];
	[tilespmem:s25+$0x1C8D0] =	vst v27  }
0x1a4: {  	v13 =	vld [tilespmem:s28+$0x1A0E0];
	[tilespmem:s25+$0x1C8E0] =	vst v28;
	s25 =	smov.u32 s28  }
0x1a5: {  	v15 =	vld [tilespmem:s25+$0x1A0F0]  }
0x1a6: {  	s26 =	sadd.s32 $0x400, s26;
	v14 =	vld.idx.msk [tilespmem:v29+s2+$0x0], $0xffff  }
0x1a7: {  	_ =	sdelay $0x3  }
0x1a8: {  	v0 =	vld.idx.msk [tilespmem:v0+s2+$0x0], $0xffff  }
0x1a9: {  	v1 =	vld.idx.msk [tilespmem:v1+s2+$0x0], $0xffff  }
0x1aa: {  	v2 =	vld.idx.msk [tilespmem:v2+s2+$0x0], $0xffff  }
0x1ab: {  	v3 =	vld.idx.msk [tilespmem:v3+s2+$0x0], $0xffff  }
0x1ac: {  	v4 =	vld.idx.msk [tilespmem:v4+s2+$0x0], $0xffff  }
0x1ad: {  	v5 =	vld.idx.msk [tilespmem:v5+s2+$0x0], $0xffff  }
0x1ae: {  	v7 =	vld.idx.msk [tilespmem:v7+s2+$0x0], $0xffff  }
0x1af: {  	v9 =	vld.idx.msk [tilespmem:v9+s2+$0x0], $0xffff  }
0x1b0: {  	v6 =	vld.idx.msk [tilespmem:v6+s2+$0x0], $0xffff  }
0x1b1: {  	v8 =	vld.idx.msk [tilespmem:v8+s2+$0x0], $0xffff  }
0x1b2: {  	v10 =	vld.idx.msk [tilespmem:v10+s2+$0x0], $0xffff  }
0x1b3: {  	v11 =	vld.idx.msk [tilespmem:v11+s2+$0x0], $0xffff  }
0x1b4: {  	v12 =	vld.idx.msk [tilespmem:v12+s2+$0x0], $0xffff  }
0x1b5: {  	v13 =	vld.idx.msk [tilespmem:v13+s2+$0x0], $0xffff  }
0x1b6: {  	v15 =	vld.idx.msk [tilespmem:v15+s2+$0x0], $0xffff;
	[tilespmem:s25+$0x1C800] =	vst v14  }
0x1b7: {  	[tilespmem:s25+$0x1C810] =	vst v0  }
0x1b8: {  	[tilespmem:s25+$0x1C820] =	vst v1  }
0x1b9: {  	[tilespmem:s25+$0x1C830] =	vst v2  }
0x1ba: {  	[tilespmem:s25+$0x1C840] =	vst v3  }
0x1bb: {  	[tilespmem:s25+$0x1C850] =	vst v4  }
0x1bc: {  	[tilespmem:s25+$0x1C860] =	vst v5  }
0x1bd: {  	[tilespmem:s25+$0x1C870] =	vst v7  }
0x1be: {  	[tilespmem:s25+$0x1C880] =	vst v9  }
0x1bf: {  	[tilespmem:s25+$0x1C890] =	vst v6  }
0x1c0: {  	[tilespmem:s25+$0x1C8A0] =	vst v8  }
0x1c1: {  	[tilespmem:s25+$0x1C8B0] =	vst v10  }
0x1c2: {  	[tilespmem:s25+$0x1C8C0] =	vst v11  }
0x1c3: {  	[tilespmem:s25+$0x1C8D0] =	vst v12  }
0x1c4: {  	[tilespmem:s25+$0x1C8E0] =	vst v13  }
0x1c5: {  	s24 =	sadd.s32 $0x1, s24;
	[tilespmem:s25+$0x1C8F0] =	vst v15  }
0x1c6: {  	[hbm4b:s13+s2] =	stream.linear.scatter [tilespmem:s19], [sflag:$0x3], $0x1400, $0x38;
	[tilespmem:$0x1F000] =	vst v63  }
0x1c7: {  	p0 =	sne.s32 s24, s14;
	_ =	swait.ge [sflag:s23], $0x1400  }
.Ltmp5:
0x1c8: {  	[sflag:s23] =	ssyncset.done $0x0;
	(pc) =	sbr.rel @p0 .LBB2_1-.Ltmp5, $4  }
0x1c9: {  	[sflag:s23] =	ssyncadd.s32 $0xFFFFEC00  }
0x1ca: {  	_ =	swait.ge [sflag:s22], $0x1400  }
0x1cb: {  	[sflag:s22] =	ssyncset.done $0x0  }
0x1cc: {  	[sflag:s22] =	ssyncadd.s32 $0xFFFFEC00  }
0x1cd: {  	_ =	sfence.sel $0x180000  }
0x1ce: {  	[bflag:$0x0] =	sbarrier.arrive $0xFFFF  }
0x1cf: {  	p0 =	sne.s32 s0, $0x0;
	_ =	strace $0x9000004A  }
0x1d0: {  	s0 =	sadd.s32 @!p0 $0x100000, s1;
	[bflag:$0x2] =	sbarrier.arrive $0xFFFF  }
0x1d1: {  	[sflag:s0] =	ssyncadd.tile.s32 @!p0 $0x1;
	_ =	shalt  }
.Lfunc_end2:
_tile_overlayer_lowered:
.L_overlay_start_2:
0x1d2: {  	(tag) =	ssettag $0x2  }
0x1d3: {  	s0 =	rddreg [dreg:$0x0];
	s2 =	stileid.u32  }
0x1d4: {  	s1 =	rddreg [dreg:$0x1];
	p0 =	sne.s32 s2, $0x0  }
0x1d5: {  	s3 =	rddreg [dreg:$0x2];
	[bflag:$0x3] =	sbarrier.arrive $0xFFFF;
	s2 =	simm.s32 @!p0 $0x1C05  }
0x1d6: {  	[timem:s3], [sflag:s2] =	dma.local @!p0 [hbm:s0], s1  }
0x1d7: {  	s0 =	simm.s32 @!p0 $0x5  }
0x1d8: {  	_ =	swait.ge @!p0 [sflag:s0], s1  }
0x1d9: {  	s1 =	ssub.s32 @!p0 $0x0, s1;
	[sflag:s0] =	ssyncset.done @!p0 $0x0  }
0x1da: {  	[sflag:s0] =	ssyncadd.s32 @!p0 s1  }
0x1db: {  	[bflag:$0x3] =	sbarrier.arrive $0xFFFF  }
0x1dc: {  	_ =	shalt  }

</sc_bundles>
